<compile_context>
chip_gen: v7x
topology: tpu7x:2x2x1
jax: 0.10.2.dev20260603
libtpu: 0.0.44.dev20260713+nightly
codegen_flags: <defaults>
</compile_context>

<pallas_src>
import functools

import jax
import jax.numpy as jnp
import numpy as np
from jax import lax
from jax.experimental import pallas as pl
from jax.experimental.pallas import tpu as pltpu
from jax.experimental.pallas import tpu_sc as plsc

_L = 200
_LP = 208
_SPL = 80
_SHLF = _SPL // 2
_HN = _L - _SPL
_D = 64
_DW = _D // 2
_NLANE = 16
_NVEC = _DW // _NLANE
_BLK = 32
_UNROLL = 4
_PAD_ID = np.int32(1 << 30)
_HI_MASK = np.int32(-65536)
_RND = np.int32(32768)


def _sc_body(rows_per_w, nc, chunk, ids_hbm, emb_hbm, out_hbm,
             idxblk, list_a, list_b, rows_a, rows_b, rows_h, out_v, zbuf,
             shared, sem_a, sem_b, sem_ha, sem_hb):
    sid = lax.axis_index("s")
    wid = sid * nc + lax.axis_index("c")
    base = wid * rows_per_w
    inv_l = jnp.float32(1.0 / _L)
    nblk = rows_per_w // _BLK
    stg = chunk // 16

    for h in range(_DW // _NLANE):
        zbuf[pl.ds(h * _NLANE, _NLANE)] = jnp.zeros((_NLANE,), jnp.int32)

    @pl.when(sid == 0)
    def _():
        pltpu.sync_copy(zbuf, shared.at[0])

    def build(r, lst, cbase):
        for v in range(_SPL // _NLANE):
            w = idxblk[r, pl.ds(v * _NLANE, _NLANE)]
            m = (w >= cbase) & (w < cbase + chunk)
            lst[pl.ds(v * _NLANE, _NLANE)] = jnp.where(m, w - (cbase - 1), 0)

    def issue_sp(lst, buf, sem):
        pltpu.async_copy(
            shared.at[lst.at[pl.ds(0, _SHLF)]],
            buf.at[pl.ds(0, _SHLF)], sem)
        pltpu.async_copy(
            shared.at[lst.at[pl.ds(_SHLF, _SHLF)]],
            buf.at[pl.ds(_SHLF, _SHLF)], sem)

    def issue_h(r, hslot, sem):
        pltpu.async_copy(
            emb_hbm.at[idxblk.at[r, pl.ds(_SPL, _HN)]],
            rows_h.at[hslot], sem)

    def wait_sp(buf, sem):
        pltpu.make_async_copy(shared.at[pl.ds(0, _SPL)], buf, sem).wait()

    def wait_h(hslot, sem):
        pltpu.make_async_copy(
            emb_hbm.at[pl.ds(0, _HN)], rows_h.at[hslot], sem).wait()

    def acc_row(buf, hslot, slot, is_last):
        def step(ref3, hs):
            def acc4(l, accs):
                new = list(accs)
                for rr in range(_UNROLL):
                    row = l * _UNROLL + rr
                    for d in range(_NVEC):
                        if hs is None:
                            w = ref3[row, pl.ds(d * _NLANE, _NLANE)]
                        else:
                            w = ref3[hs, row, pl.ds(d * _NLANE, _NLANE)]
                        ev = lax.bitcast_convert_type(w << 16, jnp.float32)
                        od = lax.bitcast_convert_type(w & _HI_MASK,
                                                      jnp.float32)
                        new[2 * d] = new[2 * d] + ev
                        new[2 * d + 1] = new[2 * d + 1] + od
                return tuple(new)
            return acc4

        accs = lax.fori_loop(
            0, _SPL // _UNROLL, step(buf, None),
            tuple(jnp.zeros((_NLANE,), jnp.float32)
                  for _ in range(2 * _NVEC)))
        if hslot is not None:
            accs = lax.fori_loop(0, _HN // _UNROLL, step(rows_h, hslot),
                                 accs)
        for d in range(_NVEC):
            lane = pl.ds(d * _NLANE, _NLANE)
            ev, od = accs[2 * d], accs[2 * d + 1]
            if is_last:
                w0 = out_v[slot, lane]
                ev = (ev + lax.bitcast_convert_type(w0 << 16, jnp.float32))
                od = (od + lax.bitcast_convert_type(w0 & _HI_MASK,
                                                    jnp.float32))
                ev = ev * inv_l
                od = od * inv_l
            evi = lax.bitcast_convert_type(ev, jnp.int32)
            odi = lax.bitcast_convert_type(od, jnp.int32)
            out_v[slot, lane] = (lax.shift_right_logical(evi + _RND, 16)
                                 | ((odi + _RND) & _HI_MASK))

    def run_pass(p):
        cbase = jnp.int32(p * chunk)
        is_last = p == 1
        with_h = p == 0
        plsc.subcore_barrier()
        pltpu.sync_copy(
            emb_hbm.at[pl.ds(p * chunk + sid * stg, stg)],
            shared.at[pl.ds(1 + sid * stg, stg)])
        plsc.subcore_barrier()

        def start_row(r, lst, buf, hslot, sem, hsem):
            build(r, lst, cbase)
            issue_sp(lst, buf, sem)
            if with_h:
                issue_h(r, hslot, hsem)

        def finish_row(buf, hslot, blk0, r, sem, hsem):
            wait_sp(buf, sem)
            if with_h:
                wait_h(hslot, hsem)
                acc_row(buf, hslot, blk0 + r, is_last)
            else:
                acc_row(buf, None, blk0 + r, is_last)

        def blk_body(k, carry):
            blk0 = k * _BLK
            pltpu.sync_copy(ids_hbm.at[pl.ds(base + blk0, _BLK)], idxblk)
            start_row(0, list_a, rows_a, 0, sem_a, sem_ha)
            start_row(1, list_b, rows_b, 1, sem_b, sem_hb)

            def pair_body(j, c):
                r = 2 * j
                finish_row(rows_a, 0, blk0, r, sem_a, sem_ha)
                start_row(r + 2, list_a, rows_a, 0, sem_a, sem_ha)
                finish_row(rows_b, 1, blk0, r + 1, sem_b, sem_hb)
                start_row(r + 3, list_b, rows_b, 1, sem_b, sem_hb)
                return c

            lax.fori_loop(0, _BLK // 2 - 1, pair_body, 0)
            finish_row(rows_a, 0, blk0, _BLK - 2, sem_a, sem_ha)
            finish_row(rows_b, 1, blk0, _BLK - 1, sem_b, sem_hb)
            return carry

        lax.fori_loop(0, nblk, blk_body, 0)

    run_pass(0)
    run_pass(1)
    pltpu.sync_copy(out_v, out_hbm.at[pl.ds(base, rows_per_w)])


@functools.partial(jax.jit, static_argnames=())
def _run(ids, emb_w):
    n_rows = ids.shape[0]
    vocab = emb_w.shape[0]
    chunk = vocab // 2
    info = plsc.get_sparse_core_info()
    nc, ns = info.num_cores, info.num_subcores
    nw = nc * ns
    rows_per_w = n_rows // nw
    mesh = plsc.VectorSubcoreMesh(core_axis_name="c", subcore_axis_name="s")
    kern = functools.partial(
        pl.kernel,
        mesh=mesh,
        compiler_params=pltpu.CompilerParams(use_tc_tiling_on_sc=False),
        out_type=jax.ShapeDtypeStruct((n_rows, _DW), jnp.int32),
        scratch_types=[
            pltpu.VMEM((_BLK, _LP), jnp.int32),
            pltpu.VMEM((_SPL,), jnp.int32),
            pltpu.VMEM((_SPL,), jnp.int32),
            pltpu.VMEM((_SPL, _DW), jnp.int32),
            pltpu.VMEM((_SPL, _DW), jnp.int32),
            pltpu.VMEM((2, _HN, _DW), jnp.int32),
            pltpu.VMEM((rows_per_w, _DW), jnp.int32),
            pltpu.VMEM((_DW,), jnp.int32),
            pltpu.VMEM_SHARED((chunk + 1, _DW), jnp.int32),
            pltpu.SemaphoreType.DMA,
            pltpu.SemaphoreType.DMA,
            pltpu.SemaphoreType.DMA,
            pltpu.SemaphoreType.DMA,
        ],
    )(functools.partial(_sc_body, rows_per_w, nc, chunk))
    return kern(ids, emb_w)


def kernel(input_ids1, attention_mask1, input_ids2, attention_mask2, emb):
    b = input_ids1.shape[0]
    v = emb.shape[0]
    ids = jnp.concatenate([input_ids1, input_ids2], axis=0).astype(jnp.int32)
    ids = jnp.pad(ids, ((0, 0), (0, _LP - _L)), constant_values=_PAD_ID)
    emb_w = lax.bitcast_convert_type(
        emb.astype(jnp.bfloat16).reshape(v, _DW, 2), jnp.int32)
    out_w = _run(ids, emb_w)
    out = lax.bitcast_convert_type(out_w, jnp.bfloat16).reshape(2 * b, _D)
    out = out.astype(jnp.float32)
    return out[:b], out[b:]

# --- scband reference (transcript-rebuilt; emitter-appended) ---
"""Pipeline reference for scband-dummy-pair-sbert-24378234372654 (READ-ONLY COPY).

The authoritative reference and input builder live on the scoring server;
editing this copy changes nothing except your own understanding.
"""

import jax, jax.numpy as jnp
import numpy as np

VOCAB = 100000
DIM = 64
B = 4096
L = 200

def setup_inputs(seed: int = 0) -> dict:
    key = jax.random.key(seed)
    k1, k2, k3 = jax.random.split(key, 3)
    input_ids1 = jax.random.randint(k1, (B, L), 0, VOCAB, dtype=jnp.int64 if jax.config.jax_enable_x64 else jnp.int32)
    input_ids2 = jax.random.randint(k2, (B, L), 0, VOCAB, dtype=jnp.int64 if jax.config.jax_enable_x64 else jnp.int32)
    attention_mask1 = jnp.ones((B, L), dtype=jnp.float32)
    attention_mask2 = jnp.ones((B, L), dtype=jnp.float32)
    emb = jax.random.normal(k3, (VOCAB, DIM), dtype=jnp.float32)
    return {
        'input_ids1': input_ids1,
        'attention_mask1': attention_mask1,
        'input_ids2': input_ids2,
        'attention_mask2': attention_mask2,
        'emb': emb,
    }

def reference(input_ids1, attention_mask1, input_ids2, attention_mask2, emb):
    # x1 = emb(input_ids1).mean(dim=1)
    x1 = jnp.take(emb, input_ids1, axis=0).mean(axis=1)
    # x2 = emb(input_ids2).mean(dim=1)
    x2 = jnp.take(emb, input_ids2, axis=0).mean(axis=1)
    return (x1, x2)

if __name__ == "__main__":
    import jax
    _d = setup_inputs()
    print(jax.jit(kernel)(*tuple(_d.values())))

</pallas_src>

<mosaic_0001>
#map = affine_map<(d0, d1) -> (0, 0)>
module attributes {stable_mosaic.version = 14 : i64} {
  func.func @_sc_body(%arg0: i32, %arg1: i32, %arg2: memref<8192x208xi32, #tpu.memory_space<hbm>>, %arg3: memref<100000x32xi32, #tpu.memory_space<hbm>>, %arg4: memref<8192x32xi32, #tpu.memory_space<hbm>>, %arg5: memref<32x208xi32, #tpu.memory_space<vmem>>, %arg6: memref<80xi32, #tpu.memory_space<vmem>>, %arg7: memref<80xi32, #tpu.memory_space<vmem>>, %arg8: memref<80x32xi32, #tpu.memory_space<vmem>>, %arg9: memref<80x32xi32, #tpu.memory_space<vmem>>, %arg10: memref<2x120x32xi32, #tpu.memory_space<vmem>>, %arg11: memref<256x32xi32, #tpu.memory_space<vmem>>, %arg12: memref<32xi32, #tpu.memory_space<vmem>>, %arg13: memref<50001x32xi32, #tpu.memory_space<vmem_shared>>, %arg14: memref<!tpu.dma_semaphore, #tpu.memory_space<semaphore_mem>>, %arg15: memref<!tpu.dma_semaphore, #tpu.memory_space<semaphore_mem>>, %arg16: memref<!tpu.dma_semaphore, #tpu.memory_space<semaphore_mem>>, %arg17: memref<!tpu.dma_semaphore, #tpu.memory_space<semaphore_mem>>) attributes {dimension_semantics = [#tpu.dimension_semantics<core_parallel>, #tpu.dimension_semantics<subcore_parallel>], iteration_bounds = array<i64: 2, 16>, scalar_prefetch = 0 : i64, scratch_operands = 13 : i64, tpu.core_type = #tpu.core_type<sc_vector_subcore>, window_params = [{transform_indices = #map}, {transform_indices = #map}, {transform_indices = #map}]} {
    %mul3A = arith.constant 2 : i32
    %mul3A_0 = arith.muli %arg1, %mul3A : i32
    %add3A = arith.addi %mul3A_0, %arg0 : i32
    %mul3A_1 = arith.constant 256 : i32
    %mul3A_2 = arith.muli %add3A, %mul3A_1 : i32
    %broadcast_in_dim3A = arith.constant 0 : i32
    %broadcast_in_dim3A_3 = vector.broadcast %broadcast_in_dim3A : i32 to vector<16xi32>
    %swap3A = arith.constant 0 : index
    %swap3A_4 = tpu.vector_load %arg12[%swap3A] {strides = array<i32>} : memref<32xi32, #tpu.memory_space<vmem>>, vector<16xi32>,
    %swap3A_5 = vector.shape_cast %swap3A_4 : vector<16xi32> to vector<16xi32>
    %swap3A_6 = vector.shape_cast %broadcast_in_dim3A_3 : vector<16xi32> to vector<16xi32>
    tpu.vector_store %arg12[%swap3A], %swap3A_6 {strides = array<i32>} : memref<32xi32, #tpu.memory_space<vmem>>, vector<16xi32>,
    %broadcast_in_dim3A_7 = arith.constant 0 : i32
    %broadcast_in_dim3A_8 = vector.broadcast %broadcast_in_dim3A_7 : i32 to vector<16xi32>
    %swap3A_9 = arith.constant 16 : index
    %swap3A_10 = tpu.vector_load %arg12[%swap3A_9] {strides = array<i32>} : memref<32xi32, #tpu.memory_space<vmem>>, vector<16xi32>,
    %swap3A_11 = vector.shape_cast %swap3A_10 : vector<16xi32> to vector<16xi32>
    %swap3A_12 = vector.shape_cast %broadcast_in_dim3A_8 : vector<16xi32> to vector<16xi32>
    tpu.vector_store %arg12[%swap3A_9], %swap3A_12 {strides = array<i32>} : memref<32xi32, #tpu.memory_space<vmem>>, vector<16xi32>,
    %eq3A = arith.constant 0 : i32
    %eq3A_13 = arith.cmpi eq, %arg1, %eq3A : i32
    %convert_element_type3A = arith.extui %eq3A_13 : i1 to i32
    %cond3A = arith.constant 0 : i32
    %cond3A_14 = arith.cmpi ne, %convert_element_type3A, %cond3A : i32
    scf.if %cond3A_14 {
      %run_scoped3A = arith.constant 0 : i32
      "tpu.region"() ({
        %run_scoped3A_48 = tpu.sem_alloc : memref<!tpu.dma_semaphore, #tpu.memory_space<semaphore_mem>>
        %dma_start3A = arith.constant 0 : i32
        %dma_start3A_49 = tpu.memref_slice %arg13[%run_scoped3A, %dma_start3A] : memref<50001x32xi32, #tpu.memory_space<vmem_shared>> -> memref<1x32xi32, #tpu.memory_space<vmem_shared>>
        %dma_start3A_50 = tpu.memref_squeeze %dma_start3A_49 : memref<1x32xi32, #tpu.memory_space<vmem_shared>> -> memref<32xi32, #tpu.memory_space<vmem_shared>>
        %dma_start3A_51 = arith.constant 0 : i32
        %dma_start3A_52 = tpu.memref_slice %arg13[%run_scoped3A, %dma_start3A_51] : memref<50001x32xi32, #tpu.memory_space<vmem_shared>> -> memref<1x32xi32, #tpu.memory_space<vmem_shared>>
        %dma_start3A_53 = tpu.memref_squeeze %dma_start3A_52 : memref<1x32xi32, #tpu.memory_space<vmem_shared>> -> memref<32xi32, #tpu.memory_space<vmem_shared>>
        tpu.enqueue_dma source(%arg12 : memref<32xi32, #tpu.memory_space<vmem>>) target(%dma_start3A_53 : memref<32xi32, #tpu.memory_space<vmem_shared>>) target_semaphore(%run_scoped3A_48 : memref<!tpu.dma_semaphore, #tpu.memory_space<semaphore_mem>>)
        %dma_wait3A = arith.constant 0 : i32
        %dma_wait3A_54 = tpu.memref_slice %arg13[%run_scoped3A, %dma_wait3A] : memref<50001x32xi32, #tpu.memory_space<vmem_shared>> -> memref<1x32xi32, #tpu.memory_space<vmem_shared>>
        %dma_wait3A_55 = tpu.memref_squeeze %dma_wait3A_54 : memref<1x32xi32, #tpu.memory_space<vmem_shared>> -> memref<32xi32, #tpu.memory_space<vmem_shared>>
        %dma_wait3A_56 = arith.constant 0 : i32
        %dma_wait3A_57 = tpu.memref_slice %arg13[%run_scoped3A, %dma_wait3A_56] : memref<50001x32xi32, #tpu.memory_space<vmem_shared>> -> memref<1x32xi32, #tpu.memory_space<vmem_shared>>
        %dma_wait3A_58 = tpu.memref_squeeze %dma_wait3A_57 : memref<1x32xi32, #tpu.memory_space<vmem_shared>> -> memref<32xi32, #tpu.memory_space<vmem_shared>>
        tpu.wait_dma2 semaphore(%run_scoped3A_48 : memref<!tpu.dma_semaphore, #tpu.memory_space<semaphore_mem>>) src(%arg12 : memref<32xi32, #tpu.memory_space<vmem>>) dst(%dma_wait3A_58 : memref<32xi32, #tpu.memory_space<vmem_shared>>)
        tpu.yield
      }) : () -> ()
    } else {
    }
    %barrier3A = arith.constant 0 : index
    tpu.barrier barrier_id(%barrier3A)
    %mul3A_15 = arith.constant 3125 : i32
    %mul3A_16 = arith.muli %arg1, %mul3A_15 : i32
    %add3A_17 = arith.constant 0 : i32
    %add3A_18 = arith.addi %add3A_17, %mul3A_16 : i32
    %mul3A_19 = arith.constant 3125 : i32
    %mul3A_20 = arith.muli %arg1, %mul3A_19 : i32
    %add3A_21 = arith.constant 1 : i32
    %add3A_22 = arith.addi %add3A_21, %mul3A_20 : i32
    "tpu.region"() ({
      %run_scoped3A = tpu.sem_alloc : memref<!tpu.dma_semaphore, #tpu.memory_space<semaphore_mem>>
      %dma_start3A = arith.constant 0 : i32
      %dma_start3A_48 = tpu.memref_slice %arg13[%add3A_22, %dma_start3A] : memref<50001x32xi32, #tpu.memory_space<vmem_shared>> -> memref<3125x32xi32, #tpu.memory_space<vmem_shared>>
      %dma_start3A_49 = arith.constant 0 : i32
      %dma_start3A_50 = tpu.memref_slice %arg3[%add3A_18, %dma_start3A_49] : memref<100000x32xi32, #tpu.memory_space<hbm>> -> memref<3125x32xi32, #tpu.memory_space<hbm>>
      tpu.enqueue_dma source(%dma_start3A_50 : memref<3125x32xi32, #tpu.memory_space<hbm>>) target(%dma_start3A_48 : memref<3125x32xi32, #tpu.memory_space<vmem_shared>>) target_semaphore(%run_scoped3A : memref<!tpu.dma_semaphore, #tpu.memory_space<semaphore_mem>>)
      %dma_wait3A = arith.constant 0 : i32
      %dma_wait3A_51 = tpu.memref_slice %arg13[%add3A_22, %dma_wait3A] : memref<50001x32xi32, #tpu.memory_space<vmem_shared>> -> memref<3125x32xi32, #tpu.memory_space<vmem_shared>>
      %dma_wait3A_52 = arith.constant 0 : i32
      %dma_wait3A_53 = tpu.memref_slice %arg3[%add3A_18, %dma_wait3A_52] : memref<100000x32xi32, #tpu.memory_space<hbm>> -> memref<3125x32xi32, #tpu.memory_space<hbm>>
      tpu.wait_dma2 semaphore(%run_scoped3A : memref<!tpu.dma_semaphore, #tpu.memory_space<semaphore_mem>>) src(%dma_wait3A_53 : memref<3125x32xi32, #tpu.memory_space<hbm>>) dst(%dma_wait3A_51 : memref<3125x32xi32, #tpu.memory_space<vmem_shared>>)
      tpu.yield
    }) : () -> ()
    %barrier3A_23 = arith.constant 0 : index
    tpu.barrier barrier_id(%barrier3A_23)
    %scan3A = arith.constant 0 : i32
    %scan3A_24 = arith.constant 0 : i32
    %scan3A_25 = arith.constant 0 : i32
    %scan3A_26 = arith.constant 8 : i32
    %scan3A_27 = arith.addi %scan3A_25, %scan3A_26 : i32
    %scan3A_28 = arith.constant 1 : i32
    scf.for %scan3A_48 = %scan3A_25 to %scan3A_27 step %scan3A_28  : i32 {
      %mul3A_49 = arith.constant 32 : i32
      %mul3A_50 = arith.muli %scan3A_48, %mul3A_49 : i32
      %add3A_51 = arith.addi %mul3A_2, %mul3A_50 : i32
      "tpu.region"() ({
        %run_scoped3A = tpu.sem_alloc : memref<!tpu.dma_semaphore, #tpu.memory_space<semaphore_mem>>
        %dma_start3A_498 = arith.constant 0 : i32
        %dma_start3A_499 = tpu.memref_slice %arg2[%add3A_51, %dma_start3A_498] : memref<8192x208xi32, #tpu.memory_space<hbm>> -> memref<32x208xi32, #tpu.memory_space<hbm>>
        %dma_start3A_500 = arith.constant 0 : i32
        %dma_start3A_501 = tpu.memref_slice %arg2[%add3A_51, %dma_start3A_500] : memref<8192x208xi32, #tpu.memory_space<hbm>> -> memref<32x208xi32, #tpu.memory_space<hbm>>
        tpu.enqueue_dma source(%dma_start3A_501 : memref<32x208xi32, #tpu.memory_space<hbm>>) target(%arg5 : memref<32x208xi32, #tpu.memory_space<vmem>>) target_semaphore(%run_scoped3A : memref<!tpu.dma_semaphore, #tpu.memory_space<semaphore_mem>>)
        %dma_wait3A_502 = arith.constant 0 : i32
        %dma_wait3A_503 = tpu.memref_slice %arg2[%add3A_51, %dma_wait3A_502] : memref<8192x208xi32, #tpu.memory_space<hbm>> -> memref<32x208xi32, #tpu.memory_space<hbm>>
        %dma_wait3A_504 = arith.constant 0 : i32
        %dma_wait3A_505 = tpu.memref_slice %arg2[%add3A_51, %dma_wait3A_504] : memref<8192x208xi32, #tpu.memory_space<hbm>> -> memref<32x208xi32, #tpu.memory_space<hbm>>
        tpu.wait_dma2 semaphore(%run_scoped3A : memref<!tpu.dma_semaphore, #tpu.memory_space<semaphore_mem>>) src(%dma_wait3A_505 : memref<32x208xi32, #tpu.memory_space<hbm>>) dst(%arg5 : memref<32x208xi32, #tpu.memory_space<vmem>>)
        tpu.yield
      }) : () -> ()
      %get3A = arith.constant 0 : i32
      %get3A_52 = arith.index_cast %get3A : i32 to index
      %get3A_53 = arith.constant 0 : index
      %get3A_54 = tpu.vector_load %arg5[%get3A_52, %get3A_53] {strides = array<i32>} : memref<32x208xi32, #tpu.memory_space<vmem>>, vector<1x16xi32>,
      %get3A_55 = vector.shape_cast %get3A_54 : vector<1x16xi32> to vector<16xi32>
      %ge3A = vector.broadcast %scan3A_24 : i32 to vector<16xi32>
      %ge3A_56 = arith.cmpi sge, %get3A_55, %ge3A : vector<16xi32>
      %add3A_57 = arith.constant 50000 : i32
      %add3A_58 = arith.addi %scan3A_24, %add3A_57 : i32
      %lt3A = vector.broadcast %add3A_58 : i32 to vector<16xi32>
      %lt3A_59 = arith.cmpi slt, %get3A_55, %lt3A : vector<16xi32>
      %and3A = arith.andi %ge3A_56, %lt3A_59 : vector<16xi1>
      %sub3A = arith.constant 1 : i32
      %sub3A_60 = arith.subi %scan3A_24, %sub3A : i32
      %sub3A_61 = vector.broadcast %sub3A_60 : i32 to vector<16xi32>
      %sub3A_62 = arith.subi %get3A_55, %sub3A_61 : vector<16xi32>
      %jit3A = arith.constant 0 : i32
      %broadcast_in_dim3A_63 = vector.broadcast %jit3A : i32 to vector<16xi32>
      %select_n3A = arith.select %and3A, %sub3A_62, %broadcast_in_dim3A_63 : vector<16xi1>, vector<16xi32>
      %swap3A_64 = arith.constant 0 : index
      %swap3A_65 = tpu.vector_load %arg6[%swap3A_64] {strides = array<i32>} : memref<80xi32, #tpu.memory_space<vmem>>, vector<16xi32>,
      %swap3A_66 = vector.shape_cast %swap3A_65 : vector<16xi32> to vector<16xi32>
      %swap3A_67 = vector.shape_cast %select_n3A : vector<16xi32> to vector<16xi32>
      tpu.vector_store %arg6[%swap3A_64], %swap3A_67 {strides = array<i32>} : memref<80xi32, #tpu.memory_space<vmem>>, vector<16xi32>,
      %get3A_68 = arith.constant 0 : i32
      %get3A_69 = arith.index_cast %get3A_68 : i32 to index
      %get3A_70 = arith.constant 16 : index
      %get3A_71 = tpu.vector_load %arg5[%get3A_69, %get3A_70] {strides = array<i32>} : memref<32x208xi32, #tpu.memory_space<vmem>>, vector<1x16xi32>,
      %get3A_72 = vector.shape_cast %get3A_71 : vector<1x16xi32> to vector<16xi32>
      %ge3A_73 = vector.broadcast %scan3A_24 : i32 to vector<16xi32>
      %ge3A_74 = arith.cmpi sge, %get3A_72, %ge3A_73 : vector<16xi32>
      %add3A_75 = arith.constant 50000 : i32
      %add3A_76 = arith.addi %scan3A_24, %add3A_75 : i32
      %lt3A_77 = vector.broadcast %add3A_76 : i32 to vector<16xi32>
      %lt3A_78 = arith.cmpi slt, %get3A_72, %lt3A_77 : vector<16xi32>
      %and3A_79 = arith.andi %ge3A_74, %lt3A_78 : vector<16xi1>
      %sub3A_80 = arith.constant 1 : i32
      %sub3A_81 = arith.subi %scan3A_24, %sub3A_80 : i32
      %sub3A_82 = vector.broadcast %sub3A_81 : i32 to vector<16xi32>
      %sub3A_83 = arith.subi %get3A_72, %sub3A_82 : vector<16xi32>
      %jit3A_84 = arith.constant 0 : i32
      %broadcast_in_dim3A_85 = vector.broadcast %jit3A_84 : i32 to vector<16xi32>
      %select_n3A_86 = arith.select %and3A_79, %sub3A_83, %broadcast_in_dim3A_85 : vector<16xi1>, vector<16xi32>
      %swap3A_87 = arith.constant 16 : index
      %swap3A_88 = tpu.vector_load %arg6[%swap3A_87] {strides = array<i32>} : memref<80xi32, #tpu.memory_space<vmem>>, vector<16xi32>,
      %swap3A_89 = vector.shape_cast %swap3A_88 : vector<16xi32> to vector<16xi32>
      %swap3A_90 = vector.shape_cast %select_n3A_86 : vector<16xi32> to vector<16xi32>
      tpu.vector_store %arg6[%swap3A_87], %swap3A_90 {strides = array<i32>} : memref<80xi32, #tpu.memory_space<vmem>>, vector<16xi32>,
      %get3A_91 = arith.constant 0 : i32
      %get3A_92 = arith.index_cast %get3A_91 : i32 to index
      %get3A_93 = arith.constant 32 : index
      %get3A_94 = tpu.vector_load %arg5[%get3A_92, %get3A_93] {strides = array<i32>} : memref<32x208xi32, #tpu.memory_space<vmem>>, vector<1x16xi32>,
      %get3A_95 = vector.shape_cast %get3A_94 : vector<1x16xi32> to vector<16xi32>
      %ge3A_96 = vector.broadcast %scan3A_24 : i32 to vector<16xi32>
      %ge3A_97 = arith.cmpi sge, %get3A_95, %ge3A_96 : vector<16xi32>
      %add3A_98 = arith.constant 50000 : i32
      %add3A_99 = arith.addi %scan3A_24, %add3A_98 : i32
      %lt3A_100 = vector.broadcast %add3A_99 : i32 to vector<16xi32>
      %lt3A_101 = arith.cmpi slt, %get3A_95, %lt3A_100 : vector<16xi32>
      %and3A_102 = arith.andi %ge3A_97, %lt3A_101 : vector<16xi1>
      %sub3A_103 = arith.constant 1 : i32
      %sub3A_104 = arith.subi %scan3A_24, %sub3A_103 : i32
      %sub3A_105 = vector.broadcast %sub3A_104 : i32 to vector<16xi32>
      %sub3A_106 = arith.subi %get3A_95, %sub3A_105 : vector<16xi32>
      %jit3A_107 = arith.constant 0 : i32
      %broadcast_in_dim3A_108 = vector.broadcast %jit3A_107 : i32 to vector<16xi32>
      %select_n3A_109 = arith.select %and3A_102, %sub3A_106, %broadcast_in_dim3A_108 : vector<16xi1>, vector<16xi32>
      %swap3A_110 = arith.constant 32 : index
      %swap3A_111 = tpu.vector_load %arg6[%swap3A_110] {strides = array<i32>} : memref<80xi32, #tpu.memory_space<vmem>>, vector<16xi32>,
      %swap3A_112 = vector.shape_cast %swap3A_111 : vector<16xi32> to vector<16xi32>
      %swap3A_113 = vector.shape_cast %select_n3A_109 : vector<16xi32> to vector<16xi32>
      tpu.vector_store %arg6[%swap3A_110], %swap3A_113 {strides = array<i32>} : memref<80xi32, #tpu.memory_space<vmem>>, vector<16xi32>,
      %get3A_114 = arith.constant 0 : i32
      %get3A_115 = arith.index_cast %get3A_114 : i32 to index
      %get3A_116 = arith.constant 48 : index
      %get3A_117 = tpu.vector_load %arg5[%get3A_115, %get3A_116] {strides = array<i32>} : memref<32x208xi32, #tpu.memory_space<vmem>>, vector<1x16xi32>,
      %get3A_118 = vector.shape_cast %get3A_117 : vector<1x16xi32> to vector<16xi32>
      %ge3A_119 = vector.broadcast %scan3A_24 : i32 to vector<16xi32>
      %ge3A_120 = arith.cmpi sge, %get3A_118, %ge3A_119 : vector<16xi32>
      %add3A_121 = arith.constant 50000 : i32
      %add3A_122 = arith.addi %scan3A_24, %add3A_121 : i32
      %lt3A_123 = vector.broadcast %add3A_122 : i32 to vector<16xi32>
      %lt3A_124 = arith.cmpi slt, %get3A_118, %lt3A_123 : vector<16xi32>
      %and3A_125 = arith.andi %ge3A_120, %lt3A_124 : vector<16xi1>
      %sub3A_126 = arith.constant 1 : i32
      %sub3A_127 = arith.subi %scan3A_24, %sub3A_126 : i32
      %sub3A_128 = vector.broadcast %sub3A_127 : i32 to vector<16xi32>
      %sub3A_129 = arith.subi %get3A_118, %sub3A_128 : vector<16xi32>
      %jit3A_130 = arith.constant 0 : i32
      %broadcast_in_dim3A_131 = vector.broadcast %jit3A_130 : i32 to vector<16xi32>
      %select_n3A_132 = arith.select %and3A_125, %sub3A_129, %broadcast_in_dim3A_131 : vector<16xi1>, vector<16xi32>
      %swap3A_133 = arith.constant 48 : index
      %swap3A_134 = tpu.vector_load %arg6[%swap3A_133] {strides = array<i32>} : memref<80xi32, #tpu.memory_space<vmem>>, vector<16xi32>,
      %swap3A_135 = vector.shape_cast %swap3A_134 : vector<16xi32> to vector<16xi32>
      %swap3A_136 = vector.shape_cast %select_n3A_132 : vector<16xi32> to vector<16xi32>
      tpu.vector_store %arg6[%swap3A_133], %swap3A_136 {strides = array<i32>} : memref<80xi32, #tpu.memory_space<vmem>>, vector<16xi32>,
      %get3A_137 = arith.constant 0 : i32
      %get3A_138 = arith.index_cast %get3A_137 : i32 to index
      %get3A_139 = arith.constant 64 : index
      %get3A_140 = tpu.vector_load %arg5[%get3A_138, %get3A_139] {strides = array<i32>} : memref<32x208xi32, #tpu.memory_space<vmem>>, vector<1x16xi32>,
      %get3A_141 = vector.shape_cast %get3A_140 : vector<1x16xi32> to vector<16xi32>
      %ge3A_142 = vector.broadcast %scan3A_24 : i32 to vector<16xi32>
      %ge3A_143 = arith.cmpi sge, %get3A_141, %ge3A_142 : vector<16xi32>
      %add3A_144 = arith.constant 50000 : i32
      %add3A_145 = arith.addi %scan3A_24, %add3A_144 : i32
      %lt3A_146 = vector.broadcast %add3A_145 : i32 to vector<16xi32>
      %lt3A_147 = arith.cmpi slt, %get3A_141, %lt3A_146 : vector<16xi32>
      %and3A_148 = arith.andi %ge3A_143, %lt3A_147 : vector<16xi1>
      %sub3A_149 = arith.constant 1 : i32
      %sub3A_150 = arith.subi %scan3A_24, %sub3A_149 : i32
      %sub3A_151 = vector.broadcast %sub3A_150 : i32 to vector<16xi32>
      %sub3A_152 = arith.subi %get3A_141, %sub3A_151 : vector<16xi32>
      %jit3A_153 = arith.constant 0 : i32
      %broadcast_in_dim3A_154 = vector.broadcast %jit3A_153 : i32 to vector<16xi32>
      %select_n3A_155 = arith.select %and3A_148, %sub3A_152, %broadcast_in_dim3A_154 : vector<16xi1>, vector<16xi32>
      %swap3A_156 = arith.constant 64 : index
      %swap3A_157 = tpu.vector_load %arg6[%swap3A_156] {strides = array<i32>} : memref<80xi32, #tpu.memory_space<vmem>>, vector<16xi32>,
      %swap3A_158 = vector.shape_cast %swap3A_157 : vector<16xi32> to vector<16xi32>
      %swap3A_159 = vector.shape_cast %select_n3A_155 : vector<16xi32> to vector<16xi32>
      tpu.vector_store %arg6[%swap3A_156], %swap3A_159 {strides = array<i32>} : memref<80xi32, #tpu.memory_space<vmem>>, vector<16xi32>,
      %dma_start3A = arith.constant 0 : i32
      %dma_start3A_160 = arith.constant 0 : i32
      %dma_start3A_161 = tpu.memref_slice %arg8[%dma_start3A, %dma_start3A_160] : memref<80x32xi32, #tpu.memory_space<vmem>> -> memref<40x32xi32, #tpu.memory_space<vmem>>
      %dma_start3A_162 = arith.constant 0 : i32
      %dma_start3A_163 = tpu.memref_slice %arg6[%dma_start3A_162] : memref<80xi32, #tpu.memory_space<vmem>> -> memref<40xi32, #tpu.memory_space<vmem>>
      %dma_start3A_164 = arith.constant 0 : i32
      %dma_start3A_165 = arith.constant 0 : i32
      %dma_start3A_166 = tpu.memref_slice %arg13[%dma_start3A_164, %dma_start3A_165] : memref<50001x32xi32, #tpu.memory_space<vmem_shared>> -> memref<50001x32xi32, #tpu.memory_space<vmem_shared>>
      tpu.enqueue_indirect_dma source(%dma_start3A_166 : memref<50001x32xi32, #tpu.memory_space<vmem_shared>>) target(%dma_start3A_161 : memref<40x32xi32, #tpu.memory_space<vmem>>) offsets(%dma_start3A_163 : memref<40xi32, #tpu.memory_space<vmem>>) semaphore(%arg14 : memref<!tpu.dma_semaphore, #tpu.memory_space<semaphore_mem>>)
      %dma_start3A_167 = arith.constant 40 : i32
      %dma_start3A_168 = arith.constant 0 : i32
      %dma_start3A_169 = tpu.memref_slice %arg8[%dma_start3A_167, %dma_start3A_168] : memref<80x32xi32, #tpu.memory_space<vmem>> -> memref<40x32xi32, #tpu.memory_space<vmem>>
      %dma_start3A_170 = arith.constant 40 : i32
      %dma_start3A_171 = tpu.memref_slice %arg6[%dma_start3A_170] : memref<80xi32, #tpu.memory_space<vmem>> -> memref<40xi32, #tpu.memory_space<vmem>>
      %dma_start3A_172 = arith.constant 0 : i32
      %dma_start3A_173 = arith.constant 0 : i32
      %dma_start3A_174 = tpu.memref_slice %arg13[%dma_start3A_172, %dma_start3A_173] : memref<50001x32xi32, #tpu.memory_space<vmem_shared>> -> memref<50001x32xi32, #tpu.memory_space<vmem_shared>>
      tpu.enqueue_indirect_dma source(%dma_start3A_174 : memref<50001x32xi32, #tpu.memory_space<vmem_shared>>) target(%dma_start3A_169 : memref<40x32xi32, #tpu.memory_space<vmem>>) offsets(%dma_start3A_171 : memref<40xi32, #tpu.memory_space<vmem>>) semaphore(%arg14 : memref<!tpu.dma_semaphore, #tpu.memory_space<semaphore_mem>>)
      %dma_start3A_175 = arith.constant 0 : i32
      %dma_start3A_176 = arith.constant 0 : i32
      %dma_start3A_177 = arith.constant 0 : i32
      %dma_start3A_178 = arith.constant 0 : i32
      %dma_start3A_179 = tpu.memref_slice %arg10[%dma_start3A_176, %dma_start3A_177, %dma_start3A_178] : memref<2x120x32xi32, #tpu.memory_space<vmem>> -> memref<1x120x32xi32, #tpu.memory_space<vmem>>
      %dma_start3A_180 = tpu.memref_squeeze %dma_start3A_179 : memref<1x120x32xi32, #tpu.memory_space<vmem>> -> memref<120x32xi32, #tpu.memory_space<vmem>>
      %dma_start3A_181 = arith.constant 80 : i32
      %dma_start3A_182 = tpu.memref_slice %arg5[%dma_start3A_175, %dma_start3A_181] : memref<32x208xi32, #tpu.memory_space<vmem>> -> memref<1x120xi32, #tpu.memory_space<vmem>>
      %dma_start3A_183 = tpu.memref_squeeze %dma_start3A_182 : memref<1x120xi32, #tpu.memory_space<vmem>> -> memref<120xi32, #tpu.memory_space<vmem>>
      %dma_start3A_184 = arith.constant 0 : i32
      %dma_start3A_185 = arith.constant 0 : i32
      %dma_start3A_186 = tpu.memref_slice %arg3[%dma_start3A_184, %dma_start3A_185] : memref<100000x32xi32, #tpu.memory_space<hbm>> -> memref<100000x32xi32, #tpu.memory_space<hbm>>
      tpu.enqueue_indirect_dma source(%dma_start3A_186 : memref<100000x32xi32, #tpu.memory_space<hbm>>) target(%dma_start3A_180 : memref<120x32xi32, #tpu.memory_space<vmem>>) offsets(%dma_start3A_183 : memref<120xi32, #tpu.memory_space<vmem>>) semaphore(%arg16 : memref<!tpu.dma_semaphore, #tpu.memory_space<semaphore_mem>>)
      %get3A_187 = arith.constant 1 : i32
      %get3A_188 = arith.index_cast %get3A_187 : i32 to index
      %get3A_189 = arith.constant 0 : index
      %get3A_190 = tpu.vector_load %arg5[%get3A_188, %get3A_189] {strides = array<i32>} : memref<32x208xi32, #tpu.memory_space<vmem>>, vector<1x16xi32>,
      %get3A_191 = vector.shape_cast %get3A_190 : vector<1x16xi32> to vector<16xi32>
      %ge3A_192 = vector.broadcast %scan3A_24 : i32 to vector<16xi32>
      %ge3A_193 = arith.cmpi sge, %get3A_191, %ge3A_192 : vector<16xi32>
      %add3A_194 = arith.constant 50000 : i32
      %add3A_195 = arith.addi %scan3A_24, %add3A_194 : i32
      %lt3A_196 = vector.broadcast %add3A_195 : i32 to vector<16xi32>
      %lt3A_197 = arith.cmpi slt, %get3A_191, %lt3A_196 : vector<16xi32>
      %and3A_198 = arith.andi %ge3A_193, %lt3A_197 : vector<16xi1>
      %sub3A_199 = arith.constant 1 : i32
      %sub3A_200 = arith.subi %scan3A_24, %sub3A_199 : i32
      %sub3A_201 = vector.broadcast %sub3A_200 : i32 to vector<16xi32>
      %sub3A_202 = arith.subi %get3A_191, %sub3A_201 : vector<16xi32>
      %jit3A_203 = arith.constant 0 : i32
      %broadcast_in_dim3A_204 = vector.broadcast %jit3A_203 : i32 to vector<16xi32>
      %select_n3A_205 = arith.select %and3A_198, %sub3A_202, %broadcast_in_dim3A_204 : vector<16xi1>, vector<16xi32>
      %swap3A_206 = arith.constant 0 : index
      %swap3A_207 = tpu.vector_load %arg7[%swap3A_206] {strides = array<i32>} : memref<80xi32, #tpu.memory_space<vmem>>, vector<16xi32>,
      %swap3A_208 = vector.shape_cast %swap3A_207 : vector<16xi32> to vector<16xi32>
      %swap3A_209 = vector.shape_cast %select_n3A_205 : vector<16xi32> to vector<16xi32>
      tpu.vector_store %arg7[%swap3A_206], %swap3A_209 {strides = array<i32>} : memref<80xi32, #tpu.memory_space<vmem>>, vector<16xi32>,
      %get3A_210 = arith.constant 1 : i32
      %get3A_211 = arith.index_cast %get3A_210 : i32 to index
      %get3A_212 = arith.constant 16 : index
      %get3A_213 = tpu.vector_load %arg5[%get3A_211, %get3A_212] {strides = array<i32>} : memref<32x208xi32, #tpu.memory_space<vmem>>, vector<1x16xi32>,
      %get3A_214 = vector.shape_cast %get3A_213 : vector<1x16xi32> to vector<16xi32>
      %ge3A_215 = vector.broadcast %scan3A_24 : i32 to vector<16xi32>
      %ge3A_216 = arith.cmpi sge, %get3A_214, %ge3A_215 : vector<16xi32>
      %add3A_217 = arith.constant 50000 : i32
      %add3A_218 = arith.addi %scan3A_24, %add3A_217 : i32
      %lt3A_219 = vector.broadcast %add3A_218 : i32 to vector<16xi32>
      %lt3A_220 = arith.cmpi slt, %get3A_214, %lt3A_219 : vector<16xi32>
      %and3A_221 = arith.andi %ge3A_216, %lt3A_220 : vector<16xi1>
      %sub3A_222 = arith.constant 1 : i32
      %sub3A_223 = arith.subi %scan3A_24, %sub3A_222 : i32
      %sub3A_224 = vector.broadcast %sub3A_223 : i32 to vector<16xi32>
      %sub3A_225 = arith.subi %get3A_214, %sub3A_224 : vector<16xi32>
      %jit3A_226 = arith.constant 0 : i32
      %broadcast_in_dim3A_227 = vector.broadcast %jit3A_226 : i32 to vector<16xi32>
      %select_n3A_228 = arith.select %and3A_221, %sub3A_225, %broadcast_in_dim3A_227 : vector<16xi1>, vector<16xi32>
      %swap3A_229 = arith.constant 16 : index
      %swap3A_230 = tpu.vector_load %arg7[%swap3A_229] {strides = array<i32>} : memref<80xi32, #tpu.memory_space<vmem>>, vector<16xi32>,
      %swap3A_231 = vector.shape_cast %swap3A_230 : vector<16xi32> to vector<16xi32>
      %swap3A_232 = vector.shape_cast %select_n3A_228 : vector<16xi32> to vector<16xi32>
      tpu.vector_store %arg7[%swap3A_229], %swap3A_232 {strides = array<i32>} : memref<80xi32, #tpu.memory_space<vmem>>, vector<16xi32>,
      %get3A_233 = arith.constant 1 : i32
      %get3A_234 = arith.index_cast %get3A_233 : i32 to index
      %get3A_235 = arith.constant 32 : index
      %get3A_236 = tpu.vector_load %arg5[%get3A_234, %get3A_235] {strides = array<i32>} : memref<32x208xi32, #tpu.memory_space<vmem>>, vector<1x16xi32>,
      %get3A_237 = vector.shape_cast %get3A_236 : vector<1x16xi32> to vector<16xi32>
      %ge3A_238 = vector.broadcast %scan3A_24 : i32 to vector<16xi32>
      %ge3A_239 = arith.cmpi sge, %get3A_237, %ge3A_238 : vector<16xi32>
      %add3A_240 = arith.constant 50000 : i32
      %add3A_241 = arith.addi %scan3A_24, %add3A_240 : i32
      %lt3A_242 = vector.broadcast %add3A_241 : i32 to vector<16xi32>
      %lt3A_243 = arith.cmpi slt, %get3A_237, %lt3A_242 : vector<16xi32>
      %and3A_244 = arith.andi %ge3A_239, %lt3A_243 : vector<16xi1>
      %sub3A_245 = arith.constant 1 : i32
      %sub3A_246 = arith.subi %scan3A_24, %sub3A_245 : i32
      %sub3A_247 = vector.broadcast %sub3A_246 : i32 to vector<16xi32>
      %sub3A_248 = arith.subi %get3A_237, %sub3A_247 : vector<16xi32>
      %jit3A_249 = arith.constant 0 : i32
      %broadcast_in_dim3A_250 = vector.broadcast %jit3A_249 : i32 to vector<16xi32>
      %select_n3A_251 = arith.select %and3A_244, %sub3A_248, %broadcast_in_dim3A_250 : vector<16xi1>, vector<16xi32>
      %swap3A_252 = arith.constant 32 : index
      %swap3A_253 = tpu.vector_load %arg7[%swap3A_252] {strides = array<i32>} : memref<80xi32, #tpu.memory_space<vmem>>, vector<16xi32>,
      %swap3A_254 = vector.shape_cast %swap3A_253 : vector<16xi32> to vector<16xi32>
      %swap3A_255 = vector.shape_cast %select_n3A_251 : vector<16xi32> to vector<16xi32>
      tpu.vector_store %arg7[%swap3A_252], %swap3A_255 {strides = array<i32>} : memref<80xi32, #tpu.memory_space<vmem>>, vector<16xi32>,
      %get3A_256 = arith.constant 1 : i32
      %get3A_257 = arith.index_cast %get3A_256 : i32 to index
      %get3A_258 = arith.constant 48 : index
      %get3A_259 = tpu.vector_load %arg5[%get3A_257, %get3A_258] {strides = array<i32>} : memref<32x208xi32, #tpu.memory_space<vmem>>, vector<1x16xi32>,
      %get3A_260 = vector.shape_cast %get3A_259 : vector<1x16xi32> to vector<16xi32>
      %ge3A_261 = vector.broadcast %scan3A_24 : i32 to vector<16xi32>
      %ge3A_262 = arith.cmpi sge, %get3A_260, %ge3A_261 : vector<16xi32>
      %add3A_263 = arith.constant 50000 : i32
      %add3A_264 = arith.addi %scan3A_24, %add3A_263 : i32
      %lt3A_265 = vector.broadcast %add3A_264 : i32 to vector<16xi32>
      %lt3A_266 = arith.cmpi slt, %get3A_260, %lt3A_265 : vector<16xi32>
      %and3A_267 = arith.andi %ge3A_262, %lt3A_266 : vector<16xi1>
      %sub3A_268 = arith.constant 1 : i32
      %sub3A_269 = arith.subi %scan3A_24, %sub3A_268 : i32
      %sub3A_270 = vector.broadcast %sub3A_269 : i32 to vector<16xi32>
      %sub3A_271 = arith.subi %get3A_260, %sub3A_270 : vector<16xi32>
      %jit3A_272 = arith.constant 0 : i32
      %broadcast_in_dim3A_273 = vector.broadcast %jit3A_272 : i32 to vector<16xi32>
      %select_n3A_274 = arith.select %and3A_267, %sub3A_271, %broadcast_in_dim3A_273 : vector<16xi1>, vector<16xi32>
      %swap3A_275 = arith.constant 48 : index
      %swap3A_276 = tpu.vector_load %arg7[%swap3A_275] {strides = array<i32>} : memref<80xi32, #tpu.memory_space<vmem>>, vector<16xi32>,
      %swap3A_277 = vector.shape_cast %swap3A_276 : vector<16xi32> to vector<16xi32>
      %swap3A_278 = vector.shape_cast %select_n3A_274 : vector<16xi32> to vector<16xi32>
      tpu.vector_store %arg7[%swap3A_275], %swap3A_278 {strides = array<i32>} : memref<80xi32, #tpu.memory_space<vmem>>, vector<16xi32>,
      %get3A_279 = arith.constant 1 : i32
      %get3A_280 = arith.index_cast %get3A_279 : i32 to index
      %get3A_281 = arith.constant 64 : index
      %get3A_282 = tpu.vector_load %arg5[%get3A_280, %get3A_281] {strides = array<i32>} : memref<32x208xi32, #tpu.memory_space<vmem>>, vector<1x16xi32>,
      %get3A_283 = vector.shape_cast %get3A_282 : vector<1x16xi32> to vector<16xi32>
      %ge3A_284 = vector.broadcast %scan3A_24 : i32 to vector<16xi32>
      %ge3A_285 = arith.cmpi sge, %get3A_283, %ge3A_284 : vector<16xi32>
      %add3A_286 = arith.constant 50000 : i32
      %add3A_287 = arith.addi %scan3A_24, %add3A_286 : i32
      %lt3A_288 = vector.broadcast %add3A_287 : i32 to vector<16xi32>
      %lt3A_289 = arith.cmpi slt, %get3A_283, %lt3A_288 : vector<16xi32>
      %and3A_290 = arith.andi %ge3A_285, %lt3A_289 : vector<16xi1>
      %sub3A_291 = arith.constant 1 : i32
      %sub3A_292 = arith.subi %scan3A_24, %sub3A_291 : i32
      %sub3A_293 = vector.broadcast %sub3A_292 : i32 to vector<16xi32>
      %sub3A_294 = arith.subi %get3A_283, %sub3A_293 : vector<16xi32>
      %jit3A_295 = arith.constant 0 : i32
      %broadcast_in_dim3A_296 = vector.broadcast %jit3A_295 : i32 to vector<16xi32>
      %select_n3A_297 = arith.select %and3A_290, %sub3A_294, %broadcast_in_dim3A_296 : vector<16xi1>, vector<16xi32>
      %swap3A_298 = arith.constant 64 : index
      %swap3A_299 = tpu.vector_load %arg7[%swap3A_298] {strides = array<i32>} : memref<80xi32, #tpu.memory_space<vmem>>, vector<16xi32>,
      %swap3A_300 = vector.shape_cast %swap3A_299 : vector<16xi32> to vector<16xi32>
      %swap3A_301 = vector.shape_cast %select_n3A_297 : vector<16xi32> to vector<16xi32>
      tpu.vector_store %arg7[%swap3A_298], %swap3A_301 {strides = array<i32>} : memref<80xi32, #tpu.memory_space<vmem>>, vector<16xi32>,
      %dma_start3A_302 = arith.constant 0 : i32
      %dma_start3A_303 = arith.constant 0 : i32
      %dma_start3A_304 = tpu.memref_slice %arg9[%dma_start3A_302, %dma_start3A_303] : memref<80x32xi32, #tpu.memory_space<vmem>> -> memref<40x32xi32, #tpu.memory_space<vmem>>
      %dma_start3A_305 = arith.constant 0 : i32
      %dma_start3A_306 = tpu.memref_slice %arg7[%dma_start3A_305] : memref<80xi32, #tpu.memory_space<vmem>> -> memref<40xi32, #tpu.memory_space<vmem>>
      %dma_start3A_307 = arith.constant 0 : i32
      %dma_start3A_308 = arith.constant 0 : i32
      %dma_start3A_309 = tpu.memref_slice %arg13[%dma_start3A_307, %dma_start3A_308] : memref<50001x32xi32, #tpu.memory_space<vmem_shared>> -> memref<50001x32xi32, #tpu.memory_space<vmem_shared>>
      tpu.enqueue_indirect_dma source(%dma_start3A_309 : memref<50001x32xi32, #tpu.memory_space<vmem_shared>>) target(%dma_start3A_304 : memref<40x32xi32, #tpu.memory_space<vmem>>) offsets(%dma_start3A_306 : memref<40xi32, #tpu.memory_space<vmem>>) semaphore(%arg15 : memref<!tpu.dma_semaphore, #tpu.memory_space<semaphore_mem>>)
      %dma_start3A_310 = arith.constant 40 : i32
      %dma_start3A_311 = arith.constant 0 : i32
      %dma_start3A_312 = tpu.memref_slice %arg9[%dma_start3A_310, %dma_start3A_311] : memref<80x32xi32, #tpu.memory_space<vmem>> -> memref<40x32xi32, #tpu.memory_space<vmem>>
      %dma_start3A_313 = arith.constant 40 : i32
      %dma_start3A_314 = tpu.memref_slice %arg7[%dma_start3A_313] : memref<80xi32, #tpu.memory_space<vmem>> -> memref<40xi32, #tpu.memory_space<vmem>>
      %dma_start3A_315 = arith.constant 0 : i32
      %dma_start3A_316 = arith.constant 0 : i32
      %dma_start3A_317 = tpu.memref_slice %arg13[%dma_start3A_315, %dma_start3A_316] : memref<50001x32xi32, #tpu.memory_space<vmem_shared>> -> memref<50001x32xi32, #tpu.memory_space<vmem_shared>>
      tpu.enqueue_indirect_dma source(%dma_start3A_317 : memref<50001x32xi32, #tpu.memory_space<vmem_shared>>) target(%dma_start3A_312 : memref<40x32xi32, #tpu.memory_space<vmem>>) offsets(%dma_start3A_314 : memref<40xi32, #tpu.memory_space<vmem>>) semaphore(%arg15 : memref<!tpu.dma_semaphore, #tpu.memory_space<semaphore_mem>>)
      %dma_start3A_318 = arith.constant 1 : i32
      %dma_start3A_319 = arith.constant 1 : i32
      %dma_start3A_320 = arith.constant 0 : i32
      %dma_start3A_321 = arith.constant 0 : i32
      %dma_start3A_322 = tpu.memref_slice %arg10[%dma_start3A_319, %dma_start3A_320, %dma_start3A_321] : memref<2x120x32xi32, #tpu.memory_space<vmem>> -> memref<1x120x32xi32, #tpu.memory_space<vmem>>
      %dma_start3A_323 = tpu.memref_squeeze %dma_start3A_322 : memref<1x120x32xi32, #tpu.memory_space<vmem>> -> memref<120x32xi32, #tpu.memory_space<vmem>>
      %dma_start3A_324 = arith.constant 80 : i32
      %dma_start3A_325 = tpu.memref_slice %arg5[%dma_start3A_318, %dma_start3A_324] : memref<32x208xi32, #tpu.memory_space<vmem>> -> memref<1x120xi32, #tpu.memory_space<vmem>>
      %dma_start3A_326 = tpu.memref_squeeze %dma_start3A_325 : memref<1x120xi32, #tpu.memory_space<vmem>> -> memref<120xi32, #tpu.memory_space<vmem>>
      %dma_start3A_327 = arith.constant 0 : i32
      %dma_start3A_328 = arith.constant 0 : i32
      %dma_start3A_329 = tpu.memref_slice %arg3[%dma_start3A_327, %dma_start3A_328] : memref<100000x32xi32, #tpu.memory_space<hbm>> -> memref<100000x32xi32, #tpu.memory_space<hbm>>
      tpu.enqueue_indirect_dma source(%dma_start3A_329 : memref<100000x32xi32, #tpu.memory_space<hbm>>) target(%dma_start3A_323 : memref<120x32xi32, #tpu.memory_space<vmem>>) offsets(%dma_start3A_326 : memref<120xi32, #tpu.memory_space<vmem>>) semaphore(%arg17 : memref<!tpu.dma_semaphore, #tpu.memory_space<semaphore_mem>>)
      %scan3A_330 = arith.constant 0 : i32
      %scan3A_331 = arith.constant 0 : i32
      %scan3A_332 = arith.constant 15 : i32
      %scan3A_333 = arith.addi %scan3A_331, %scan3A_332 : i32
      %scan3A_334 = arith.constant 1 : i32
      scf.for %scan3A_498 = %scan3A_331 to %scan3A_333 step %scan3A_334  : i32 {
        %mul3A_499 = arith.constant 2 : i32
        %mul3A_500 = arith.muli %mul3A_499, %scan3A_498 : i32
        %dma_wait3A_501 = arith.constant 0 : i32
        %dma_wait3A_502 = arith.constant 0 : i32
        %dma_wait3A_503 = tpu.memref_slice %arg13[%dma_wait3A_501, %dma_wait3A_502] : memref<50001x32xi32, #tpu.memory_space<vmem_shared>> -> memref<80x32xi32, #tpu.memory_space<vmem_shared>>
        %dma_wait3A_504 = arith.constant 0 : i32
        %dma_wait3A_505 = arith.constant 0 : i32
        %dma_wait3A_506 = tpu.memref_slice %arg13[%dma_wait3A_504, %dma_wait3A_505] : memref<50001x32xi32, #tpu.memory_space<vmem_shared>> -> memref<80x32xi32, #tpu.memory_space<vmem_shared>>
        tpu.wait_dma2 semaphore(%arg14 : memref<!tpu.dma_semaphore, #tpu.memory_space<semaphore_mem>>) src(%dma_wait3A_506 : memref<80x32xi32, #tpu.memory_space<vmem_shared>>) dst(%arg8 : memref<80x32xi32, #tpu.memory_space<vmem>>)
        %dma_wait3A_507 = arith.constant 0 : i32
        %dma_wait3A_508 = arith.constant 0 : i32
        %dma_wait3A_509 = arith.constant 0 : i32
        %dma_wait3A_510 = tpu.memref_slice %arg10[%dma_wait3A_507, %dma_wait3A_508, %dma_wait3A_509] : memref<2x120x32xi32, #tpu.memory_space<vmem>> -> memref<1x120x32xi32, #tpu.memory_space<vmem>>
        %dma_wait3A_511 = tpu.memref_squeeze %dma_wait3A_510 : memref<1x120x32xi32, #tpu.memory_space<vmem>> -> memref<120x32xi32, #tpu.memory_space<vmem>>
        %dma_wait3A_512 = arith.constant 0 : i32
        %dma_wait3A_513 = arith.constant 0 : i32
        %dma_wait3A_514 = tpu.memref_slice %arg3[%dma_wait3A_512, %dma_wait3A_513] : memref<100000x32xi32, #tpu.memory_space<hbm>> -> memref<120x32xi32, #tpu.memory_space<hbm>>
        %dma_wait3A_515 = arith.constant 0 : i32
        %dma_wait3A_516 = arith.constant 0 : i32
        %dma_wait3A_517 = tpu.memref_slice %arg10[%dma_wait3A_507, %dma_wait3A_515, %dma_wait3A_516] : memref<2x120x32xi32, #tpu.memory_space<vmem>> -> memref<1x120x32xi32, #tpu.memory_space<vmem>>
        %dma_wait3A_518 = tpu.memref_squeeze %dma_wait3A_517 : memref<1x120x32xi32, #tpu.memory_space<vmem>> -> memref<120x32xi32, #tpu.memory_space<vmem>>
        %dma_wait3A_519 = arith.constant 0 : i32
        %dma_wait3A_520 = arith.constant 0 : i32
        %dma_wait3A_521 = tpu.memref_slice %arg3[%dma_wait3A_519, %dma_wait3A_520] : memref<100000x32xi32, #tpu.memory_space<hbm>> -> memref<120x32xi32, #tpu.memory_space<hbm>>
        tpu.wait_dma2 semaphore(%arg16 : memref<!tpu.dma_semaphore, #tpu.memory_space<semaphore_mem>>) src(%dma_wait3A_521 : memref<120x32xi32, #tpu.memory_space<hbm>>) dst(%dma_wait3A_518 : memref<120x32xi32, #tpu.memory_space<vmem>>)
        %add3A_522 = arith.addi %mul3A_50, %mul3A_500 : i32
        %broadcast_in_dim3A_523 = arith.constant 0.000000e+00 : f32
        %broadcast_in_dim3A_524 = vector.broadcast %broadcast_in_dim3A_523 : f32 to vector<16xf32>
        %broadcast_in_dim3A_525 = arith.constant 0.000000e+00 : f32
        %broadcast_in_dim3A_526 = vector.broadcast %broadcast_in_dim3A_525 : f32 to vector<16xf32>
        %broadcast_in_dim3A_527 = arith.constant 0.000000e+00 : f32
        %broadcast_in_dim3A_528 = vector.broadcast %broadcast_in_dim3A_527 : f32 to vector<16xf32>
        %broadcast_in_dim3A_529 = arith.constant 0.000000e+00 : f32
        %broadcast_in_dim3A_530 = vector.broadcast %broadcast_in_dim3A_529 : f32 to vector<16xf32>
        %scan3A_531 = arith.constant 0 : i32
        %scan3A_532 = arith.constant 20 : i32
        %scan3A_533 = arith.addi %scan3A_531, %scan3A_532 : i32
        %scan3A_534 = arith.constant 1 : i32
        %scan3A_535:4 = scf.for %scan3A_945 = %scan3A_531 to %scan3A_533 step %scan3A_534 iter_args(%scan3A_946 = %broadcast_in_dim3A_524, %scan3A_947 = %broadcast_in_dim3A_526, %scan3A_948 = %broadcast_in_dim3A_528, %scan3A_949 = %broadcast_in_dim3A_530) -> (vector<16xf32>, vector<16xf32>, vector<16xf32>, vector<16xf32>)  : i32 {
          %mul3A_950 = arith.constant 4 : i32
          %mul3A_951 = arith.muli %scan3A_945, %mul3A_950 : i32
          %add3A_952 = arith.constant 0 : i32
          %add3A_953 = arith.addi %mul3A_951, %add3A_952 : i32
          %get3A_954 = arith.index_cast %add3A_953 : i32 to index
          %get3A_955 = arith.constant 0 : index
          %get3A_956 = tpu.vector_load %arg8[%get3A_954, %get3A_955] {strides = array<i32>} : memref<80x32xi32, #tpu.memory_space<vmem>>, vector<1x16xi32>,
          %get3A_957 = vector.shape_cast %get3A_956 : vector<1x16xi32> to vector<16xi32>
          %shift_left3A = arith.constant 16 : i32
          %shift_left3A_958 = vector.broadcast %shift_left3A : i32 to vector<16xi32>
          %shift_left3A_959 = arith.shli %get3A_957, %shift_left3A_958 : vector<16xi32>
          %bitcast_convert_type3A_960 = tpu.bitcast %shift_left3A_959 : vector<16xi32> -> vector<16xf32>
          %and3A_961 = arith.constant -65536 : i32
          %and3A_962 = vector.broadcast %and3A_961 : i32 to vector<16xi32>
          %and3A_963 = arith.andi %get3A_957, %and3A_962 : vector<16xi32>
          %bitcast_convert_type3A_964 = tpu.bitcast %and3A_963 : vector<16xi32> -> vector<16xf32>
          %add3A_965 = arith.addf %scan3A_946, %bitcast_convert_type3A_960 : vector<16xf32>
          %add3A_966 = arith.addf %scan3A_947, %bitcast_convert_type3A_964 : vector<16xf32>
          %get3A_967 = arith.index_cast %add3A_953 : i32 to index
          %get3A_968 = arith.constant 16 : index
          %get3A_969 = tpu.vector_load %arg8[%get3A_967, %get3A_968] {strides = array<i32>} : memref<80x32xi32, #tpu.memory_space<vmem>>, vector<1x16xi32>,
          %get3A_970 = vector.shape_cast %get3A_969 : vector<1x16xi32> to vector<16xi32>
          %shift_left3A_971 = arith.constant 16 : i32
          %shift_left3A_972 = vector.broadcast %shift_left3A_971 : i32 to vector<16xi32>
          %shift_left3A_973 = arith.shli %get3A_970, %shift_left3A_972 : vector<16xi32>
          %bitcast_convert_type3A_974 = tpu.bitcast %shift_left3A_973 : vector<16xi32> -> vector<16xf32>
          %and3A_975 = arith.constant -65536 : i32
          %and3A_976 = vector.broadcast %and3A_975 : i32 to vector<16xi32>
          %and3A_977 = arith.andi %get3A_970, %and3A_976 : vector<16xi32>
          %bitcast_convert_type3A_978 = tpu.bitcast %and3A_977 : vector<16xi32> -> vector<16xf32>
          %add3A_979 = arith.addf %scan3A_948, %bitcast_convert_type3A_974 : vector<16xf32>
          %add3A_980 = arith.addf %scan3A_949, %bitcast_convert_type3A_978 : vector<16xf32>
          %mul3A_981 = arith.constant 4 : i32
          %mul3A_982 = arith.muli %scan3A_945, %mul3A_981 : i32
          %add3A_983 = arith.constant 1 : i32
          %add3A_984 = arith.addi %mul3A_982, %add3A_983 : i32
          %get3A_985 = arith.index_cast %add3A_984 : i32 to index
          %get3A_986 = arith.constant 0 : index
          %get3A_987 = tpu.vector_load %arg8[%get3A_985, %get3A_986] {strides = array<i32>} : memref<80x32xi32, #tpu.memory_space<vmem>>, vector<1x16xi32>,
          %get3A_988 = vector.shape_cast %get3A_987 : vector<1x16xi32> to vector<16xi32>
          %shift_left3A_989 = arith.constant 16 : i32
          %shift_left3A_990 = vector.broadcast %shift_left3A_989 : i32 to vector<16xi32>
          %shift_left3A_991 = arith.shli %get3A_988, %shift_left3A_990 : vector<16xi32>
          %bitcast_convert_type3A_992 = tpu.bitcast %shift_left3A_991 : vector<16xi32> -> vector<16xf32>
          %and3A_993 = arith.constant -65536 : i32
          %and3A_994 = vector.broadcast %and3A_993 : i32 to vector<16xi32>
          %and3A_995 = arith.andi %get3A_988, %and3A_994 : vector<16xi32>
          %bitcast_convert_type3A_996 = tpu.bitcast %and3A_995 : vector<16xi32> -> vector<16xf32>
          %add3A_997 = arith.addf %add3A_965, %bitcast_convert_type3A_992 : vector<16xf32>
          %add3A_998 = arith.addf %add3A_966, %bitcast_convert_type3A_996 : vector<16xf32>
          %get3A_999 = arith.index_cast %add3A_984 : i32 to index
          %get3A_1000 = arith.constant 16 : index
          %get3A_1001 = tpu.vector_load %arg8[%get3A_999, %get3A_1000] {strides = array<i32>} : memref<80x32xi32, #tpu.memory_space<vmem>>, vector<1x16xi32>,
          %get3A_1002 = vector.shape_cast %get3A_1001 : vector<1x16xi32> to vector<16xi32>
          %shift_left3A_1003 = arith.constant 16 : i32
          %shift_left3A_1004 = vector.broadcast %shift_left3A_1003 : i32 to vector<16xi32>
          %shift_left3A_1005 = arith.shli %get3A_1002, %shift_left3A_1004 : vector<16xi32>
          %bitcast_convert_type3A_1006 = tpu.bitcast %shift_left3A_1005 : vector<16xi32> -> vector<16xf32>
          %and3A_1007 = arith.constant -65536 : i32
          %and3A_1008 = vector.broadcast %and3A_1007 : i32 to vector<16xi32>
          %and3A_1009 = arith.andi %get3A_1002, %and3A_1008 : vector<16xi32>
          %bitcast_convert_type3A_1010 = tpu.bitcast %and3A_1009 : vector<16xi32> -> vector<16xf32>
          %add3A_1011 = arith.addf %add3A_979, %bitcast_convert_type3A_1006 : vector<16xf32>
          %add3A_1012 = arith.addf %add3A_980, %bitcast_convert_type3A_1010 : vector<16xf32>
          %mul3A_1013 = arith.constant 4 : i32
          %mul3A_1014 = arith.muli %scan3A_945, %mul3A_1013 : i32
          %add3A_1015 = arith.constant 2 : i32
          %add3A_1016 = arith.addi %mul3A_1014, %add3A_1015 : i32
          %get3A_1017 = arith.index_cast %add3A_1016 : i32 to index
          %get3A_1018 = arith.constant 0 : index
          %get3A_1019 = tpu.vector_load %arg8[%get3A_1017, %get3A_1018] {strides = array<i32>} : memref<80x32xi32, #tpu.memory_space<vmem>>, vector<1x16xi32>,
          %get3A_1020 = vector.shape_cast %get3A_1019 : vector<1x16xi32> to vector<16xi32>
          %shift_left3A_1021 = arith.constant 16 : i32
          %shift_left3A_1022 = vector.broadcast %shift_left3A_1021 : i32 to vector<16xi32>
          %shift_left3A_1023 = arith.shli %get3A_1020, %shift_left3A_1022 : vector<16xi32>
          %bitcast_convert_type3A_1024 = tpu.bitcast %shift_left3A_1023 : vector<16xi32> -> vector<16xf32>
          %and3A_1025 = arith.constant -65536 : i32
          %and3A_1026 = vector.broadcast %and3A_1025 : i32 to vector<16xi32>
          %and3A_1027 = arith.andi %get3A_1020, %and3A_1026 : vector<16xi32>
          %bitcast_convert_type3A_1028 = tpu.bitcast %and3A_1027 : vector<16xi32> -> vector<16xf32>
          %add3A_1029 = arith.addf %add3A_997, %bitcast_convert_type3A_1024 : vector<16xf32>
          %add3A_1030 = arith.addf %add3A_998, %bitcast_convert_type3A_1028 : vector<16xf32>
          %get3A_1031 = arith.index_cast %add3A_1016 : i32 to index
          %get3A_1032 = arith.constant 16 : index
          %get3A_1033 = tpu.vector_load %arg8[%get3A_1031, %get3A_1032] {strides = array<i32>} : memref<80x32xi32, #tpu.memory_space<vmem>>, vector<1x16xi32>,
          %get3A_1034 = vector.shape_cast %get3A_1033 : vector<1x16xi32> to vector<16xi32>
          %shift_left3A_1035 = arith.constant 16 : i32
          %shift_left3A_1036 = vector.broadcast %shift_left3A_1035 : i32 to vector<16xi32>
          %shift_left3A_1037 = arith.shli %get3A_1034, %shift_left3A_1036 : vector<16xi32>
          %bitcast_convert_type3A_1038 = tpu.bitcast %shift_left3A_1037 : vector<16xi32> -> vector<16xf32>
          %and3A_1039 = arith.constant -65536 : i32
          %and3A_1040 = vector.broadcast %and3A_1039 : i32 to vector<16xi32>
          %and3A_1041 = arith.andi %get3A_1034, %and3A_1040 : vector<16xi32>
          %bitcast_convert_type3A_1042 = tpu.bitcast %and3A_1041 : vector<16xi32> -> vector<16xf32>
          %add3A_1043 = arith.addf %add3A_1011, %bitcast_convert_type3A_1038 : vector<16xf32>
          %add3A_1044 = arith.addf %add3A_1012, %bitcast_convert_type3A_1042 : vector<16xf32>
          %mul3A_1045 = arith.constant 4 : i32
          %mul3A_1046 = arith.muli %scan3A_945, %mul3A_1045 : i32
          %add3A_1047 = arith.constant 3 : i32
          %add3A_1048 = arith.addi %mul3A_1046, %add3A_1047 : i32
          %get3A_1049 = arith.index_cast %add3A_1048 : i32 to index
          %get3A_1050 = arith.constant 0 : index
          %get3A_1051 = tpu.vector_load %arg8[%get3A_1049, %get3A_1050] {strides = array<i32>} : memref<80x32xi32, #tpu.memory_space<vmem>>, vector<1x16xi32>,
          %get3A_1052 = vector.shape_cast %get3A_1051 : vector<1x16xi32> to vector<16xi32>
          %shift_left3A_1053 = arith.constant 16 : i32
          %shift_left3A_1054 = vector.broadcast %shift_left3A_1053 : i32 to vector<16xi32>
          %shift_left3A_1055 = arith.shli %get3A_1052, %shift_left3A_1054 : vector<16xi32>
          %bitcast_convert_type3A_1056 = tpu.bitcast %shift_left3A_1055 : vector<16xi32> -> vector<16xf32>
          %and3A_1057 = arith.constant -65536 : i32
          %and3A_1058 = vector.broadcast %and3A_1057 : i32 to vector<16xi32>
          %and3A_1059 = arith.andi %get3A_1052, %and3A_1058 : vector<16xi32>
          %bitcast_convert_type3A_1060 = tpu.bitcast %and3A_1059 : vector<16xi32> -> vector<16xf32>
          %add3A_1061 = arith.addf %add3A_1029, %bitcast_convert_type3A_1056 : vector<16xf32>
          %add3A_1062 = arith.addf %add3A_1030, %bitcast_convert_type3A_1060 : vector<16xf32>
          %get3A_1063 = arith.index_cast %add3A_1048 : i32 to index
          %get3A_1064 = arith.constant 16 : index
          %get3A_1065 = tpu.vector_load %arg8[%get3A_1063, %get3A_1064] {strides = array<i32>} : memref<80x32xi32, #tpu.memory_space<vmem>>, vector<1x16xi32>,
          %get3A_1066 = vector.shape_cast %get3A_1065 : vector<1x16xi32> to vector<16xi32>
          %shift_left3A_1067 = arith.constant 16 : i32
          %shift_left3A_1068 = vector.broadcast %shift_left3A_1067 : i32 to vector<16xi32>
          %shift_left3A_1069 = arith.shli %get3A_1066, %shift_left3A_1068 : vector<16xi32>
          %bitcast_convert_type3A_1070 = tpu.bitcast %shift_left3A_1069 : vector<16xi32> -> vector<16xf32>
          %and3A_1071 = arith.constant -65536 : i32
          %and3A_1072 = vector.broadcast %and3A_1071 : i32 to vector<16xi32>
          %and3A_1073 = arith.andi %get3A_1066, %and3A_1072 : vector<16xi32>
          %bitcast_convert_type3A_1074 = tpu.bitcast %and3A_1073 : vector<16xi32> -> vector<16xf32>
          %add3A_1075 = arith.addf %add3A_1043, %bitcast_convert_type3A_1070 : vector<16xf32>
          %add3A_1076 = arith.addf %add3A_1044, %bitcast_convert_type3A_1074 : vector<16xf32>
          scf.yield %add3A_1061, %add3A_1062, %add3A_1075, %add3A_1076 : vector<16xf32>, vector<16xf32>, vector<16xf32>, vector<16xf32>
        }
        %scan3A_536 = arith.constant 20 : i32
        %scan3A_537 = arith.constant 0 : i32
        %scan3A_538 = arith.constant 30 : i32
        %scan3A_539 = arith.addi %scan3A_537, %scan3A_538 : i32
        %scan3A_540 = arith.constant 1 : i32
        %scan3A_541:4 = scf.for %scan3A_945 = %scan3A_537 to %scan3A_539 step %scan3A_540 iter_args(%scan3A_946 = %scan3A_535#0, %scan3A_947 = %scan3A_535#1, %scan3A_948 = %scan3A_535#2, %scan3A_949 = %scan3A_535#3) -> (vector<16xf32>, vector<16xf32>, vector<16xf32>, vector<16xf32>)  : i32 {
          %mul3A_950 = arith.constant 4 : i32
          %mul3A_951 = arith.muli %scan3A_945, %mul3A_950 : i32
          %add3A_952 = arith.constant 0 : i32
          %add3A_953 = arith.addi %mul3A_951, %add3A_952 : i32
          %get3A_954 = arith.constant 0 : i32
          %get3A_955 = arith.index_cast %get3A_954 : i32 to index
          %get3A_956 = arith.index_cast %add3A_953 : i32 to index
          %get3A_957 = arith.constant 0 : index
          %get3A_958 = tpu.vector_load %arg10[%get3A_955, %get3A_956, %get3A_957] {strides = array<i32>} : memref<2x120x32xi32, #tpu.memory_space<vmem>>, vector<1x1x16xi32>,
          %get3A_959 = vector.shape_cast %get3A_958 : vector<1x1x16xi32> to vector<16xi32>
          %shift_left3A = arith.constant 16 : i32
          %shift_left3A_960 = vector.broadcast %shift_left3A : i32 to vector<16xi32>
          %shift_left3A_961 = arith.shli %get3A_959, %shift_left3A_960 : vector<16xi32>
          %bitcast_convert_type3A_962 = tpu.bitcast %shift_left3A_961 : vector<16xi32> -> vector<16xf32>
          %and3A_963 = arith.constant -65536 : i32
          %and3A_964 = vector.broadcast %and3A_963 : i32 to vector<16xi32>
          %and3A_965 = arith.andi %get3A_959, %and3A_964 : vector<16xi32>
          %bitcast_convert_type3A_966 = tpu.bitcast %and3A_965 : vector<16xi32> -> vector<16xf32>
          %add3A_967 = arith.addf %scan3A_946, %bitcast_convert_type3A_962 : vector<16xf32>
          %add3A_968 = arith.addf %scan3A_947, %bitcast_convert_type3A_966 : vector<16xf32>
          %get3A_969 = arith.constant 0 : i32
          %get3A_970 = arith.index_cast %get3A_969 : i32 to index
          %get3A_971 = arith.index_cast %add3A_953 : i32 to index
          %get3A_972 = arith.constant 16 : index
          %get3A_973 = tpu.vector_load %arg10[%get3A_970, %get3A_971, %get3A_972] {strides = array<i32>} : memref<2x120x32xi32, #tpu.memory_space<vmem>>, vector<1x1x16xi32>,
          %get3A_974 = vector.shape_cast %get3A_973 : vector<1x1x16xi32> to vector<16xi32>
          %shift_left3A_975 = arith.constant 16 : i32
          %shift_left3A_976 = vector.broadcast %shift_left3A_975 : i32 to vector<16xi32>
          %shift_left3A_977 = arith.shli %get3A_974, %shift_left3A_976 : vector<16xi32>
          %bitcast_convert_type3A_978 = tpu.bitcast %shift_left3A_977 : vector<16xi32> -> vector<16xf32>
          %and3A_979 = arith.constant -65536 : i32
          %and3A_980 = vector.broadcast %and3A_979 : i32 to vector<16xi32>
          %and3A_981 = arith.andi %get3A_974, %and3A_980 : vector<16xi32>
          %bitcast_convert_type3A_982 = tpu.bitcast %and3A_981 : vector<16xi32> -> vector<16xf32>
          %add3A_983 = arith.addf %scan3A_948, %bitcast_convert_type3A_978 : vector<16xf32>
          %add3A_984 = arith.addf %scan3A_949, %bitcast_convert_type3A_982 : vector<16xf32>
          %mul3A_985 = arith.constant 4 : i32
          %mul3A_986 = arith.muli %scan3A_945, %mul3A_985 : i32
          %add3A_987 = arith.constant 1 : i32
          %add3A_988 = arith.addi %mul3A_986, %add3A_987 : i32
          %get3A_989 = arith.constant 0 : i32
          %get3A_990 = arith.index_cast %get3A_989 : i32 to index
          %get3A_991 = arith.index_cast %add3A_988 : i32 to index
          %get3A_992 = arith.constant 0 : index
          %get3A_993 = tpu.vector_load %arg10[%get3A_990, %get3A_991, %get3A_992] {strides = array<i32>} : memref<2x120x32xi32, #tpu.memory_space<vmem>>, vector<1x1x16xi32>,
          %get3A_994 = vector.shape_cast %get3A_993 : vector<1x1x16xi32> to vector<16xi32>
          %shift_left3A_995 = arith.constant 16 : i32
          %shift_left3A_996 = vector.broadcast %shift_left3A_995 : i32 to vector<16xi32>
          %shift_left3A_997 = arith.shli %get3A_994, %shift_left3A_996 : vector<16xi32>
          %bitcast_convert_type3A_998 = tpu.bitcast %shift_left3A_997 : vector<16xi32> -> vector<16xf32>
          %and3A_999 = arith.constant -65536 : i32
          %and3A_1000 = vector.broadcast %and3A_999 : i32 to vector<16xi32>
          %and3A_1001 = arith.andi %get3A_994, %and3A_1000 : vector<16xi32>
          %bitcast_convert_type3A_1002 = tpu.bitcast %and3A_1001 : vector<16xi32> -> vector<16xf32>
          %add3A_1003 = arith.addf %add3A_967, %bitcast_convert_type3A_998 : vector<16xf32>
          %add3A_1004 = arith.addf %add3A_968, %bitcast_convert_type3A_1002 : vector<16xf32>
          %get3A_1005 = arith.constant 0 : i32
          %get3A_1006 = arith.index_cast %get3A_1005 : i32 to index
          %get3A_1007 = arith.index_cast %add3A_988 : i32 to index
          %get3A_1008 = arith.constant 16 : index
          %get3A_1009 = tpu.vector_load %arg10[%get3A_1006, %get3A_1007, %get3A_1008] {strides = array<i32>} : memref<2x120x32xi32, #tpu.memory_space<vmem>>, vector<1x1x16xi32>,
          %get3A_1010 = vector.shape_cast %get3A_1009 : vector<1x1x16xi32> to vector<16xi32>
          %shift_left3A_1011 = arith.constant 16 : i32
          %shift_left3A_1012 = vector.broadcast %shift_left3A_1011 : i32 to vector<16xi32>
          %shift_left3A_1013 = arith.shli %get3A_1010, %shift_left3A_1012 : vector<16xi32>
          %bitcast_convert_type3A_1014 = tpu.bitcast %shift_left3A_1013 : vector<16xi32> -> vector<16xf32>
          %and3A_1015 = arith.constant -65536 : i32
          %and3A_1016 = vector.broadcast %and3A_1015 : i32 to vector<16xi32>
          %and3A_1017 = arith.andi %get3A_1010, %and3A_1016 : vector<16xi32>
          %bitcast_convert_type3A_1018 = tpu.bitcast %and3A_1017 : vector<16xi32> -> vector<16xf32>
          %add3A_1019 = arith.addf %add3A_983, %bitcast_convert_type3A_1014 : vector<16xf32>
          %add3A_1020 = arith.addf %add3A_984, %bitcast_convert_type3A_1018 : vector<16xf32>
          %mul3A_1021 = arith.constant 4 : i32
          %mul3A_1022 = arith.muli %scan3A_945, %mul3A_1021 : i32
          %add3A_1023 = arith.constant 2 : i32
          %add3A_1024 = arith.addi %mul3A_1022, %add3A_1023 : i32
          %get3A_1025 = arith.constant 0 : i32
          %get3A_1026 = arith.index_cast %get3A_1025 : i32 to index
          %get3A_1027 = arith.index_cast %add3A_1024 : i32 to index
          %get3A_1028 = arith.constant 0 : index
          %get3A_1029 = tpu.vector_load %arg10[%get3A_1026, %get3A_1027, %get3A_1028] {strides = array<i32>} : memref<2x120x32xi32, #tpu.memory_space<vmem>>, vector<1x1x16xi32>,
          %get3A_1030 = vector.shape_cast %get3A_1029 : vector<1x1x16xi32> to vector<16xi32>
          %shift_left3A_1031 = arith.constant 16 : i32
          %shift_left3A_1032 = vector.broadcast %shift_left3A_1031 : i32 to vector<16xi32>
          %shift_left3A_1033 = arith.shli %get3A_1030, %shift_left3A_1032 : vector<16xi32>
          %bitcast_convert_type3A_1034 = tpu.bitcast %shift_left3A_1033 : vector<16xi32> -> vector<16xf32>
          %and3A_1035 = arith.constant -65536 : i32
          %and3A_1036 = vector.broadcast %and3A_1035 : i32 to vector<16xi32>
          %and3A_1037 = arith.andi %get3A_1030, %and3A_1036 : vector<16xi32>
          %bitcast_convert_type3A_1038 = tpu.bitcast %and3A_1037 : vector<16xi32> -> vector<16xf32>
          %add3A_1039 = arith.addf %add3A_1003, %bitcast_convert_type3A_1034 : vector<16xf32>
          %add3A_1040 = arith.addf %add3A_1004, %bitcast_convert_type3A_1038 : vector<16xf32>
          %get3A_1041 = arith.constant 0 : i32
          %get3A_1042 = arith.index_cast %get3A_1041 : i32 to index
          %get3A_1043 = arith.index_cast %add3A_1024 : i32 to index
          %get3A_1044 = arith.constant 16 : index
          %get3A_1045 = tpu.vector_load %arg10[%get3A_1042, %get3A_1043, %get3A_1044] {strides = array<i32>} : memref<2x120x32xi32, #tpu.memory_space<vmem>>, vector<1x1x16xi32>,
          %get3A_1046 = vector.shape_cast %get3A_1045 : vector<1x1x16xi32> to vector<16xi32>
          %shift_left3A_1047 = arith.constant 16 : i32
          %shift_left3A_1048 = vector.broadcast %shift_left3A_1047 : i32 to vector<16xi32>
          %shift_left3A_1049 = arith.shli %get3A_1046, %shift_left3A_1048 : vector<16xi32>
          %bitcast_convert_type3A_1050 = tpu.bitcast %shift_left3A_1049 : vector<16xi32> -> vector<16xf32>
          %and3A_1051 = arith.constant -65536 : i32
          %and3A_1052 = vector.broadcast %and3A_1051 : i32 to vector<16xi32>
          %and3A_1053 = arith.andi %get3A_1046, %and3A_1052 : vector<16xi32>
          %bitcast_convert_type3A_1054 = tpu.bitcast %and3A_1053 : vector<16xi32> -> vector<16xf32>
          %add3A_1055 = arith.addf %add3A_1019, %bitcast_convert_type3A_1050 : vector<16xf32>
          %add3A_1056 = arith.addf %add3A_1020, %bitcast_convert_type3A_1054 : vector<16xf32>
          %mul3A_1057 = arith.constant 4 : i32
          %mul3A_1058 = arith.muli %scan3A_945, %mul3A_1057 : i32
          %add3A_1059 = arith.constant 3 : i32
          %add3A_1060 = arith.addi %mul3A_1058, %add3A_1059 : i32
          %get3A_1061 = arith.constant 0 : i32
          %get3A_1062 = arith.index_cast %get3A_1061 : i32 to index
          %get3A_1063 = arith.index_cast %add3A_1060 : i32 to index
          %get3A_1064 = arith.constant 0 : index
          %get3A_1065 = tpu.vector_load %arg10[%get3A_1062, %get3A_1063, %get3A_1064] {strides = array<i32>} : memref<2x120x32xi32, #tpu.memory_space<vmem>>, vector<1x1x16xi32>,
          %get3A_1066 = vector.shape_cast %get3A_1065 : vector<1x1x16xi32> to vector<16xi32>
          %shift_left3A_1067 = arith.constant 16 : i32
          %shift_left3A_1068 = vector.broadcast %shift_left3A_1067 : i32 to vector<16xi32>
          %shift_left3A_1069 = arith.shli %get3A_1066, %shift_left3A_1068 : vector<16xi32>
          %bitcast_convert_type3A_1070 = tpu.bitcast %shift_left3A_1069 : vector<16xi32> -> vector<16xf32>
          %and3A_1071 = arith.constant -65536 : i32
          %and3A_1072 = vector.broadcast %and3A_1071 : i32 to vector<16xi32>
          %and3A_1073 = arith.andi %get3A_1066, %and3A_1072 : vector<16xi32>
          %bitcast_convert_type3A_1074 = tpu.bitcast %and3A_1073 : vector<16xi32> -> vector<16xf32>
          %add3A_1075 = arith.addf %add3A_1039, %bitcast_convert_type3A_1070 : vector<16xf32>
          %add3A_1076 = arith.addf %add3A_1040, %bitcast_convert_type3A_1074 : vector<16xf32>
          %get3A_1077 = arith.constant 0 : i32
          %get3A_1078 = arith.index_cast %get3A_1077 : i32 to index
          %get3A_1079 = arith.index_cast %add3A_1060 : i32 to index
          %get3A_1080 = arith.constant 16 : index
          %get3A_1081 = tpu.vector_load %arg10[%get3A_1078, %get3A_1079, %get3A_1080] {strides = array<i32>} : memref<2x120x32xi32, #tpu.memory_space<vmem>>, vector<1x1x16xi32>,
          %get3A_1082 = vector.shape_cast %get3A_1081 : vector<1x1x16xi32> to vector<16xi32>
          %shift_left3A_1083 = arith.constant 16 : i32
          %shift_left3A_1084 = vector.broadcast %shift_left3A_1083 : i32 to vector<16xi32>
          %shift_left3A_1085 = arith.shli %get3A_1082, %shift_left3A_1084 : vector<16xi32>
          %bitcast_convert_type3A_1086 = tpu.bitcast %shift_left3A_1085 : vector<16xi32> -> vector<16xf32>
          %and3A_1087 = arith.constant -65536 : i32
          %and3A_1088 = vector.broadcast %and3A_1087 : i32 to vector<16xi32>
          %and3A_1089 = arith.andi %get3A_1082, %and3A_1088 : vector<16xi32>
          %bitcast_convert_type3A_1090 = tpu.bitcast %and3A_1089 : vector<16xi32> -> vector<16xf32>
          %add3A_1091 = arith.addf %add3A_1055, %bitcast_convert_type3A_1086 : vector<16xf32>
          %add3A_1092 = arith.addf %add3A_1056, %bitcast_convert_type3A_1090 : vector<16xf32>
          scf.yield %add3A_1075, %add3A_1076, %add3A_1091, %add3A_1092 : vector<16xf32>, vector<16xf32>, vector<16xf32>, vector<16xf32>
        }
        %scan3A_542 = arith.constant 30 : i32
        %bitcast_convert_type3A_543 = tpu.bitcast %scan3A_541#0 : vector<16xf32> -> vector<16xi32>
        %bitcast_convert_type3A_544 = tpu.bitcast %scan3A_541#1 : vector<16xf32> -> vector<16xi32>
        %add3A_545 = arith.constant 32768 : i32
        %add3A_546 = vector.broadcast %add3A_545 : i32 to vector<16xi32>
        %add3A_547 = arith.addi %bitcast_convert_type3A_543, %add3A_546 : vector<16xi32>
        %shift_right_logical3A_548 = arith.constant 16 : i32
        %shift_right_logical3A_549 = vector.broadcast %shift_right_logical3A_548 : i32 to vector<16xi32>
        %shift_right_logical3A_550 = arith.shrui %add3A_547, %shift_right_logical3A_549 : vector<16xi32>
        %add3A_551 = arith.constant 32768 : i32
        %add3A_552 = vector.broadcast %add3A_551 : i32 to vector<16xi32>
        %add3A_553 = arith.addi %bitcast_convert_type3A_544, %add3A_552 : vector<16xi32>
        %and3A_554 = arith.constant -65536 : i32
        %and3A_555 = vector.broadcast %and3A_554 : i32 to vector<16xi32>
        %and3A_556 = arith.andi %add3A_553, %and3A_555 : vector<16xi32>
        %or3A_557 = arith.ori %shift_right_logical3A_550, %and3A_556 : vector<16xi32>
        %swap3A_558 = arith.index_cast %add3A_522 : i32 to index
        %swap3A_559 = arith.constant 0 : index
        %swap3A_560 = tpu.vector_load %arg11[%swap3A_558, %swap3A_559] {strides = array<i32>} : memref<256x32xi32, #tpu.memory_space<vmem>>, vector<1x16xi32>,
        %swap3A_561 = vector.shape_cast %swap3A_560 : vector<1x16xi32> to vector<16xi32>
        %swap3A_562 = vector.shape_cast %or3A_557 : vector<16xi32> to vector<1x16xi32>
        tpu.vector_store %arg11[%swap3A_558, %swap3A_559], %swap3A_562 {strides = array<i32>} : memref<256x32xi32, #tpu.memory_space<vmem>>, vector<1x16xi32>,
        %bitcast_convert_type3A_563 = tpu.bitcast %scan3A_541#2 : vector<16xf32> -> vector<16xi32>
        %bitcast_convert_type3A_564 = tpu.bitcast %scan3A_541#3 : vector<16xf32> -> vector<16xi32>
        %add3A_565 = arith.constant 32768 : i32
        %add3A_566 = vector.broadcast %add3A_565 : i32 to vector<16xi32>
        %add3A_567 = arith.addi %bitcast_convert_type3A_563, %add3A_566 : vector<16xi32>
        %shift_right_logical3A_568 = arith.constant 16 : i32
        %shift_right_logical3A_569 = vector.broadcast %shift_right_logical3A_568 : i32 to vector<16xi32>
        %shift_right_logical3A_570 = arith.shrui %add3A_567, %shift_right_logical3A_569 : vector<16xi32>
        %add3A_571 = arith.constant 32768 : i32
        %add3A_572 = vector.broadcast %add3A_571 : i32 to vector<16xi32>
        %add3A_573 = arith.addi %bitcast_convert_type3A_564, %add3A_572 : vector<16xi32>
        %and3A_574 = arith.constant -65536 : i32
        %and3A_575 = vector.broadcast %and3A_574 : i32 to vector<16xi32>
        %and3A_576 = arith.andi %add3A_573, %and3A_575 : vector<16xi32>
        %or3A_577 = arith.ori %shift_right_logical3A_570, %and3A_576 : vector<16xi32>
        %swap3A_578 = arith.index_cast %add3A_522 : i32 to index
        %swap3A_579 = arith.constant 16 : index
        %swap3A_580 = tpu.vector_load %arg11[%swap3A_578, %swap3A_579] {strides = array<i32>} : memref<256x32xi32, #tpu.memory_space<vmem>>, vector<1x16xi32>,
        %swap3A_581 = vector.shape_cast %swap3A_580 : vector<1x16xi32> to vector<16xi32>
        %swap3A_582 = vector.shape_cast %or3A_577 : vector<16xi32> to vector<1x16xi32>
        tpu.vector_store %arg11[%swap3A_578, %swap3A_579], %swap3A_582 {strides = array<i32>} : memref<256x32xi32, #tpu.memory_space<vmem>>, vector<1x16xi32>,
        %add3A_583 = arith.constant 2 : i32
        %add3A_584 = arith.addi %mul3A_500, %add3A_583 : i32
        %get3A_585 = arith.index_cast %add3A_584 : i32 to index
        %get3A_586 = arith.constant 0 : index
        %get3A_587 = tpu.vector_load %arg5[%get3A_585, %get3A_586] {strides = array<i32>} : memref<32x208xi32, #tpu.memory_space<vmem>>, vector<1x16xi32>,
        %get3A_588 = vector.shape_cast %get3A_587 : vector<1x16xi32> to vector<16xi32>
        %ge3A_589 = vector.broadcast %scan3A_24 : i32 to vector<16xi32>
        %ge3A_590 = arith.cmpi sge, %get3A_588, %ge3A_589 : vector<16xi32>
        %add3A_591 = arith.constant 50000 : i32
        %add3A_592 = arith.addi %scan3A_24, %add3A_591 : i32
        %lt3A_593 = vector.broadcast %add3A_592 : i32 to vector<16xi32>
        %lt3A_594 = arith.cmpi slt, %get3A_588, %lt3A_593 : vector<16xi32>
        %and3A_595 = arith.andi %ge3A_590, %lt3A_594 : vector<16xi1>
        %sub3A_596 = arith.constant 1 : i32
        %sub3A_597 = arith.subi %scan3A_24, %sub3A_596 : i32
        %sub3A_598 = vector.broadcast %sub3A_597 : i32 to vector<16xi32>
        %sub3A_599 = arith.subi %get3A_588, %sub3A_598 : vector<16xi32>
        %jit3A_600 = arith.constant 0 : i32
        %broadcast_in_dim3A_601 = vector.broadcast %jit3A_600 : i32 to vector<16xi32>
        %select_n3A_602 = arith.select %and3A_595, %sub3A_599, %broadcast_in_dim3A_601 : vector<16xi1>, vector<16xi32>
        %swap3A_603 = arith.constant 0 : index
        %swap3A_604 = tpu.vector_load %arg6[%swap3A_603] {strides = array<i32>} : memref<80xi32, #tpu.memory_space<vmem>>, vector<16xi32>,
        %swap3A_605 = vector.shape_cast %swap3A_604 : vector<16xi32> to vector<16xi32>
        %swap3A_606 = vector.shape_cast %select_n3A_602 : vector<16xi32> to vector<16xi32>
        tpu.vector_store %arg6[%swap3A_603], %swap3A_606 {strides = array<i32>} : memref<80xi32, #tpu.memory_space<vmem>>, vector<16xi32>,
        %get3A_607 = arith.index_cast %add3A_584 : i32 to index
        %get3A_608 = arith.constant 16 : index
        %get3A_609 = tpu.vector_load %arg5[%get3A_607, %get3A_608] {strides = array<i32>} : memref<32x208xi32, #tpu.memory_space<vmem>>, vector<1x16xi32>,
        %get3A_610 = vector.shape_cast %get3A_609 : vector<1x16xi32> to vector<16xi32>
        %ge3A_611 = vector.broadcast %scan3A_24 : i32 to vector<16xi32>
        %ge3A_612 = arith.cmpi sge, %get3A_610, %ge3A_611 : vector<16xi32>
        %add3A_613 = arith.constant 50000 : i32
        %add3A_614 = arith.addi %scan3A_24, %add3A_613 : i32
        %lt3A_615 = vector.broadcast %add3A_614 : i32 to vector<16xi32>
        %lt3A_616 = arith.cmpi slt, %get3A_610, %lt3A_615 : vector<16xi32>
        %and3A_617 = arith.andi %ge3A_612, %lt3A_616 : vector<16xi1>
        %sub3A_618 = arith.constant 1 : i32
        %sub3A_619 = arith.subi %scan3A_24, %sub3A_618 : i32
        %sub3A_620 = vector.broadcast %sub3A_619 : i32 to vector<16xi32>
        %sub3A_621 = arith.subi %get3A_610, %sub3A_620 : vector<16xi32>
        %jit3A_622 = arith.constant 0 : i32
        %broadcast_in_dim3A_623 = vector.broadcast %jit3A_622 : i32 to vector<16xi32>
        %select_n3A_624 = arith.select %and3A_617, %sub3A_621, %broadcast_in_dim3A_623 : vector<16xi1>, vector<16xi32>
        %swap3A_625 = arith.constant 16 : index
        %swap3A_626 = tpu.vector_load %arg6[%swap3A_625] {strides = array<i32>} : memref<80xi32, #tpu.memory_space<vmem>>, vector<16xi32>,
        %swap3A_627 = vector.shape_cast %swap3A_626 : vector<16xi32> to vector<16xi32>
        %swap3A_628 = vector.shape_cast %select_n3A_624 : vector<16xi32> to vector<16xi32>
        tpu.vector_store %arg6[%swap3A_625], %swap3A_628 {strides = array<i32>} : memref<80xi32, #tpu.memory_space<vmem>>, vector<16xi32>,
        %get3A_629 = arith.index_cast %add3A_584 : i32 to index
        %get3A_630 = arith.constant 32 : index
        %get3A_631 = tpu.vector_load %arg5[%get3A_629, %get3A_630] {strides = array<i32>} : memref<32x208xi32, #tpu.memory_space<vmem>>, vector<1x16xi32>,
        %get3A_632 = vector.shape_cast %get3A_631 : vector<1x16xi32> to vector<16xi32>
        %ge3A_633 = vector.broadcast %scan3A_24 : i32 to vector<16xi32>
        %ge3A_634 = arith.cmpi sge, %get3A_632, %ge3A_633 : vector<16xi32>
        %add3A_635 = arith.constant 50000 : i32
        %add3A_636 = arith.addi %scan3A_24, %add3A_635 : i32
        %lt3A_637 = vector.broadcast %add3A_636 : i32 to vector<16xi32>
        %lt3A_638 = arith.cmpi slt, %get3A_632, %lt3A_637 : vector<16xi32>
        %and3A_639 = arith.andi %ge3A_634, %lt3A_638 : vector<16xi1>
        %sub3A_640 = arith.constant 1 : i32
        %sub3A_641 = arith.subi %scan3A_24, %sub3A_640 : i32
        %sub3A_642 = vector.broadcast %sub3A_641 : i32 to vector<16xi32>
        %sub3A_643 = arith.subi %get3A_632, %sub3A_642 : vector<16xi32>
        %jit3A_644 = arith.constant 0 : i32
        %broadcast_in_dim3A_645 = vector.broadcast %jit3A_644 : i32 to vector<16xi32>
        %select_n3A_646 = arith.select %and3A_639, %sub3A_643, %broadcast_in_dim3A_645 : vector<16xi1>, vector<16xi32>
        %swap3A_647 = arith.constant 32 : index
        %swap3A_648 = tpu.vector_load %arg6[%swap3A_647] {strides = array<i32>} : memref<80xi32, #tpu.memory_space<vmem>>, vector<16xi32>,
        %swap3A_649 = vector.shape_cast %swap3A_648 : vector<16xi32> to vector<16xi32>
        %swap3A_650 = vector.shape_cast %select_n3A_646 : vector<16xi32> to vector<16xi32>
        tpu.vector_store %arg6[%swap3A_647], %swap3A_650 {strides = array<i32>} : memref<80xi32, #tpu.memory_space<vmem>>, vector<16xi32>,
        %get3A_651 = arith.index_cast %add3A_584 : i32 to index
        %get3A_652 = arith.constant 48 : index
        %get3A_653 = tpu.vector_load %arg5[%get3A_651, %get3A_652] {strides = array<i32>} : memref<32x208xi32, #tpu.memory_space<vmem>>, vector<1x16xi32>,
        %get3A_654 = vector.shape_cast %get3A_653 : vector<1x16xi32> to vector<16xi32>
        %ge3A_655 = vector.broadcast %scan3A_24 : i32 to vector<16xi32>
        %ge3A_656 = arith.cmpi sge, %get3A_654, %ge3A_655 : vector<16xi32>
        %add3A_657 = arith.constant 50000 : i32
        %add3A_658 = arith.addi %scan3A_24, %add3A_657 : i32
        %lt3A_659 = vector.broadcast %add3A_658 : i32 to vector<16xi32>
        %lt3A_660 = arith.cmpi slt, %get3A_654, %lt3A_659 : vector<16xi32>
        %and3A_661 = arith.andi %ge3A_656, %lt3A_660 : vector<16xi1>
        %sub3A_662 = arith.constant 1 : i32
        %sub3A_663 = arith.subi %scan3A_24, %sub3A_662 : i32
        %sub3A_664 = vector.broadcast %sub3A_663 : i32 to vector<16xi32>
        %sub3A_665 = arith.subi %get3A_654, %sub3A_664 : vector<16xi32>
        %jit3A_666 = arith.constant 0 : i32
        %broadcast_in_dim3A_667 = vector.broadcast %jit3A_666 : i32 to vector<16xi32>
        %select_n3A_668 = arith.select %and3A_661, %sub3A_665, %broadcast_in_dim3A_667 : vector<16xi1>, vector<16xi32>
        %swap3A_669 = arith.constant 48 : index
        %swap3A_670 = tpu.vector_load %arg6[%swap3A_669] {strides = array<i32>} : memref<80xi32, #tpu.memory_space<vmem>>, vector<16xi32>,
        %swap3A_671 = vector.shape_cast %swap3A_670 : vector<16xi32> to vector<16xi32>
        %swap3A_672 = vector.shape_cast %select_n3A_668 : vector<16xi32> to vector<16xi32>
        tpu.vector_store %arg6[%swap3A_669], %swap3A_672 {strides = array<i32>} : memref<80xi32, #tpu.memory_space<vmem>>, vector<16xi32>,
        %get3A_673 = arith.index_cast %add3A_584 : i32 to index
        %get3A_674 = arith.constant 64 : index
        %get3A_675 = tpu.vector_load %arg5[%get3A_673, %get3A_674] {strides = array<i32>} : memref<32x208xi32, #tpu.memory_space<vmem>>, vector<1x16xi32>,
        %get3A_676 = vector.shape_cast %get3A_675 : vector<1x16xi32> to vector<16xi32>
        %ge3A_677 = vector.broadcast %scan3A_24 : i32 to vector<16xi32>
        %ge3A_678 = arith.cmpi sge, %get3A_676, %ge3A_677 : vector<16xi32>
        %add3A_679 = arith.constant 50000 : i32
        %add3A_680 = arith.addi %scan3A_24, %add3A_679 : i32
        %lt3A_681 = vector.broadcast %add3A_680 : i32 to vector<16xi32>
        %lt3A_682 = arith.cmpi slt, %get3A_676, %lt3A_681 : vector<16xi32>
        %and3A_683 = arith.andi %ge3A_678, %lt3A_682 : vector<16xi1>
        %sub3A_684 = arith.constant 1 : i32
        %sub3A_685 = arith.subi %scan3A_24, %sub3A_684 : i32
        %sub3A_686 = vector.broadcast %sub3A_685 : i32 to vector<16xi32>
        %sub3A_687 = arith.subi %get3A_676, %sub3A_686 : vector<16xi32>
        %jit3A_688 = arith.constant 0 : i32
        %broadcast_in_dim3A_689 = vector.broadcast %jit3A_688 : i32 to vector<16xi32>
        %select_n3A_690 = arith.select %and3A_683, %sub3A_687, %broadcast_in_dim3A_689 : vector<16xi1>, vector<16xi32>
        %swap3A_691 = arith.constant 64 : index
        %swap3A_692 = tpu.vector_load %arg6[%swap3A_691] {strides = array<i32>} : memref<80xi32, #tpu.memory_space<vmem>>, vector<16xi32>,
        %swap3A_693 = vector.shape_cast %swap3A_692 : vector<16xi32> to vector<16xi32>
        %swap3A_694 = vector.shape_cast %select_n3A_690 : vector<16xi32> to vector<16xi32>
        tpu.vector_store %arg6[%swap3A_691], %swap3A_694 {strides = array<i32>} : memref<80xi32, #tpu.memory_space<vmem>>, vector<16xi32>,
        %dma_start3A_695 = arith.constant 0 : i32
        %dma_start3A_696 = arith.constant 0 : i32
        %dma_start3A_697 = tpu.memref_slice %arg8[%dma_start3A_695, %dma_start3A_696] : memref<80x32xi32, #tpu.memory_space<vmem>> -> memref<40x32xi32, #tpu.memory_space<vmem>>
        %dma_start3A_698 = arith.constant 0 : i32
        %dma_start3A_699 = tpu.memref_slice %arg6[%dma_start3A_698] : memref<80xi32, #tpu.memory_space<vmem>> -> memref<40xi32, #tpu.memory_space<vmem>>
        %dma_start3A_700 = arith.constant 0 : i32
        %dma_start3A_701 = arith.constant 0 : i32
        %dma_start3A_702 = tpu.memref_slice %arg13[%dma_start3A_700, %dma_start3A_701] : memref<50001x32xi32, #tpu.memory_space<vmem_shared>> -> memref<50001x32xi32, #tpu.memory_space<vmem_shared>>
        tpu.enqueue_indirect_dma source(%dma_start3A_702 : memref<50001x32xi32, #tpu.memory_space<vmem_shared>>) target(%dma_start3A_697 : memref<40x32xi32, #tpu.memory_space<vmem>>) offsets(%dma_start3A_699 : memref<40xi32, #tpu.memory_space<vmem>>) semaphore(%arg14 : memref<!tpu.dma_semaphore, #tpu.memory_space<semaphore_mem>>)
        %dma_start3A_703 = arith.constant 40 : i32
        %dma_start3A_704 = arith.constant 0 : i32
        %dma_start3A_705 = tpu.memref_slice %arg8[%dma_start3A_703, %dma_start3A_704] : memref<80x32xi32, #tpu.memory_space<vmem>> -> memref<40x32xi32, #tpu.memory_space<vmem>>
        %dma_start3A_706 = arith.constant 40 : i32
        %dma_start3A_707 = tpu.memref_slice %arg6[%dma_start3A_706] : memref<80xi32, #tpu.memory_space<vmem>> -> memref<40xi32, #tpu.memory_space<vmem>>
        %dma_start3A_708 = arith.constant 0 : i32
        %dma_start3A_709 = arith.constant 0 : i32
        %dma_start3A_710 = tpu.memref_slice %arg13[%dma_start3A_708, %dma_start3A_709] : memref<50001x32xi32, #tpu.memory_space<vmem_shared>> -> memref<50001x32xi32, #tpu.memory_space<vmem_shared>>
        tpu.enqueue_indirect_dma source(%dma_start3A_710 : memref<50001x32xi32, #tpu.memory_space<vmem_shared>>) target(%dma_start3A_705 : memref<40x32xi32, #tpu.memory_space<vmem>>) offsets(%dma_start3A_707 : memref<40xi32, #tpu.memory_space<vmem>>) semaphore(%arg14 : memref<!tpu.dma_semaphore, #tpu.memory_space<semaphore_mem>>)
        %dma_start3A_711 = arith.constant 0 : i32
        %dma_start3A_712 = arith.constant 0 : i32
        %dma_start3A_713 = arith.constant 0 : i32
        %dma_start3A_714 = tpu.memref_slice %arg10[%dma_start3A_711, %dma_start3A_712, %dma_start3A_713] : memref<2x120x32xi32, #tpu.memory_space<vmem>> -> memref<1x120x32xi32, #tpu.memory_space<vmem>>
        %dma_start3A_715 = tpu.memref_squeeze %dma_start3A_714 : memref<1x120x32xi32, #tpu.memory_space<vmem>> -> memref<120x32xi32, #tpu.memory_space<vmem>>
        %dma_start3A_716 = arith.constant 80 : i32
        %dma_start3A_717 = tpu.memref_slice %arg5[%add3A_584, %dma_start3A_716] : memref<32x208xi32, #tpu.memory_space<vmem>> -> memref<1x120xi32, #tpu.memory_space<vmem>>
        %dma_start3A_718 = tpu.memref_squeeze %dma_start3A_717 : memref<1x120xi32, #tpu.memory_space<vmem>> -> memref<120xi32, #tpu.memory_space<vmem>>
        %dma_start3A_719 = arith.constant 0 : i32
        %dma_start3A_720 = arith.constant 0 : i32
        %dma_start3A_721 = tpu.memref_slice %arg3[%dma_start3A_719, %dma_start3A_720] : memref<100000x32xi32, #tpu.memory_space<hbm>> -> memref<100000x32xi32, #tpu.memory_space<hbm>>
        tpu.enqueue_indirect_dma source(%dma_start3A_721 : memref<100000x32xi32, #tpu.memory_space<hbm>>) target(%dma_start3A_715 : memref<120x32xi32, #tpu.memory_space<vmem>>) offsets(%dma_start3A_718 : memref<120xi32, #tpu.memory_space<vmem>>) semaphore(%arg16 : memref<!tpu.dma_semaphore, #tpu.memory_space<semaphore_mem>>)
        %add3A_722 = arith.constant 1 : i32
        %add3A_723 = arith.addi %mul3A_500, %add3A_722 : i32
        %dma_wait3A_724 = arith.constant 0 : i32
        %dma_wait3A_725 = arith.constant 0 : i32
        %dma_wait3A_726 = tpu.memref_slice %arg13[%dma_wait3A_724, %dma_wait3A_725] : memref<50001x32xi32, #tpu.memory_space<vmem_shared>> -> memref<80x32xi32, #tpu.memory_space<vmem_shared>>
        %dma_wait3A_727 = arith.constant 0 : i32
        %dma_wait3A_728 = arith.constant 0 : i32
        %dma_wait3A_729 = tpu.memref_slice %arg13[%dma_wait3A_727, %dma_wait3A_728] : memref<50001x32xi32, #tpu.memory_space<vmem_shared>> -> memref<80x32xi32, #tpu.memory_space<vmem_shared>>
        tpu.wait_dma2 semaphore(%arg15 : memref<!tpu.dma_semaphore, #tpu.memory_space<semaphore_mem>>) src(%dma_wait3A_729 : memref<80x32xi32, #tpu.memory_space<vmem_shared>>) dst(%arg9 : memref<80x32xi32, #tpu.memory_space<vmem>>)
        %dma_wait3A_730 = arith.constant 1 : i32
        %dma_wait3A_731 = arith.constant 0 : i32
        %dma_wait3A_732 = arith.constant 0 : i32
        %dma_wait3A_733 = tpu.memref_slice %arg10[%dma_wait3A_730, %dma_wait3A_731, %dma_wait3A_732] : memref<2x120x32xi32, #tpu.memory_space<vmem>> -> memref<1x120x32xi32, #tpu.memory_space<vmem>>
        %dma_wait3A_734 = tpu.memref_squeeze %dma_wait3A_733 : memref<1x120x32xi32, #tpu.memory_space<vmem>> -> memref<120x32xi32, #tpu.memory_space<vmem>>
        %dma_wait3A_735 = arith.constant 0 : i32
        %dma_wait3A_736 = arith.constant 0 : i32
        %dma_wait3A_737 = tpu.memref_slice %arg3[%dma_wait3A_735, %dma_wait3A_736] : memref<100000x32xi32, #tpu.memory_space<hbm>> -> memref<120x32xi32, #tpu.memory_space<hbm>>
        %dma_wait3A_738 = arith.constant 0 : i32
        %dma_wait3A_739 = arith.constant 0 : i32
        %dma_wait3A_740 = tpu.memref_slice %arg10[%dma_wait3A_730, %dma_wait3A_738, %dma_wait3A_739] : memref<2x120x32xi32, #tpu.memory_space<vmem>> -> memref<1x120x32xi32, #tpu.memory_space<vmem>>
        %dma_wait3A_741 = tpu.memref_squeeze %dma_wait3A_740 : memref<1x120x32xi32, #tpu.memory_space<vmem>> -> memref<120x32xi32, #tpu.memory_space<vmem>>
        %dma_wait3A_742 = arith.constant 0 : i32
        %dma_wait3A_743 = arith.constant 0 : i32
        %dma_wait3A_744 = tpu.memref_slice %arg3[%dma_wait3A_742, %dma_wait3A_743] : memref<100000x32xi32, #tpu.memory_space<hbm>> -> memref<120x32xi32, #tpu.memory_space<hbm>>
        tpu.wait_dma2 semaphore(%arg17 : memref<!tpu.dma_semaphore, #tpu.memory_space<semaphore_mem>>) src(%dma_wait3A_744 : memref<120x32xi32, #tpu.memory_space<hbm>>) dst(%dma_wait3A_741 : memref<120x32xi32, #tpu.memory_space<vmem>>)
        %add3A_745 = arith.addi %mul3A_50, %add3A_723 : i32
        %broadcast_in_dim3A_746 = arith.constant 0.000000e+00 : f32
        %broadcast_in_dim3A_747 = vector.broadcast %broadcast_in_dim3A_746 : f32 to vector<16xf32>
        %broadcast_in_dim3A_748 = arith.constant 0.000000e+00 : f32
        %broadcast_in_dim3A_749 = vector.broadcast %broadcast_in_dim3A_748 : f32 to vector<16xf32>
        %broadcast_in_dim3A_750 = arith.constant 0.000000e+00 : f32
        %broadcast_in_dim3A_751 = vector.broadcast %broadcast_in_dim3A_750 : f32 to vector<16xf32>
        %broadcast_in_dim3A_752 = arith.constant 0.000000e+00 : f32
        %broadcast_in_dim3A_753 = vector.broadcast %broadcast_in_dim3A_752 : f32 to vector<16xf32>
        %scan3A_754 = arith.constant 0 : i32
        %scan3A_755 = arith.constant 20 : i32
        %scan3A_756 = arith.addi %scan3A_754, %scan3A_755 : i32
        %scan3A_757 = arith.constant 1 : i32
        %scan3A_758:4 = scf.for %scan3A_945 = %scan3A_754 to %scan3A_756 step %scan3A_757 iter_args(%scan3A_946 = %broadcast_in_dim3A_747, %scan3A_947 = %broadcast_in_dim3A_749, %scan3A_948 = %broadcast_in_dim3A_751, %scan3A_949 = %broadcast_in_dim3A_753) -> (vector<16xf32>, vector<16xf32>, vector<16xf32>, vector<16xf32>)  : i32 {
          %mul3A_950 = arith.constant 4 : i32
          %mul3A_951 = arith.muli %scan3A_945, %mul3A_950 : i32
          %add3A_952 = arith.constant 0 : i32
          %add3A_953 = arith.addi %mul3A_951, %add3A_952 : i32
          %get3A_954 = arith.index_cast %add3A_953 : i32 to index
          %get3A_955 = arith.constant 0 : index
          %get3A_956 = tpu.vector_load %arg9[%get3A_954, %get3A_955] {strides = array<i32>} : memref<80x32xi32, #tpu.memory_space<vmem>>, vector<1x16xi32>,
          %get3A_957 = vector.shape_cast %get3A_956 : vector<1x16xi32> to vector<16xi32>
          %shift_left3A = arith.constant 16 : i32
          %shift_left3A_958 = vector.broadcast %shift_left3A : i32 to vector<16xi32>
          %shift_left3A_959 = arith.shli %get3A_957, %shift_left3A_958 : vector<16xi32>
          %bitcast_convert_type3A_960 = tpu.bitcast %shift_left3A_959 : vector<16xi32> -> vector<16xf32>
          %and3A_961 = arith.constant -65536 : i32
          %and3A_962 = vector.broadcast %and3A_961 : i32 to vector<16xi32>
          %and3A_963 = arith.andi %get3A_957, %and3A_962 : vector<16xi32>
          %bitcast_convert_type3A_964 = tpu.bitcast %and3A_963 : vector<16xi32> -> vector<16xf32>
          %add3A_965 = arith.addf %scan3A_946, %bitcast_convert_type3A_960 : vector<16xf32>
          %add3A_966 = arith.addf %scan3A_947, %bitcast_convert_type3A_964 : vector<16xf32>
          %get3A_967 = arith.index_cast %add3A_953 : i32 to index
          %get3A_968 = arith.constant 16 : index
          %get3A_969 = tpu.vector_load %arg9[%get3A_967, %get3A_968] {strides = array<i32>} : memref<80x32xi32, #tpu.memory_space<vmem>>, vector<1x16xi32>,
          %get3A_970 = vector.shape_cast %get3A_969 : vector<1x16xi32> to vector<16xi32>
          %shift_left3A_971 = arith.constant 16 : i32
          %shift_left3A_972 = vector.broadcast %shift_left3A_971 : i32 to vector<16xi32>
          %shift_left3A_973 = arith.shli %get3A_970, %shift_left3A_972 : vector<16xi32>
          %bitcast_convert_type3A_974 = tpu.bitcast %shift_left3A_973 : vector<16xi32> -> vector<16xf32>
          %and3A_975 = arith.constant -65536 : i32
          %and3A_976 = vector.broadcast %and3A_975 : i32 to vector<16xi32>
          %and3A_977 = arith.andi %get3A_970, %and3A_976 : vector<16xi32>
          %bitcast_convert_type3A_978 = tpu.bitcast %and3A_977 : vector<16xi32> -> vector<16xf32>
          %add3A_979 = arith.addf %scan3A_948, %bitcast_convert_type3A_974 : vector<16xf32>
          %add3A_980 = arith.addf %scan3A_949, %bitcast_convert_type3A_978 : vector<16xf32>
          %mul3A_981 = arith.constant 4 : i32
          %mul3A_982 = arith.muli %scan3A_945, %mul3A_981 : i32
          %add3A_983 = arith.constant 1 : i32
          %add3A_984 = arith.addi %mul3A_982, %add3A_983 : i32
          %get3A_985 = arith.index_cast %add3A_984 : i32 to index
          %get3A_986 = arith.constant 0 : index
          %get3A_987 = tpu.vector_load %arg9[%get3A_985, %get3A_986] {strides = array<i32>} : memref<80x32xi32, #tpu.memory_space<vmem>>, vector<1x16xi32>,
          %get3A_988 = vector.shape_cast %get3A_987 : vector<1x16xi32> to vector<16xi32>
          %shift_left3A_989 = arith.constant 16 : i32
          %shift_left3A_990 = vector.broadcast %shift_left3A_989 : i32 to vector<16xi32>
          %shift_left3A_991 = arith.shli %get3A_988, %shift_left3A_990 : vector<16xi32>
          %bitcast_convert_type3A_992 = tpu.bitcast %shift_left3A_991 : vector<16xi32> -> vector<16xf32>
          %and3A_993 = arith.constant -65536 : i32
          %and3A_994 = vector.broadcast %and3A_993 : i32 to vector<16xi32>
          %and3A_995 = arith.andi %get3A_988, %and3A_994 : vector<16xi32>
          %bitcast_convert_type3A_996 = tpu.bitcast %and3A_995 : vector<16xi32> -> vector<16xf32>
          %add3A_997 = arith.addf %add3A_965, %bitcast_convert_type3A_992 : vector<16xf32>
          %add3A_998 = arith.addf %add3A_966, %bitcast_convert_type3A_996 : vector<16xf32>
          %get3A_999 = arith.index_cast %add3A_984 : i32 to index
          %get3A_1000 = arith.constant 16 : index
          %get3A_1001 = tpu.vector_load %arg9[%get3A_999, %get3A_1000] {strides = array<i32>} : memref<80x32xi32, #tpu.memory_space<vmem>>, vector<1x16xi32>,
          %get3A_1002 = vector.shape_cast %get3A_1001 : vector<1x16xi32> to vector<16xi32>
          %shift_left3A_1003 = arith.constant 16 : i32
          %shift_left3A_1004 = vector.broadcast %shift_left3A_1003 : i32 to vector<16xi32>
          %shift_left3A_1005 = arith.shli %get3A_1002, %shift_left3A_1004 : vector<16xi32>
          %bitcast_convert_type3A_1006 = tpu.bitcast %shift_left3A_1005 : vector<16xi32> -> vector<16xf32>
          %and3A_1007 = arith.constant -65536 : i32
          %and3A_1008 = vector.broadcast %and3A_1007 : i32 to vector<16xi32>
          %and3A_1009 = arith.andi %get3A_1002, %and3A_1008 : vector<16xi32>
          %bitcast_convert_type3A_1010 = tpu.bitcast %and3A_1009 : vector<16xi32> -> vector<16xf32>
          %add3A_1011 = arith.addf %add3A_979, %bitcast_convert_type3A_1006 : vector<16xf32>
          %add3A_1012 = arith.addf %add3A_980, %bitcast_convert_type3A_1010 : vector<16xf32>
          %mul3A_1013 = arith.constant 4 : i32
          %mul3A_1014 = arith.muli %scan3A_945, %mul3A_1013 : i32
          %add3A_1015 = arith.constant 2 : i32
          %add3A_1016 = arith.addi %mul3A_1014, %add3A_1015 : i32
          %get3A_1017 = arith.index_cast %add3A_1016 : i32 to index
          %get3A_1018 = arith.constant 0 : index
          %get3A_1019 = tpu.vector_load %arg9[%get3A_1017, %get3A_1018] {strides = array<i32>} : memref<80x32xi32, #tpu.memory_space<vmem>>, vector<1x16xi32>,
          %get3A_1020 = vector.shape_cast %get3A_1019 : vector<1x16xi32> to vector<16xi32>
          %shift_left3A_1021 = arith.constant 16 : i32
          %shift_left3A_1022 = vector.broadcast %shift_left3A_1021 : i32 to vector<16xi32>
          %shift_left3A_1023 = arith.shli %get3A_1020, %shift_left3A_1022 : vector<16xi32>
          %bitcast_convert_type3A_1024 = tpu.bitcast %shift_left3A_1023 : vector<16xi32> -> vector<16xf32>
          %and3A_1025 = arith.constant -65536 : i32
          %and3A_1026 = vector.broadcast %and3A_1025 : i32 to vector<16xi32>
          %and3A_1027 = arith.andi %get3A_1020, %and3A_1026 : vector<16xi32>
          %bitcast_convert_type3A_1028 = tpu.bitcast %and3A_1027 : vector<16xi32> -> vector<16xf32>
          %add3A_1029 = arith.addf %add3A_997, %bitcast_convert_type3A_1024 : vector<16xf32>
          %add3A_1030 = arith.addf %add3A_998, %bitcast_convert_type3A_1028 : vector<16xf32>
          %get3A_1031 = arith.index_cast %add3A_1016 : i32 to index
          %get3A_1032 = arith.constant 16 : index
          %get3A_1033 = tpu.vector_load %arg9[%get3A_1031, %get3A_1032] {strides = array<i32>} : memref<80x32xi32, #tpu.memory_space<vmem>>, vector<1x16xi32>,
          %get3A_1034 = vector.shape_cast %get3A_1033 : vector<1x16xi32> to vector<16xi32>
          %shift_left3A_1035 = arith.constant 16 : i32
          %shift_left3A_1036 = vector.broadcast %shift_left3A_1035 : i32 to vector<16xi32>
          %shift_left3A_1037 = arith.shli %get3A_1034, %shift_left3A_1036 : vector<16xi32>
          %bitcast_convert_type3A_1038 = tpu.bitcast %shift_left3A_1037 : vector<16xi32> -> vector<16xf32>
          %and3A_1039 = arith.constant -65536 : i32
          %and3A_1040 = vector.broadcast %and3A_1039 : i32 to vector<16xi32>
          %and3A_1041 = arith.andi %get3A_1034, %and3A_1040 : vector<16xi32>
          %bitcast_convert_type3A_1042 = tpu.bitcast %and3A_1041 : vector<16xi32> -> vector<16xf32>
          %add3A_1043 = arith.addf %add3A_1011, %bitcast_convert_type3A_1038 : vector<16xf32>
          %add3A_1044 = arith.addf %add3A_1012, %bitcast_convert_type3A_1042 : vector<16xf32>
          %mul3A_1045 = arith.constant 4 : i32
          %mul3A_1046 = arith.muli %scan3A_945, %mul3A_1045 : i32
          %add3A_1047 = arith.constant 3 : i32
          %add3A_1048 = arith.addi %mul3A_1046, %add3A_1047 : i32
          %get3A_1049 = arith.index_cast %add3A_1048 : i32 to index
          %get3A_1050 = arith.constant 0 : index
          %get3A_1051 = tpu.vector_load %arg9[%get3A_1049, %get3A_1050] {strides = array<i32>} : memref<80x32xi32, #tpu.memory_space<vmem>>, vector<1x16xi32>,
          %get3A_1052 = vector.shape_cast %get3A_1051 : vector<1x16xi32> to vector<16xi32>
          %shift_left3A_1053 = arith.constant 16 : i32
          %shift_left3A_1054 = vector.broadcast %shift_left3A_1053 : i32 to vector<16xi32>
          %shift_left3A_1055 = arith.shli %get3A_1052, %shift_left3A_1054 : vector<16xi32>
          %bitcast_convert_type3A_1056 = tpu.bitcast %shift_left3A_1055 : vector<16xi32> -> vector<16xf32>
          %and3A_1057 = arith.constant -65536 : i32
          %and3A_1058 = vector.broadcast %and3A_1057 : i32 to vector<16xi32>
          %and3A_1059 = arith.andi %get3A_1052, %and3A_1058 : vector<16xi32>
          %bitcast_convert_type3A_1060 = tpu.bitcast %and3A_1059 : vector<16xi32> -> vector<16xf32>
          %add3A_1061 = arith.addf %add3A_1029, %bitcast_convert_type3A_1056 : vector<16xf32>
          %add3A_1062 = arith.addf %add3A_1030, %bitcast_convert_type3A_1060 : vector<16xf32>
          %get3A_1063 = arith.index_cast %add3A_1048 : i32 to index
          %get3A_1064 = arith.constant 16 : index
          %get3A_1065 = tpu.vector_load %arg9[%get3A_1063, %get3A_1064] {strides = array<i32>} : memref<80x32xi32, #tpu.memory_space<vmem>>, vector<1x16xi32>,
          %get3A_1066 = vector.shape_cast %get3A_1065 : vector<1x16xi32> to vector<16xi32>
          %shift_left3A_1067 = arith.constant 16 : i32
          %shift_left3A_1068 = vector.broadcast %shift_left3A_1067 : i32 to vector<16xi32>
          %shift_left3A_1069 = arith.shli %get3A_1066, %shift_left3A_1068 : vector<16xi32>
          %bitcast_convert_type3A_1070 = tpu.bitcast %shift_left3A_1069 : vector<16xi32> -> vector<16xf32>
          %and3A_1071 = arith.constant -65536 : i32
          %and3A_1072 = vector.broadcast %and3A_1071 : i32 to vector<16xi32>
          %and3A_1073 = arith.andi %get3A_1066, %and3A_1072 : vector<16xi32>
          %bitcast_convert_type3A_1074 = tpu.bitcast %and3A_1073 : vector<16xi32> -> vector<16xf32>
          %add3A_1075 = arith.addf %add3A_1043, %bitcast_convert_type3A_1070 : vector<16xf32>
          %add3A_1076 = arith.addf %add3A_1044, %bitcast_convert_type3A_1074 : vector<16xf32>
          scf.yield %add3A_1061, %add3A_1062, %add3A_1075, %add3A_1076 : vector<16xf32>, vector<16xf32>, vector<16xf32>, vector<16xf32>
        }
        %scan3A_759 = arith.constant 20 : i32
        %scan3A_760 = arith.constant 0 : i32
        %scan3A_761 = arith.constant 30 : i32
        %scan3A_762 = arith.addi %scan3A_760, %scan3A_761 : i32
        %scan3A_763 = arith.constant 1 : i32
        %scan3A_764:4 = scf.for %scan3A_945 = %scan3A_760 to %scan3A_762 step %scan3A_763 iter_args(%scan3A_946 = %scan3A_758#0, %scan3A_947 = %scan3A_758#1, %scan3A_948 = %scan3A_758#2, %scan3A_949 = %scan3A_758#3) -> (vector<16xf32>, vector<16xf32>, vector<16xf32>, vector<16xf32>)  : i32 {
          %mul3A_950 = arith.constant 4 : i32
          %mul3A_951 = arith.muli %scan3A_945, %mul3A_950 : i32
          %add3A_952 = arith.constant 0 : i32
          %add3A_953 = arith.addi %mul3A_951, %add3A_952 : i32
          %get3A_954 = arith.constant 1 : i32
          %get3A_955 = arith.index_cast %get3A_954 : i32 to index
          %get3A_956 = arith.index_cast %add3A_953 : i32 to index
          %get3A_957 = arith.constant 0 : index
          %get3A_958 = tpu.vector_load %arg10[%get3A_955, %get3A_956, %get3A_957] {strides = array<i32>} : memref<2x120x32xi32, #tpu.memory_space<vmem>>, vector<1x1x16xi32>,
          %get3A_959 = vector.shape_cast %get3A_958 : vector<1x1x16xi32> to vector<16xi32>
          %shift_left3A = arith.constant 16 : i32
          %shift_left3A_960 = vector.broadcast %shift_left3A : i32 to vector<16xi32>
          %shift_left3A_961 = arith.shli %get3A_959, %shift_left3A_960 : vector<16xi32>
          %bitcast_convert_type3A_962 = tpu.bitcast %shift_left3A_961 : vector<16xi32> -> vector<16xf32>
          %and3A_963 = arith.constant -65536 : i32
          %and3A_964 = vector.broadcast %and3A_963 : i32 to vector<16xi32>
          %and3A_965 = arith.andi %get3A_959, %and3A_964 : vector<16xi32>
          %bitcast_convert_type3A_966 = tpu.bitcast %and3A_965 : vector<16xi32> -> vector<16xf32>
          %add3A_967 = arith.addf %scan3A_946, %bitcast_convert_type3A_962 : vector<16xf32>
          %add3A_968 = arith.addf %scan3A_947, %bitcast_convert_type3A_966 : vector<16xf32>
          %get3A_969 = arith.constant 1 : i32
          %get3A_970 = arith.index_cast %get3A_969 : i32 to index
          %get3A_971 = arith.index_cast %add3A_953 : i32 to index
          %get3A_972 = arith.constant 16 : index
          %get3A_973 = tpu.vector_load %arg10[%get3A_970, %get3A_971, %get3A_972] {strides = array<i32>} : memref<2x120x32xi32, #tpu.memory_space<vmem>>, vector<1x1x16xi32>,
          %get3A_974 = vector.shape_cast %get3A_973 : vector<1x1x16xi32> to vector<16xi32>
          %shift_left3A_975 = arith.constant 16 : i32
          %shift_left3A_976 = vector.broadcast %shift_left3A_975 : i32 to vector<16xi32>
          %shift_left3A_977 = arith.shli %get3A_974, %shift_left3A_976 : vector<16xi32>
          %bitcast_convert_type3A_978 = tpu.bitcast %shift_left3A_977 : vector<16xi32> -> vector<16xf32>
          %and3A_979 = arith.constant -65536 : i32
          %and3A_980 = vector.broadcast %and3A_979 : i32 to vector<16xi32>
          %and3A_981 = arith.andi %get3A_974, %and3A_980 : vector<16xi32>
          %bitcast_convert_type3A_982 = tpu.bitcast %and3A_981 : vector<16xi32> -> vector<16xf32>
          %add3A_983 = arith.addf %scan3A_948, %bitcast_convert_type3A_978 : vector<16xf32>
          %add3A_984 = arith.addf %scan3A_949, %bitcast_convert_type3A_982 : vector<16xf32>
          %mul3A_985 = arith.constant 4 : i32
          %mul3A_986 = arith.muli %scan3A_945, %mul3A_985 : i32
          %add3A_987 = arith.constant 1 : i32
          %add3A_988 = arith.addi %mul3A_986, %add3A_987 : i32
          %get3A_989 = arith.constant 1 : i32
          %get3A_990 = arith.index_cast %get3A_989 : i32 to index
          %get3A_991 = arith.index_cast %add3A_988 : i32 to index
          %get3A_992 = arith.constant 0 : index
          %get3A_993 = tpu.vector_load %arg10[%get3A_990, %get3A_991, %get3A_992] {strides = array<i32>} : memref<2x120x32xi32, #tpu.memory_space<vmem>>, vector<1x1x16xi32>,
          %get3A_994 = vector.shape_cast %get3A_993 : vector<1x1x16xi32> to vector<16xi32>
          %shift_left3A_995 = arith.constant 16 : i32
          %shift_left3A_996 = vector.broadcast %shift_left3A_995 : i32 to vector<16xi32>
          %shift_left3A_997 = arith.shli %get3A_994, %shift_left3A_996 : vector<16xi32>
          %bitcast_convert_type3A_998 = tpu.bitcast %shift_left3A_997 : vector<16xi32> -> vector<16xf32>
          %and3A_999 = arith.constant -65536 : i32
          %and3A_1000 = vector.broadcast %and3A_999 : i32 to vector<16xi32>
          %and3A_1001 = arith.andi %get3A_994, %and3A_1000 : vector<16xi32>
          %bitcast_convert_type3A_1002 = tpu.bitcast %and3A_1001 : vector<16xi32> -> vector<16xf32>
          %add3A_1003 = arith.addf %add3A_967, %bitcast_convert_type3A_998 : vector<16xf32>
          %add3A_1004 = arith.addf %add3A_968, %bitcast_convert_type3A_1002 : vector<16xf32>
          %get3A_1005 = arith.constant 1 : i32
          %get3A_1006 = arith.index_cast %get3A_1005 : i32 to index
          %get3A_1007 = arith.index_cast %add3A_988 : i32 to index
          %get3A_1008 = arith.constant 16 : index
          %get3A_1009 = tpu.vector_load %arg10[%get3A_1006, %get3A_1007, %get3A_1008] {strides = array<i32>} : memref<2x120x32xi32, #tpu.memory_space<vmem>>, vector<1x1x16xi32>,
          %get3A_1010 = vector.shape_cast %get3A_1009 : vector<1x1x16xi32> to vector<16xi32>
          %shift_left3A_1011 = arith.constant 16 : i32
          %shift_left3A_1012 = vector.broadcast %shift_left3A_1011 : i32 to vector<16xi32>
          %shift_left3A_1013 = arith.shli %get3A_1010, %shift_left3A_1012 : vector<16xi32>
          %bitcast_convert_type3A_1014 = tpu.bitcast %shift_left3A_1013 : vector<16xi32> -> vector<16xf32>
          %and3A_1015 = arith.constant -65536 : i32
          %and3A_1016 = vector.broadcast %and3A_1015 : i32 to vector<16xi32>
          %and3A_1017 = arith.andi %get3A_1010, %and3A_1016 : vector<16xi32>
          %bitcast_convert_type3A_1018 = tpu.bitcast %and3A_1017 : vector<16xi32> -> vector<16xf32>
          %add3A_1019 = arith.addf %add3A_983, %bitcast_convert_type3A_1014 : vector<16xf32>
          %add3A_1020 = arith.addf %add3A_984, %bitcast_convert_type3A_1018 : vector<16xf32>
          %mul3A_1021 = arith.constant 4 : i32
          %mul3A_1022 = arith.muli %scan3A_945, %mul3A_1021 : i32
          %add3A_1023 = arith.constant 2 : i32
          %add3A_1024 = arith.addi %mul3A_1022, %add3A_1023 : i32
          %get3A_1025 = arith.constant 1 : i32
          %get3A_1026 = arith.index_cast %get3A_1025 : i32 to index
          %get3A_1027 = arith.index_cast %add3A_1024 : i32 to index
          %get3A_1028 = arith.constant 0 : index
          %get3A_1029 = tpu.vector_load %arg10[%get3A_1026, %get3A_1027, %get3A_1028] {strides = array<i32>} : memref<2x120x32xi32, #tpu.memory_space<vmem>>, vector<1x1x16xi32>,
          %get3A_1030 = vector.shape_cast %get3A_1029 : vector<1x1x16xi32> to vector<16xi32>
          %shift_left3A_1031 = arith.constant 16 : i32
          %shift_left3A_1032 = vector.broadcast %shift_left3A_1031 : i32 to vector<16xi32>
          %shift_left3A_1033 = arith.shli %get3A_1030, %shift_left3A_1032 : vector<16xi32>
          %bitcast_convert_type3A_1034 = tpu.bitcast %shift_left3A_1033 : vector<16xi32> -> vector<16xf32>
          %and3A_1035 = arith.constant -65536 : i32
          %and3A_1036 = vector.broadcast %and3A_1035 : i32 to vector<16xi32>
          %and3A_1037 = arith.andi %get3A_1030, %and3A_1036 : vector<16xi32>
          %bitcast_convert_type3A_1038 = tpu.bitcast %and3A_1037 : vector<16xi32> -> vector<16xf32>
          %add3A_1039 = arith.addf %add3A_1003, %bitcast_convert_type3A_1034 : vector<16xf32>
          %add3A_1040 = arith.addf %add3A_1004, %bitcast_convert_type3A_1038 : vector<16xf32>
          %get3A_1041 = arith.constant 1 : i32
          %get3A_1042 = arith.index_cast %get3A_1041 : i32 to index
          %get3A_1043 = arith.index_cast %add3A_1024 : i32 to index
          %get3A_1044 = arith.constant 16 : index
          %get3A_1045 = tpu.vector_load %arg10[%get3A_1042, %get3A_1043, %get3A_1044] {strides = array<i32>} : memref<2x120x32xi32, #tpu.memory_space<vmem>>, vector<1x1x16xi32>,
          %get3A_1046 = vector.shape_cast %get3A_1045 : vector<1x1x16xi32> to vector<16xi32>
          %shift_left3A_1047 = arith.constant 16 : i32
          %shift_left3A_1048 = vector.broadcast %shift_left3A_1047 : i32 to vector<16xi32>
          %shift_left3A_1049 = arith.shli %get3A_1046, %shift_left3A_1048 : vector<16xi32>
          %bitcast_convert_type3A_1050 = tpu.bitcast %shift_left3A_1049 : vector<16xi32> -> vector<16xf32>
          %and3A_1051 = arith.constant -65536 : i32
          %and3A_1052 = vector.broadcast %and3A_1051 : i32 to vector<16xi32>
          %and3A_1053 = arith.andi %get3A_1046, %and3A_1052 : vector<16xi32>
          %bitcast_convert_type3A_1054 = tpu.bitcast %and3A_1053 : vector<16xi32> -> vector<16xf32>
          %add3A_1055 = arith.addf %add3A_1019, %bitcast_convert_type3A_1050 : vector<16xf32>
          %add3A_1056 = arith.addf %add3A_1020, %bitcast_convert_type3A_1054 : vector<16xf32>
          %mul3A_1057 = arith.constant 4 : i32
          %mul3A_1058 = arith.muli %scan3A_945, %mul3A_1057 : i32
          %add3A_1059 = arith.constant 3 : i32
          %add3A_1060 = arith.addi %mul3A_1058, %add3A_1059 : i32
          %get3A_1061 = arith.constant 1 : i32
          %get3A_1062 = arith.index_cast %get3A_1061 : i32 to index
          %get3A_1063 = arith.index_cast %add3A_1060 : i32 to index
          %get3A_1064 = arith.constant 0 : index
          %get3A_1065 = tpu.vector_load %arg10[%get3A_1062, %get3A_1063, %get3A_1064] {strides = array<i32>} : memref<2x120x32xi32, #tpu.memory_space<vmem>>, vector<1x1x16xi32>,
          %get3A_1066 = vector.shape_cast %get3A_1065 : vector<1x1x16xi32> to vector<16xi32>
          %shift_left3A_1067 = arith.constant 16 : i32
          %shift_left3A_1068 = vector.broadcast %shift_left3A_1067 : i32 to vector<16xi32>
          %shift_left3A_1069 = arith.shli %get3A_1066, %shift_left3A_1068 : vector<16xi32>
          %bitcast_convert_type3A_1070 = tpu.bitcast %shift_left3A_1069 : vector<16xi32> -> vector<16xf32>
          %and3A_1071 = arith.constant -65536 : i32
          %and3A_1072 = vector.broadcast %and3A_1071 : i32 to vector<16xi32>
          %and3A_1073 = arith.andi %get3A_1066, %and3A_1072 : vector<16xi32>
          %bitcast_convert_type3A_1074 = tpu.bitcast %and3A_1073 : vector<16xi32> -> vector<16xf32>
          %add3A_1075 = arith.addf %add3A_1039, %bitcast_convert_type3A_1070 : vector<16xf32>
          %add3A_1076 = arith.addf %add3A_1040, %bitcast_convert_type3A_1074 : vector<16xf32>
          %get3A_1077 = arith.constant 1 : i32
          %get3A_1078 = arith.index_cast %get3A_1077 : i32 to index
          %get3A_1079 = arith.index_cast %add3A_1060 : i32 to index
          %get3A_1080 = arith.constant 16 : index
          %get3A_1081 = tpu.vector_load %arg10[%get3A_1078, %get3A_1079, %get3A_1080] {strides = array<i32>} : memref<2x120x32xi32, #tpu.memory_space<vmem>>, vector<1x1x16xi32>,
          %get3A_1082 = vector.shape_cast %get3A_1081 : vector<1x1x16xi32> to vector<16xi32>
          %shift_left3A_1083 = arith.constant 16 : i32
          %shift_left3A_1084 = vector.broadcast %shift_left3A_1083 : i32 to vector<16xi32>
          %shift_left3A_1085 = arith.shli %get3A_1082, %shift_left3A_1084 : vector<16xi32>
          %bitcast_convert_type3A_1086 = tpu.bitcast %shift_left3A_1085 : vector<16xi32> -> vector<16xf32>
          %and3A_1087 = arith.constant -65536 : i32
          %and3A_1088 = vector.broadcast %and3A_1087 : i32 to vector<16xi32>
          %and3A_1089 = arith.andi %get3A_1082, %and3A_1088 : vector<16xi32>
          %bitcast_convert_type3A_1090 = tpu.bitcast %and3A_1089 : vector<16xi32> -> vector<16xf32>
          %add3A_1091 = arith.addf %add3A_1055, %bitcast_convert_type3A_1086 : vector<16xf32>
          %add3A_1092 = arith.addf %add3A_1056, %bitcast_convert_type3A_1090 : vector<16xf32>
          scf.yield %add3A_1075, %add3A_1076, %add3A_1091, %add3A_1092 : vector<16xf32>, vector<16xf32>, vector<16xf32>, vector<16xf32>
        }
        %scan3A_765 = arith.constant 30 : i32
        %bitcast_convert_type3A_766 = tpu.bitcast %scan3A_764#0 : vector<16xf32> -> vector<16xi32>
        %bitcast_convert_type3A_767 = tpu.bitcast %scan3A_764#1 : vector<16xf32> -> vector<16xi32>
        %add3A_768 = arith.constant 32768 : i32
        %add3A_769 = vector.broadcast %add3A_768 : i32 to vector<16xi32>
        %add3A_770 = arith.addi %bitcast_convert_type3A_766, %add3A_769 : vector<16xi32>
        %shift_right_logical3A_771 = arith.constant 16 : i32
        %shift_right_logical3A_772 = vector.broadcast %shift_right_logical3A_771 : i32 to vector<16xi32>
        %shift_right_logical3A_773 = arith.shrui %add3A_770, %shift_right_logical3A_772 : vector<16xi32>
        %add3A_774 = arith.constant 32768 : i32
        %add3A_775 = vector.broadcast %add3A_774 : i32 to vector<16xi32>
        %add3A_776 = arith.addi %bitcast_convert_type3A_767, %add3A_775 : vector<16xi32>
        %and3A_777 = arith.constant -65536 : i32
        %and3A_778 = vector.broadcast %and3A_777 : i32 to vector<16xi32>
        %and3A_779 = arith.andi %add3A_776, %and3A_778 : vector<16xi32>
        %or3A_780 = arith.ori %shift_right_logical3A_773, %and3A_779 : vector<16xi32>
        %swap3A_781 = arith.index_cast %add3A_745 : i32 to index
        %swap3A_782 = arith.constant 0 : index
        %swap3A_783 = tpu.vector_load %arg11[%swap3A_781, %swap3A_782] {strides = array<i32>} : memref<256x32xi32, #tpu.memory_space<vmem>>, vector<1x16xi32>,
        %swap3A_784 = vector.shape_cast %swap3A_783 : vector<1x16xi32> to vector<16xi32>
        %swap3A_785 = vector.shape_cast %or3A_780 : vector<16xi32> to vector<1x16xi32>
        tpu.vector_store %arg11[%swap3A_781, %swap3A_782], %swap3A_785 {strides = array<i32>} : memref<256x32xi32, #tpu.memory_space<vmem>>, vector<1x16xi32>,
        %bitcast_convert_type3A_786 = tpu.bitcast %scan3A_764#2 : vector<16xf32> -> vector<16xi32>
        %bitcast_convert_type3A_787 = tpu.bitcast %scan3A_764#3 : vector<16xf32> -> vector<16xi32>
        %add3A_788 = arith.constant 32768 : i32
        %add3A_789 = vector.broadcast %add3A_788 : i32 to vector<16xi32>
        %add3A_790 = arith.addi %bitcast_convert_type3A_786, %add3A_789 : vector<16xi32>
        %shift_right_logical3A_791 = arith.constant 16 : i32
        %shift_right_logical3A_792 = vector.broadcast %shift_right_logical3A_791 : i32 to vector<16xi32>
        %shift_right_logical3A_793 = arith.shrui %add3A_790, %shift_right_logical3A_792 : vector<16xi32>
        %add3A_794 = arith.constant 32768 : i32
        %add3A_795 = vector.broadcast %add3A_794 : i32 to vector<16xi32>
        %add3A_796 = arith.addi %bitcast_convert_type3A_787, %add3A_795 : vector<16xi32>
        %and3A_797 = arith.constant -65536 : i32
        %and3A_798 = vector.broadcast %and3A_797 : i32 to vector<16xi32>
        %and3A_799 = arith.andi %add3A_796, %and3A_798 : vector<16xi32>
        %or3A_800 = arith.ori %shift_right_logical3A_793, %and3A_799 : vector<16xi32>
        %swap3A_801 = arith.index_cast %add3A_745 : i32 to index
        %swap3A_802 = arith.constant 16 : index
        %swap3A_803 = tpu.vector_load %arg11[%swap3A_801, %swap3A_802] {strides = array<i32>} : memref<256x32xi32, #tpu.memory_space<vmem>>, vector<1x16xi32>,
        %swap3A_804 = vector.shape_cast %swap3A_803 : vector<1x16xi32> to vector<16xi32>
        %swap3A_805 = vector.shape_cast %or3A_800 : vector<16xi32> to vector<1x16xi32>
        tpu.vector_store %arg11[%swap3A_801, %swap3A_802], %swap3A_805 {strides = array<i32>} : memref<256x32xi32, #tpu.memory_space<vmem>>, vector<1x16xi32>,
        %add3A_806 = arith.constant 3 : i32
        %add3A_807 = arith.addi %mul3A_500, %add3A_806 : i32
        %get3A_808 = arith.index_cast %add3A_807 : i32 to index
        %get3A_809 = arith.constant 0 : index
        %get3A_810 = tpu.vector_load %arg5[%get3A_808, %get3A_809] {strides = array<i32>} : memref<32x208xi32, #tpu.memory_space<vmem>>, vector<1x16xi32>,
        %get3A_811 = vector.shape_cast %get3A_810 : vector<1x16xi32> to vector<16xi32>
        %ge3A_812 = vector.broadcast %scan3A_24 : i32 to vector<16xi32>
        %ge3A_813 = arith.cmpi sge, %get3A_811, %ge3A_812 : vector<16xi32>
        %add3A_814 = arith.constant 50000 : i32
        %add3A_815 = arith.addi %scan3A_24, %add3A_814 : i32
        %lt3A_816 = vector.broadcast %add3A_815 : i32 to vector<16xi32>
        %lt3A_817 = arith.cmpi slt, %get3A_811, %lt3A_816 : vector<16xi32>
        %and3A_818 = arith.andi %ge3A_813, %lt3A_817 : vector<16xi1>
        %sub3A_819 = arith.constant 1 : i32
        %sub3A_820 = arith.subi %scan3A_24, %sub3A_819 : i32
        %sub3A_821 = vector.broadcast %sub3A_820 : i32 to vector<16xi32>
        %sub3A_822 = arith.subi %get3A_811, %sub3A_821 : vector<16xi32>
        %jit3A_823 = arith.constant 0 : i32
        %broadcast_in_dim3A_824 = vector.broadcast %jit3A_823 : i32 to vector<16xi32>
        %select_n3A_825 = arith.select %and3A_818, %sub3A_822, %broadcast_in_dim3A_824 : vector<16xi1>, vector<16xi32>
        %swap3A_826 = arith.constant 0 : index
        %swap3A_827 = tpu.vector_load %arg7[%swap3A_826] {strides = array<i32>} : memref<80xi32, #tpu.memory_space<vmem>>, vector<16xi32>,
        %swap3A_828 = vector.shape_cast %swap3A_827 : vector<16xi32> to vector<16xi32>
        %swap3A_829 = vector.shape_cast %select_n3A_825 : vector<16xi32> to vector<16xi32>
        tpu.vector_store %arg7[%swap3A_826], %swap3A_829 {strides = array<i32>} : memref<80xi32, #tpu.memory_space<vmem>>, vector<16xi32>,
        %get3A_830 = arith.index_cast %add3A_807 : i32 to index
        %get3A_831 = arith.constant 16 : index
        %get3A_832 = tpu.vector_load %arg5[%get3A_830, %get3A_831] {strides = array<i32>} : memref<32x208xi32, #tpu.memory_space<vmem>>, vector<1x16xi32>,
        %get3A_833 = vector.shape_cast %get3A_832 : vector<1x16xi32> to vector<16xi32>
        %ge3A_834 = vector.broadcast %scan3A_24 : i32 to vector<16xi32>
        %ge3A_835 = arith.cmpi sge, %get3A_833, %ge3A_834 : vector<16xi32>
        %add3A_836 = arith.constant 50000 : i32
        %add3A_837 = arith.addi %scan3A_24, %add3A_836 : i32
        %lt3A_838 = vector.broadcast %add3A_837 : i32 to vector<16xi32>
        %lt3A_839 = arith.cmpi slt, %get3A_833, %lt3A_838 : vector<16xi32>
        %and3A_840 = arith.andi %ge3A_835, %lt3A_839 : vector<16xi1>
        %sub3A_841 = arith.constant 1 : i32
        %sub3A_842 = arith.subi %scan3A_24, %sub3A_841 : i32
        %sub3A_843 = vector.broadcast %sub3A_842 : i32 to vector<16xi32>
        %sub3A_844 = arith.subi %get3A_833, %sub3A_843 : vector<16xi32>
        %jit3A_845 = arith.constant 0 : i32
        %broadcast_in_dim3A_846 = vector.broadcast %jit3A_845 : i32 to vector<16xi32>
        %select_n3A_847 = arith.select %and3A_840, %sub3A_844, %broadcast_in_dim3A_846 : vector<16xi1>, vector<16xi32>
        %swap3A_848 = arith.constant 16 : index
        %swap3A_849 = tpu.vector_load %arg7[%swap3A_848] {strides = array<i32>} : memref<80xi32, #tpu.memory_space<vmem>>, vector<16xi32>,
        %swap3A_850 = vector.shape_cast %swap3A_849 : vector<16xi32> to vector<16xi32>
        %swap3A_851 = vector.shape_cast %select_n3A_847 : vector<16xi32> to vector<16xi32>
        tpu.vector_store %arg7[%swap3A_848], %swap3A_851 {strides = array<i32>} : memref<80xi32, #tpu.memory_space<vmem>>, vector<16xi32>,
        %get3A_852 = arith.index_cast %add3A_807 : i32 to index
        %get3A_853 = arith.constant 32 : index
        %get3A_854 = tpu.vector_load %arg5[%get3A_852, %get3A_853] {strides = array<i32>} : memref<32x208xi32, #tpu.memory_space<vmem>>, vector<1x16xi32>,
        %get3A_855 = vector.shape_cast %get3A_854 : vector<1x16xi32> to vector<16xi32>
        %ge3A_856 = vector.broadcast %scan3A_24 : i32 to vector<16xi32>
        %ge3A_857 = arith.cmpi sge, %get3A_855, %ge3A_856 : vector<16xi32>
        %add3A_858 = arith.constant 50000 : i32
        %add3A_859 = arith.addi %scan3A_24, %add3A_858 : i32
        %lt3A_860 = vector.broadcast %add3A_859 : i32 to vector<16xi32>
        %lt3A_861 = arith.cmpi slt, %get3A_855, %lt3A_860 : vector<16xi32>
        %and3A_862 = arith.andi %ge3A_857, %lt3A_861 : vector<16xi1>
        %sub3A_863 = arith.constant 1 : i32
        %sub3A_864 = arith.subi %scan3A_24, %sub3A_863 : i32
        %sub3A_865 = vector.broadcast %sub3A_864 : i32 to vector<16xi32>
        %sub3A_866 = arith.subi %get3A_855, %sub3A_865 : vector<16xi32>
        %jit3A_867 = arith.constant 0 : i32
        %broadcast_in_dim3A_868 = vector.broadcast %jit3A_867 : i32 to vector<16xi32>
        %select_n3A_869 = arith.select %and3A_862, %sub3A_866, %broadcast_in_dim3A_868 : vector<16xi1>, vector<16xi32>
        %swap3A_870 = arith.constant 32 : index
        %swap3A_871 = tpu.vector_load %arg7[%swap3A_870] {strides = array<i32>} : memref<80xi32, #tpu.memory_space<vmem>>, vector<16xi32>,
        %swap3A_872 = vector.shape_cast %swap3A_871 : vector<16xi32> to vector<16xi32>
        %swap3A_873 = vector.shape_cast %select_n3A_869 : vector<16xi32> to vector<16xi32>
        tpu.vector_store %arg7[%swap3A_870], %swap3A_873 {strides = array<i32>} : memref<80xi32, #tpu.memory_space<vmem>>, vector<16xi32>,
        %get3A_874 = arith.index_cast %add3A_807 : i32 to index
        %get3A_875 = arith.constant 48 : index
        %get3A_876 = tpu.vector_load %arg5[%get3A_874, %get3A_875] {strides = array<i32>} : memref<32x208xi32, #tpu.memory_space<vmem>>, vector<1x16xi32>,
        %get3A_877 = vector.shape_cast %get3A_876 : vector<1x16xi32> to vector<16xi32>
        %ge3A_878 = vector.broadcast %scan3A_24 : i32 to vector<16xi32>
        %ge3A_879 = arith.cmpi sge, %get3A_877, %ge3A_878 : vector<16xi32>
        %add3A_880 = arith.constant 50000 : i32
        %add3A_881 = arith.addi %scan3A_24, %add3A_880 : i32
        %lt3A_882 = vector.broadcast %add3A_881 : i32 to vector<16xi32>
        %lt3A_883 = arith.cmpi slt, %get3A_877, %lt3A_882 : vector<16xi32>
        %and3A_884 = arith.andi %ge3A_879, %lt3A_883 : vector<16xi1>
        %sub3A_885 = arith.constant 1 : i32
        %sub3A_886 = arith.subi %scan3A_24, %sub3A_885 : i32
        %sub3A_887 = vector.broadcast %sub3A_886 : i32 to vector<16xi32>
        %sub3A_888 = arith.subi %get3A_877, %sub3A_887 : vector<16xi32>
        %jit3A_889 = arith.constant 0 : i32
        %broadcast_in_dim3A_890 = vector.broadcast %jit3A_889 : i32 to vector<16xi32>
        %select_n3A_891 = arith.select %and3A_884, %sub3A_888, %broadcast_in_dim3A_890 : vector<16xi1>, vector<16xi32>
        %swap3A_892 = arith.constant 48 : index
        %swap3A_893 = tpu.vector_load %arg7[%swap3A_892] {strides = array<i32>} : memref<80xi32, #tpu.memory_space<vmem>>, vector<16xi32>,
        %swap3A_894 = vector.shape_cast %swap3A_893 : vector<16xi32> to vector<16xi32>
        %swap3A_895 = vector.shape_cast %select_n3A_891 : vector<16xi32> to vector<16xi32>
        tpu.vector_store %arg7[%swap3A_892], %swap3A_895 {strides = array<i32>} : memref<80xi32, #tpu.memory_space<vmem>>, vector<16xi32>,
        %get3A_896 = arith.index_cast %add3A_807 : i32 to index
        %get3A_897 = arith.constant 64 : index
        %get3A_898 = tpu.vector_load %arg5[%get3A_896, %get3A_897] {strides = array<i32>} : memref<32x208xi32, #tpu.memory_space<vmem>>, vector<1x16xi32>,
        %get3A_899 = vector.shape_cast %get3A_898 : vector<1x16xi32> to vector<16xi32>
        %ge3A_900 = vector.broadcast %scan3A_24 : i32 to vector<16xi32>
        %ge3A_901 = arith.cmpi sge, %get3A_899, %ge3A_900 : vector<16xi32>
        %add3A_902 = arith.constant 50000 : i32
        %add3A_903 = arith.addi %scan3A_24, %add3A_902 : i32
        %lt3A_904 = vector.broadcast %add3A_903 : i32 to vector<16xi32>
        %lt3A_905 = arith.cmpi slt, %get3A_899, %lt3A_904 : vector<16xi32>
        %and3A_906 = arith.andi %ge3A_901, %lt3A_905 : vector<16xi1>
        %sub3A_907 = arith.constant 1 : i32
        %sub3A_908 = arith.subi %scan3A_24, %sub3A_907 : i32
        %sub3A_909 = vector.broadcast %sub3A_908 : i32 to vector<16xi32>
        %sub3A_910 = arith.subi %get3A_899, %sub3A_909 : vector<16xi32>
        %jit3A_911 = arith.constant 0 : i32
        %broadcast_in_dim3A_912 = vector.broadcast %jit3A_911 : i32 to vector<16xi32>
        %select_n3A_913 = arith.select %and3A_906, %sub3A_910, %broadcast_in_dim3A_912 : vector<16xi1>, vector<16xi32>
        %swap3A_914 = arith.constant 64 : index
        %swap3A_915 = tpu.vector_load %arg7[%swap3A_914] {strides = array<i32>} : memref<80xi32, #tpu.memory_space<vmem>>, vector<16xi32>,
        %swap3A_916 = vector.shape_cast %swap3A_915 : vector<16xi32> to vector<16xi32>
        %swap3A_917 = vector.shape_cast %select_n3A_913 : vector<16xi32> to vector<16xi32>
        tpu.vector_store %arg7[%swap3A_914], %swap3A_917 {strides = array<i32>} : memref<80xi32, #tpu.memory_space<vmem>>, vector<16xi32>,
        %dma_start3A_918 = arith.constant 0 : i32
        %dma_start3A_919 = arith.constant 0 : i32
        %dma_start3A_920 = tpu.memref_slice %arg9[%dma_start3A_918, %dma_start3A_919] : memref<80x32xi32, #tpu.memory_space<vmem>> -> memref<40x32xi32, #tpu.memory_space<vmem>>
        %dma_start3A_921 = arith.constant 0 : i32
        %dma_start3A_922 = tpu.memref_slice %arg7[%dma_start3A_921] : memref<80xi32, #tpu.memory_space<vmem>> -> memref<40xi32, #tpu.memory_space<vmem>>
        %dma_start3A_923 = arith.constant 0 : i32
        %dma_start3A_924 = arith.constant 0 : i32
        %dma_start3A_925 = tpu.memref_slice %arg13[%dma_start3A_923, %dma_start3A_924] : memref<50001x32xi32, #tpu.memory_space<vmem_shared>> -> memref<50001x32xi32, #tpu.memory_space<vmem_shared>>
        tpu.enqueue_indirect_dma source(%dma_start3A_925 : memref<50001x32xi32, #tpu.memory_space<vmem_shared>>) target(%dma_start3A_920 : memref<40x32xi32, #tpu.memory_space<vmem>>) offsets(%dma_start3A_922 : memref<40xi32, #tpu.memory_space<vmem>>) semaphore(%arg15 : memref<!tpu.dma_semaphore, #tpu.memory_space<semaphore_mem>>)
        %dma_start3A_926 = arith.constant 40 : i32
        %dma_start3A_927 = arith.constant 0 : i32
        %dma_start3A_928 = tpu.memref_slice %arg9[%dma_start3A_926, %dma_start3A_927] : memref<80x32xi32, #tpu.memory_space<vmem>> -> memref<40x32xi32, #tpu.memory_space<vmem>>
        %dma_start3A_929 = arith.constant 40 : i32
        %dma_start3A_930 = tpu.memref_slice %arg7[%dma_start3A_929] : memref<80xi32, #tpu.memory_space<vmem>> -> memref<40xi32, #tpu.memory_space<vmem>>
        %dma_start3A_931 = arith.constant 0 : i32
        %dma_start3A_932 = arith.constant 0 : i32
        %dma_start3A_933 = tpu.memref_slice %arg13[%dma_start3A_931, %dma_start3A_932] : memref<50001x32xi32, #tpu.memory_space<vmem_shared>> -> memref<50001x32xi32, #tpu.memory_space<vmem_shared>>
        tpu.enqueue_indirect_dma source(%dma_start3A_933 : memref<50001x32xi32, #tpu.memory_space<vmem_shared>>) target(%dma_start3A_928 : memref<40x32xi32, #tpu.memory_space<vmem>>) offsets(%dma_start3A_930 : memref<40xi32, #tpu.memory_space<vmem>>) semaphore(%arg15 : memref<!tpu.dma_semaphore, #tpu.memory_space<semaphore_mem>>)
        %dma_start3A_934 = arith.constant 1 : i32
        %dma_start3A_935 = arith.constant 0 : i32
        %dma_start3A_936 = arith.constant 0 : i32
        %dma_start3A_937 = tpu.memref_slice %arg10[%dma_start3A_934, %dma_start3A_935, %dma_start3A_936] : memref<2x120x32xi32, #tpu.memory_space<vmem>> -> memref<1x120x32xi32, #tpu.memory_space<vmem>>
        %dma_start3A_938 = tpu.memref_squeeze %dma_start3A_937 : memref<1x120x32xi32, #tpu.memory_space<vmem>> -> memref<120x32xi32, #tpu.memory_space<vmem>>
        %dma_start3A_939 = arith.constant 80 : i32
        %dma_start3A_940 = tpu.memref_slice %arg5[%add3A_807, %dma_start3A_939] : memref<32x208xi32, #tpu.memory_space<vmem>> -> memref<1x120xi32, #tpu.memory_space<vmem>>
        %dma_start3A_941 = tpu.memref_squeeze %dma_start3A_940 : memref<1x120xi32, #tpu.memory_space<vmem>> -> memref<120xi32, #tpu.memory_space<vmem>>
        %dma_start3A_942 = arith.constant 0 : i32
        %dma_start3A_943 = arith.constant 0 : i32
        %dma_start3A_944 = tpu.memref_slice %arg3[%dma_start3A_942, %dma_start3A_943] : memref<100000x32xi32, #tpu.memory_space<hbm>> -> memref<100000x32xi32, #tpu.memory_space<hbm>>
        tpu.enqueue_indirect_dma source(%dma_start3A_944 : memref<100000x32xi32, #tpu.memory_space<hbm>>) target(%dma_start3A_938 : memref<120x32xi32, #tpu.memory_space<vmem>>) offsets(%dma_start3A_941 : memref<120xi32, #tpu.memory_space<vmem>>) semaphore(%arg17 : memref<!tpu.dma_semaphore, #tpu.memory_space<semaphore_mem>>)
      }
      %scan3A_335 = arith.constant 15 : i32
      %dma_wait3A = arith.constant 0 : i32
      %dma_wait3A_336 = arith.constant 0 : i32
      %dma_wait3A_337 = tpu.memref_slice %arg13[%dma_wait3A, %dma_wait3A_336] : memref<50001x32xi32, #tpu.memory_space<vmem_shared>> -> memref<80x32xi32, #tpu.memory_space<vmem_shared>>
      %dma_wait3A_338 = arith.constant 0 : i32
      %dma_wait3A_339 = arith.constant 0 : i32
      %dma_wait3A_340 = tpu.memref_slice %arg13[%dma_wait3A_338, %dma_wait3A_339] : memref<50001x32xi32, #tpu.memory_space<vmem_shared>> -> memref<80x32xi32, #tpu.memory_space<vmem_shared>>
      tpu.wait_dma2 semaphore(%arg14 : memref<!tpu.dma_semaphore, #tpu.memory_space<semaphore_mem>>) src(%dma_wait3A_340 : memref<80x32xi32, #tpu.memory_space<vmem_shared>>) dst(%arg8 : memref<80x32xi32, #tpu.memory_space<vmem>>)
      %dma_wait3A_341 = arith.constant 0 : i32
      %dma_wait3A_342 = arith.constant 0 : i32
      %dma_wait3A_343 = arith.constant 0 : i32
      %dma_wait3A_344 = tpu.memref_slice %arg10[%dma_wait3A_341, %dma_wait3A_342, %dma_wait3A_343] : memref<2x120x32xi32, #tpu.memory_space<vmem>> -> memref<1x120x32xi32, #tpu.memory_space<vmem>>
      %dma_wait3A_345 = tpu.memref_squeeze %dma_wait3A_344 : memref<1x120x32xi32, #tpu.memory_space<vmem>> -> memref<120x32xi32, #tpu.memory_space<vmem>>
      %dma_wait3A_346 = arith.constant 0 : i32
      %dma_wait3A_347 = arith.constant 0 : i32
      %dma_wait3A_348 = tpu.memref_slice %arg3[%dma_wait3A_346, %dma_wait3A_347] : memref<100000x32xi32, #tpu.memory_space<hbm>> -> memref<120x32xi32, #tpu.memory_space<hbm>>
      %dma_wait3A_349 = arith.constant 0 : i32
      %dma_wait3A_350 = arith.constant 0 : i32
      %dma_wait3A_351 = tpu.memref_slice %arg10[%dma_wait3A_341, %dma_wait3A_349, %dma_wait3A_350] : memref<2x120x32xi32, #tpu.memory_space<vmem>> -> memref<1x120x32xi32, #tpu.memory_space<vmem>>
      %dma_wait3A_352 = tpu.memref_squeeze %dma_wait3A_351 : memref<1x120x32xi32, #tpu.memory_space<vmem>> -> memref<120x32xi32, #tpu.memory_space<vmem>>
      %dma_wait3A_353 = arith.constant 0 : i32
      %dma_wait3A_354 = arith.constant 0 : i32
      %dma_wait3A_355 = tpu.memref_slice %arg3[%dma_wait3A_353, %dma_wait3A_354] : memref<100000x32xi32, #tpu.memory_space<hbm>> -> memref<120x32xi32, #tpu.memory_space<hbm>>
      tpu.wait_dma2 semaphore(%arg16 : memref<!tpu.dma_semaphore, #tpu.memory_space<semaphore_mem>>) src(%dma_wait3A_355 : memref<120x32xi32, #tpu.memory_space<hbm>>) dst(%dma_wait3A_352 : memref<120x32xi32, #tpu.memory_space<vmem>>)
      %add3A_356 = arith.constant 30 : i32
      %add3A_357 = arith.addi %mul3A_50, %add3A_356 : i32
      %broadcast_in_dim3A_358 = arith.constant 0.000000e+00 : f32
      %broadcast_in_dim3A_359 = vector.broadcast %broadcast_in_dim3A_358 : f32 to vector<16xf32>
      %broadcast_in_dim3A_360 = arith.constant 0.000000e+00 : f32
      %broadcast_in_dim3A_361 = vector.broadcast %broadcast_in_dim3A_360 : f32 to vector<16xf32>
      %broadcast_in_dim3A_362 = arith.constant 0.000000e+00 : f32
      %broadcast_in_dim3A_363 = vector.broadcast %broadcast_in_dim3A_362 : f32 to vector<16xf32>
      %broadcast_in_dim3A_364 = arith.constant 0.000000e+00 : f32
      %broadcast_in_dim3A_365 = vector.broadcast %broadcast_in_dim3A_364 : f32 to vector<16xf32>
      %scan3A_366 = arith.constant 0 : i32
      %scan3A_367 = arith.constant 20 : i32
      %scan3A_368 = arith.addi %scan3A_366, %scan3A_367 : i32
      %scan3A_369 = arith.constant 1 : i32
      %scan3A_370:4 = scf.for %scan3A_498 = %scan3A_366 to %scan3A_368 step %scan3A_369 iter_args(%scan3A_499 = %broadcast_in_dim3A_359, %scan3A_500 = %broadcast_in_dim3A_361, %scan3A_501 = %broadcast_in_dim3A_363, %scan3A_502 = %broadcast_in_dim3A_365) -> (vector<16xf32>, vector<16xf32>, vector<16xf32>, vector<16xf32>)  : i32 {
        %mul3A_503 = arith.constant 4 : i32
        %mul3A_504 = arith.muli %scan3A_498, %mul3A_503 : i32
        %add3A_505 = arith.constant 0 : i32
        %add3A_506 = arith.addi %mul3A_504, %add3A_505 : i32
        %get3A_507 = arith.index_cast %add3A_506 : i32 to index
        %get3A_508 = arith.constant 0 : index
        %get3A_509 = tpu.vector_load %arg8[%get3A_507, %get3A_508] {strides = array<i32>} : memref<80x32xi32, #tpu.memory_space<vmem>>, vector<1x16xi32>,
        %get3A_510 = vector.shape_cast %get3A_509 : vector<1x16xi32> to vector<16xi32>
        %shift_left3A = arith.constant 16 : i32
        %shift_left3A_511 = vector.broadcast %shift_left3A : i32 to vector<16xi32>
        %shift_left3A_512 = arith.shli %get3A_510, %shift_left3A_511 : vector<16xi32>
        %bitcast_convert_type3A_513 = tpu.bitcast %shift_left3A_512 : vector<16xi32> -> vector<16xf32>
        %and3A_514 = arith.constant -65536 : i32
        %and3A_515 = vector.broadcast %and3A_514 : i32 to vector<16xi32>
        %and3A_516 = arith.andi %get3A_510, %and3A_515 : vector<16xi32>
        %bitcast_convert_type3A_517 = tpu.bitcast %and3A_516 : vector<16xi32> -> vector<16xf32>
        %add3A_518 = arith.addf %scan3A_499, %bitcast_convert_type3A_513 : vector<16xf32>
        %add3A_519 = arith.addf %scan3A_500, %bitcast_convert_type3A_517 : vector<16xf32>
        %get3A_520 = arith.index_cast %add3A_506 : i32 to index
        %get3A_521 = arith.constant 16 : index
        %get3A_522 = tpu.vector_load %arg8[%get3A_520, %get3A_521] {strides = array<i32>} : memref<80x32xi32, #tpu.memory_space<vmem>>, vector<1x16xi32>,
        %get3A_523 = vector.shape_cast %get3A_522 : vector<1x16xi32> to vector<16xi32>
        %shift_left3A_524 = arith.constant 16 : i32
        %shift_left3A_525 = vector.broadcast %shift_left3A_524 : i32 to vector<16xi32>
        %shift_left3A_526 = arith.shli %get3A_523, %shift_left3A_525 : vector<16xi32>
        %bitcast_convert_type3A_527 = tpu.bitcast %shift_left3A_526 : vector<16xi32> -> vector<16xf32>
        %and3A_528 = arith.constant -65536 : i32
        %and3A_529 = vector.broadcast %and3A_528 : i32 to vector<16xi32>
        %and3A_530 = arith.andi %get3A_523, %and3A_529 : vector<16xi32>
        %bitcast_convert_type3A_531 = tpu.bitcast %and3A_530 : vector<16xi32> -> vector<16xf32>
        %add3A_532 = arith.addf %scan3A_501, %bitcast_convert_type3A_527 : vector<16xf32>
        %add3A_533 = arith.addf %scan3A_502, %bitcast_convert_type3A_531 : vector<16xf32>
        %mul3A_534 = arith.constant 4 : i32
        %mul3A_535 = arith.muli %scan3A_498, %mul3A_534 : i32
        %add3A_536 = arith.constant 1 : i32
        %add3A_537 = arith.addi %mul3A_535, %add3A_536 : i32
        %get3A_538 = arith.index_cast %add3A_537 : i32 to index
        %get3A_539 = arith.constant 0 : index
        %get3A_540 = tpu.vector_load %arg8[%get3A_538, %get3A_539] {strides = array<i32>} : memref<80x32xi32, #tpu.memory_space<vmem>>, vector<1x16xi32>,
        %get3A_541 = vector.shape_cast %get3A_540 : vector<1x16xi32> to vector<16xi32>
        %shift_left3A_542 = arith.constant 16 : i32
        %shift_left3A_543 = vector.broadcast %shift_left3A_542 : i32 to vector<16xi32>
        %shift_left3A_544 = arith.shli %get3A_541, %shift_left3A_543 : vector<16xi32>
        %bitcast_convert_type3A_545 = tpu.bitcast %shift_left3A_544 : vector<16xi32> -> vector<16xf32>
        %and3A_546 = arith.constant -65536 : i32
        %and3A_547 = vector.broadcast %and3A_546 : i32 to vector<16xi32>
        %and3A_548 = arith.andi %get3A_541, %and3A_547 : vector<16xi32>
        %bitcast_convert_type3A_549 = tpu.bitcast %and3A_548 : vector<16xi32> -> vector<16xf32>
        %add3A_550 = arith.addf %add3A_518, %bitcast_convert_type3A_545 : vector<16xf32>
        %add3A_551 = arith.addf %add3A_519, %bitcast_convert_type3A_549 : vector<16xf32>
        %get3A_552 = arith.index_cast %add3A_537 : i32 to index
        %get3A_553 = arith.constant 16 : index
        %get3A_554 = tpu.vector_load %arg8[%get3A_552, %get3A_553] {strides = array<i32>} : memref<80x32xi32, #tpu.memory_space<vmem>>, vector<1x16xi32>,
        %get3A_555 = vector.shape_cast %get3A_554 : vector<1x16xi32> to vector<16xi32>
        %shift_left3A_556 = arith.constant 16 : i32
        %shift_left3A_557 = vector.broadcast %shift_left3A_556 : i32 to vector<16xi32>
        %shift_left3A_558 = arith.shli %get3A_555, %shift_left3A_557 : vector<16xi32>
        %bitcast_convert_type3A_559 = tpu.bitcast %shift_left3A_558 : vector<16xi32> -> vector<16xf32>
        %and3A_560 = arith.constant -65536 : i32
        %and3A_561 = vector.broadcast %and3A_560 : i32 to vector<16xi32>
        %and3A_562 = arith.andi %get3A_555, %and3A_561 : vector<16xi32>
        %bitcast_convert_type3A_563 = tpu.bitcast %and3A_562 : vector<16xi32> -> vector<16xf32>
        %add3A_564 = arith.addf %add3A_532, %bitcast_convert_type3A_559 : vector<16xf32>
        %add3A_565 = arith.addf %add3A_533, %bitcast_convert_type3A_563 : vector<16xf32>
        %mul3A_566 = arith.constant 4 : i32
        %mul3A_567 = arith.muli %scan3A_498, %mul3A_566 : i32
        %add3A_568 = arith.constant 2 : i32
        %add3A_569 = arith.addi %mul3A_567, %add3A_568 : i32
        %get3A_570 = arith.index_cast %add3A_569 : i32 to index
        %get3A_571 = arith.constant 0 : index
        %get3A_572 = tpu.vector_load %arg8[%get3A_570, %get3A_571] {strides = array<i32>} : memref<80x32xi32, #tpu.memory_space<vmem>>, vector<1x16xi32>,
        %get3A_573 = vector.shape_cast %get3A_572 : vector<1x16xi32> to vector<16xi32>
        %shift_left3A_574 = arith.constant 16 : i32
        %shift_left3A_575 = vector.broadcast %shift_left3A_574 : i32 to vector<16xi32>
        %shift_left3A_576 = arith.shli %get3A_573, %shift_left3A_575 : vector<16xi32>
        %bitcast_convert_type3A_577 = tpu.bitcast %shift_left3A_576 : vector<16xi32> -> vector<16xf32>
        %and3A_578 = arith.constant -65536 : i32
        %and3A_579 = vector.broadcast %and3A_578 : i32 to vector<16xi32>
        %and3A_580 = arith.andi %get3A_573, %and3A_579 : vector<16xi32>
        %bitcast_convert_type3A_581 = tpu.bitcast %and3A_580 : vector<16xi32> -> vector<16xf32>
        %add3A_582 = arith.addf %add3A_550, %bitcast_convert_type3A_577 : vector<16xf32>
        %add3A_583 = arith.addf %add3A_551, %bitcast_convert_type3A_581 : vector<16xf32>
        %get3A_584 = arith.index_cast %add3A_569 : i32 to index
        %get3A_585 = arith.constant 16 : index
        %get3A_586 = tpu.vector_load %arg8[%get3A_584, %get3A_585] {strides = array<i32>} : memref<80x32xi32, #tpu.memory_space<vmem>>, vector<1x16xi32>,
        %get3A_587 = vector.shape_cast %get3A_586 : vector<1x16xi32> to vector<16xi32>
        %shift_left3A_588 = arith.constant 16 : i32
        %shift_left3A_589 = vector.broadcast %shift_left3A_588 : i32 to vector<16xi32>
        %shift_left3A_590 = arith.shli %get3A_587, %shift_left3A_589 : vector<16xi32>
        %bitcast_convert_type3A_591 = tpu.bitcast %shift_left3A_590 : vector<16xi32> -> vector<16xf32>
        %and3A_592 = arith.constant -65536 : i32
        %and3A_593 = vector.broadcast %and3A_592 : i32 to vector<16xi32>
        %and3A_594 = arith.andi %get3A_587, %and3A_593 : vector<16xi32>
        %bitcast_convert_type3A_595 = tpu.bitcast %and3A_594 : vector<16xi32> -> vector<16xf32>
        %add3A_596 = arith.addf %add3A_564, %bitcast_convert_type3A_591 : vector<16xf32>
        %add3A_597 = arith.addf %add3A_565, %bitcast_convert_type3A_595 : vector<16xf32>
        %mul3A_598 = arith.constant 4 : i32
        %mul3A_599 = arith.muli %scan3A_498, %mul3A_598 : i32
        %add3A_600 = arith.constant 3 : i32
        %add3A_601 = arith.addi %mul3A_599, %add3A_600 : i32
        %get3A_602 = arith.index_cast %add3A_601 : i32 to index
        %get3A_603 = arith.constant 0 : index
        %get3A_604 = tpu.vector_load %arg8[%get3A_602, %get3A_603] {strides = array<i32>} : memref<80x32xi32, #tpu.memory_space<vmem>>, vector<1x16xi32>,
        %get3A_605 = vector.shape_cast %get3A_604 : vector<1x16xi32> to vector<16xi32>
        %shift_left3A_606 = arith.constant 16 : i32
        %shift_left3A_607 = vector.broadcast %shift_left3A_606 : i32 to vector<16xi32>
        %shift_left3A_608 = arith.shli %get3A_605, %shift_left3A_607 : vector<16xi32>
        %bitcast_convert_type3A_609 = tpu.bitcast %shift_left3A_608 : vector<16xi32> -> vector<16xf32>
        %and3A_610 = arith.constant -65536 : i32
        %and3A_611 = vector.broadcast %and3A_610 : i32 to vector<16xi32>
        %and3A_612 = arith.andi %get3A_605, %and3A_611 : vector<16xi32>
        %bitcast_convert_type3A_613 = tpu.bitcast %and3A_612 : vector<16xi32> -> vector<16xf32>
        %add3A_614 = arith.addf %add3A_582, %bitcast_convert_type3A_609 : vector<16xf32>
        %add3A_615 = arith.addf %add3A_583, %bitcast_convert_type3A_613 : vector<16xf32>
        %get3A_616 = arith.index_cast %add3A_601 : i32 to index
        %get3A_617 = arith.constant 16 : index
        %get3A_618 = tpu.vector_load %arg8[%get3A_616, %get3A_617] {strides = array<i32>} : memref<80x32xi32, #tpu.memory_space<vmem>>, vector<1x16xi32>,
        %get3A_619 = vector.shape_cast %get3A_618 : vector<1x16xi32> to vector<16xi32>
        %shift_left3A_620 = arith.constant 16 : i32
        %shift_left3A_621 = vector.broadcast %shift_left3A_620 : i32 to vector<16xi32>
        %shift_left3A_622 = arith.shli %get3A_619, %shift_left3A_621 : vector<16xi32>
        %bitcast_convert_type3A_623 = tpu.bitcast %shift_left3A_622 : vector<16xi32> -> vector<16xf32>
        %and3A_624 = arith.constant -65536 : i32
        %and3A_625 = vector.broadcast %and3A_624 : i32 to vector<16xi32>
        %and3A_626 = arith.andi %get3A_619, %and3A_625 : vector<16xi32>
        %bitcast_convert_type3A_627 = tpu.bitcast %and3A_626 : vector<16xi32> -> vector<16xf32>
        %add3A_628 = arith.addf %add3A_596, %bitcast_convert_type3A_623 : vector<16xf32>
        %add3A_629 = arith.addf %add3A_597, %bitcast_convert_type3A_627 : vector<16xf32>
        scf.yield %add3A_614, %add3A_615, %add3A_628, %add3A_629 : vector<16xf32>, vector<16xf32>, vector<16xf32>, vector<16xf32>
      }
      %scan3A_371 = arith.constant 20 : i32
      %scan3A_372 = arith.constant 0 : i32
      %scan3A_373 = arith.constant 30 : i32
      %scan3A_374 = arith.addi %scan3A_372, %scan3A_373 : i32
      %scan3A_375 = arith.constant 1 : i32
      %scan3A_376:4 = scf.for %scan3A_498 = %scan3A_372 to %scan3A_374 step %scan3A_375 iter_args(%scan3A_499 = %scan3A_370#0, %scan3A_500 = %scan3A_370#1, %scan3A_501 = %scan3A_370#2, %scan3A_502 = %scan3A_370#3) -> (vector<16xf32>, vector<16xf32>, vector<16xf32>, vector<16xf32>)  : i32 {
        %mul3A_503 = arith.constant 4 : i32
        %mul3A_504 = arith.muli %scan3A_498, %mul3A_503 : i32
        %add3A_505 = arith.constant 0 : i32
        %add3A_506 = arith.addi %mul3A_504, %add3A_505 : i32
        %get3A_507 = arith.constant 0 : i32
        %get3A_508 = arith.index_cast %get3A_507 : i32 to index
        %get3A_509 = arith.index_cast %add3A_506 : i32 to index
        %get3A_510 = arith.constant 0 : index
        %get3A_511 = tpu.vector_load %arg10[%get3A_508, %get3A_509, %get3A_510] {strides = array<i32>} : memref<2x120x32xi32, #tpu.memory_space<vmem>>, vector<1x1x16xi32>,
        %get3A_512 = vector.shape_cast %get3A_511 : vector<1x1x16xi32> to vector<16xi32>
        %shift_left3A = arith.constant 16 : i32
        %shift_left3A_513 = vector.broadcast %shift_left3A : i32 to vector<16xi32>
        %shift_left3A_514 = arith.shli %get3A_512, %shift_left3A_513 : vector<16xi32>
        %bitcast_convert_type3A_515 = tpu.bitcast %shift_left3A_514 : vector<16xi32> -> vector<16xf32>
        %and3A_516 = arith.constant -65536 : i32
        %and3A_517 = vector.broadcast %and3A_516 : i32 to vector<16xi32>
        %and3A_518 = arith.andi %get3A_512, %and3A_517 : vector<16xi32>
        %bitcast_convert_type3A_519 = tpu.bitcast %and3A_518 : vector<16xi32> -> vector<16xf32>
        %add3A_520 = arith.addf %scan3A_499, %bitcast_convert_type3A_515 : vector<16xf32>
        %add3A_521 = arith.addf %scan3A_500, %bitcast_convert_type3A_519 : vector<16xf32>
        %get3A_522 = arith.constant 0 : i32
        %get3A_523 = arith.index_cast %get3A_522 : i32 to index
        %get3A_524 = arith.index_cast %add3A_506 : i32 to index
        %get3A_525 = arith.constant 16 : index
        %get3A_526 = tpu.vector_load %arg10[%get3A_523, %get3A_524, %get3A_525] {strides = array<i32>} : memref<2x120x32xi32, #tpu.memory_space<vmem>>, vector<1x1x16xi32>,
        %get3A_527 = vector.shape_cast %get3A_526 : vector<1x1x16xi32> to vector<16xi32>
        %shift_left3A_528 = arith.constant 16 : i32
        %shift_left3A_529 = vector.broadcast %shift_left3A_528 : i32 to vector<16xi32>
        %shift_left3A_530 = arith.shli %get3A_527, %shift_left3A_529 : vector<16xi32>
        %bitcast_convert_type3A_531 = tpu.bitcast %shift_left3A_530 : vector<16xi32> -> vector<16xf32>
        %and3A_532 = arith.constant -65536 : i32
        %and3A_533 = vector.broadcast %and3A_532 : i32 to vector<16xi32>
        %and3A_534 = arith.andi %get3A_527, %and3A_533 : vector<16xi32>
        %bitcast_convert_type3A_535 = tpu.bitcast %and3A_534 : vector<16xi32> -> vector<16xf32>
        %add3A_536 = arith.addf %scan3A_501, %bitcast_convert_type3A_531 : vector<16xf32>
        %add3A_537 = arith.addf %scan3A_502, %bitcast_convert_type3A_535 : vector<16xf32>
        %mul3A_538 = arith.constant 4 : i32
        %mul3A_539 = arith.muli %scan3A_498, %mul3A_538 : i32
        %add3A_540 = arith.constant 1 : i32
        %add3A_541 = arith.addi %mul3A_539, %add3A_540 : i32
        %get3A_542 = arith.constant 0 : i32
        %get3A_543 = arith.index_cast %get3A_542 : i32 to index
        %get3A_544 = arith.index_cast %add3A_541 : i32 to index
        %get3A_545 = arith.constant 0 : index
        %get3A_546 = tpu.vector_load %arg10[%get3A_543, %get3A_544, %get3A_545] {strides = array<i32>} : memref<2x120x32xi32, #tpu.memory_space<vmem>>, vector<1x1x16xi32>,
        %get3A_547 = vector.shape_cast %get3A_546 : vector<1x1x16xi32> to vector<16xi32>
        %shift_left3A_548 = arith.constant 16 : i32
        %shift_left3A_549 = vector.broadcast %shift_left3A_548 : i32 to vector<16xi32>
        %shift_left3A_550 = arith.shli %get3A_547, %shift_left3A_549 : vector<16xi32>
        %bitcast_convert_type3A_551 = tpu.bitcast %shift_left3A_550 : vector<16xi32> -> vector<16xf32>
        %and3A_552 = arith.constant -65536 : i32
        %and3A_553 = vector.broadcast %and3A_552 : i32 to vector<16xi32>
        %and3A_554 = arith.andi %get3A_547, %and3A_553 : vector<16xi32>
        %bitcast_convert_type3A_555 = tpu.bitcast %and3A_554 : vector<16xi32> -> vector<16xf32>
        %add3A_556 = arith.addf %add3A_520, %bitcast_convert_type3A_551 : vector<16xf32>
        %add3A_557 = arith.addf %add3A_521, %bitcast_convert_type3A_555 : vector<16xf32>
        %get3A_558 = arith.constant 0 : i32
        %get3A_559 = arith.index_cast %get3A_558 : i32 to index
        %get3A_560 = arith.index_cast %add3A_541 : i32 to index
        %get3A_561 = arith.constant 16 : index
        %get3A_562 = tpu.vector_load %arg10[%get3A_559, %get3A_560, %get3A_561] {strides = array<i32>} : memref<2x120x32xi32, #tpu.memory_space<vmem>>, vector<1x1x16xi32>,
        %get3A_563 = vector.shape_cast %get3A_562 : vector<1x1x16xi32> to vector<16xi32>
        %shift_left3A_564 = arith.constant 16 : i32
        %shift_left3A_565 = vector.broadcast %shift_left3A_564 : i32 to vector<16xi32>
        %shift_left3A_566 = arith.shli %get3A_563, %shift_left3A_565 : vector<16xi32>
        %bitcast_convert_type3A_567 = tpu.bitcast %shift_left3A_566 : vector<16xi32> -> vector<16xf32>
        %and3A_568 = arith.constant -65536 : i32
        %and3A_569 = vector.broadcast %and3A_568 : i32 to vector<16xi32>
        %and3A_570 = arith.andi %get3A_563, %and3A_569 : vector<16xi32>
        %bitcast_convert_type3A_571 = tpu.bitcast %and3A_570 : vector<16xi32> -> vector<16xf32>
        %add3A_572 = arith.addf %add3A_536, %bitcast_convert_type3A_567 : vector<16xf32>
        %add3A_573 = arith.addf %add3A_537, %bitcast_convert_type3A_571 : vector<16xf32>
        %mul3A_574 = arith.constant 4 : i32
        %mul3A_575 = arith.muli %scan3A_498, %mul3A_574 : i32
        %add3A_576 = arith.constant 2 : i32
        %add3A_577 = arith.addi %mul3A_575, %add3A_576 : i32
        %get3A_578 = arith.constant 0 : i32
        %get3A_579 = arith.index_cast %get3A_578 : i32 to index
        %get3A_580 = arith.index_cast %add3A_577 : i32 to index
        %get3A_581 = arith.constant 0 : index
        %get3A_582 = tpu.vector_load %arg10[%get3A_579, %get3A_580, %get3A_581] {strides = array<i32>} : memref<2x120x32xi32, #tpu.memory_space<vmem>>, vector<1x1x16xi32>,
        %get3A_583 = vector.shape_cast %get3A_582 : vector<1x1x16xi32> to vector<16xi32>
        %shift_left3A_584 = arith.constant 16 : i32
        %shift_left3A_585 = vector.broadcast %shift_left3A_584 : i32 to vector<16xi32>
        %shift_left3A_586 = arith.shli %get3A_583, %shift_left3A_585 : vector<16xi32>
        %bitcast_convert_type3A_587 = tpu.bitcast %shift_left3A_586 : vector<16xi32> -> vector<16xf32>
        %and3A_588 = arith.constant -65536 : i32
        %and3A_589 = vector.broadcast %and3A_588 : i32 to vector<16xi32>
        %and3A_590 = arith.andi %get3A_583, %and3A_589 : vector<16xi32>
        %bitcast_convert_type3A_591 = tpu.bitcast %and3A_590 : vector<16xi32> -> vector<16xf32>
        %add3A_592 = arith.addf %add3A_556, %bitcast_convert_type3A_587 : vector<16xf32>
        %add3A_593 = arith.addf %add3A_557, %bitcast_convert_type3A_591 : vector<16xf32>
        %get3A_594 = arith.constant 0 : i32
        %get3A_595 = arith.index_cast %get3A_594 : i32 to index
        %get3A_596 = arith.index_cast %add3A_577 : i32 to index
        %get3A_597 = arith.constant 16 : index
        %get3A_598 = tpu.vector_load %arg10[%get3A_595, %get3A_596, %get3A_597] {strides = array<i32>} : memref<2x120x32xi32, #tpu.memory_space<vmem>>, vector<1x1x16xi32>,
        %get3A_599 = vector.shape_cast %get3A_598 : vector<1x1x16xi32> to vector<16xi32>
        %shift_left3A_600 = arith.constant 16 : i32
        %shift_left3A_601 = vector.broadcast %shift_left3A_600 : i32 to vector<16xi32>
        %shift_left3A_602 = arith.shli %get3A_599, %shift_left3A_601 : vector<16xi32>
        %bitcast_convert_type3A_603 = tpu.bitcast %shift_left3A_602 : vector<16xi32> -> vector<16xf32>
        %and3A_604 = arith.constant -65536 : i32
        %and3A_605 = vector.broadcast %and3A_604 : i32 to vector<16xi32>
        %and3A_606 = arith.andi %get3A_599, %and3A_605 : vector<16xi32>
        %bitcast_convert_type3A_607 = tpu.bitcast %and3A_606 : vector<16xi32> -> vector<16xf32>
        %add3A_608 = arith.addf %add3A_572, %bitcast_convert_type3A_603 : vector<16xf32>
        %add3A_609 = arith.addf %add3A_573, %bitcast_convert_type3A_607 : vector<16xf32>
        %mul3A_610 = arith.constant 4 : i32
        %mul3A_611 = arith.muli %scan3A_498, %mul3A_610 : i32
        %add3A_612 = arith.constant 3 : i32
        %add3A_613 = arith.addi %mul3A_611, %add3A_612 : i32
        %get3A_614 = arith.constant 0 : i32
        %get3A_615 = arith.index_cast %get3A_614 : i32 to index
        %get3A_616 = arith.index_cast %add3A_613 : i32 to index
        %get3A_617 = arith.constant 0 : index
        %get3A_618 = tpu.vector_load %arg10[%get3A_615, %get3A_616, %get3A_617] {strides = array<i32>} : memref<2x120x32xi32, #tpu.memory_space<vmem>>, vector<1x1x16xi32>,
        %get3A_619 = vector.shape_cast %get3A_618 : vector<1x1x16xi32> to vector<16xi32>
        %shift_left3A_620 = arith.constant 16 : i32
        %shift_left3A_621 = vector.broadcast %shift_left3A_620 : i32 to vector<16xi32>
        %shift_left3A_622 = arith.shli %get3A_619, %shift_left3A_621 : vector<16xi32>
        %bitcast_convert_type3A_623 = tpu.bitcast %shift_left3A_622 : vector<16xi32> -> vector<16xf32>
        %and3A_624 = arith.constant -65536 : i32
        %and3A_625 = vector.broadcast %and3A_624 : i32 to vector<16xi32>
        %and3A_626 = arith.andi %get3A_619, %and3A_625 : vector<16xi32>
        %bitcast_convert_type3A_627 = tpu.bitcast %and3A_626 : vector<16xi32> -> vector<16xf32>
        %add3A_628 = arith.addf %add3A_592, %bitcast_convert_type3A_623 : vector<16xf32>
        %add3A_629 = arith.addf %add3A_593, %bitcast_convert_type3A_627 : vector<16xf32>
        %get3A_630 = arith.constant 0 : i32
        %get3A_631 = arith.index_cast %get3A_630 : i32 to index
        %get3A_632 = arith.index_cast %add3A_613 : i32 to index
        %get3A_633 = arith.constant 16 : index
        %get3A_634 = tpu.vector_load %arg10[%get3A_631, %get3A_632, %get3A_633] {strides = array<i32>} : memref<2x120x32xi32, #tpu.memory_space<vmem>>, vector<1x1x16xi32>,
        %get3A_635 = vector.shape_cast %get3A_634 : vector<1x1x16xi32> to vector<16xi32>
        %shift_left3A_636 = arith.constant 16 : i32
        %shift_left3A_637 = vector.broadcast %shift_left3A_636 : i32 to vector<16xi32>
        %shift_left3A_638 = arith.shli %get3A_635, %shift_left3A_637 : vector<16xi32>
        %bitcast_convert_type3A_639 = tpu.bitcast %shift_left3A_638 : vector<16xi32> -> vector<16xf32>
        %and3A_640 = arith.constant -65536 : i32
        %and3A_641 = vector.broadcast %and3A_640 : i32 to vector<16xi32>
        %and3A_642 = arith.andi %get3A_635, %and3A_641 : vector<16xi32>
        %bitcast_convert_type3A_643 = tpu.bitcast %and3A_642 : vector<16xi32> -> vector<16xf32>
        %add3A_644 = arith.addf %add3A_608, %bitcast_convert_type3A_639 : vector<16xf32>
        %add3A_645 = arith.addf %add3A_609, %bitcast_convert_type3A_643 : vector<16xf32>
        scf.yield %add3A_628, %add3A_629, %add3A_644, %add3A_645 : vector<16xf32>, vector<16xf32>, vector<16xf32>, vector<16xf32>
      }
      %scan3A_377 = arith.constant 30 : i32
      %bitcast_convert_type3A = tpu.bitcast %scan3A_376#0 : vector<16xf32> -> vector<16xi32>
      %bitcast_convert_type3A_378 = tpu.bitcast %scan3A_376#1 : vector<16xf32> -> vector<16xi32>
      %add3A_379 = arith.constant 32768 : i32
      %add3A_380 = vector.broadcast %add3A_379 : i32 to vector<16xi32>
      %add3A_381 = arith.addi %bitcast_convert_type3A, %add3A_380 : vector<16xi32>
      %shift_right_logical3A = arith.constant 16 : i32
      %shift_right_logical3A_382 = vector.broadcast %shift_right_logical3A : i32 to vector<16xi32>
      %shift_right_logical3A_383 = arith.shrui %add3A_381, %shift_right_logical3A_382 : vector<16xi32>
      %add3A_384 = arith.constant 32768 : i32
      %add3A_385 = vector.broadcast %add3A_384 : i32 to vector<16xi32>
      %add3A_386 = arith.addi %bitcast_convert_type3A_378, %add3A_385 : vector<16xi32>
      %and3A_387 = arith.constant -65536 : i32
      %and3A_388 = vector.broadcast %and3A_387 : i32 to vector<16xi32>
      %and3A_389 = arith.andi %add3A_386, %and3A_388 : vector<16xi32>
      %or3A = arith.ori %shift_right_logical3A_383, %and3A_389 : vector<16xi32>
      %swap3A_390 = arith.index_cast %add3A_357 : i32 to index
      %swap3A_391 = arith.constant 0 : index
      %swap3A_392 = tpu.vector_load %arg11[%swap3A_390, %swap3A_391] {strides = array<i32>} : memref<256x32xi32, #tpu.memory_space<vmem>>, vector<1x16xi32>,
      %swap3A_393 = vector.shape_cast %swap3A_392 : vector<1x16xi32> to vector<16xi32>
      %swap3A_394 = vector.shape_cast %or3A : vector<16xi32> to vector<1x16xi32>
      tpu.vector_store %arg11[%swap3A_390, %swap3A_391], %swap3A_394 {strides = array<i32>} : memref<256x32xi32, #tpu.memory_space<vmem>>, vector<1x16xi32>,
      %bitcast_convert_type3A_395 = tpu.bitcast %scan3A_376#2 : vector<16xf32> -> vector<16xi32>
      %bitcast_convert_type3A_396 = tpu.bitcast %scan3A_376#3 : vector<16xf32> -> vector<16xi32>
      %add3A_397 = arith.constant 32768 : i32
      %add3A_398 = vector.broadcast %add3A_397 : i32 to vector<16xi32>
      %add3A_399 = arith.addi %bitcast_convert_type3A_395, %add3A_398 : vector<16xi32>
      %shift_right_logical3A_400 = arith.constant 16 : i32
      %shift_right_logical3A_401 = vector.broadcast %shift_right_logical3A_400 : i32 to vector<16xi32>
      %shift_right_logical3A_402 = arith.shrui %add3A_399, %shift_right_logical3A_401 : vector<16xi32>
      %add3A_403 = arith.constant 32768 : i32
      %add3A_404 = vector.broadcast %add3A_403 : i32 to vector<16xi32>
      %add3A_405 = arith.addi %bitcast_convert_type3A_396, %add3A_404 : vector<16xi32>
      %and3A_406 = arith.constant -65536 : i32
      %and3A_407 = vector.broadcast %and3A_406 : i32 to vector<16xi32>
      %and3A_408 = arith.andi %add3A_405, %and3A_407 : vector<16xi32>
      %or3A_409 = arith.ori %shift_right_logical3A_402, %and3A_408 : vector<16xi32>
      %swap3A_410 = arith.index_cast %add3A_357 : i32 to index
      %swap3A_411 = arith.constant 16 : index
      %swap3A_412 = tpu.vector_load %arg11[%swap3A_410, %swap3A_411] {strides = array<i32>} : memref<256x32xi32, #tpu.memory_space<vmem>>, vector<1x16xi32>,
      %swap3A_413 = vector.shape_cast %swap3A_412 : vector<1x16xi32> to vector<16xi32>
      %swap3A_414 = vector.shape_cast %or3A_409 : vector<16xi32> to vector<1x16xi32>
      tpu.vector_store %arg11[%swap3A_410, %swap3A_411], %swap3A_414 {strides = array<i32>} : memref<256x32xi32, #tpu.memory_space<vmem>>, vector<1x16xi32>,
      %dma_wait3A_415 = arith.constant 0 : i32
      %dma_wait3A_416 = arith.constant 0 : i32
      %dma_wait3A_417 = tpu.memref_slice %arg13[%dma_wait3A_415, %dma_wait3A_416] : memref<50001x32xi32, #tpu.memory_space<vmem_shared>> -> memref<80x32xi32, #tpu.memory_space<vmem_shared>>
      %dma_wait3A_418 = arith.constant 0 : i32
      %dma_wait3A_419 = arith.constant 0 : i32
      %dma_wait3A_420 = tpu.memref_slice %arg13[%dma_wait3A_418, %dma_wait3A_419] : memref<50001x32xi32, #tpu.memory_space<vmem_shared>> -> memref<80x32xi32, #tpu.memory_space<vmem_shared>>
      tpu.wait_dma2 semaphore(%arg15 : memref<!tpu.dma_semaphore, #tpu.memory_space<semaphore_mem>>) src(%dma_wait3A_420 : memref<80x32xi32, #tpu.memory_space<vmem_shared>>) dst(%arg9 : memref<80x32xi32, #tpu.memory_space<vmem>>)
      %dma_wait3A_421 = arith.constant 1 : i32
      %dma_wait3A_422 = arith.constant 0 : i32
      %dma_wait3A_423 = arith.constant 0 : i32
      %dma_wait3A_424 = tpu.memref_slice %arg10[%dma_wait3A_421, %dma_wait3A_422, %dma_wait3A_423] : memref<2x120x32xi32, #tpu.memory_space<vmem>> -> memref<1x120x32xi32, #tpu.memory_space<vmem>>
      %dma_wait3A_425 = tpu.memref_squeeze %dma_wait3A_424 : memref<1x120x32xi32, #tpu.memory_space<vmem>> -> memref<120x32xi32, #tpu.memory_space<vmem>>
      %dma_wait3A_426 = arith.constant 0 : i32
      %dma_wait3A_427 = arith.constant 0 : i32
      %dma_wait3A_428 = tpu.memref_slice %arg3[%dma_wait3A_426, %dma_wait3A_427] : memref<100000x32xi32, #tpu.memory_space<hbm>> -> memref<120x32xi32, #tpu.memory_space<hbm>>
      %dma_wait3A_429 = arith.constant 0 : i32
      %dma_wait3A_430 = arith.constant 0 : i32
      %dma_wait3A_431 = tpu.memref_slice %arg10[%dma_wait3A_421, %dma_wait3A_429, %dma_wait3A_430] : memref<2x120x32xi32, #tpu.memory_space<vmem>> -> memref<1x120x32xi32, #tpu.memory_space<vmem>>
      %dma_wait3A_432 = tpu.memref_squeeze %dma_wait3A_431 : memref<1x120x32xi32, #tpu.memory_space<vmem>> -> memref<120x32xi32, #tpu.memory_space<vmem>>
      %dma_wait3A_433 = arith.constant 0 : i32
      %dma_wait3A_434 = arith.constant 0 : i32
      %dma_wait3A_435 = tpu.memref_slice %arg3[%dma_wait3A_433, %dma_wait3A_434] : memref<100000x32xi32, #tpu.memory_space<hbm>> -> memref<120x32xi32, #tpu.memory_space<hbm>>
      tpu.wait_dma2 semaphore(%arg17 : memref<!tpu.dma_semaphore, #tpu.memory_space<semaphore_mem>>) src(%dma_wait3A_435 : memref<120x32xi32, #tpu.memory_space<hbm>>) dst(%dma_wait3A_432 : memref<120x32xi32, #tpu.memory_space<vmem>>)
      %add3A_436 = arith.constant 31 : i32
      %add3A_437 = arith.addi %mul3A_50, %add3A_436 : i32
      %broadcast_in_dim3A_438 = arith.constant 0.000000e+00 : f32
      %broadcast_in_dim3A_439 = vector.broadcast %broadcast_in_dim3A_438 : f32 to vector<16xf32>
      %broadcast_in_dim3A_440 = arith.constant 0.000000e+00 : f32
      %broadcast_in_dim3A_441 = vector.broadcast %broadcast_in_dim3A_440 : f32 to vector<16xf32>
      %broadcast_in_dim3A_442 = arith.constant 0.000000e+00 : f32
      %broadcast_in_dim3A_443 = vector.broadcast %broadcast_in_dim3A_442 : f32 to vector<16xf32>
      %broadcast_in_dim3A_444 = arith.constant 0.000000e+00 : f32
      %broadcast_in_dim3A_445 = vector.broadcast %broadcast_in_dim3A_444 : f32 to vector<16xf32>
      %scan3A_446 = arith.constant 0 : i32
      %scan3A_447 = arith.constant 20 : i32
      %scan3A_448 = arith.addi %scan3A_446, %scan3A_447 : i32
      %scan3A_449 = arith.constant 1 : i32
      %scan3A_450:4 = scf.for %scan3A_498 = %scan3A_446 to %scan3A_448 step %scan3A_449 iter_args(%scan3A_499 = %broadcast_in_dim3A_439, %scan3A_500 = %broadcast_in_dim3A_441, %scan3A_501 = %broadcast_in_dim3A_443, %scan3A_502 = %broadcast_in_dim3A_445) -> (vector<16xf32>, vector<16xf32>, vector<16xf32>, vector<16xf32>)  : i32 {
        %mul3A_503 = arith.constant 4 : i32
        %mul3A_504 = arith.muli %scan3A_498, %mul3A_503 : i32
        %add3A_505 = arith.constant 0 : i32
        %add3A_506 = arith.addi %mul3A_504, %add3A_505 : i32
        %get3A_507 = arith.index_cast %add3A_506 : i32 to index
        %get3A_508 = arith.constant 0 : index
        %get3A_509 = tpu.vector_load %arg9[%get3A_507, %get3A_508] {strides = array<i32>} : memref<80x32xi32, #tpu.memory_space<vmem>>, vector<1x16xi32>,
        %get3A_510 = vector.shape_cast %get3A_509 : vector<1x16xi32> to vector<16xi32>
        %shift_left3A = arith.constant 16 : i32
        %shift_left3A_511 = vector.broadcast %shift_left3A : i32 to vector<16xi32>
        %shift_left3A_512 = arith.shli %get3A_510, %shift_left3A_511 : vector<16xi32>
        %bitcast_convert_type3A_513 = tpu.bitcast %shift_left3A_512 : vector<16xi32> -> vector<16xf32>
        %and3A_514 = arith.constant -65536 : i32
        %and3A_515 = vector.broadcast %and3A_514 : i32 to vector<16xi32>
        %and3A_516 = arith.andi %get3A_510, %and3A_515 : vector<16xi32>
        %bitcast_convert_type3A_517 = tpu.bitcast %and3A_516 : vector<16xi32> -> vector<16xf32>
        %add3A_518 = arith.addf %scan3A_499, %bitcast_convert_type3A_513 : vector<16xf32>
        %add3A_519 = arith.addf %scan3A_500, %bitcast_convert_type3A_517 : vector<16xf32>
        %get3A_520 = arith.index_cast %add3A_506 : i32 to index
        %get3A_521 = arith.constant 16 : index
        %get3A_522 = tpu.vector_load %arg9[%get3A_520, %get3A_521] {strides = array<i32>} : memref<80x32xi32, #tpu.memory_space<vmem>>, vector<1x16xi32>,
        %get3A_523 = vector.shape_cast %get3A_522 : vector<1x16xi32> to vector<16xi32>
        %shift_left3A_524 = arith.constant 16 : i32
        %shift_left3A_525 = vector.broadcast %shift_left3A_524 : i32 to vector<16xi32>
        %shift_left3A_526 = arith.shli %get3A_523, %shift_left3A_525 : vector<16xi32>
        %bitcast_convert_type3A_527 = tpu.bitcast %shift_left3A_526 : vector<16xi32> -> vector<16xf32>
        %and3A_528 = arith.constant -65536 : i32
        %and3A_529 = vector.broadcast %and3A_528 : i32 to vector<16xi32>
        %and3A_530 = arith.andi %get3A_523, %and3A_529 : vector<16xi32>
        %bitcast_convert_type3A_531 = tpu.bitcast %and3A_530 : vector<16xi32> -> vector<16xf32>
        %add3A_532 = arith.addf %scan3A_501, %bitcast_convert_type3A_527 : vector<16xf32>
        %add3A_533 = arith.addf %scan3A_502, %bitcast_convert_type3A_531 : vector<16xf32>
        %mul3A_534 = arith.constant 4 : i32
        %mul3A_535 = arith.muli %scan3A_498, %mul3A_534 : i32
        %add3A_536 = arith.constant 1 : i32
        %add3A_537 = arith.addi %mul3A_535, %add3A_536 : i32
        %get3A_538 = arith.index_cast %add3A_537 : i32 to index
        %get3A_539 = arith.constant 0 : index
        %get3A_540 = tpu.vector_load %arg9[%get3A_538, %get3A_539] {strides = array<i32>} : memref<80x32xi32, #tpu.memory_space<vmem>>, vector<1x16xi32>,
        %get3A_541 = vector.shape_cast %get3A_540 : vector<1x16xi32> to vector<16xi32>
        %shift_left3A_542 = arith.constant 16 : i32
        %shift_left3A_543 = vector.broadcast %shift_left3A_542 : i32 to vector<16xi32>
        %shift_left3A_544 = arith.shli %get3A_541, %shift_left3A_543 : vector<16xi32>
        %bitcast_convert_type3A_545 = tpu.bitcast %shift_left3A_544 : vector<16xi32> -> vector<16xf32>
        %and3A_546 = arith.constant -65536 : i32
        %and3A_547 = vector.broadcast %and3A_546 : i32 to vector<16xi32>
        %and3A_548 = arith.andi %get3A_541, %and3A_547 : vector<16xi32>
        %bitcast_convert_type3A_549 = tpu.bitcast %and3A_548 : vector<16xi32> -> vector<16xf32>
        %add3A_550 = arith.addf %add3A_518, %bitcast_convert_type3A_545 : vector<16xf32>
        %add3A_551 = arith.addf %add3A_519, %bitcast_convert_type3A_549 : vector<16xf32>
        %get3A_552 = arith.index_cast %add3A_537 : i32 to index
        %get3A_553 = arith.constant 16 : index
        %get3A_554 = tpu.vector_load %arg9[%get3A_552, %get3A_553] {strides = array<i32>} : memref<80x32xi32, #tpu.memory_space<vmem>>, vector<1x16xi32>,
        %get3A_555 = vector.shape_cast %get3A_554 : vector<1x16xi32> to vector<16xi32>
        %shift_left3A_556 = arith.constant 16 : i32
        %shift_left3A_557 = vector.broadcast %shift_left3A_556 : i32 to vector<16xi32>
        %shift_left3A_558 = arith.shli %get3A_555, %shift_left3A_557 : vector<16xi32>
        %bitcast_convert_type3A_559 = tpu.bitcast %shift_left3A_558 : vector<16xi32> -> vector<16xf32>
        %and3A_560 = arith.constant -65536 : i32
        %and3A_561 = vector.broadcast %and3A_560 : i32 to vector<16xi32>
        %and3A_562 = arith.andi %get3A_555, %and3A_561 : vector<16xi32>
        %bitcast_convert_type3A_563 = tpu.bitcast %and3A_562 : vector<16xi32> -> vector<16xf32>
        %add3A_564 = arith.addf %add3A_532, %bitcast_convert_type3A_559 : vector<16xf32>
        %add3A_565 = arith.addf %add3A_533, %bitcast_convert_type3A_563 : vector<16xf32>
        %mul3A_566 = arith.constant 4 : i32
        %mul3A_567 = arith.muli %scan3A_498, %mul3A_566 : i32
        %add3A_568 = arith.constant 2 : i32
        %add3A_569 = arith.addi %mul3A_567, %add3A_568 : i32
        %get3A_570 = arith.index_cast %add3A_569 : i32 to index
        %get3A_571 = arith.constant 0 : index
        %get3A_572 = tpu.vector_load %arg9[%get3A_570, %get3A_571] {strides = array<i32>} : memref<80x32xi32, #tpu.memory_space<vmem>>, vector<1x16xi32>,
        %get3A_573 = vector.shape_cast %get3A_572 : vector<1x16xi32> to vector<16xi32>
        %shift_left3A_574 = arith.constant 16 : i32
        %shift_left3A_575 = vector.broadcast %shift_left3A_574 : i32 to vector<16xi32>
        %shift_left3A_576 = arith.shli %get3A_573, %shift_left3A_575 : vector<16xi32>
        %bitcast_convert_type3A_577 = tpu.bitcast %shift_left3A_576 : vector<16xi32> -> vector<16xf32>
        %and3A_578 = arith.constant -65536 : i32
        %and3A_579 = vector.broadcast %and3A_578 : i32 to vector<16xi32>
        %and3A_580 = arith.andi %get3A_573, %and3A_579 : vector<16xi32>
        %bitcast_convert_type3A_581 = tpu.bitcast %and3A_580 : vector<16xi32> -> vector<16xf32>
        %add3A_582 = arith.addf %add3A_550, %bitcast_convert_type3A_577 : vector<16xf32>
        %add3A_583 = arith.addf %add3A_551, %bitcast_convert_type3A_581 : vector<16xf32>
        %get3A_584 = arith.index_cast %add3A_569 : i32 to index
        %get3A_585 = arith.constant 16 : index
        %get3A_586 = tpu.vector_load %arg9[%get3A_584, %get3A_585] {strides = array<i32>} : memref<80x32xi32, #tpu.memory_space<vmem>>, vector<1x16xi32>,
        %get3A_587 = vector.shape_cast %get3A_586 : vector<1x16xi32> to vector<16xi32>
        %shift_left3A_588 = arith.constant 16 : i32
        %shift_left3A_589 = vector.broadcast %shift_left3A_588 : i32 to vector<16xi32>
        %shift_left3A_590 = arith.shli %get3A_587, %shift_left3A_589 : vector<16xi32>
        %bitcast_convert_type3A_591 = tpu.bitcast %shift_left3A_590 : vector<16xi32> -> vector<16xf32>
        %and3A_592 = arith.constant -65536 : i32
        %and3A_593 = vector.broadcast %and3A_592 : i32 to vector<16xi32>
        %and3A_594 = arith.andi %get3A_587, %and3A_593 : vector<16xi32>
        %bitcast_convert_type3A_595 = tpu.bitcast %and3A_594 : vector<16xi32> -> vector<16xf32>
        %add3A_596 = arith.addf %add3A_564, %bitcast_convert_type3A_591 : vector<16xf32>
        %add3A_597 = arith.addf %add3A_565, %bitcast_convert_type3A_595 : vector<16xf32>
        %mul3A_598 = arith.constant 4 : i32
        %mul3A_599 = arith.muli %scan3A_498, %mul3A_598 : i32
        %add3A_600 = arith.constant 3 : i32
        %add3A_601 = arith.addi %mul3A_599, %add3A_600 : i32
        %get3A_602 = arith.index_cast %add3A_601 : i32 to index
        %get3A_603 = arith.constant 0 : index
        %get3A_604 = tpu.vector_load %arg9[%get3A_602, %get3A_603] {strides = array<i32>} : memref<80x32xi32, #tpu.memory_space<vmem>>, vector<1x16xi32>,
        %get3A_605 = vector.shape_cast %get3A_604 : vector<1x16xi32> to vector<16xi32>
        %shift_left3A_606 = arith.constant 16 : i32
        %shift_left3A_607 = vector.broadcast %shift_left3A_606 : i32 to vector<16xi32>
        %shift_left3A_608 = arith.shli %get3A_605, %shift_left3A_607 : vector<16xi32>
        %bitcast_convert_type3A_609 = tpu.bitcast %shift_left3A_608 : vector<16xi32> -> vector<16xf32>
        %and3A_610 = arith.constant -65536 : i32
        %and3A_611 = vector.broadcast %and3A_610 : i32 to vector<16xi32>
        %and3A_612 = arith.andi %get3A_605, %and3A_611 : vector<16xi32>
        %bitcast_convert_type3A_613 = tpu.bitcast %and3A_612 : vector<16xi32> -> vector<16xf32>
        %add3A_614 = arith.addf %add3A_582, %bitcast_convert_type3A_609 : vector<16xf32>
        %add3A_615 = arith.addf %add3A_583, %bitcast_convert_type3A_613 : vector<16xf32>
        %get3A_616 = arith.index_cast %add3A_601 : i32 to index
        %get3A_617 = arith.constant 16 : index
        %get3A_618 = tpu.vector_load %arg9[%get3A_616, %get3A_617] {strides = array<i32>} : memref<80x32xi32, #tpu.memory_space<vmem>>, vector<1x16xi32>,
        %get3A_619 = vector.shape_cast %get3A_618 : vector<1x16xi32> to vector<16xi32>
        %shift_left3A_620 = arith.constant 16 : i32
        %shift_left3A_621 = vector.broadcast %shift_left3A_620 : i32 to vector<16xi32>
        %shift_left3A_622 = arith.shli %get3A_619, %shift_left3A_621 : vector<16xi32>
        %bitcast_convert_type3A_623 = tpu.bitcast %shift_left3A_622 : vector<16xi32> -> vector<16xf32>
        %and3A_624 = arith.constant -65536 : i32
        %and3A_625 = vector.broadcast %and3A_624 : i32 to vector<16xi32>
        %and3A_626 = arith.andi %get3A_619, %and3A_625 : vector<16xi32>
        %bitcast_convert_type3A_627 = tpu.bitcast %and3A_626 : vector<16xi32> -> vector<16xf32>
        %add3A_628 = arith.addf %add3A_596, %bitcast_convert_type3A_623 : vector<16xf32>
        %add3A_629 = arith.addf %add3A_597, %bitcast_convert_type3A_627 : vector<16xf32>
        scf.yield %add3A_614, %add3A_615, %add3A_628, %add3A_629 : vector<16xf32>, vector<16xf32>, vector<16xf32>, vector<16xf32>
      }
      %scan3A_451 = arith.constant 20 : i32
      %scan3A_452 = arith.constant 0 : i32
      %scan3A_453 = arith.constant 30 : i32
      %scan3A_454 = arith.addi %scan3A_452, %scan3A_453 : i32
      %scan3A_455 = arith.constant 1 : i32
      %scan3A_456:4 = scf.for %scan3A_498 = %scan3A_452 to %scan3A_454 step %scan3A_455 iter_args(%scan3A_499 = %scan3A_450#0, %scan3A_500 = %scan3A_450#1, %scan3A_501 = %scan3A_450#2, %scan3A_502 = %scan3A_450#3) -> (vector<16xf32>, vector<16xf32>, vector<16xf32>, vector<16xf32>)  : i32 {
        %mul3A_503 = arith.constant 4 : i32
        %mul3A_504 = arith.muli %scan3A_498, %mul3A_503 : i32
        %add3A_505 = arith.constant 0 : i32
        %add3A_506 = arith.addi %mul3A_504, %add3A_505 : i32
        %get3A_507 = arith.constant 1 : i32
        %get3A_508 = arith.index_cast %get3A_507 : i32 to index
        %get3A_509 = arith.index_cast %add3A_506 : i32 to index
        %get3A_510 = arith.constant 0 : index
        %get3A_511 = tpu.vector_load %arg10[%get3A_508, %get3A_509, %get3A_510] {strides = array<i32>} : memref<2x120x32xi32, #tpu.memory_space<vmem>>, vector<1x1x16xi32>,
        %get3A_512 = vector.shape_cast %get3A_511 : vector<1x1x16xi32> to vector<16xi32>
        %shift_left3A = arith.constant 16 : i32
        %shift_left3A_513 = vector.broadcast %shift_left3A : i32 to vector<16xi32>
        %shift_left3A_514 = arith.shli %get3A_512, %shift_left3A_513 : vector<16xi32>
        %bitcast_convert_type3A_515 = tpu.bitcast %shift_left3A_514 : vector<16xi32> -> vector<16xf32>
        %and3A_516 = arith.constant -65536 : i32
        %and3A_517 = vector.broadcast %and3A_516 : i32 to vector<16xi32>
        %and3A_518 = arith.andi %get3A_512, %and3A_517 : vector<16xi32>
        %bitcast_convert_type3A_519 = tpu.bitcast %and3A_518 : vector<16xi32> -> vector<16xf32>
        %add3A_520 = arith.addf %scan3A_499, %bitcast_convert_type3A_515 : vector<16xf32>
        %add3A_521 = arith.addf %scan3A_500, %bitcast_convert_type3A_519 : vector<16xf32>
        %get3A_522 = arith.constant 1 : i32
        %get3A_523 = arith.index_cast %get3A_522 : i32 to index
        %get3A_524 = arith.index_cast %add3A_506 : i32 to index
        %get3A_525 = arith.constant 16 : index
        %get3A_526 = tpu.vector_load %arg10[%get3A_523, %get3A_524, %get3A_525] {strides = array<i32>} : memref<2x120x32xi32, #tpu.memory_space<vmem>>, vector<1x1x16xi32>,
        %get3A_527 = vector.shape_cast %get3A_526 : vector<1x1x16xi32> to vector<16xi32>
        %shift_left3A_528 = arith.constant 16 : i32
        %shift_left3A_529 = vector.broadcast %shift_left3A_528 : i32 to vector<16xi32>
        %shift_left3A_530 = arith.shli %get3A_527, %shift_left3A_529 : vector<16xi32>
        %bitcast_convert_type3A_531 = tpu.bitcast %shift_left3A_530 : vector<16xi32> -> vector<16xf32>
        %and3A_532 = arith.constant -65536 : i32
        %and3A_533 = vector.broadcast %and3A_532 : i32 to vector<16xi32>
        %and3A_534 = arith.andi %get3A_527, %and3A_533 : vector<16xi32>
        %bitcast_convert_type3A_535 = tpu.bitcast %and3A_534 : vector<16xi32> -> vector<16xf32>
        %add3A_536 = arith.addf %scan3A_501, %bitcast_convert_type3A_531 : vector<16xf32>
        %add3A_537 = arith.addf %scan3A_502, %bitcast_convert_type3A_535 : vector<16xf32>
        %mul3A_538 = arith.constant 4 : i32
        %mul3A_539 = arith.muli %scan3A_498, %mul3A_538 : i32
        %add3A_540 = arith.constant 1 : i32
        %add3A_541 = arith.addi %mul3A_539, %add3A_540 : i32
        %get3A_542 = arith.constant 1 : i32
        %get3A_543 = arith.index_cast %get3A_542 : i32 to index
        %get3A_544 = arith.index_cast %add3A_541 : i32 to index
        %get3A_545 = arith.constant 0 : index
        %get3A_546 = tpu.vector_load %arg10[%get3A_543, %get3A_544, %get3A_545] {strides = array<i32>} : memref<2x120x32xi32, #tpu.memory_space<vmem>>, vector<1x1x16xi32>,
        %get3A_547 = vector.shape_cast %get3A_546 : vector<1x1x16xi32> to vector<16xi32>
        %shift_left3A_548 = arith.constant 16 : i32
        %shift_left3A_549 = vector.broadcast %shift_left3A_548 : i32 to vector<16xi32>
        %shift_left3A_550 = arith.shli %get3A_547, %shift_left3A_549 : vector<16xi32>
        %bitcast_convert_type3A_551 = tpu.bitcast %shift_left3A_550 : vector<16xi32> -> vector<16xf32>
        %and3A_552 = arith.constant -65536 : i32
        %and3A_553 = vector.broadcast %and3A_552 : i32 to vector<16xi32>
        %and3A_554 = arith.andi %get3A_547, %and3A_553 : vector<16xi32>
        %bitcast_convert_type3A_555 = tpu.bitcast %and3A_554 : vector<16xi32> -> vector<16xf32>
        %add3A_556 = arith.addf %add3A_520, %bitcast_convert_type3A_551 : vector<16xf32>
        %add3A_557 = arith.addf %add3A_521, %bitcast_convert_type3A_555 : vector<16xf32>
        %get3A_558 = arith.constant 1 : i32
        %get3A_559 = arith.index_cast %get3A_558 : i32 to index
        %get3A_560 = arith.index_cast %add3A_541 : i32 to index
        %get3A_561 = arith.constant 16 : index
        %get3A_562 = tpu.vector_load %arg10[%get3A_559, %get3A_560, %get3A_561] {strides = array<i32>} : memref<2x120x32xi32, #tpu.memory_space<vmem>>, vector<1x1x16xi32>,
        %get3A_563 = vector.shape_cast %get3A_562 : vector<1x1x16xi32> to vector<16xi32>
        %shift_left3A_564 = arith.constant 16 : i32
        %shift_left3A_565 = vector.broadcast %shift_left3A_564 : i32 to vector<16xi32>
        %shift_left3A_566 = arith.shli %get3A_563, %shift_left3A_565 : vector<16xi32>
        %bitcast_convert_type3A_567 = tpu.bitcast %shift_left3A_566 : vector<16xi32> -> vector<16xf32>
        %and3A_568 = arith.constant -65536 : i32
        %and3A_569 = vector.broadcast %and3A_568 : i32 to vector<16xi32>
        %and3A_570 = arith.andi %get3A_563, %and3A_569 : vector<16xi32>
        %bitcast_convert_type3A_571 = tpu.bitcast %and3A_570 : vector<16xi32> -> vector<16xf32>
        %add3A_572 = arith.addf %add3A_536, %bitcast_convert_type3A_567 : vector<16xf32>
        %add3A_573 = arith.addf %add3A_537, %bitcast_convert_type3A_571 : vector<16xf32>
        %mul3A_574 = arith.constant 4 : i32
        %mul3A_575 = arith.muli %scan3A_498, %mul3A_574 : i32
        %add3A_576 = arith.constant 2 : i32
        %add3A_577 = arith.addi %mul3A_575, %add3A_576 : i32
        %get3A_578 = arith.constant 1 : i32
        %get3A_579 = arith.index_cast %get3A_578 : i32 to index
        %get3A_580 = arith.index_cast %add3A_577 : i32 to index
        %get3A_581 = arith.constant 0 : index
        %get3A_582 = tpu.vector_load %arg10[%get3A_579, %get3A_580, %get3A_581] {strides = array<i32>} : memref<2x120x32xi32, #tpu.memory_space<vmem>>, vector<1x1x16xi32>,
        %get3A_583 = vector.shape_cast %get3A_582 : vector<1x1x16xi32> to vector<16xi32>
        %shift_left3A_584 = arith.constant 16 : i32
        %shift_left3A_585 = vector.broadcast %shift_left3A_584 : i32 to vector<16xi32>
        %shift_left3A_586 = arith.shli %get3A_583, %shift_left3A_585 : vector<16xi32>
        %bitcast_convert_type3A_587 = tpu.bitcast %shift_left3A_586 : vector<16xi32> -> vector<16xf32>
        %and3A_588 = arith.constant -65536 : i32
        %and3A_589 = vector.broadcast %and3A_588 : i32 to vector<16xi32>
        %and3A_590 = arith.andi %get3A_583, %and3A_589 : vector<16xi32>
        %bitcast_convert_type3A_591 = tpu.bitcast %and3A_590 : vector<16xi32> -> vector<16xf32>
        %add3A_592 = arith.addf %add3A_556, %bitcast_convert_type3A_587 : vector<16xf32>
        %add3A_593 = arith.addf %add3A_557, %bitcast_convert_type3A_591 : vector<16xf32>
        %get3A_594 = arith.constant 1 : i32
        %get3A_595 = arith.index_cast %get3A_594 : i32 to index
        %get3A_596 = arith.index_cast %add3A_577 : i32 to index
        %get3A_597 = arith.constant 16 : index
        %get3A_598 = tpu.vector_load %arg10[%get3A_595, %get3A_596, %get3A_597] {strides = array<i32>} : memref<2x120x32xi32, #tpu.memory_space<vmem>>, vector<1x1x16xi32>,
        %get3A_599 = vector.shape_cast %get3A_598 : vector<1x1x16xi32> to vector<16xi32>
        %shift_left3A_600 = arith.constant 16 : i32
        %shift_left3A_601 = vector.broadcast %shift_left3A_600 : i32 to vector<16xi32>
        %shift_left3A_602 = arith.shli %get3A_599, %shift_left3A_601 : vector<16xi32>
        %bitcast_convert_type3A_603 = tpu.bitcast %shift_left3A_602 : vector<16xi32> -> vector<16xf32>
        %and3A_604 = arith.constant -65536 : i32
        %and3A_605 = vector.broadcast %and3A_604 : i32 to vector<16xi32>
        %and3A_606 = arith.andi %get3A_599, %and3A_605 : vector<16xi32>
        %bitcast_convert_type3A_607 = tpu.bitcast %and3A_606 : vector<16xi32> -> vector<16xf32>
        %add3A_608 = arith.addf %add3A_572, %bitcast_convert_type3A_603 : vector<16xf32>
        %add3A_609 = arith.addf %add3A_573, %bitcast_convert_type3A_607 : vector<16xf32>
        %mul3A_610 = arith.constant 4 : i32
        %mul3A_611 = arith.muli %scan3A_498, %mul3A_610 : i32
        %add3A_612 = arith.constant 3 : i32
        %add3A_613 = arith.addi %mul3A_611, %add3A_612 : i32
        %get3A_614 = arith.constant 1 : i32
        %get3A_615 = arith.index_cast %get3A_614 : i32 to index
        %get3A_616 = arith.index_cast %add3A_613 : i32 to index
        %get3A_617 = arith.constant 0 : index
        %get3A_618 = tpu.vector_load %arg10[%get3A_615, %get3A_616, %get3A_617] {strides = array<i32>} : memref<2x120x32xi32, #tpu.memory_space<vmem>>, vector<1x1x16xi32>,
        %get3A_619 = vector.shape_cast %get3A_618 : vector<1x1x16xi32> to vector<16xi32>
        %shift_left3A_620 = arith.constant 16 : i32
        %shift_left3A_621 = vector.broadcast %shift_left3A_620 : i32 to vector<16xi32>
        %shift_left3A_622 = arith.shli %get3A_619, %shift_left3A_621 : vector<16xi32>
        %bitcast_convert_type3A_623 = tpu.bitcast %shift_left3A_622 : vector<16xi32> -> vector<16xf32>
        %and3A_624 = arith.constant -65536 : i32
        %and3A_625 = vector.broadcast %and3A_624 : i32 to vector<16xi32>
        %and3A_626 = arith.andi %get3A_619, %and3A_625 : vector<16xi32>
        %bitcast_convert_type3A_627 = tpu.bitcast %and3A_626 : vector<16xi32> -> vector<16xf32>
        %add3A_628 = arith.addf %add3A_592, %bitcast_convert_type3A_623 : vector<16xf32>
        %add3A_629 = arith.addf %add3A_593, %bitcast_convert_type3A_627 : vector<16xf32>
        %get3A_630 = arith.constant 1 : i32
        %get3A_631 = arith.index_cast %get3A_630 : i32 to index
        %get3A_632 = arith.index_cast %add3A_613 : i32 to index
        %get3A_633 = arith.constant 16 : index
        %get3A_634 = tpu.vector_load %arg10[%get3A_631, %get3A_632, %get3A_633] {strides = array<i32>} : memref<2x120x32xi32, #tpu.memory_space<vmem>>, vector<1x1x16xi32>,
        %get3A_635 = vector.shape_cast %get3A_634 : vector<1x1x16xi32> to vector<16xi32>
        %shift_left3A_636 = arith.constant 16 : i32
        %shift_left3A_637 = vector.broadcast %shift_left3A_636 : i32 to vector<16xi32>
        %shift_left3A_638 = arith.shli %get3A_635, %shift_left3A_637 : vector<16xi32>
        %bitcast_convert_type3A_639 = tpu.bitcast %shift_left3A_638 : vector<16xi32> -> vector<16xf32>
        %and3A_640 = arith.constant -65536 : i32
        %and3A_641 = vector.broadcast %and3A_640 : i32 to vector<16xi32>
        %and3A_642 = arith.andi %get3A_635, %and3A_641 : vector<16xi32>
        %bitcast_convert_type3A_643 = tpu.bitcast %and3A_642 : vector<16xi32> -> vector<16xf32>
        %add3A_644 = arith.addf %add3A_608, %bitcast_convert_type3A_639 : vector<16xf32>
        %add3A_645 = arith.addf %add3A_609, %bitcast_convert_type3A_643 : vector<16xf32>
        scf.yield %add3A_628, %add3A_629, %add3A_644, %add3A_645 : vector<16xf32>, vector<16xf32>, vector<16xf32>, vector<16xf32>
      }
      %scan3A_457 = arith.constant 30 : i32
      %bitcast_convert_type3A_458 = tpu.bitcast %scan3A_456#0 : vector<16xf32> -> vector<16xi32>
      %bitcast_convert_type3A_459 = tpu.bitcast %scan3A_456#1 : vector<16xf32> -> vector<16xi32>
      %add3A_460 = arith.constant 32768 : i32
      %add3A_461 = vector.broadcast %add3A_460 : i32 to vector<16xi32>
      %add3A_462 = arith.addi %bitcast_convert_type3A_458, %add3A_461 : vector<16xi32>
      %shift_right_logical3A_463 = arith.constant 16 : i32
      %shift_right_logical3A_464 = vector.broadcast %shift_right_logical3A_463 : i32 to vector<16xi32>
      %shift_right_logical3A_465 = arith.shrui %add3A_462, %shift_right_logical3A_464 : vector<16xi32>
      %add3A_466 = arith.constant 32768 : i32
      %add3A_467 = vector.broadcast %add3A_466 : i32 to vector<16xi32>
      %add3A_468 = arith.addi %bitcast_convert_type3A_459, %add3A_467 : vector<16xi32>
      %and3A_469 = arith.constant -65536 : i32
      %and3A_470 = vector.broadcast %and3A_469 : i32 to vector<16xi32>
      %and3A_471 = arith.andi %add3A_468, %and3A_470 : vector<16xi32>
      %or3A_472 = arith.ori %shift_right_logical3A_465, %and3A_471 : vector<16xi32>
      %swap3A_473 = arith.index_cast %add3A_437 : i32 to index
      %swap3A_474 = arith.constant 0 : index
      %swap3A_475 = tpu.vector_load %arg11[%swap3A_473, %swap3A_474] {strides = array<i32>} : memref<256x32xi32, #tpu.memory_space<vmem>>, vector<1x16xi32>,
      %swap3A_476 = vector.shape_cast %swap3A_475 : vector<1x16xi32> to vector<16xi32>
      %swap3A_477 = vector.shape_cast %or3A_472 : vector<16xi32> to vector<1x16xi32>
      tpu.vector_store %arg11[%swap3A_473, %swap3A_474], %swap3A_477 {strides = array<i32>} : memref<256x32xi32, #tpu.memory_space<vmem>>, vector<1x16xi32>,
      %bitcast_convert_type3A_478 = tpu.bitcast %scan3A_456#2 : vector<16xf32> -> vector<16xi32>
      %bitcast_convert_type3A_479 = tpu.bitcast %scan3A_456#3 : vector<16xf32> -> vector<16xi32>
      %add3A_480 = arith.constant 32768 : i32
      %add3A_481 = vector.broadcast %add3A_480 : i32 to vector<16xi32>
      %add3A_482 = arith.addi %bitcast_convert_type3A_478, %add3A_481 : vector<16xi32>
      %shift_right_logical3A_483 = arith.constant 16 : i32
      %shift_right_logical3A_484 = vector.broadcast %shift_right_logical3A_483 : i32 to vector<16xi32>
      %shift_right_logical3A_485 = arith.shrui %add3A_482, %shift_right_logical3A_484 : vector<16xi32>
      %add3A_486 = arith.constant 32768 : i32
      %add3A_487 = vector.broadcast %add3A_486 : i32 to vector<16xi32>
      %add3A_488 = arith.addi %bitcast_convert_type3A_479, %add3A_487 : vector<16xi32>
      %and3A_489 = arith.constant -65536 : i32
      %and3A_490 = vector.broadcast %and3A_489 : i32 to vector<16xi32>
      %and3A_491 = arith.andi %add3A_488, %and3A_490 : vector<16xi32>
      %or3A_492 = arith.ori %shift_right_logical3A_485, %and3A_491 : vector<16xi32>
      %swap3A_493 = arith.index_cast %add3A_437 : i32 to index
      %swap3A_494 = arith.constant 16 : index
      %swap3A_495 = tpu.vector_load %arg11[%swap3A_493, %swap3A_494] {strides = array<i32>} : memref<256x32xi32, #tpu.memory_space<vmem>>, vector<1x16xi32>,
      %swap3A_496 = vector.shape_cast %swap3A_495 : vector<1x16xi32> to vector<16xi32>
      %swap3A_497 = vector.shape_cast %or3A_492 : vector<16xi32> to vector<1x16xi32>
      tpu.vector_store %arg11[%swap3A_493, %swap3A_494], %swap3A_497 {strides = array<i32>} : memref<256x32xi32, #tpu.memory_space<vmem>>, vector<1x16xi32>,
    }
    %scan3A_29 = arith.constant 8 : i32
    %barrier3A_30 = arith.constant 0 : index
    tpu.barrier barrier_id(%barrier3A_30)
    %mul3A_31 = arith.constant 3125 : i32
    %mul3A_32 = arith.muli %arg1, %mul3A_31 : i32
    %add3A_33 = arith.constant 50000 : i32
    %add3A_34 = arith.addi %add3A_33, %mul3A_32 : i32
    %mul3A_35 = arith.constant 3125 : i32
    %mul3A_36 = arith.muli %arg1, %mul3A_35 : i32
    %add3A_37 = arith.constant 1 : i32
    %add3A_38 = arith.addi %add3A_37, %mul3A_36 : i32
    "tpu.region"() ({
      %run_scoped3A = tpu.sem_alloc : memref<!tpu.dma_semaphore, #tpu.memory_space<semaphore_mem>>
      %dma_start3A = arith.constant 0 : i32
      %dma_start3A_48 = tpu.memref_slice %arg13[%add3A_38, %dma_start3A] : memref<50001x32xi32, #tpu.memory_space<vmem_shared>> -> memref<3125x32xi32, #tpu.memory_space<vmem_shared>>
      %dma_start3A_49 = arith.constant 0 : i32
      %dma_start3A_50 = tpu.memref_slice %arg3[%add3A_34, %dma_start3A_49] : memref<100000x32xi32, #tpu.memory_space<hbm>> -> memref<3125x32xi32, #tpu.memory_space<hbm>>
      tpu.enqueue_dma source(%dma_start3A_50 : memref<3125x32xi32, #tpu.memory_space<hbm>>) target(%dma_start3A_48 : memref<3125x32xi32, #tpu.memory_space<vmem_shared>>) target_semaphore(%run_scoped3A : memref<!tpu.dma_semaphore, #tpu.memory_space<semaphore_mem>>)
      %dma_wait3A = arith.constant 0 : i32
      %dma_wait3A_51 = tpu.memref_slice %arg13[%add3A_38, %dma_wait3A] : memref<50001x32xi32, #tpu.memory_space<vmem_shared>> -> memref<3125x32xi32, #tpu.memory_space<vmem_shared>>
      %dma_wait3A_52 = arith.constant 0 : i32
      %dma_wait3A_53 = tpu.memref_slice %arg3[%add3A_34, %dma_wait3A_52] : memref<100000x32xi32, #tpu.memory_space<hbm>> -> memref<3125x32xi32, #tpu.memory_space<hbm>>
      tpu.wait_dma2 semaphore(%run_scoped3A : memref<!tpu.dma_semaphore, #tpu.memory_space<semaphore_mem>>) src(%dma_wait3A_53 : memref<3125x32xi32, #tpu.memory_space<hbm>>) dst(%dma_wait3A_51 : memref<3125x32xi32, #tpu.memory_space<vmem_shared>>)
      tpu.yield
    }) : () -> ()
    %barrier3A_39 = arith.constant 0 : index
    tpu.barrier barrier_id(%barrier3A_39)
    %scan3A_40 = arith.constant 0 : i32
    %scan3A_41 = arith.constant 50000 : i32
    %scan3A_42 = arith.constant 5.000000e-03 : f32
    %scan3A_43 = arith.constant 0 : i32
    %scan3A_44 = arith.constant 8 : i32
    %scan3A_45 = arith.addi %scan3A_43, %scan3A_44 : i32
    %scan3A_46 = arith.constant 1 : i32
    scf.for %scan3A_48 = %scan3A_43 to %scan3A_45 step %scan3A_46  : i32 {
      %mul3A_49 = arith.constant 32 : i32
      %mul3A_50 = arith.muli %scan3A_48, %mul3A_49 : i32
      %add3A_51 = arith.addi %mul3A_2, %mul3A_50 : i32
      "tpu.region"() ({
        %run_scoped3A = tpu.sem_alloc : memref<!tpu.dma_semaphore, #tpu.memory_space<semaphore_mem>>
        %dma_start3A_503 = arith.constant 0 : i32
        %dma_start3A_504 = tpu.memref_slice %arg2[%add3A_51, %dma_start3A_503] : memref<8192x208xi32, #tpu.memory_space<hbm>> -> memref<32x208xi32, #tpu.memory_space<hbm>>
        %dma_start3A_505 = arith.constant 0 : i32
        %dma_start3A_506 = tpu.memref_slice %arg2[%add3A_51, %dma_start3A_505] : memref<8192x208xi32, #tpu.memory_space<hbm>> -> memref<32x208xi32, #tpu.memory_space<hbm>>
        tpu.enqueue_dma source(%dma_start3A_506 : memref<32x208xi32, #tpu.memory_space<hbm>>) target(%arg5 : memref<32x208xi32, #tpu.memory_space<vmem>>) target_semaphore(%run_scoped3A : memref<!tpu.dma_semaphore, #tpu.memory_space<semaphore_mem>>)
        %dma_wait3A_507 = arith.constant 0 : i32
        %dma_wait3A_508 = tpu.memref_slice %arg2[%add3A_51, %dma_wait3A_507] : memref<8192x208xi32, #tpu.memory_space<hbm>> -> memref<32x208xi32, #tpu.memory_space<hbm>>
        %dma_wait3A_509 = arith.constant 0 : i32
        %dma_wait3A_510 = tpu.memref_slice %arg2[%add3A_51, %dma_wait3A_509] : memref<8192x208xi32, #tpu.memory_space<hbm>> -> memref<32x208xi32, #tpu.memory_space<hbm>>
        tpu.wait_dma2 semaphore(%run_scoped3A : memref<!tpu.dma_semaphore, #tpu.memory_space<semaphore_mem>>) src(%dma_wait3A_510 : memref<32x208xi32, #tpu.memory_space<hbm>>) dst(%arg5 : memref<32x208xi32, #tpu.memory_space<vmem>>)
        tpu.yield
      }) : () -> ()
      %get3A = arith.constant 0 : i32
      %get3A_52 = arith.index_cast %get3A : i32 to index
      %get3A_53 = arith.constant 0 : index
      %get3A_54 = tpu.vector_load %arg5[%get3A_52, %get3A_53] {strides = array<i32>} : memref<32x208xi32, #tpu.memory_space<vmem>>, vector<1x16xi32>,
      %get3A_55 = vector.shape_cast %get3A_54 : vector<1x16xi32> to vector<16xi32>
      %ge3A = vector.broadcast %scan3A_41 : i32 to vector<16xi32>
      %ge3A_56 = arith.cmpi sge, %get3A_55, %ge3A : vector<16xi32>
      %add3A_57 = arith.constant 50000 : i32
      %add3A_58 = arith.addi %scan3A_41, %add3A_57 : i32
      %lt3A = vector.broadcast %add3A_58 : i32 to vector<16xi32>
      %lt3A_59 = arith.cmpi slt, %get3A_55, %lt3A : vector<16xi32>
      %and3A = arith.andi %ge3A_56, %lt3A_59 : vector<16xi1>
      %sub3A = arith.constant 1 : i32
      %sub3A_60 = arith.subi %scan3A_41, %sub3A : i32
      %sub3A_61 = vector.broadcast %sub3A_60 : i32 to vector<16xi32>
      %sub3A_62 = arith.subi %get3A_55, %sub3A_61 : vector<16xi32>
      %jit3A = arith.constant 0 : i32
      %broadcast_in_dim3A_63 = vector.broadcast %jit3A : i32 to vector<16xi32>
      %select_n3A = arith.select %and3A, %sub3A_62, %broadcast_in_dim3A_63 : vector<16xi1>, vector<16xi32>
      %swap3A_64 = arith.constant 0 : index
      %swap3A_65 = tpu.vector_load %arg6[%swap3A_64] {strides = array<i32>} : memref<80xi32, #tpu.memory_space<vmem>>, vector<16xi32>,
      %swap3A_66 = vector.shape_cast %swap3A_65 : vector<16xi32> to vector<16xi32>
      %swap3A_67 = vector.shape_cast %select_n3A : vector<16xi32> to vector<16xi32>
      tpu.vector_store %arg6[%swap3A_64], %swap3A_67 {strides = array<i32>} : memref<80xi32, #tpu.memory_space<vmem>>, vector<16xi32>,
      %get3A_68 = arith.constant 0 : i32
      %get3A_69 = arith.index_cast %get3A_68 : i32 to index
      %get3A_70 = arith.constant 16 : index
      %get3A_71 = tpu.vector_load %arg5[%get3A_69, %get3A_70] {strides = array<i32>} : memref<32x208xi32, #tpu.memory_space<vmem>>, vector<1x16xi32>,
      %get3A_72 = vector.shape_cast %get3A_71 : vector<1x16xi32> to vector<16xi32>
      %ge3A_73 = vector.broadcast %scan3A_41 : i32 to vector<16xi32>
      %ge3A_74 = arith.cmpi sge, %get3A_72, %ge3A_73 : vector<16xi32>
      %add3A_75 = arith.constant 50000 : i32
      %add3A_76 = arith.addi %scan3A_41, %add3A_75 : i32
      %lt3A_77 = vector.broadcast %add3A_76 : i32 to vector<16xi32>
      %lt3A_78 = arith.cmpi slt, %get3A_72, %lt3A_77 : vector<16xi32>
      %and3A_79 = arith.andi %ge3A_74, %lt3A_78 : vector<16xi1>
      %sub3A_80 = arith.constant 1 : i32
      %sub3A_81 = arith.subi %scan3A_41, %sub3A_80 : i32
      %sub3A_82 = vector.broadcast %sub3A_81 : i32 to vector<16xi32>
      %sub3A_83 = arith.subi %get3A_72, %sub3A_82 : vector<16xi32>
      %jit3A_84 = arith.constant 0 : i32
      %broadcast_in_dim3A_85 = vector.broadcast %jit3A_84 : i32 to vector<16xi32>
      %select_n3A_86 = arith.select %and3A_79, %sub3A_83, %broadcast_in_dim3A_85 : vector<16xi1>, vector<16xi32>
      %swap3A_87 = arith.constant 16 : index
      %swap3A_88 = tpu.vector_load %arg6[%swap3A_87] {strides = array<i32>} : memref<80xi32, #tpu.memory_space<vmem>>, vector<16xi32>,
      %swap3A_89 = vector.shape_cast %swap3A_88 : vector<16xi32> to vector<16xi32>
      %swap3A_90 = vector.shape_cast %select_n3A_86 : vector<16xi32> to vector<16xi32>
      tpu.vector_store %arg6[%swap3A_87], %swap3A_90 {strides = array<i32>} : memref<80xi32, #tpu.memory_space<vmem>>, vector<16xi32>,
      %get3A_91 = arith.constant 0 : i32
      %get3A_92 = arith.index_cast %get3A_91 : i32 to index
      %get3A_93 = arith.constant 32 : index
      %get3A_94 = tpu.vector_load %arg5[%get3A_92, %get3A_93] {strides = array<i32>} : memref<32x208xi32, #tpu.memory_space<vmem>>, vector<1x16xi32>,
      %get3A_95 = vector.shape_cast %get3A_94 : vector<1x16xi32> to vector<16xi32>
      %ge3A_96 = vector.broadcast %scan3A_41 : i32 to vector<16xi32>
      %ge3A_97 = arith.cmpi sge, %get3A_95, %ge3A_96 : vector<16xi32>
      %add3A_98 = arith.constant 50000 : i32
      %add3A_99 = arith.addi %scan3A_41, %add3A_98 : i32
      %lt3A_100 = vector.broadcast %add3A_99 : i32 to vector<16xi32>
      %lt3A_101 = arith.cmpi slt, %get3A_95, %lt3A_100 : vector<16xi32>
      %and3A_102 = arith.andi %ge3A_97, %lt3A_101 : vector<16xi1>
      %sub3A_103 = arith.constant 1 : i32
      %sub3A_104 = arith.subi %scan3A_41, %sub3A_103 : i32
      %sub3A_105 = vector.broadcast %sub3A_104 : i32 to vector<16xi32>
      %sub3A_106 = arith.subi %get3A_95, %sub3A_105 : vector<16xi32>
      %jit3A_107 = arith.constant 0 : i32
      %broadcast_in_dim3A_108 = vector.broadcast %jit3A_107 : i32 to vector<16xi32>
      %select_n3A_109 = arith.select %and3A_102, %sub3A_106, %broadcast_in_dim3A_108 : vector<16xi1>, vector<16xi32>
      %swap3A_110 = arith.constant 32 : index
      %swap3A_111 = tpu.vector_load %arg6[%swap3A_110] {strides = array<i32>} : memref<80xi32, #tpu.memory_space<vmem>>, vector<16xi32>,
      %swap3A_112 = vector.shape_cast %swap3A_111 : vector<16xi32> to vector<16xi32>
      %swap3A_113 = vector.shape_cast %select_n3A_109 : vector<16xi32> to vector<16xi32>
      tpu.vector_store %arg6[%swap3A_110], %swap3A_113 {strides = array<i32>} : memref<80xi32, #tpu.memory_space<vmem>>, vector<16xi32>,
      %get3A_114 = arith.constant 0 : i32
      %get3A_115 = arith.index_cast %get3A_114 : i32 to index
      %get3A_116 = arith.constant 48 : index
      %get3A_117 = tpu.vector_load %arg5[%get3A_115, %get3A_116] {strides = array<i32>} : memref<32x208xi32, #tpu.memory_space<vmem>>, vector<1x16xi32>,
      %get3A_118 = vector.shape_cast %get3A_117 : vector<1x16xi32> to vector<16xi32>
      %ge3A_119 = vector.broadcast %scan3A_41 : i32 to vector<16xi32>
      %ge3A_120 = arith.cmpi sge, %get3A_118, %ge3A_119 : vector<16xi32>
      %add3A_121 = arith.constant 50000 : i32
      %add3A_122 = arith.addi %scan3A_41, %add3A_121 : i32
      %lt3A_123 = vector.broadcast %add3A_122 : i32 to vector<16xi32>
      %lt3A_124 = arith.cmpi slt, %get3A_118, %lt3A_123 : vector<16xi32>
      %and3A_125 = arith.andi %ge3A_120, %lt3A_124 : vector<16xi1>
      %sub3A_126 = arith.constant 1 : i32
      %sub3A_127 = arith.subi %scan3A_41, %sub3A_126 : i32
      %sub3A_128 = vector.broadcast %sub3A_127 : i32 to vector<16xi32>
      %sub3A_129 = arith.subi %get3A_118, %sub3A_128 : vector<16xi32>
      %jit3A_130 = arith.constant 0 : i32
      %broadcast_in_dim3A_131 = vector.broadcast %jit3A_130 : i32 to vector<16xi32>
      %select_n3A_132 = arith.select %and3A_125, %sub3A_129, %broadcast_in_dim3A_131 : vector<16xi1>, vector<16xi32>
      %swap3A_133 = arith.constant 48 : index
      %swap3A_134 = tpu.vector_load %arg6[%swap3A_133] {strides = array<i32>} : memref<80xi32, #tpu.memory_space<vmem>>, vector<16xi32>,
      %swap3A_135 = vector.shape_cast %swap3A_134 : vector<16xi32> to vector<16xi32>
      %swap3A_136 = vector.shape_cast %select_n3A_132 : vector<16xi32> to vector<16xi32>
      tpu.vector_store %arg6[%swap3A_133], %swap3A_136 {strides = array<i32>} : memref<80xi32, #tpu.memory_space<vmem>>, vector<16xi32>,
      %get3A_137 = arith.constant 0 : i32
      %get3A_138 = arith.index_cast %get3A_137 : i32 to index
      %get3A_139 = arith.constant 64 : index
      %get3A_140 = tpu.vector_load %arg5[%get3A_138, %get3A_139] {strides = array<i32>} : memref<32x208xi32, #tpu.memory_space<vmem>>, vector<1x16xi32>,
      %get3A_141 = vector.shape_cast %get3A_140 : vector<1x16xi32> to vector<16xi32>
      %ge3A_142 = vector.broadcast %scan3A_41 : i32 to vector<16xi32>
      %ge3A_143 = arith.cmpi sge, %get3A_141, %ge3A_142 : vector<16xi32>
      %add3A_144 = arith.constant 50000 : i32
      %add3A_145 = arith.addi %scan3A_41, %add3A_144 : i32
      %lt3A_146 = vector.broadcast %add3A_145 : i32 to vector<16xi32>
      %lt3A_147 = arith.cmpi slt, %get3A_141, %lt3A_146 : vector<16xi32>
      %and3A_148 = arith.andi %ge3A_143, %lt3A_147 : vector<16xi1>
      %sub3A_149 = arith.constant 1 : i32
      %sub3A_150 = arith.subi %scan3A_41, %sub3A_149 : i32
      %sub3A_151 = vector.broadcast %sub3A_150 : i32 to vector<16xi32>
      %sub3A_152 = arith.subi %get3A_141, %sub3A_151 : vector<16xi32>
      %jit3A_153 = arith.constant 0 : i32
      %broadcast_in_dim3A_154 = vector.broadcast %jit3A_153 : i32 to vector<16xi32>
      %select_n3A_155 = arith.select %and3A_148, %sub3A_152, %broadcast_in_dim3A_154 : vector<16xi1>, vector<16xi32>
      %swap3A_156 = arith.constant 64 : index
      %swap3A_157 = tpu.vector_load %arg6[%swap3A_156] {strides = array<i32>} : memref<80xi32, #tpu.memory_space<vmem>>, vector<16xi32>,
      %swap3A_158 = vector.shape_cast %swap3A_157 : vector<16xi32> to vector<16xi32>
      %swap3A_159 = vector.shape_cast %select_n3A_155 : vector<16xi32> to vector<16xi32>
      tpu.vector_store %arg6[%swap3A_156], %swap3A_159 {strides = array<i32>} : memref<80xi32, #tpu.memory_space<vmem>>, vector<16xi32>,
      %dma_start3A = arith.constant 0 : i32
      %dma_start3A_160 = arith.constant 0 : i32
      %dma_start3A_161 = tpu.memref_slice %arg8[%dma_start3A, %dma_start3A_160] : memref<80x32xi32, #tpu.memory_space<vmem>> -> memref<40x32xi32, #tpu.memory_space<vmem>>
      %dma_start3A_162 = arith.constant 0 : i32
      %dma_start3A_163 = tpu.memref_slice %arg6[%dma_start3A_162] : memref<80xi32, #tpu.memory_space<vmem>> -> memref<40xi32, #tpu.memory_space<vmem>>
      %dma_start3A_164 = arith.constant 0 : i32
      %dma_start3A_165 = arith.constant 0 : i32
      %dma_start3A_166 = tpu.memref_slice %arg13[%dma_start3A_164, %dma_start3A_165] : memref<50001x32xi32, #tpu.memory_space<vmem_shared>> -> memref<50001x32xi32, #tpu.memory_space<vmem_shared>>
      tpu.enqueue_indirect_dma source(%dma_start3A_166 : memref<50001x32xi32, #tpu.memory_space<vmem_shared>>) target(%dma_start3A_161 : memref<40x32xi32, #tpu.memory_space<vmem>>) offsets(%dma_start3A_163 : memref<40xi32, #tpu.memory_space<vmem>>) semaphore(%arg14 : memref<!tpu.dma_semaphore, #tpu.memory_space<semaphore_mem>>)
      %dma_start3A_167 = arith.constant 40 : i32
      %dma_start3A_168 = arith.constant 0 : i32
      %dma_start3A_169 = tpu.memref_slice %arg8[%dma_start3A_167, %dma_start3A_168] : memref<80x32xi32, #tpu.memory_space<vmem>> -> memref<40x32xi32, #tpu.memory_space<vmem>>
      %dma_start3A_170 = arith.constant 40 : i32
      %dma_start3A_171 = tpu.memref_slice %arg6[%dma_start3A_170] : memref<80xi32, #tpu.memory_space<vmem>> -> memref<40xi32, #tpu.memory_space<vmem>>
      %dma_start3A_172 = arith.constant 0 : i32
      %dma_start3A_173 = arith.constant 0 : i32
      %dma_start3A_174 = tpu.memref_slice %arg13[%dma_start3A_172, %dma_start3A_173] : memref<50001x32xi32, #tpu.memory_space<vmem_shared>> -> memref<50001x32xi32, #tpu.memory_space<vmem_shared>>
      tpu.enqueue_indirect_dma source(%dma_start3A_174 : memref<50001x32xi32, #tpu.memory_space<vmem_shared>>) target(%dma_start3A_169 : memref<40x32xi32, #tpu.memory_space<vmem>>) offsets(%dma_start3A_171 : memref<40xi32, #tpu.memory_space<vmem>>) semaphore(%arg14 : memref<!tpu.dma_semaphore, #tpu.memory_space<semaphore_mem>>)
      %get3A_175 = arith.constant 1 : i32
      %get3A_176 = arith.index_cast %get3A_175 : i32 to index
      %get3A_177 = arith.constant 0 : index
      %get3A_178 = tpu.vector_load %arg5[%get3A_176, %get3A_177] {strides = array<i32>} : memref<32x208xi32, #tpu.memory_space<vmem>>, vector<1x16xi32>,
      %get3A_179 = vector.shape_cast %get3A_178 : vector<1x16xi32> to vector<16xi32>
      %ge3A_180 = vector.broadcast %scan3A_41 : i32 to vector<16xi32>
      %ge3A_181 = arith.cmpi sge, %get3A_179, %ge3A_180 : vector<16xi32>
      %add3A_182 = arith.constant 50000 : i32
      %add3A_183 = arith.addi %scan3A_41, %add3A_182 : i32
      %lt3A_184 = vector.broadcast %add3A_183 : i32 to vector<16xi32>
      %lt3A_185 = arith.cmpi slt, %get3A_179, %lt3A_184 : vector<16xi32>
      %and3A_186 = arith.andi %ge3A_181, %lt3A_185 : vector<16xi1>
      %sub3A_187 = arith.constant 1 : i32
      %sub3A_188 = arith.subi %scan3A_41, %sub3A_187 : i32
      %sub3A_189 = vector.broadcast %sub3A_188 : i32 to vector<16xi32>
      %sub3A_190 = arith.subi %get3A_179, %sub3A_189 : vector<16xi32>
      %jit3A_191 = arith.constant 0 : i32
      %broadcast_in_dim3A_192 = vector.broadcast %jit3A_191 : i32 to vector<16xi32>
      %select_n3A_193 = arith.select %and3A_186, %sub3A_190, %broadcast_in_dim3A_192 : vector<16xi1>, vector<16xi32>
      %swap3A_194 = arith.constant 0 : index
      %swap3A_195 = tpu.vector_load %arg7[%swap3A_194] {strides = array<i32>} : memref<80xi32, #tpu.memory_space<vmem>>, vector<16xi32>,
      %swap3A_196 = vector.shape_cast %swap3A_195 : vector<16xi32> to vector<16xi32>
      %swap3A_197 = vector.shape_cast %select_n3A_193 : vector<16xi32> to vector<16xi32>
      tpu.vector_store %arg7[%swap3A_194], %swap3A_197 {strides = array<i32>} : memref<80xi32, #tpu.memory_space<vmem>>, vector<16xi32>,
      %get3A_198 = arith.constant 1 : i32
      %get3A_199 = arith.index_cast %get3A_198 : i32 to index
      %get3A_200 = arith.constant 16 : index
      %get3A_201 = tpu.vector_load %arg5[%get3A_199, %get3A_200] {strides = array<i32>} : memref<32x208xi32, #tpu.memory_space<vmem>>, vector<1x16xi32>,
      %get3A_202 = vector.shape_cast %get3A_201 : vector<1x16xi32> to vector<16xi32>
      %ge3A_203 = vector.broadcast %scan3A_41 : i32 to vector<16xi32>
      %ge3A_204 = arith.cmpi sge, %get3A_202, %ge3A_203 : vector<16xi32>
      %add3A_205 = arith.constant 50000 : i32
      %add3A_206 = arith.addi %scan3A_41, %add3A_205 : i32
      %lt3A_207 = vector.broadcast %add3A_206 : i32 to vector<16xi32>
      %lt3A_208 = arith.cmpi slt, %get3A_202, %lt3A_207 : vector<16xi32>
      %and3A_209 = arith.andi %ge3A_204, %lt3A_208 : vector<16xi1>
      %sub3A_210 = arith.constant 1 : i32
      %sub3A_211 = arith.subi %scan3A_41, %sub3A_210 : i32
      %sub3A_212 = vector.broadcast %sub3A_211 : i32 to vector<16xi32>
      %sub3A_213 = arith.subi %get3A_202, %sub3A_212 : vector<16xi32>
      %jit3A_214 = arith.constant 0 : i32
      %broadcast_in_dim3A_215 = vector.broadcast %jit3A_214 : i32 to vector<16xi32>
      %select_n3A_216 = arith.select %and3A_209, %sub3A_213, %broadcast_in_dim3A_215 : vector<16xi1>, vector<16xi32>
      %swap3A_217 = arith.constant 16 : index
      %swap3A_218 = tpu.vector_load %arg7[%swap3A_217] {strides = array<i32>} : memref<80xi32, #tpu.memory_space<vmem>>, vector<16xi32>,
      %swap3A_219 = vector.shape_cast %swap3A_218 : vector<16xi32> to vector<16xi32>
      %swap3A_220 = vector.shape_cast %select_n3A_216 : vector<16xi32> to vector<16xi32>
      tpu.vector_store %arg7[%swap3A_217], %swap3A_220 {strides = array<i32>} : memref<80xi32, #tpu.memory_space<vmem>>, vector<16xi32>,
      %get3A_221 = arith.constant 1 : i32
      %get3A_222 = arith.index_cast %get3A_221 : i32 to index
      %get3A_223 = arith.constant 32 : index
      %get3A_224 = tpu.vector_load %arg5[%get3A_222, %get3A_223] {strides = array<i32>} : memref<32x208xi32, #tpu.memory_space<vmem>>, vector<1x16xi32>,
      %get3A_225 = vector.shape_cast %get3A_224 : vector<1x16xi32> to vector<16xi32>
      %ge3A_226 = vector.broadcast %scan3A_41 : i32 to vector<16xi32>
      %ge3A_227 = arith.cmpi sge, %get3A_225, %ge3A_226 : vector<16xi32>
      %add3A_228 = arith.constant 50000 : i32
      %add3A_229 = arith.addi %scan3A_41, %add3A_228 : i32
      %lt3A_230 = vector.broadcast %add3A_229 : i32 to vector<16xi32>
      %lt3A_231 = arith.cmpi slt, %get3A_225, %lt3A_230 : vector<16xi32>
      %and3A_232 = arith.andi %ge3A_227, %lt3A_231 : vector<16xi1>
      %sub3A_233 = arith.constant 1 : i32
      %sub3A_234 = arith.subi %scan3A_41, %sub3A_233 : i32
      %sub3A_235 = vector.broadcast %sub3A_234 : i32 to vector<16xi32>
      %sub3A_236 = arith.subi %get3A_225, %sub3A_235 : vector<16xi32>
      %jit3A_237 = arith.constant 0 : i32
      %broadcast_in_dim3A_238 = vector.broadcast %jit3A_237 : i32 to vector<16xi32>
      %select_n3A_239 = arith.select %and3A_232, %sub3A_236, %broadcast_in_dim3A_238 : vector<16xi1>, vector<16xi32>
      %swap3A_240 = arith.constant 32 : index
      %swap3A_241 = tpu.vector_load %arg7[%swap3A_240] {strides = array<i32>} : memref<80xi32, #tpu.memory_space<vmem>>, vector<16xi32>,
      %swap3A_242 = vector.shape_cast %swap3A_241 : vector<16xi32> to vector<16xi32>
      %swap3A_243 = vector.shape_cast %select_n3A_239 : vector<16xi32> to vector<16xi32>
      tpu.vector_store %arg7[%swap3A_240], %swap3A_243 {strides = array<i32>} : memref<80xi32, #tpu.memory_space<vmem>>, vector<16xi32>,
      %get3A_244 = arith.constant 1 : i32
      %get3A_245 = arith.index_cast %get3A_244 : i32 to index
      %get3A_246 = arith.constant 48 : index
      %get3A_247 = tpu.vector_load %arg5[%get3A_245, %get3A_246] {strides = array<i32>} : memref<32x208xi32, #tpu.memory_space<vmem>>, vector<1x16xi32>,
      %get3A_248 = vector.shape_cast %get3A_247 : vector<1x16xi32> to vector<16xi32>
      %ge3A_249 = vector.broadcast %scan3A_41 : i32 to vector<16xi32>
      %ge3A_250 = arith.cmpi sge, %get3A_248, %ge3A_249 : vector<16xi32>
      %add3A_251 = arith.constant 50000 : i32
      %add3A_252 = arith.addi %scan3A_41, %add3A_251 : i32
      %lt3A_253 = vector.broadcast %add3A_252 : i32 to vector<16xi32>
      %lt3A_254 = arith.cmpi slt, %get3A_248, %lt3A_253 : vector<16xi32>
      %and3A_255 = arith.andi %ge3A_250, %lt3A_254 : vector<16xi1>
      %sub3A_256 = arith.constant 1 : i32
      %sub3A_257 = arith.subi %scan3A_41, %sub3A_256 : i32
      %sub3A_258 = vector.broadcast %sub3A_257 : i32 to vector<16xi32>
      %sub3A_259 = arith.subi %get3A_248, %sub3A_258 : vector<16xi32>
      %jit3A_260 = arith.constant 0 : i32
      %broadcast_in_dim3A_261 = vector.broadcast %jit3A_260 : i32 to vector<16xi32>
      %select_n3A_262 = arith.select %and3A_255, %sub3A_259, %broadcast_in_dim3A_261 : vector<16xi1>, vector<16xi32>
      %swap3A_263 = arith.constant 48 : index
      %swap3A_264 = tpu.vector_load %arg7[%swap3A_263] {strides = array<i32>} : memref<80xi32, #tpu.memory_space<vmem>>, vector<16xi32>,
      %swap3A_265 = vector.shape_cast %swap3A_264 : vector<16xi32> to vector<16xi32>
      %swap3A_266 = vector.shape_cast %select_n3A_262 : vector<16xi32> to vector<16xi32>
      tpu.vector_store %arg7[%swap3A_263], %swap3A_266 {strides = array<i32>} : memref<80xi32, #tpu.memory_space<vmem>>, vector<16xi32>,
      %get3A_267 = arith.constant 1 : i32
      %get3A_268 = arith.index_cast %get3A_267 : i32 to index
      %get3A_269 = arith.constant 64 : index
      %get3A_270 = tpu.vector_load %arg5[%get3A_268, %get3A_269] {strides = array<i32>} : memref<32x208xi32, #tpu.memory_space<vmem>>, vector<1x16xi32>,
      %get3A_271 = vector.shape_cast %get3A_270 : vector<1x16xi32> to vector<16xi32>
      %ge3A_272 = vector.broadcast %scan3A_41 : i32 to vector<16xi32>
      %ge3A_273 = arith.cmpi sge, %get3A_271, %ge3A_272 : vector<16xi32>
      %add3A_274 = arith.constant 50000 : i32
      %add3A_275 = arith.addi %scan3A_41, %add3A_274 : i32
      %lt3A_276 = vector.broadcast %add3A_275 : i32 to vector<16xi32>
      %lt3A_277 = arith.cmpi slt, %get3A_271, %lt3A_276 : vector<16xi32>
      %and3A_278 = arith.andi %ge3A_273, %lt3A_277 : vector<16xi1>
      %sub3A_279 = arith.constant 1 : i32
      %sub3A_280 = arith.subi %scan3A_41, %sub3A_279 : i32
      %sub3A_281 = vector.broadcast %sub3A_280 : i32 to vector<16xi32>
      %sub3A_282 = arith.subi %get3A_271, %sub3A_281 : vector<16xi32>
      %jit3A_283 = arith.constant 0 : i32
      %broadcast_in_dim3A_284 = vector.broadcast %jit3A_283 : i32 to vector<16xi32>
      %select_n3A_285 = arith.select %and3A_278, %sub3A_282, %broadcast_in_dim3A_284 : vector<16xi1>, vector<16xi32>
      %swap3A_286 = arith.constant 64 : index
      %swap3A_287 = tpu.vector_load %arg7[%swap3A_286] {strides = array<i32>} : memref<80xi32, #tpu.memory_space<vmem>>, vector<16xi32>,
      %swap3A_288 = vector.shape_cast %swap3A_287 : vector<16xi32> to vector<16xi32>
      %swap3A_289 = vector.shape_cast %select_n3A_285 : vector<16xi32> to vector<16xi32>
      tpu.vector_store %arg7[%swap3A_286], %swap3A_289 {strides = array<i32>} : memref<80xi32, #tpu.memory_space<vmem>>, vector<16xi32>,
      %dma_start3A_290 = arith.constant 0 : i32
      %dma_start3A_291 = arith.constant 0 : i32
      %dma_start3A_292 = tpu.memref_slice %arg9[%dma_start3A_290, %dma_start3A_291] : memref<80x32xi32, #tpu.memory_space<vmem>> -> memref<40x32xi32, #tpu.memory_space<vmem>>
      %dma_start3A_293 = arith.constant 0 : i32
      %dma_start3A_294 = tpu.memref_slice %arg7[%dma_start3A_293] : memref<80xi32, #tpu.memory_space<vmem>> -> memref<40xi32, #tpu.memory_space<vmem>>
      %dma_start3A_295 = arith.constant 0 : i32
      %dma_start3A_296 = arith.constant 0 : i32
      %dma_start3A_297 = tpu.memref_slice %arg13[%dma_start3A_295, %dma_start3A_296] : memref<50001x32xi32, #tpu.memory_space<vmem_shared>> -> memref<50001x32xi32, #tpu.memory_space<vmem_shared>>
      tpu.enqueue_indirect_dma source(%dma_start3A_297 : memref<50001x32xi32, #tpu.memory_space<vmem_shared>>) target(%dma_start3A_292 : memref<40x32xi32, #tpu.memory_space<vmem>>) offsets(%dma_start3A_294 : memref<40xi32, #tpu.memory_space<vmem>>) semaphore(%arg15 : memref<!tpu.dma_semaphore, #tpu.memory_space<semaphore_mem>>)
      %dma_start3A_298 = arith.constant 40 : i32
      %dma_start3A_299 = arith.constant 0 : i32
      %dma_start3A_300 = tpu.memref_slice %arg9[%dma_start3A_298, %dma_start3A_299] : memref<80x32xi32, #tpu.memory_space<vmem>> -> memref<40x32xi32, #tpu.memory_space<vmem>>
      %dma_start3A_301 = arith.constant 40 : i32
      %dma_start3A_302 = tpu.memref_slice %arg7[%dma_start3A_301] : memref<80xi32, #tpu.memory_space<vmem>> -> memref<40xi32, #tpu.memory_space<vmem>>
      %dma_start3A_303 = arith.constant 0 : i32
      %dma_start3A_304 = arith.constant 0 : i32
      %dma_start3A_305 = tpu.memref_slice %arg13[%dma_start3A_303, %dma_start3A_304] : memref<50001x32xi32, #tpu.memory_space<vmem_shared>> -> memref<50001x32xi32, #tpu.memory_space<vmem_shared>>
      tpu.enqueue_indirect_dma source(%dma_start3A_305 : memref<50001x32xi32, #tpu.memory_space<vmem_shared>>) target(%dma_start3A_300 : memref<40x32xi32, #tpu.memory_space<vmem>>) offsets(%dma_start3A_302 : memref<40xi32, #tpu.memory_space<vmem>>) semaphore(%arg15 : memref<!tpu.dma_semaphore, #tpu.memory_space<semaphore_mem>>)
      %scan3A_306 = arith.constant 0 : i32
      %scan3A_307 = arith.constant 0 : i32
      %scan3A_308 = arith.constant 15 : i32
      %scan3A_309 = arith.addi %scan3A_307, %scan3A_308 : i32
      %scan3A_310 = arith.constant 1 : i32
      scf.for %scan3A_503 = %scan3A_307 to %scan3A_309 step %scan3A_310  : i32 {
        %mul3A_504 = arith.constant 2 : i32
        %mul3A_505 = arith.muli %mul3A_504, %scan3A_503 : i32
        %dma_wait3A_506 = arith.constant 0 : i32
        %dma_wait3A_507 = arith.constant 0 : i32
        %dma_wait3A_508 = tpu.memref_slice %arg13[%dma_wait3A_506, %dma_wait3A_507] : memref<50001x32xi32, #tpu.memory_space<vmem_shared>> -> memref<80x32xi32, #tpu.memory_space<vmem_shared>>
        %dma_wait3A_509 = arith.constant 0 : i32
        %dma_wait3A_510 = arith.constant 0 : i32
        %dma_wait3A_511 = tpu.memref_slice %arg13[%dma_wait3A_509, %dma_wait3A_510] : memref<50001x32xi32, #tpu.memory_space<vmem_shared>> -> memref<80x32xi32, #tpu.memory_space<vmem_shared>>
        tpu.wait_dma2 semaphore(%arg14 : memref<!tpu.dma_semaphore, #tpu.memory_space<semaphore_mem>>) src(%dma_wait3A_511 : memref<80x32xi32, #tpu.memory_space<vmem_shared>>) dst(%arg8 : memref<80x32xi32, #tpu.memory_space<vmem>>)
        %add3A_512 = arith.addi %mul3A_50, %mul3A_505 : i32
        %broadcast_in_dim3A_513 = arith.constant 0.000000e+00 : f32
        %broadcast_in_dim3A_514 = vector.broadcast %broadcast_in_dim3A_513 : f32 to vector<16xf32>
        %broadcast_in_dim3A_515 = arith.constant 0.000000e+00 : f32
        %broadcast_in_dim3A_516 = vector.broadcast %broadcast_in_dim3A_515 : f32 to vector<16xf32>
        %broadcast_in_dim3A_517 = arith.constant 0.000000e+00 : f32
        %broadcast_in_dim3A_518 = vector.broadcast %broadcast_in_dim3A_517 : f32 to vector<16xf32>
        %broadcast_in_dim3A_519 = arith.constant 0.000000e+00 : f32
        %broadcast_in_dim3A_520 = vector.broadcast %broadcast_in_dim3A_519 : f32 to vector<16xf32>
        %scan3A_521 = arith.constant 0 : i32
        %scan3A_522 = arith.constant 20 : i32
        %scan3A_523 = arith.addi %scan3A_521, %scan3A_522 : i32
        %scan3A_524 = arith.constant 1 : i32
        %scan3A_525:4 = scf.for %scan3A_958 = %scan3A_521 to %scan3A_523 step %scan3A_524 iter_args(%scan3A_959 = %broadcast_in_dim3A_514, %scan3A_960 = %broadcast_in_dim3A_516, %scan3A_961 = %broadcast_in_dim3A_518, %scan3A_962 = %broadcast_in_dim3A_520) -> (vector<16xf32>, vector<16xf32>, vector<16xf32>, vector<16xf32>)  : i32 {
          %mul3A_963 = arith.constant 4 : i32
          %mul3A_964 = arith.muli %scan3A_958, %mul3A_963 : i32
          %add3A_965 = arith.constant 0 : i32
          %add3A_966 = arith.addi %mul3A_964, %add3A_965 : i32
          %get3A_967 = arith.index_cast %add3A_966 : i32 to index
          %get3A_968 = arith.constant 0 : index
          %get3A_969 = tpu.vector_load %arg8[%get3A_967, %get3A_968] {strides = array<i32>} : memref<80x32xi32, #tpu.memory_space<vmem>>, vector<1x16xi32>,
          %get3A_970 = vector.shape_cast %get3A_969 : vector<1x16xi32> to vector<16xi32>
          %shift_left3A_971 = arith.constant 16 : i32
          %shift_left3A_972 = vector.broadcast %shift_left3A_971 : i32 to vector<16xi32>
          %shift_left3A_973 = arith.shli %get3A_970, %shift_left3A_972 : vector<16xi32>
          %bitcast_convert_type3A_974 = tpu.bitcast %shift_left3A_973 : vector<16xi32> -> vector<16xf32>
          %and3A_975 = arith.constant -65536 : i32
          %and3A_976 = vector.broadcast %and3A_975 : i32 to vector<16xi32>
          %and3A_977 = arith.andi %get3A_970, %and3A_976 : vector<16xi32>
          %bitcast_convert_type3A_978 = tpu.bitcast %and3A_977 : vector<16xi32> -> vector<16xf32>
          %add3A_979 = arith.addf %scan3A_959, %bitcast_convert_type3A_974 : vector<16xf32>
          %add3A_980 = arith.addf %scan3A_960, %bitcast_convert_type3A_978 : vector<16xf32>
          %get3A_981 = arith.index_cast %add3A_966 : i32 to index
          %get3A_982 = arith.constant 16 : index
          %get3A_983 = tpu.vector_load %arg8[%get3A_981, %get3A_982] {strides = array<i32>} : memref<80x32xi32, #tpu.memory_space<vmem>>, vector<1x16xi32>,
          %get3A_984 = vector.shape_cast %get3A_983 : vector<1x16xi32> to vector<16xi32>
          %shift_left3A_985 = arith.constant 16 : i32
          %shift_left3A_986 = vector.broadcast %shift_left3A_985 : i32 to vector<16xi32>
          %shift_left3A_987 = arith.shli %get3A_984, %shift_left3A_986 : vector<16xi32>
          %bitcast_convert_type3A_988 = tpu.bitcast %shift_left3A_987 : vector<16xi32> -> vector<16xf32>
          %and3A_989 = arith.constant -65536 : i32
          %and3A_990 = vector.broadcast %and3A_989 : i32 to vector<16xi32>
          %and3A_991 = arith.andi %get3A_984, %and3A_990 : vector<16xi32>
          %bitcast_convert_type3A_992 = tpu.bitcast %and3A_991 : vector<16xi32> -> vector<16xf32>
          %add3A_993 = arith.addf %scan3A_961, %bitcast_convert_type3A_988 : vector<16xf32>
          %add3A_994 = arith.addf %scan3A_962, %bitcast_convert_type3A_992 : vector<16xf32>
          %mul3A_995 = arith.constant 4 : i32
          %mul3A_996 = arith.muli %scan3A_958, %mul3A_995 : i32
          %add3A_997 = arith.constant 1 : i32
          %add3A_998 = arith.addi %mul3A_996, %add3A_997 : i32
          %get3A_999 = arith.index_cast %add3A_998 : i32 to index
          %get3A_1000 = arith.constant 0 : index
          %get3A_1001 = tpu.vector_load %arg8[%get3A_999, %get3A_1000] {strides = array<i32>} : memref<80x32xi32, #tpu.memory_space<vmem>>, vector<1x16xi32>,
          %get3A_1002 = vector.shape_cast %get3A_1001 : vector<1x16xi32> to vector<16xi32>
          %shift_left3A_1003 = arith.constant 16 : i32
          %shift_left3A_1004 = vector.broadcast %shift_left3A_1003 : i32 to vector<16xi32>
          %shift_left3A_1005 = arith.shli %get3A_1002, %shift_left3A_1004 : vector<16xi32>
          %bitcast_convert_type3A_1006 = tpu.bitcast %shift_left3A_1005 : vector<16xi32> -> vector<16xf32>
          %and3A_1007 = arith.constant -65536 : i32
          %and3A_1008 = vector.broadcast %and3A_1007 : i32 to vector<16xi32>
          %and3A_1009 = arith.andi %get3A_1002, %and3A_1008 : vector<16xi32>
          %bitcast_convert_type3A_1010 = tpu.bitcast %and3A_1009 : vector<16xi32> -> vector<16xf32>
          %add3A_1011 = arith.addf %add3A_979, %bitcast_convert_type3A_1006 : vector<16xf32>
          %add3A_1012 = arith.addf %add3A_980, %bitcast_convert_type3A_1010 : vector<16xf32>
          %get3A_1013 = arith.index_cast %add3A_998 : i32 to index
          %get3A_1014 = arith.constant 16 : index
          %get3A_1015 = tpu.vector_load %arg8[%get3A_1013, %get3A_1014] {strides = array<i32>} : memref<80x32xi32, #tpu.memory_space<vmem>>, vector<1x16xi32>,
          %get3A_1016 = vector.shape_cast %get3A_1015 : vector<1x16xi32> to vector<16xi32>
          %shift_left3A_1017 = arith.constant 16 : i32
          %shift_left3A_1018 = vector.broadcast %shift_left3A_1017 : i32 to vector<16xi32>
          %shift_left3A_1019 = arith.shli %get3A_1016, %shift_left3A_1018 : vector<16xi32>
          %bitcast_convert_type3A_1020 = tpu.bitcast %shift_left3A_1019 : vector<16xi32> -> vector<16xf32>
          %and3A_1021 = arith.constant -65536 : i32
          %and3A_1022 = vector.broadcast %and3A_1021 : i32 to vector<16xi32>
          %and3A_1023 = arith.andi %get3A_1016, %and3A_1022 : vector<16xi32>
          %bitcast_convert_type3A_1024 = tpu.bitcast %and3A_1023 : vector<16xi32> -> vector<16xf32>
          %add3A_1025 = arith.addf %add3A_993, %bitcast_convert_type3A_1020 : vector<16xf32>
          %add3A_1026 = arith.addf %add3A_994, %bitcast_convert_type3A_1024 : vector<16xf32>
          %mul3A_1027 = arith.constant 4 : i32
          %mul3A_1028 = arith.muli %scan3A_958, %mul3A_1027 : i32
          %add3A_1029 = arith.constant 2 : i32
          %add3A_1030 = arith.addi %mul3A_1028, %add3A_1029 : i32
          %get3A_1031 = arith.index_cast %add3A_1030 : i32 to index
          %get3A_1032 = arith.constant 0 : index
          %get3A_1033 = tpu.vector_load %arg8[%get3A_1031, %get3A_1032] {strides = array<i32>} : memref<80x32xi32, #tpu.memory_space<vmem>>, vector<1x16xi32>,
          %get3A_1034 = vector.shape_cast %get3A_1033 : vector<1x16xi32> to vector<16xi32>
          %shift_left3A_1035 = arith.constant 16 : i32
          %shift_left3A_1036 = vector.broadcast %shift_left3A_1035 : i32 to vector<16xi32>
          %shift_left3A_1037 = arith.shli %get3A_1034, %shift_left3A_1036 : vector<16xi32>
          %bitcast_convert_type3A_1038 = tpu.bitcast %shift_left3A_1037 : vector<16xi32> -> vector<16xf32>
          %and3A_1039 = arith.constant -65536 : i32
          %and3A_1040 = vector.broadcast %and3A_1039 : i32 to vector<16xi32>
          %and3A_1041 = arith.andi %get3A_1034, %and3A_1040 : vector<16xi32>
          %bitcast_convert_type3A_1042 = tpu.bitcast %and3A_1041 : vector<16xi32> -> vector<16xf32>
          %add3A_1043 = arith.addf %add3A_1011, %bitcast_convert_type3A_1038 : vector<16xf32>
          %add3A_1044 = arith.addf %add3A_1012, %bitcast_convert_type3A_1042 : vector<16xf32>
          %get3A_1045 = arith.index_cast %add3A_1030 : i32 to index
          %get3A_1046 = arith.constant 16 : index
          %get3A_1047 = tpu.vector_load %arg8[%get3A_1045, %get3A_1046] {strides = array<i32>} : memref<80x32xi32, #tpu.memory_space<vmem>>, vector<1x16xi32>,
          %get3A_1048 = vector.shape_cast %get3A_1047 : vector<1x16xi32> to vector<16xi32>
          %shift_left3A_1049 = arith.constant 16 : i32
          %shift_left3A_1050 = vector.broadcast %shift_left3A_1049 : i32 to vector<16xi32>
          %shift_left3A_1051 = arith.shli %get3A_1048, %shift_left3A_1050 : vector<16xi32>
          %bitcast_convert_type3A_1052 = tpu.bitcast %shift_left3A_1051 : vector<16xi32> -> vector<16xf32>
          %and3A_1053 = arith.constant -65536 : i32
          %and3A_1054 = vector.broadcast %and3A_1053 : i32 to vector<16xi32>
          %and3A_1055 = arith.andi %get3A_1048, %and3A_1054 : vector<16xi32>
          %bitcast_convert_type3A_1056 = tpu.bitcast %and3A_1055 : vector<16xi32> -> vector<16xf32>
          %add3A_1057 = arith.addf %add3A_1025, %bitcast_convert_type3A_1052 : vector<16xf32>
          %add3A_1058 = arith.addf %add3A_1026, %bitcast_convert_type3A_1056 : vector<16xf32>
          %mul3A_1059 = arith.constant 4 : i32
          %mul3A_1060 = arith.muli %scan3A_958, %mul3A_1059 : i32
          %add3A_1061 = arith.constant 3 : i32
          %add3A_1062 = arith.addi %mul3A_1060, %add3A_1061 : i32
          %get3A_1063 = arith.index_cast %add3A_1062 : i32 to index
          %get3A_1064 = arith.constant 0 : index
          %get3A_1065 = tpu.vector_load %arg8[%get3A_1063, %get3A_1064] {strides = array<i32>} : memref<80x32xi32, #tpu.memory_space<vmem>>, vector<1x16xi32>,
          %get3A_1066 = vector.shape_cast %get3A_1065 : vector<1x16xi32> to vector<16xi32>
          %shift_left3A_1067 = arith.constant 16 : i32
          %shift_left3A_1068 = vector.broadcast %shift_left3A_1067 : i32 to vector<16xi32>
          %shift_left3A_1069 = arith.shli %get3A_1066, %shift_left3A_1068 : vector<16xi32>
          %bitcast_convert_type3A_1070 = tpu.bitcast %shift_left3A_1069 : vector<16xi32> -> vector<16xf32>
          %and3A_1071 = arith.constant -65536 : i32
          %and3A_1072 = vector.broadcast %and3A_1071 : i32 to vector<16xi32>
          %and3A_1073 = arith.andi %get3A_1066, %and3A_1072 : vector<16xi32>
          %bitcast_convert_type3A_1074 = tpu.bitcast %and3A_1073 : vector<16xi32> -> vector<16xf32>
          %add3A_1075 = arith.addf %add3A_1043, %bitcast_convert_type3A_1070 : vector<16xf32>
          %add3A_1076 = arith.addf %add3A_1044, %bitcast_convert_type3A_1074 : vector<16xf32>
          %get3A_1077 = arith.index_cast %add3A_1062 : i32 to index
          %get3A_1078 = arith.constant 16 : index
          %get3A_1079 = tpu.vector_load %arg8[%get3A_1077, %get3A_1078] {strides = array<i32>} : memref<80x32xi32, #tpu.memory_space<vmem>>, vector<1x16xi32>,
          %get3A_1080 = vector.shape_cast %get3A_1079 : vector<1x16xi32> to vector<16xi32>
          %shift_left3A_1081 = arith.constant 16 : i32
          %shift_left3A_1082 = vector.broadcast %shift_left3A_1081 : i32 to vector<16xi32>
          %shift_left3A_1083 = arith.shli %get3A_1080, %shift_left3A_1082 : vector<16xi32>
          %bitcast_convert_type3A_1084 = tpu.bitcast %shift_left3A_1083 : vector<16xi32> -> vector<16xf32>
          %and3A_1085 = arith.constant -65536 : i32
          %and3A_1086 = vector.broadcast %and3A_1085 : i32 to vector<16xi32>
          %and3A_1087 = arith.andi %get3A_1080, %and3A_1086 : vector<16xi32>
          %bitcast_convert_type3A_1088 = tpu.bitcast %and3A_1087 : vector<16xi32> -> vector<16xf32>
          %add3A_1089 = arith.addf %add3A_1057, %bitcast_convert_type3A_1084 : vector<16xf32>
          %add3A_1090 = arith.addf %add3A_1058, %bitcast_convert_type3A_1088 : vector<16xf32>
          scf.yield %add3A_1075, %add3A_1076, %add3A_1089, %add3A_1090 : vector<16xf32>, vector<16xf32>, vector<16xf32>, vector<16xf32>
        }
        %scan3A_526 = arith.constant 20 : i32
        %get3A_527 = arith.index_cast %add3A_512 : i32 to index
        %get3A_528 = arith.constant 0 : index
        %get3A_529 = tpu.vector_load %arg11[%get3A_527, %get3A_528] {strides = array<i32>} : memref<256x32xi32, #tpu.memory_space<vmem>>, vector<1x16xi32>,
        %get3A_530 = vector.shape_cast %get3A_529 : vector<1x16xi32> to vector<16xi32>
        %shift_left3A_531 = arith.constant 16 : i32
        %shift_left3A_532 = vector.broadcast %shift_left3A_531 : i32 to vector<16xi32>
        %shift_left3A_533 = arith.shli %get3A_530, %shift_left3A_532 : vector<16xi32>
        %bitcast_convert_type3A_534 = tpu.bitcast %shift_left3A_533 : vector<16xi32> -> vector<16xf32>
        %add3A_535 = arith.addf %scan3A_525#0, %bitcast_convert_type3A_534 : vector<16xf32>
        %and3A_536 = arith.constant -65536 : i32
        %and3A_537 = vector.broadcast %and3A_536 : i32 to vector<16xi32>
        %and3A_538 = arith.andi %get3A_530, %and3A_537 : vector<16xi32>
        %bitcast_convert_type3A_539 = tpu.bitcast %and3A_538 : vector<16xi32> -> vector<16xf32>
        %add3A_540 = arith.addf %scan3A_525#1, %bitcast_convert_type3A_539 : vector<16xf32>
        %mul3A_541 = vector.broadcast %scan3A_42 : f32 to vector<16xf32>
        %mul3A_542 = arith.mulf %add3A_535, %mul3A_541 : vector<16xf32>
        %mul3A_543 = vector.broadcast %scan3A_42 : f32 to vector<16xf32>
        %mul3A_544 = arith.mulf %add3A_540, %mul3A_543 : vector<16xf32>
        %bitcast_convert_type3A_545 = tpu.bitcast %mul3A_542 : vector<16xf32> -> vector<16xi32>
        %bitcast_convert_type3A_546 = tpu.bitcast %mul3A_544 : vector<16xf32> -> vector<16xi32>
        %add3A_547 = arith.constant 32768 : i32
        %add3A_548 = vector.broadcast %add3A_547 : i32 to vector<16xi32>
        %add3A_549 = arith.addi %bitcast_convert_type3A_545, %add3A_548 : vector<16xi32>
        %shift_right_logical3A_550 = arith.constant 16 : i32
        %shift_right_logical3A_551 = vector.broadcast %shift_right_logical3A_550 : i32 to vector<16xi32>
        %shift_right_logical3A_552 = arith.shrui %add3A_549, %shift_right_logical3A_551 : vector<16xi32>
        %add3A_553 = arith.constant 32768 : i32
        %add3A_554 = vector.broadcast %add3A_553 : i32 to vector<16xi32>
        %add3A_555 = arith.addi %bitcast_convert_type3A_546, %add3A_554 : vector<16xi32>
        %and3A_556 = arith.constant -65536 : i32
        %and3A_557 = vector.broadcast %and3A_556 : i32 to vector<16xi32>
        %and3A_558 = arith.andi %add3A_555, %and3A_557 : vector<16xi32>
        %or3A_559 = arith.ori %shift_right_logical3A_552, %and3A_558 : vector<16xi32>
        %swap3A_560 = arith.index_cast %add3A_512 : i32 to index
        %swap3A_561 = arith.constant 0 : index
        %swap3A_562 = tpu.vector_load %arg11[%swap3A_560, %swap3A_561] {strides = array<i32>} : memref<256x32xi32, #tpu.memory_space<vmem>>, vector<1x16xi32>,
        %swap3A_563 = vector.shape_cast %swap3A_562 : vector<1x16xi32> to vector<16xi32>
        %swap3A_564 = vector.shape_cast %or3A_559 : vector<16xi32> to vector<1x16xi32>
        tpu.vector_store %arg11[%swap3A_560, %swap3A_561], %swap3A_564 {strides = array<i32>} : memref<256x32xi32, #tpu.memory_space<vmem>>, vector<1x16xi32>,
        %get3A_565 = arith.index_cast %add3A_512 : i32 to index
        %get3A_566 = arith.constant 16 : index
        %get3A_567 = tpu.vector_load %arg11[%get3A_565, %get3A_566] {strides = array<i32>} : memref<256x32xi32, #tpu.memory_space<vmem>>, vector<1x16xi32>,
        %get3A_568 = vector.shape_cast %get3A_567 : vector<1x16xi32> to vector<16xi32>
        %shift_left3A_569 = arith.constant 16 : i32
        %shift_left3A_570 = vector.broadcast %shift_left3A_569 : i32 to vector<16xi32>
        %shift_left3A_571 = arith.shli %get3A_568, %shift_left3A_570 : vector<16xi32>
        %bitcast_convert_type3A_572 = tpu.bitcast %shift_left3A_571 : vector<16xi32> -> vector<16xf32>
        %add3A_573 = arith.addf %scan3A_525#2, %bitcast_convert_type3A_572 : vector<16xf32>
        %and3A_574 = arith.constant -65536 : i32
        %and3A_575 = vector.broadcast %and3A_574 : i32 to vector<16xi32>
        %and3A_576 = arith.andi %get3A_568, %and3A_575 : vector<16xi32>
        %bitcast_convert_type3A_577 = tpu.bitcast %and3A_576 : vector<16xi32> -> vector<16xf32>
        %add3A_578 = arith.addf %scan3A_525#3, %bitcast_convert_type3A_577 : vector<16xf32>
        %mul3A_579 = vector.broadcast %scan3A_42 : f32 to vector<16xf32>
        %mul3A_580 = arith.mulf %add3A_573, %mul3A_579 : vector<16xf32>
        %mul3A_581 = vector.broadcast %scan3A_42 : f32 to vector<16xf32>
        %mul3A_582 = arith.mulf %add3A_578, %mul3A_581 : vector<16xf32>
        %bitcast_convert_type3A_583 = tpu.bitcast %mul3A_580 : vector<16xf32> -> vector<16xi32>
        %bitcast_convert_type3A_584 = tpu.bitcast %mul3A_582 : vector<16xf32> -> vector<16xi32>
        %add3A_585 = arith.constant 32768 : i32
        %add3A_586 = vector.broadcast %add3A_585 : i32 to vector<16xi32>
        %add3A_587 = arith.addi %bitcast_convert_type3A_583, %add3A_586 : vector<16xi32>
        %shift_right_logical3A_588 = arith.constant 16 : i32
        %shift_right_logical3A_589 = vector.broadcast %shift_right_logical3A_588 : i32 to vector<16xi32>
        %shift_right_logical3A_590 = arith.shrui %add3A_587, %shift_right_logical3A_589 : vector<16xi32>
        %add3A_591 = arith.constant 32768 : i32
        %add3A_592 = vector.broadcast %add3A_591 : i32 to vector<16xi32>
        %add3A_593 = arith.addi %bitcast_convert_type3A_584, %add3A_592 : vector<16xi32>
        %and3A_594 = arith.constant -65536 : i32
        %and3A_595 = vector.broadcast %and3A_594 : i32 to vector<16xi32>
        %and3A_596 = arith.andi %add3A_593, %and3A_595 : vector<16xi32>
        %or3A_597 = arith.ori %shift_right_logical3A_590, %and3A_596 : vector<16xi32>
        %swap3A_598 = arith.index_cast %add3A_512 : i32 to index
        %swap3A_599 = arith.constant 16 : index
        %swap3A_600 = tpu.vector_load %arg11[%swap3A_598, %swap3A_599] {strides = array<i32>} : memref<256x32xi32, #tpu.memory_space<vmem>>, vector<1x16xi32>,
        %swap3A_601 = vector.shape_cast %swap3A_600 : vector<1x16xi32> to vector<16xi32>
        %swap3A_602 = vector.shape_cast %or3A_597 : vector<16xi32> to vector<1x16xi32>
        tpu.vector_store %arg11[%swap3A_598, %swap3A_599], %swap3A_602 {strides = array<i32>} : memref<256x32xi32, #tpu.memory_space<vmem>>, vector<1x16xi32>,
        %add3A_603 = arith.constant 2 : i32
        %add3A_604 = arith.addi %mul3A_505, %add3A_603 : i32
        %get3A_605 = arith.index_cast %add3A_604 : i32 to index
        %get3A_606 = arith.constant 0 : index
        %get3A_607 = tpu.vector_load %arg5[%get3A_605, %get3A_606] {strides = array<i32>} : memref<32x208xi32, #tpu.memory_space<vmem>>, vector<1x16xi32>,
        %get3A_608 = vector.shape_cast %get3A_607 : vector<1x16xi32> to vector<16xi32>
        %ge3A_609 = vector.broadcast %scan3A_41 : i32 to vector<16xi32>
        %ge3A_610 = arith.cmpi sge, %get3A_608, %ge3A_609 : vector<16xi32>
        %add3A_611 = arith.constant 50000 : i32
        %add3A_612 = arith.addi %scan3A_41, %add3A_611 : i32
        %lt3A_613 = vector.broadcast %add3A_612 : i32 to vector<16xi32>
        %lt3A_614 = arith.cmpi slt, %get3A_608, %lt3A_613 : vector<16xi32>
        %and3A_615 = arith.andi %ge3A_610, %lt3A_614 : vector<16xi1>
        %sub3A_616 = arith.constant 1 : i32
        %sub3A_617 = arith.subi %scan3A_41, %sub3A_616 : i32
        %sub3A_618 = vector.broadcast %sub3A_617 : i32 to vector<16xi32>
        %sub3A_619 = arith.subi %get3A_608, %sub3A_618 : vector<16xi32>
        %jit3A_620 = arith.constant 0 : i32
        %broadcast_in_dim3A_621 = vector.broadcast %jit3A_620 : i32 to vector<16xi32>
        %select_n3A_622 = arith.select %and3A_615, %sub3A_619, %broadcast_in_dim3A_621 : vector<16xi1>, vector<16xi32>
        %swap3A_623 = arith.constant 0 : index
        %swap3A_624 = tpu.vector_load %arg6[%swap3A_623] {strides = array<i32>} : memref<80xi32, #tpu.memory_space<vmem>>, vector<16xi32>,
        %swap3A_625 = vector.shape_cast %swap3A_624 : vector<16xi32> to vector<16xi32>
        %swap3A_626 = vector.shape_cast %select_n3A_622 : vector<16xi32> to vector<16xi32>
        tpu.vector_store %arg6[%swap3A_623], %swap3A_626 {strides = array<i32>} : memref<80xi32, #tpu.memory_space<vmem>>, vector<16xi32>,
        %get3A_627 = arith.index_cast %add3A_604 : i32 to index
        %get3A_628 = arith.constant 16 : index
        %get3A_629 = tpu.vector_load %arg5[%get3A_627, %get3A_628] {strides = array<i32>} : memref<32x208xi32, #tpu.memory_space<vmem>>, vector<1x16xi32>,
        %get3A_630 = vector.shape_cast %get3A_629 : vector<1x16xi32> to vector<16xi32>
        %ge3A_631 = vector.broadcast %scan3A_41 : i32 to vector<16xi32>
        %ge3A_632 = arith.cmpi sge, %get3A_630, %ge3A_631 : vector<16xi32>
        %add3A_633 = arith.constant 50000 : i32
        %add3A_634 = arith.addi %scan3A_41, %add3A_633 : i32
        %lt3A_635 = vector.broadcast %add3A_634 : i32 to vector<16xi32>
        %lt3A_636 = arith.cmpi slt, %get3A_630, %lt3A_635 : vector<16xi32>
        %and3A_637 = arith.andi %ge3A_632, %lt3A_636 : vector<16xi1>
        %sub3A_638 = arith.constant 1 : i32
        %sub3A_639 = arith.subi %scan3A_41, %sub3A_638 : i32
        %sub3A_640 = vector.broadcast %sub3A_639 : i32 to vector<16xi32>
        %sub3A_641 = arith.subi %get3A_630, %sub3A_640 : vector<16xi32>
        %jit3A_642 = arith.constant 0 : i32
        %broadcast_in_dim3A_643 = vector.broadcast %jit3A_642 : i32 to vector<16xi32>
        %select_n3A_644 = arith.select %and3A_637, %sub3A_641, %broadcast_in_dim3A_643 : vector<16xi1>, vector<16xi32>
        %swap3A_645 = arith.constant 16 : index
        %swap3A_646 = tpu.vector_load %arg6[%swap3A_645] {strides = array<i32>} : memref<80xi32, #tpu.memory_space<vmem>>, vector<16xi32>,
        %swap3A_647 = vector.shape_cast %swap3A_646 : vector<16xi32> to vector<16xi32>
        %swap3A_648 = vector.shape_cast %select_n3A_644 : vector<16xi32> to vector<16xi32>
        tpu.vector_store %arg6[%swap3A_645], %swap3A_648 {strides = array<i32>} : memref<80xi32, #tpu.memory_space<vmem>>, vector<16xi32>,
        %get3A_649 = arith.index_cast %add3A_604 : i32 to index
        %get3A_650 = arith.constant 32 : index
        %get3A_651 = tpu.vector_load %arg5[%get3A_649, %get3A_650] {strides = array<i32>} : memref<32x208xi32, #tpu.memory_space<vmem>>, vector<1x16xi32>,
        %get3A_652 = vector.shape_cast %get3A_651 : vector<1x16xi32> to vector<16xi32>
        %ge3A_653 = vector.broadcast %scan3A_41 : i32 to vector<16xi32>
        %ge3A_654 = arith.cmpi sge, %get3A_652, %ge3A_653 : vector<16xi32>
        %add3A_655 = arith.constant 50000 : i32
        %add3A_656 = arith.addi %scan3A_41, %add3A_655 : i32
        %lt3A_657 = vector.broadcast %add3A_656 : i32 to vector<16xi32>
        %lt3A_658 = arith.cmpi slt, %get3A_652, %lt3A_657 : vector<16xi32>
        %and3A_659 = arith.andi %ge3A_654, %lt3A_658 : vector<16xi1>
        %sub3A_660 = arith.constant 1 : i32
        %sub3A_661 = arith.subi %scan3A_41, %sub3A_660 : i32
        %sub3A_662 = vector.broadcast %sub3A_661 : i32 to vector<16xi32>
        %sub3A_663 = arith.subi %get3A_652, %sub3A_662 : vector<16xi32>
        %jit3A_664 = arith.constant 0 : i32
        %broadcast_in_dim3A_665 = vector.broadcast %jit3A_664 : i32 to vector<16xi32>
        %select_n3A_666 = arith.select %and3A_659, %sub3A_663, %broadcast_in_dim3A_665 : vector<16xi1>, vector<16xi32>
        %swap3A_667 = arith.constant 32 : index
        %swap3A_668 = tpu.vector_load %arg6[%swap3A_667] {strides = array<i32>} : memref<80xi32, #tpu.memory_space<vmem>>, vector<16xi32>,
        %swap3A_669 = vector.shape_cast %swap3A_668 : vector<16xi32> to vector<16xi32>
        %swap3A_670 = vector.shape_cast %select_n3A_666 : vector<16xi32> to vector<16xi32>
        tpu.vector_store %arg6[%swap3A_667], %swap3A_670 {strides = array<i32>} : memref<80xi32, #tpu.memory_space<vmem>>, vector<16xi32>,
        %get3A_671 = arith.index_cast %add3A_604 : i32 to index
        %get3A_672 = arith.constant 48 : index
        %get3A_673 = tpu.vector_load %arg5[%get3A_671, %get3A_672] {strides = array<i32>} : memref<32x208xi32, #tpu.memory_space<vmem>>, vector<1x16xi32>,
        %get3A_674 = vector.shape_cast %get3A_673 : vector<1x16xi32> to vector<16xi32>
        %ge3A_675 = vector.broadcast %scan3A_41 : i32 to vector<16xi32>
        %ge3A_676 = arith.cmpi sge, %get3A_674, %ge3A_675 : vector<16xi32>
        %add3A_677 = arith.constant 50000 : i32
        %add3A_678 = arith.addi %scan3A_41, %add3A_677 : i32
        %lt3A_679 = vector.broadcast %add3A_678 : i32 to vector<16xi32>
        %lt3A_680 = arith.cmpi slt, %get3A_674, %lt3A_679 : vector<16xi32>
        %and3A_681 = arith.andi %ge3A_676, %lt3A_680 : vector<16xi1>
        %sub3A_682 = arith.constant 1 : i32
        %sub3A_683 = arith.subi %scan3A_41, %sub3A_682 : i32
        %sub3A_684 = vector.broadcast %sub3A_683 : i32 to vector<16xi32>
        %sub3A_685 = arith.subi %get3A_674, %sub3A_684 : vector<16xi32>
        %jit3A_686 = arith.constant 0 : i32
        %broadcast_in_dim3A_687 = vector.broadcast %jit3A_686 : i32 to vector<16xi32>
        %select_n3A_688 = arith.select %and3A_681, %sub3A_685, %broadcast_in_dim3A_687 : vector<16xi1>, vector<16xi32>
        %swap3A_689 = arith.constant 48 : index
        %swap3A_690 = tpu.vector_load %arg6[%swap3A_689] {strides = array<i32>} : memref<80xi32, #tpu.memory_space<vmem>>, vector<16xi32>,
        %swap3A_691 = vector.shape_cast %swap3A_690 : vector<16xi32> to vector<16xi32>
        %swap3A_692 = vector.shape_cast %select_n3A_688 : vector<16xi32> to vector<16xi32>
        tpu.vector_store %arg6[%swap3A_689], %swap3A_692 {strides = array<i32>} : memref<80xi32, #tpu.memory_space<vmem>>, vector<16xi32>,
        %get3A_693 = arith.index_cast %add3A_604 : i32 to index
        %get3A_694 = arith.constant 64 : index
        %get3A_695 = tpu.vector_load %arg5[%get3A_693, %get3A_694] {strides = array<i32>} : memref<32x208xi32, #tpu.memory_space<vmem>>, vector<1x16xi32>,
        %get3A_696 = vector.shape_cast %get3A_695 : vector<1x16xi32> to vector<16xi32>
        %ge3A_697 = vector.broadcast %scan3A_41 : i32 to vector<16xi32>
        %ge3A_698 = arith.cmpi sge, %get3A_696, %ge3A_697 : vector<16xi32>
        %add3A_699 = arith.constant 50000 : i32
        %add3A_700 = arith.addi %scan3A_41, %add3A_699 : i32
        %lt3A_701 = vector.broadcast %add3A_700 : i32 to vector<16xi32>
        %lt3A_702 = arith.cmpi slt, %get3A_696, %lt3A_701 : vector<16xi32>
        %and3A_703 = arith.andi %ge3A_698, %lt3A_702 : vector<16xi1>
        %sub3A_704 = arith.constant 1 : i32
        %sub3A_705 = arith.subi %scan3A_41, %sub3A_704 : i32
        %sub3A_706 = vector.broadcast %sub3A_705 : i32 to vector<16xi32>
        %sub3A_707 = arith.subi %get3A_696, %sub3A_706 : vector<16xi32>
        %jit3A_708 = arith.constant 0 : i32
        %broadcast_in_dim3A_709 = vector.broadcast %jit3A_708 : i32 to vector<16xi32>
        %select_n3A_710 = arith.select %and3A_703, %sub3A_707, %broadcast_in_dim3A_709 : vector<16xi1>, vector<16xi32>
        %swap3A_711 = arith.constant 64 : index
        %swap3A_712 = tpu.vector_load %arg6[%swap3A_711] {strides = array<i32>} : memref<80xi32, #tpu.memory_space<vmem>>, vector<16xi32>,
        %swap3A_713 = vector.shape_cast %swap3A_712 : vector<16xi32> to vector<16xi32>
        %swap3A_714 = vector.shape_cast %select_n3A_710 : vector<16xi32> to vector<16xi32>
        tpu.vector_store %arg6[%swap3A_711], %swap3A_714 {strides = array<i32>} : memref<80xi32, #tpu.memory_space<vmem>>, vector<16xi32>,
        %dma_start3A_715 = arith.constant 0 : i32
        %dma_start3A_716 = arith.constant 0 : i32
        %dma_start3A_717 = tpu.memref_slice %arg8[%dma_start3A_715, %dma_start3A_716] : memref<80x32xi32, #tpu.memory_space<vmem>> -> memref<40x32xi32, #tpu.memory_space<vmem>>
        %dma_start3A_718 = arith.constant 0 : i32
        %dma_start3A_719 = tpu.memref_slice %arg6[%dma_start3A_718] : memref<80xi32, #tpu.memory_space<vmem>> -> memref<40xi32, #tpu.memory_space<vmem>>
        %dma_start3A_720 = arith.constant 0 : i32
        %dma_start3A_721 = arith.constant 0 : i32
        %dma_start3A_722 = tpu.memref_slice %arg13[%dma_start3A_720, %dma_start3A_721] : memref<50001x32xi32, #tpu.memory_space<vmem_shared>> -> memref<50001x32xi32, #tpu.memory_space<vmem_shared>>
        tpu.enqueue_indirect_dma source(%dma_start3A_722 : memref<50001x32xi32, #tpu.memory_space<vmem_shared>>) target(%dma_start3A_717 : memref<40x32xi32, #tpu.memory_space<vmem>>) offsets(%dma_start3A_719 : memref<40xi32, #tpu.memory_space<vmem>>) semaphore(%arg14 : memref<!tpu.dma_semaphore, #tpu.memory_space<semaphore_mem>>)
        %dma_start3A_723 = arith.constant 40 : i32
        %dma_start3A_724 = arith.constant 0 : i32
        %dma_start3A_725 = tpu.memref_slice %arg8[%dma_start3A_723, %dma_start3A_724] : memref<80x32xi32, #tpu.memory_space<vmem>> -> memref<40x32xi32, #tpu.memory_space<vmem>>
        %dma_start3A_726 = arith.constant 40 : i32
        %dma_start3A_727 = tpu.memref_slice %arg6[%dma_start3A_726] : memref<80xi32, #tpu.memory_space<vmem>> -> memref<40xi32, #tpu.memory_space<vmem>>
        %dma_start3A_728 = arith.constant 0 : i32
        %dma_start3A_729 = arith.constant 0 : i32
        %dma_start3A_730 = tpu.memref_slice %arg13[%dma_start3A_728, %dma_start3A_729] : memref<50001x32xi32, #tpu.memory_space<vmem_shared>> -> memref<50001x32xi32, #tpu.memory_space<vmem_shared>>
        tpu.enqueue_indirect_dma source(%dma_start3A_730 : memref<50001x32xi32, #tpu.memory_space<vmem_shared>>) target(%dma_start3A_725 : memref<40x32xi32, #tpu.memory_space<vmem>>) offsets(%dma_start3A_727 : memref<40xi32, #tpu.memory_space<vmem>>) semaphore(%arg14 : memref<!tpu.dma_semaphore, #tpu.memory_space<semaphore_mem>>)
        %add3A_731 = arith.constant 1 : i32
        %add3A_732 = arith.addi %mul3A_505, %add3A_731 : i32
        %dma_wait3A_733 = arith.constant 0 : i32
        %dma_wait3A_734 = arith.constant 0 : i32
        %dma_wait3A_735 = tpu.memref_slice %arg13[%dma_wait3A_733, %dma_wait3A_734] : memref<50001x32xi32, #tpu.memory_space<vmem_shared>> -> memref<80x32xi32, #tpu.memory_space<vmem_shared>>
        %dma_wait3A_736 = arith.constant 0 : i32
        %dma_wait3A_737 = arith.constant 0 : i32
        %dma_wait3A_738 = tpu.memref_slice %arg13[%dma_wait3A_736, %dma_wait3A_737] : memref<50001x32xi32, #tpu.memory_space<vmem_shared>> -> memref<80x32xi32, #tpu.memory_space<vmem_shared>>
        tpu.wait_dma2 semaphore(%arg15 : memref<!tpu.dma_semaphore, #tpu.memory_space<semaphore_mem>>) src(%dma_wait3A_738 : memref<80x32xi32, #tpu.memory_space<vmem_shared>>) dst(%arg9 : memref<80x32xi32, #tpu.memory_space<vmem>>)
        %add3A_739 = arith.addi %mul3A_50, %add3A_732 : i32
        %broadcast_in_dim3A_740 = arith.constant 0.000000e+00 : f32
        %broadcast_in_dim3A_741 = vector.broadcast %broadcast_in_dim3A_740 : f32 to vector<16xf32>
        %broadcast_in_dim3A_742 = arith.constant 0.000000e+00 : f32
        %broadcast_in_dim3A_743 = vector.broadcast %broadcast_in_dim3A_742 : f32 to vector<16xf32>
        %broadcast_in_dim3A_744 = arith.constant 0.000000e+00 : f32
        %broadcast_in_dim3A_745 = vector.broadcast %broadcast_in_dim3A_744 : f32 to vector<16xf32>
        %broadcast_in_dim3A_746 = arith.constant 0.000000e+00 : f32
        %broadcast_in_dim3A_747 = vector.broadcast %broadcast_in_dim3A_746 : f32 to vector<16xf32>
        %scan3A_748 = arith.constant 0 : i32
        %scan3A_749 = arith.constant 20 : i32
        %scan3A_750 = arith.addi %scan3A_748, %scan3A_749 : i32
        %scan3A_751 = arith.constant 1 : i32
        %scan3A_752:4 = scf.for %scan3A_958 = %scan3A_748 to %scan3A_750 step %scan3A_751 iter_args(%scan3A_959 = %broadcast_in_dim3A_741, %scan3A_960 = %broadcast_in_dim3A_743, %scan3A_961 = %broadcast_in_dim3A_745, %scan3A_962 = %broadcast_in_dim3A_747) -> (vector<16xf32>, vector<16xf32>, vector<16xf32>, vector<16xf32>)  : i32 {
          %mul3A_963 = arith.constant 4 : i32
          %mul3A_964 = arith.muli %scan3A_958, %mul3A_963 : i32
          %add3A_965 = arith.constant 0 : i32
          %add3A_966 = arith.addi %mul3A_964, %add3A_965 : i32
          %get3A_967 = arith.index_cast %add3A_966 : i32 to index
          %get3A_968 = arith.constant 0 : index
          %get3A_969 = tpu.vector_load %arg9[%get3A_967, %get3A_968] {strides = array<i32>} : memref<80x32xi32, #tpu.memory_space<vmem>>, vector<1x16xi32>,
          %get3A_970 = vector.shape_cast %get3A_969 : vector<1x16xi32> to vector<16xi32>
          %shift_left3A_971 = arith.constant 16 : i32
          %shift_left3A_972 = vector.broadcast %shift_left3A_971 : i32 to vector<16xi32>
          %shift_left3A_973 = arith.shli %get3A_970, %shift_left3A_972 : vector<16xi32>
          %bitcast_convert_type3A_974 = tpu.bitcast %shift_left3A_973 : vector<16xi32> -> vector<16xf32>
          %and3A_975 = arith.constant -65536 : i32
          %and3A_976 = vector.broadcast %and3A_975 : i32 to vector<16xi32>
          %and3A_977 = arith.andi %get3A_970, %and3A_976 : vector<16xi32>
          %bitcast_convert_type3A_978 = tpu.bitcast %and3A_977 : vector<16xi32> -> vector<16xf32>
          %add3A_979 = arith.addf %scan3A_959, %bitcast_convert_type3A_974 : vector<16xf32>
          %add3A_980 = arith.addf %scan3A_960, %bitcast_convert_type3A_978 : vector<16xf32>
          %get3A_981 = arith.index_cast %add3A_966 : i32 to index
          %get3A_982 = arith.constant 16 : index
          %get3A_983 = tpu.vector_load %arg9[%get3A_981, %get3A_982] {strides = array<i32>} : memref<80x32xi32, #tpu.memory_space<vmem>>, vector<1x16xi32>,
          %get3A_984 = vector.shape_cast %get3A_983 : vector<1x16xi32> to vector<16xi32>
          %shift_left3A_985 = arith.constant 16 : i32
          %shift_left3A_986 = vector.broadcast %shift_left3A_985 : i32 to vector<16xi32>
          %shift_left3A_987 = arith.shli %get3A_984, %shift_left3A_986 : vector<16xi32>
          %bitcast_convert_type3A_988 = tpu.bitcast %shift_left3A_987 : vector<16xi32> -> vector<16xf32>
          %and3A_989 = arith.constant -65536 : i32
          %and3A_990 = vector.broadcast %and3A_989 : i32 to vector<16xi32>
          %and3A_991 = arith.andi %get3A_984, %and3A_990 : vector<16xi32>
          %bitcast_convert_type3A_992 = tpu.bitcast %and3A_991 : vector<16xi32> -> vector<16xf32>
          %add3A_993 = arith.addf %scan3A_961, %bitcast_convert_type3A_988 : vector<16xf32>
          %add3A_994 = arith.addf %scan3A_962, %bitcast_convert_type3A_992 : vector<16xf32>
          %mul3A_995 = arith.constant 4 : i32
          %mul3A_996 = arith.muli %scan3A_958, %mul3A_995 : i32
          %add3A_997 = arith.constant 1 : i32
          %add3A_998 = arith.addi %mul3A_996, %add3A_997 : i32
          %get3A_999 = arith.index_cast %add3A_998 : i32 to index
          %get3A_1000 = arith.constant 0 : index
          %get3A_1001 = tpu.vector_load %arg9[%get3A_999, %get3A_1000] {strides = array<i32>} : memref<80x32xi32, #tpu.memory_space<vmem>>, vector<1x16xi32>,
          %get3A_1002 = vector.shape_cast %get3A_1001 : vector<1x16xi32> to vector<16xi32>
          %shift_left3A_1003 = arith.constant 16 : i32
          %shift_left3A_1004 = vector.broadcast %shift_left3A_1003 : i32 to vector<16xi32>
          %shift_left3A_1005 = arith.shli %get3A_1002, %shift_left3A_1004 : vector<16xi32>
          %bitcast_convert_type3A_1006 = tpu.bitcast %shift_left3A_1005 : vector<16xi32> -> vector<16xf32>
          %and3A_1007 = arith.constant -65536 : i32
          %and3A_1008 = vector.broadcast %and3A_1007 : i32 to vector<16xi32>
          %and3A_1009 = arith.andi %get3A_1002, %and3A_1008 : vector<16xi32>
          %bitcast_convert_type3A_1010 = tpu.bitcast %and3A_1009 : vector<16xi32> -> vector<16xf32>
          %add3A_1011 = arith.addf %add3A_979, %bitcast_convert_type3A_1006 : vector<16xf32>
          %add3A_1012 = arith.addf %add3A_980, %bitcast_convert_type3A_1010 : vector<16xf32>
          %get3A_1013 = arith.index_cast %add3A_998 : i32 to index
          %get3A_1014 = arith.constant 16 : index
          %get3A_1015 = tpu.vector_load %arg9[%get3A_1013, %get3A_1014] {strides = array<i32>} : memref<80x32xi32, #tpu.memory_space<vmem>>, vector<1x16xi32>,
          %get3A_1016 = vector.shape_cast %get3A_1015 : vector<1x16xi32> to vector<16xi32>
          %shift_left3A_1017 = arith.constant 16 : i32
          %shift_left3A_1018 = vector.broadcast %shift_left3A_1017 : i32 to vector<16xi32>
          %shift_left3A_1019 = arith.shli %get3A_1016, %shift_left3A_1018 : vector<16xi32>
          %bitcast_convert_type3A_1020 = tpu.bitcast %shift_left3A_1019 : vector<16xi32> -> vector<16xf32>
          %and3A_1021 = arith.constant -65536 : i32
          %and3A_1022 = vector.broadcast %and3A_1021 : i32 to vector<16xi32>
          %and3A_1023 = arith.andi %get3A_1016, %and3A_1022 : vector<16xi32>
          %bitcast_convert_type3A_1024 = tpu.bitcast %and3A_1023 : vector<16xi32> -> vector<16xf32>
          %add3A_1025 = arith.addf %add3A_993, %bitcast_convert_type3A_1020 : vector<16xf32>
          %add3A_1026 = arith.addf %add3A_994, %bitcast_convert_type3A_1024 : vector<16xf32>
          %mul3A_1027 = arith.constant 4 : i32
          %mul3A_1028 = arith.muli %scan3A_958, %mul3A_1027 : i32
          %add3A_1029 = arith.constant 2 : i32
          %add3A_1030 = arith.addi %mul3A_1028, %add3A_1029 : i32
          %get3A_1031 = arith.index_cast %add3A_1030 : i32 to index
          %get3A_1032 = arith.constant 0 : index
          %get3A_1033 = tpu.vector_load %arg9[%get3A_1031, %get3A_1032] {strides = array<i32>} : memref<80x32xi32, #tpu.memory_space<vmem>>, vector<1x16xi32>,
          %get3A_1034 = vector.shape_cast %get3A_1033 : vector<1x16xi32> to vector<16xi32>
          %shift_left3A_1035 = arith.constant 16 : i32
          %shift_left3A_1036 = vector.broadcast %shift_left3A_1035 : i32 to vector<16xi32>
          %shift_left3A_1037 = arith.shli %get3A_1034, %shift_left3A_1036 : vector<16xi32>
          %bitcast_convert_type3A_1038 = tpu.bitcast %shift_left3A_1037 : vector<16xi32> -> vector<16xf32>
          %and3A_1039 = arith.constant -65536 : i32
          %and3A_1040 = vector.broadcast %and3A_1039 : i32 to vector<16xi32>
          %and3A_1041 = arith.andi %get3A_1034, %and3A_1040 : vector<16xi32>
          %bitcast_convert_type3A_1042 = tpu.bitcast %and3A_1041 : vector<16xi32> -> vector<16xf32>
          %add3A_1043 = arith.addf %add3A_1011, %bitcast_convert_type3A_1038 : vector<16xf32>
          %add3A_1044 = arith.addf %add3A_1012, %bitcast_convert_type3A_1042 : vector<16xf32>
          %get3A_1045 = arith.index_cast %add3A_1030 : i32 to index
          %get3A_1046 = arith.constant 16 : index
          %get3A_1047 = tpu.vector_load %arg9[%get3A_1045, %get3A_1046] {strides = array<i32>} : memref<80x32xi32, #tpu.memory_space<vmem>>, vector<1x16xi32>,
          %get3A_1048 = vector.shape_cast %get3A_1047 : vector<1x16xi32> to vector<16xi32>
          %shift_left3A_1049 = arith.constant 16 : i32
          %shift_left3A_1050 = vector.broadcast %shift_left3A_1049 : i32 to vector<16xi32>
          %shift_left3A_1051 = arith.shli %get3A_1048, %shift_left3A_1050 : vector<16xi32>
          %bitcast_convert_type3A_1052 = tpu.bitcast %shift_left3A_1051 : vector<16xi32> -> vector<16xf32>
          %and3A_1053 = arith.constant -65536 : i32
          %and3A_1054 = vector.broadcast %and3A_1053 : i32 to vector<16xi32>
          %and3A_1055 = arith.andi %get3A_1048, %and3A_1054 : vector<16xi32>
          %bitcast_convert_type3A_1056 = tpu.bitcast %and3A_1055 : vector<16xi32> -> vector<16xf32>
          %add3A_1057 = arith.addf %add3A_1025, %bitcast_convert_type3A_1052 : vector<16xf32>
          %add3A_1058 = arith.addf %add3A_1026, %bitcast_convert_type3A_1056 : vector<16xf32>
          %mul3A_1059 = arith.constant 4 : i32
          %mul3A_1060 = arith.muli %scan3A_958, %mul3A_1059 : i32
          %add3A_1061 = arith.constant 3 : i32
          %add3A_1062 = arith.addi %mul3A_1060, %add3A_1061 : i32
          %get3A_1063 = arith.index_cast %add3A_1062 : i32 to index
          %get3A_1064 = arith.constant 0 : index
          %get3A_1065 = tpu.vector_load %arg9[%get3A_1063, %get3A_1064] {strides = array<i32>} : memref<80x32xi32, #tpu.memory_space<vmem>>, vector<1x16xi32>,
          %get3A_1066 = vector.shape_cast %get3A_1065 : vector<1x16xi32> to vector<16xi32>
          %shift_left3A_1067 = arith.constant 16 : i32
          %shift_left3A_1068 = vector.broadcast %shift_left3A_1067 : i32 to vector<16xi32>
          %shift_left3A_1069 = arith.shli %get3A_1066, %shift_left3A_1068 : vector<16xi32>
          %bitcast_convert_type3A_1070 = tpu.bitcast %shift_left3A_1069 : vector<16xi32> -> vector<16xf32>
          %and3A_1071 = arith.constant -65536 : i32
          %and3A_1072 = vector.broadcast %and3A_1071 : i32 to vector<16xi32>
          %and3A_1073 = arith.andi %get3A_1066, %and3A_1072 : vector<16xi32>
          %bitcast_convert_type3A_1074 = tpu.bitcast %and3A_1073 : vector<16xi32> -> vector<16xf32>
          %add3A_1075 = arith.addf %add3A_1043, %bitcast_convert_type3A_1070 : vector<16xf32>
          %add3A_1076 = arith.addf %add3A_1044, %bitcast_convert_type3A_1074 : vector<16xf32>
          %get3A_1077 = arith.index_cast %add3A_1062 : i32 to index
          %get3A_1078 = arith.constant 16 : index
          %get3A_1079 = tpu.vector_load %arg9[%get3A_1077, %get3A_1078] {strides = array<i32>} : memref<80x32xi32, #tpu.memory_space<vmem>>, vector<1x16xi32>,
          %get3A_1080 = vector.shape_cast %get3A_1079 : vector<1x16xi32> to vector<16xi32>
          %shift_left3A_1081 = arith.constant 16 : i32
          %shift_left3A_1082 = vector.broadcast %shift_left3A_1081 : i32 to vector<16xi32>
          %shift_left3A_1083 = arith.shli %get3A_1080, %shift_left3A_1082 : vector<16xi32>
          %bitcast_convert_type3A_1084 = tpu.bitcast %shift_left3A_1083 : vector<16xi32> -> vector<16xf32>
          %and3A_1085 = arith.constant -65536 : i32
          %and3A_1086 = vector.broadcast %and3A_1085 : i32 to vector<16xi32>
          %and3A_1087 = arith.andi %get3A_1080, %and3A_1086 : vector<16xi32>
          %bitcast_convert_type3A_1088 = tpu.bitcast %and3A_1087 : vector<16xi32> -> vector<16xf32>
          %add3A_1089 = arith.addf %add3A_1057, %bitcast_convert_type3A_1084 : vector<16xf32>
          %add3A_1090 = arith.addf %add3A_1058, %bitcast_convert_type3A_1088 : vector<16xf32>
          scf.yield %add3A_1075, %add3A_1076, %add3A_1089, %add3A_1090 : vector<16xf32>, vector<16xf32>, vector<16xf32>, vector<16xf32>
        }
        %scan3A_753 = arith.constant 20 : i32
        %get3A_754 = arith.index_cast %add3A_739 : i32 to index
        %get3A_755 = arith.constant 0 : index
        %get3A_756 = tpu.vector_load %arg11[%get3A_754, %get3A_755] {strides = array<i32>} : memref<256x32xi32, #tpu.memory_space<vmem>>, vector<1x16xi32>,
        %get3A_757 = vector.shape_cast %get3A_756 : vector<1x16xi32> to vector<16xi32>
        %shift_left3A_758 = arith.constant 16 : i32
        %shift_left3A_759 = vector.broadcast %shift_left3A_758 : i32 to vector<16xi32>
        %shift_left3A_760 = arith.shli %get3A_757, %shift_left3A_759 : vector<16xi32>
        %bitcast_convert_type3A_761 = tpu.bitcast %shift_left3A_760 : vector<16xi32> -> vector<16xf32>
        %add3A_762 = arith.addf %scan3A_752#0, %bitcast_convert_type3A_761 : vector<16xf32>
        %and3A_763 = arith.constant -65536 : i32
        %and3A_764 = vector.broadcast %and3A_763 : i32 to vector<16xi32>
        %and3A_765 = arith.andi %get3A_757, %and3A_764 : vector<16xi32>
        %bitcast_convert_type3A_766 = tpu.bitcast %and3A_765 : vector<16xi32> -> vector<16xf32>
        %add3A_767 = arith.addf %scan3A_752#1, %bitcast_convert_type3A_766 : vector<16xf32>
        %mul3A_768 = vector.broadcast %scan3A_42 : f32 to vector<16xf32>
        %mul3A_769 = arith.mulf %add3A_762, %mul3A_768 : vector<16xf32>
        %mul3A_770 = vector.broadcast %scan3A_42 : f32 to vector<16xf32>
        %mul3A_771 = arith.mulf %add3A_767, %mul3A_770 : vector<16xf32>
        %bitcast_convert_type3A_772 = tpu.bitcast %mul3A_769 : vector<16xf32> -> vector<16xi32>
        %bitcast_convert_type3A_773 = tpu.bitcast %mul3A_771 : vector<16xf32> -> vector<16xi32>
        %add3A_774 = arith.constant 32768 : i32
        %add3A_775 = vector.broadcast %add3A_774 : i32 to vector<16xi32>
        %add3A_776 = arith.addi %bitcast_convert_type3A_772, %add3A_775 : vector<16xi32>
        %shift_right_logical3A_777 = arith.constant 16 : i32
        %shift_right_logical3A_778 = vector.broadcast %shift_right_logical3A_777 : i32 to vector<16xi32>
        %shift_right_logical3A_779 = arith.shrui %add3A_776, %shift_right_logical3A_778 : vector<16xi32>
        %add3A_780 = arith.constant 32768 : i32
        %add3A_781 = vector.broadcast %add3A_780 : i32 to vector<16xi32>
        %add3A_782 = arith.addi %bitcast_convert_type3A_773, %add3A_781 : vector<16xi32>
        %and3A_783 = arith.constant -65536 : i32
        %and3A_784 = vector.broadcast %and3A_783 : i32 to vector<16xi32>
        %and3A_785 = arith.andi %add3A_782, %and3A_784 : vector<16xi32>
        %or3A_786 = arith.ori %shift_right_logical3A_779, %and3A_785 : vector<16xi32>
        %swap3A_787 = arith.index_cast %add3A_739 : i32 to index
        %swap3A_788 = arith.constant 0 : index
        %swap3A_789 = tpu.vector_load %arg11[%swap3A_787, %swap3A_788] {strides = array<i32>} : memref<256x32xi32, #tpu.memory_space<vmem>>, vector<1x16xi32>,
        %swap3A_790 = vector.shape_cast %swap3A_789 : vector<1x16xi32> to vector<16xi32>
        %swap3A_791 = vector.shape_cast %or3A_786 : vector<16xi32> to vector<1x16xi32>
        tpu.vector_store %arg11[%swap3A_787, %swap3A_788], %swap3A_791 {strides = array<i32>} : memref<256x32xi32, #tpu.memory_space<vmem>>, vector<1x16xi32>,
        %get3A_792 = arith.index_cast %add3A_739 : i32 to index
        %get3A_793 = arith.constant 16 : index
        %get3A_794 = tpu.vector_load %arg11[%get3A_792, %get3A_793] {strides = array<i32>} : memref<256x32xi32, #tpu.memory_space<vmem>>, vector<1x16xi32>,
        %get3A_795 = vector.shape_cast %get3A_794 : vector<1x16xi32> to vector<16xi32>
        %shift_left3A_796 = arith.constant 16 : i32
        %shift_left3A_797 = vector.broadcast %shift_left3A_796 : i32 to vector<16xi32>
        %shift_left3A_798 = arith.shli %get3A_795, %shift_left3A_797 : vector<16xi32>
        %bitcast_convert_type3A_799 = tpu.bitcast %shift_left3A_798 : vector<16xi32> -> vector<16xf32>
        %add3A_800 = arith.addf %scan3A_752#2, %bitcast_convert_type3A_799 : vector<16xf32>
        %and3A_801 = arith.constant -65536 : i32
        %and3A_802 = vector.broadcast %and3A_801 : i32 to vector<16xi32>
        %and3A_803 = arith.andi %get3A_795, %and3A_802 : vector<16xi32>
        %bitcast_convert_type3A_804 = tpu.bitcast %and3A_803 : vector<16xi32> -> vector<16xf32>
        %add3A_805 = arith.addf %scan3A_752#3, %bitcast_convert_type3A_804 : vector<16xf32>
        %mul3A_806 = vector.broadcast %scan3A_42 : f32 to vector<16xf32>
        %mul3A_807 = arith.mulf %add3A_800, %mul3A_806 : vector<16xf32>
        %mul3A_808 = vector.broadcast %scan3A_42 : f32 to vector<16xf32>
        %mul3A_809 = arith.mulf %add3A_805, %mul3A_808 : vector<16xf32>
        %bitcast_convert_type3A_810 = tpu.bitcast %mul3A_807 : vector<16xf32> -> vector<16xi32>
        %bitcast_convert_type3A_811 = tpu.bitcast %mul3A_809 : vector<16xf32> -> vector<16xi32>
        %add3A_812 = arith.constant 32768 : i32
        %add3A_813 = vector.broadcast %add3A_812 : i32 to vector<16xi32>
        %add3A_814 = arith.addi %bitcast_convert_type3A_810, %add3A_813 : vector<16xi32>
        %shift_right_logical3A_815 = arith.constant 16 : i32
        %shift_right_logical3A_816 = vector.broadcast %shift_right_logical3A_815 : i32 to vector<16xi32>
        %shift_right_logical3A_817 = arith.shrui %add3A_814, %shift_right_logical3A_816 : vector<16xi32>
        %add3A_818 = arith.constant 32768 : i32
        %add3A_819 = vector.broadcast %add3A_818 : i32 to vector<16xi32>
        %add3A_820 = arith.addi %bitcast_convert_type3A_811, %add3A_819 : vector<16xi32>
        %and3A_821 = arith.constant -65536 : i32
        %and3A_822 = vector.broadcast %and3A_821 : i32 to vector<16xi32>
        %and3A_823 = arith.andi %add3A_820, %and3A_822 : vector<16xi32>
        %or3A_824 = arith.ori %shift_right_logical3A_817, %and3A_823 : vector<16xi32>
        %swap3A_825 = arith.index_cast %add3A_739 : i32 to index
        %swap3A_826 = arith.constant 16 : index
        %swap3A_827 = tpu.vector_load %arg11[%swap3A_825, %swap3A_826] {strides = array<i32>} : memref<256x32xi32, #tpu.memory_space<vmem>>, vector<1x16xi32>,
        %swap3A_828 = vector.shape_cast %swap3A_827 : vector<1x16xi32> to vector<16xi32>
        %swap3A_829 = vector.shape_cast %or3A_824 : vector<16xi32> to vector<1x16xi32>
        tpu.vector_store %arg11[%swap3A_825, %swap3A_826], %swap3A_829 {strides = array<i32>} : memref<256x32xi32, #tpu.memory_space<vmem>>, vector<1x16xi32>,
        %add3A_830 = arith.constant 3 : i32
        %add3A_831 = arith.addi %mul3A_505, %add3A_830 : i32
        %get3A_832 = arith.index_cast %add3A_831 : i32 to index
        %get3A_833 = arith.constant 0 : index
        %get3A_834 = tpu.vector_load %arg5[%get3A_832, %get3A_833] {strides = array<i32>} : memref<32x208xi32, #tpu.memory_space<vmem>>, vector<1x16xi32>,
        %get3A_835 = vector.shape_cast %get3A_834 : vector<1x16xi32> to vector<16xi32>
        %ge3A_836 = vector.broadcast %scan3A_41 : i32 to vector<16xi32>
        %ge3A_837 = arith.cmpi sge, %get3A_835, %ge3A_836 : vector<16xi32>
        %add3A_838 = arith.constant 50000 : i32
        %add3A_839 = arith.addi %scan3A_41, %add3A_838 : i32
        %lt3A_840 = vector.broadcast %add3A_839 : i32 to vector<16xi32>
        %lt3A_841 = arith.cmpi slt, %get3A_835, %lt3A_840 : vector<16xi32>
        %and3A_842 = arith.andi %ge3A_837, %lt3A_841 : vector<16xi1>
        %sub3A_843 = arith.constant 1 : i32
        %sub3A_844 = arith.subi %scan3A_41, %sub3A_843 : i32
        %sub3A_845 = vector.broadcast %sub3A_844 : i32 to vector<16xi32>
        %sub3A_846 = arith.subi %get3A_835, %sub3A_845 : vector<16xi32>
        %jit3A_847 = arith.constant 0 : i32
        %broadcast_in_dim3A_848 = vector.broadcast %jit3A_847 : i32 to vector<16xi32>
        %select_n3A_849 = arith.select %and3A_842, %sub3A_846, %broadcast_in_dim3A_848 : vector<16xi1>, vector<16xi32>
        %swap3A_850 = arith.constant 0 : index
        %swap3A_851 = tpu.vector_load %arg7[%swap3A_850] {strides = array<i32>} : memref<80xi32, #tpu.memory_space<vmem>>, vector<16xi32>,
        %swap3A_852 = vector.shape_cast %swap3A_851 : vector<16xi32> to vector<16xi32>
        %swap3A_853 = vector.shape_cast %select_n3A_849 : vector<16xi32> to vector<16xi32>
        tpu.vector_store %arg7[%swap3A_850], %swap3A_853 {strides = array<i32>} : memref<80xi32, #tpu.memory_space<vmem>>, vector<16xi32>,
        %get3A_854 = arith.index_cast %add3A_831 : i32 to index
        %get3A_855 = arith.constant 16 : index
        %get3A_856 = tpu.vector_load %arg5[%get3A_854, %get3A_855] {strides = array<i32>} : memref<32x208xi32, #tpu.memory_space<vmem>>, vector<1x16xi32>,
        %get3A_857 = vector.shape_cast %get3A_856 : vector<1x16xi32> to vector<16xi32>
        %ge3A_858 = vector.broadcast %scan3A_41 : i32 to vector<16xi32>
        %ge3A_859 = arith.cmpi sge, %get3A_857, %ge3A_858 : vector<16xi32>
        %add3A_860 = arith.constant 50000 : i32
        %add3A_861 = arith.addi %scan3A_41, %add3A_860 : i32
        %lt3A_862 = vector.broadcast %add3A_861 : i32 to vector<16xi32>
        %lt3A_863 = arith.cmpi slt, %get3A_857, %lt3A_862 : vector<16xi32>
        %and3A_864 = arith.andi %ge3A_859, %lt3A_863 : vector<16xi1>
        %sub3A_865 = arith.constant 1 : i32
        %sub3A_866 = arith.subi %scan3A_41, %sub3A_865 : i32
        %sub3A_867 = vector.broadcast %sub3A_866 : i32 to vector<16xi32>
        %sub3A_868 = arith.subi %get3A_857, %sub3A_867 : vector<16xi32>
        %jit3A_869 = arith.constant 0 : i32
        %broadcast_in_dim3A_870 = vector.broadcast %jit3A_869 : i32 to vector<16xi32>
        %select_n3A_871 = arith.select %and3A_864, %sub3A_868, %broadcast_in_dim3A_870 : vector<16xi1>, vector<16xi32>
        %swap3A_872 = arith.constant 16 : index
        %swap3A_873 = tpu.vector_load %arg7[%swap3A_872] {strides = array<i32>} : memref<80xi32, #tpu.memory_space<vmem>>, vector<16xi32>,
        %swap3A_874 = vector.shape_cast %swap3A_873 : vector<16xi32> to vector<16xi32>
        %swap3A_875 = vector.shape_cast %select_n3A_871 : vector<16xi32> to vector<16xi32>
        tpu.vector_store %arg7[%swap3A_872], %swap3A_875 {strides = array<i32>} : memref<80xi32, #tpu.memory_space<vmem>>, vector<16xi32>,
        %get3A_876 = arith.index_cast %add3A_831 : i32 to index
        %get3A_877 = arith.constant 32 : index
        %get3A_878 = tpu.vector_load %arg5[%get3A_876, %get3A_877] {strides = array<i32>} : memref<32x208xi32, #tpu.memory_space<vmem>>, vector<1x16xi32>,
        %get3A_879 = vector.shape_cast %get3A_878 : vector<1x16xi32> to vector<16xi32>
        %ge3A_880 = vector.broadcast %scan3A_41 : i32 to vector<16xi32>
        %ge3A_881 = arith.cmpi sge, %get3A_879, %ge3A_880 : vector<16xi32>
        %add3A_882 = arith.constant 50000 : i32
        %add3A_883 = arith.addi %scan3A_41, %add3A_882 : i32
        %lt3A_884 = vector.broadcast %add3A_883 : i32 to vector<16xi32>
        %lt3A_885 = arith.cmpi slt, %get3A_879, %lt3A_884 : vector<16xi32>
        %and3A_886 = arith.andi %ge3A_881, %lt3A_885 : vector<16xi1>
        %sub3A_887 = arith.constant 1 : i32
        %sub3A_888 = arith.subi %scan3A_41, %sub3A_887 : i32
        %sub3A_889 = vector.broadcast %sub3A_888 : i32 to vector<16xi32>
        %sub3A_890 = arith.subi %get3A_879, %sub3A_889 : vector<16xi32>
        %jit3A_891 = arith.constant 0 : i32
        %broadcast_in_dim3A_892 = vector.broadcast %jit3A_891 : i32 to vector<16xi32>
        %select_n3A_893 = arith.select %and3A_886, %sub3A_890, %broadcast_in_dim3A_892 : vector<16xi1>, vector<16xi32>
        %swap3A_894 = arith.constant 32 : index
        %swap3A_895 = tpu.vector_load %arg7[%swap3A_894] {strides = array<i32>} : memref<80xi32, #tpu.memory_space<vmem>>, vector<16xi32>,
        %swap3A_896 = vector.shape_cast %swap3A_895 : vector<16xi32> to vector<16xi32>
        %swap3A_897 = vector.shape_cast %select_n3A_893 : vector<16xi32> to vector<16xi32>
        tpu.vector_store %arg7[%swap3A_894], %swap3A_897 {strides = array<i32>} : memref<80xi32, #tpu.memory_space<vmem>>, vector<16xi32>,
        %get3A_898 = arith.index_cast %add3A_831 : i32 to index
        %get3A_899 = arith.constant 48 : index
        %get3A_900 = tpu.vector_load %arg5[%get3A_898, %get3A_899] {strides = array<i32>} : memref<32x208xi32, #tpu.memory_space<vmem>>, vector<1x16xi32>,
        %get3A_901 = vector.shape_cast %get3A_900 : vector<1x16xi32> to vector<16xi32>
        %ge3A_902 = vector.broadcast %scan3A_41 : i32 to vector<16xi32>
        %ge3A_903 = arith.cmpi sge, %get3A_901, %ge3A_902 : vector<16xi32>
        %add3A_904 = arith.constant 50000 : i32
        %add3A_905 = arith.addi %scan3A_41, %add3A_904 : i32
        %lt3A_906 = vector.broadcast %add3A_905 : i32 to vector<16xi32>
        %lt3A_907 = arith.cmpi slt, %get3A_901, %lt3A_906 : vector<16xi32>
        %and3A_908 = arith.andi %ge3A_903, %lt3A_907 : vector<16xi1>
        %sub3A_909 = arith.constant 1 : i32
        %sub3A_910 = arith.subi %scan3A_41, %sub3A_909 : i32
        %sub3A_911 = vector.broadcast %sub3A_910 : i32 to vector<16xi32>
        %sub3A_912 = arith.subi %get3A_901, %sub3A_911 : vector<16xi32>
        %jit3A_913 = arith.constant 0 : i32
        %broadcast_in_dim3A_914 = vector.broadcast %jit3A_913 : i32 to vector<16xi32>
        %select_n3A_915 = arith.select %and3A_908, %sub3A_912, %broadcast_in_dim3A_914 : vector<16xi1>, vector<16xi32>
        %swap3A_916 = arith.constant 48 : index
        %swap3A_917 = tpu.vector_load %arg7[%swap3A_916] {strides = array<i32>} : memref<80xi32, #tpu.memory_space<vmem>>, vector<16xi32>,
        %swap3A_918 = vector.shape_cast %swap3A_917 : vector<16xi32> to vector<16xi32>
        %swap3A_919 = vector.shape_cast %select_n3A_915 : vector<16xi32> to vector<16xi32>
        tpu.vector_store %arg7[%swap3A_916], %swap3A_919 {strides = array<i32>} : memref<80xi32, #tpu.memory_space<vmem>>, vector<16xi32>,
        %get3A_920 = arith.index_cast %add3A_831 : i32 to index
        %get3A_921 = arith.constant 64 : index
        %get3A_922 = tpu.vector_load %arg5[%get3A_920, %get3A_921] {strides = array<i32>} : memref<32x208xi32, #tpu.memory_space<vmem>>, vector<1x16xi32>,
        %get3A_923 = vector.shape_cast %get3A_922 : vector<1x16xi32> to vector<16xi32>
        %ge3A_924 = vector.broadcast %scan3A_41 : i32 to vector<16xi32>
        %ge3A_925 = arith.cmpi sge, %get3A_923, %ge3A_924 : vector<16xi32>
        %add3A_926 = arith.constant 50000 : i32
        %add3A_927 = arith.addi %scan3A_41, %add3A_926 : i32
        %lt3A_928 = vector.broadcast %add3A_927 : i32 to vector<16xi32>
        %lt3A_929 = arith.cmpi slt, %get3A_923, %lt3A_928 : vector<16xi32>
        %and3A_930 = arith.andi %ge3A_925, %lt3A_929 : vector<16xi1>
        %sub3A_931 = arith.constant 1 : i32
        %sub3A_932 = arith.subi %scan3A_41, %sub3A_931 : i32
        %sub3A_933 = vector.broadcast %sub3A_932 : i32 to vector<16xi32>
        %sub3A_934 = arith.subi %get3A_923, %sub3A_933 : vector<16xi32>
        %jit3A_935 = arith.constant 0 : i32
        %broadcast_in_dim3A_936 = vector.broadcast %jit3A_935 : i32 to vector<16xi32>
        %select_n3A_937 = arith.select %and3A_930, %sub3A_934, %broadcast_in_dim3A_936 : vector<16xi1>, vector<16xi32>
        %swap3A_938 = arith.constant 64 : index
        %swap3A_939 = tpu.vector_load %arg7[%swap3A_938] {strides = array<i32>} : memref<80xi32, #tpu.memory_space<vmem>>, vector<16xi32>,
        %swap3A_940 = vector.shape_cast %swap3A_939 : vector<16xi32> to vector<16xi32>
        %swap3A_941 = vector.shape_cast %select_n3A_937 : vector<16xi32> to vector<16xi32>
        tpu.vector_store %arg7[%swap3A_938], %swap3A_941 {strides = array<i32>} : memref<80xi32, #tpu.memory_space<vmem>>, vector<16xi32>,
        %dma_start3A_942 = arith.constant 0 : i32
        %dma_start3A_943 = arith.constant 0 : i32
        %dma_start3A_944 = tpu.memref_slice %arg9[%dma_start3A_942, %dma_start3A_943] : memref<80x32xi32, #tpu.memory_space<vmem>> -> memref<40x32xi32, #tpu.memory_space<vmem>>
        %dma_start3A_945 = arith.constant 0 : i32
        %dma_start3A_946 = tpu.memref_slice %arg7[%dma_start3A_945] : memref<80xi32, #tpu.memory_space<vmem>> -> memref<40xi32, #tpu.memory_space<vmem>>
        %dma_start3A_947 = arith.constant 0 : i32
        %dma_start3A_948 = arith.constant 0 : i32
        %dma_start3A_949 = tpu.memref_slice %arg13[%dma_start3A_947, %dma_start3A_948] : memref<50001x32xi32, #tpu.memory_space<vmem_shared>> -> memref<50001x32xi32, #tpu.memory_space<vmem_shared>>
        tpu.enqueue_indirect_dma source(%dma_start3A_949 : memref<50001x32xi32, #tpu.memory_space<vmem_shared>>) target(%dma_start3A_944 : memref<40x32xi32, #tpu.memory_space<vmem>>) offsets(%dma_start3A_946 : memref<40xi32, #tpu.memory_space<vmem>>) semaphore(%arg15 : memref<!tpu.dma_semaphore, #tpu.memory_space<semaphore_mem>>)
        %dma_start3A_950 = arith.constant 40 : i32
        %dma_start3A_951 = arith.constant 0 : i32
        %dma_start3A_952 = tpu.memref_slice %arg9[%dma_start3A_950, %dma_start3A_951] : memref<80x32xi32, #tpu.memory_space<vmem>> -> memref<40x32xi32, #tpu.memory_space<vmem>>
        %dma_start3A_953 = arith.constant 40 : i32
        %dma_start3A_954 = tpu.memref_slice %arg7[%dma_start3A_953] : memref<80xi32, #tpu.memory_space<vmem>> -> memref<40xi32, #tpu.memory_space<vmem>>
        %dma_start3A_955 = arith.constant 0 : i32
        %dma_start3A_956 = arith.constant 0 : i32
        %dma_start3A_957 = tpu.memref_slice %arg13[%dma_start3A_955, %dma_start3A_956] : memref<50001x32xi32, #tpu.memory_space<vmem_shared>> -> memref<50001x32xi32, #tpu.memory_space<vmem_shared>>
        tpu.enqueue_indirect_dma source(%dma_start3A_957 : memref<50001x32xi32, #tpu.memory_space<vmem_shared>>) target(%dma_start3A_952 : memref<40x32xi32, #tpu.memory_space<vmem>>) offsets(%dma_start3A_954 : memref<40xi32, #tpu.memory_space<vmem>>) semaphore(%arg15 : memref<!tpu.dma_semaphore, #tpu.memory_space<semaphore_mem>>)
      }
      %scan3A_311 = arith.constant 15 : i32
      %dma_wait3A = arith.constant 0 : i32
      %dma_wait3A_312 = arith.constant 0 : i32
      %dma_wait3A_313 = tpu.memref_slice %arg13[%dma_wait3A, %dma_wait3A_312] : memref<50001x32xi32, #tpu.memory_space<vmem_shared>> -> memref<80x32xi32, #tpu.memory_space<vmem_shared>>
      %dma_wait3A_314 = arith.constant 0 : i32
      %dma_wait3A_315 = arith.constant 0 : i32
      %dma_wait3A_316 = tpu.memref_slice %arg13[%dma_wait3A_314, %dma_wait3A_315] : memref<50001x32xi32, #tpu.memory_space<vmem_shared>> -> memref<80x32xi32, #tpu.memory_space<vmem_shared>>
      tpu.wait_dma2 semaphore(%arg14 : memref<!tpu.dma_semaphore, #tpu.memory_space<semaphore_mem>>) src(%dma_wait3A_316 : memref<80x32xi32, #tpu.memory_space<vmem_shared>>) dst(%arg8 : memref<80x32xi32, #tpu.memory_space<vmem>>)
      %add3A_317 = arith.constant 30 : i32
      %add3A_318 = arith.addi %mul3A_50, %add3A_317 : i32
      %broadcast_in_dim3A_319 = arith.constant 0.000000e+00 : f32
      %broadcast_in_dim3A_320 = vector.broadcast %broadcast_in_dim3A_319 : f32 to vector<16xf32>
      %broadcast_in_dim3A_321 = arith.constant 0.000000e+00 : f32
      %broadcast_in_dim3A_322 = vector.broadcast %broadcast_in_dim3A_321 : f32 to vector<16xf32>
      %broadcast_in_dim3A_323 = arith.constant 0.000000e+00 : f32
      %broadcast_in_dim3A_324 = vector.broadcast %broadcast_in_dim3A_323 : f32 to vector<16xf32>
      %broadcast_in_dim3A_325 = arith.constant 0.000000e+00 : f32
      %broadcast_in_dim3A_326 = vector.broadcast %broadcast_in_dim3A_325 : f32 to vector<16xf32>
      %scan3A_327 = arith.constant 0 : i32
      %scan3A_328 = arith.constant 20 : i32
      %scan3A_329 = arith.addi %scan3A_327, %scan3A_328 : i32
      %scan3A_330 = arith.constant 1 : i32
      %scan3A_331:4 = scf.for %scan3A_503 = %scan3A_327 to %scan3A_329 step %scan3A_330 iter_args(%scan3A_504 = %broadcast_in_dim3A_320, %scan3A_505 = %broadcast_in_dim3A_322, %scan3A_506 = %broadcast_in_dim3A_324, %scan3A_507 = %broadcast_in_dim3A_326) -> (vector<16xf32>, vector<16xf32>, vector<16xf32>, vector<16xf32>)  : i32 {
        %mul3A_508 = arith.constant 4 : i32
        %mul3A_509 = arith.muli %scan3A_503, %mul3A_508 : i32
        %add3A_510 = arith.constant 0 : i32
        %add3A_511 = arith.addi %mul3A_509, %add3A_510 : i32
        %get3A_512 = arith.index_cast %add3A_511 : i32 to index
        %get3A_513 = arith.constant 0 : index
        %get3A_514 = tpu.vector_load %arg8[%get3A_512, %get3A_513] {strides = array<i32>} : memref<80x32xi32, #tpu.memory_space<vmem>>, vector<1x16xi32>,
        %get3A_515 = vector.shape_cast %get3A_514 : vector<1x16xi32> to vector<16xi32>
        %shift_left3A_516 = arith.constant 16 : i32
        %shift_left3A_517 = vector.broadcast %shift_left3A_516 : i32 to vector<16xi32>
        %shift_left3A_518 = arith.shli %get3A_515, %shift_left3A_517 : vector<16xi32>
        %bitcast_convert_type3A_519 = tpu.bitcast %shift_left3A_518 : vector<16xi32> -> vector<16xf32>
        %and3A_520 = arith.constant -65536 : i32
        %and3A_521 = vector.broadcast %and3A_520 : i32 to vector<16xi32>
        %and3A_522 = arith.andi %get3A_515, %and3A_521 : vector<16xi32>
        %bitcast_convert_type3A_523 = tpu.bitcast %and3A_522 : vector<16xi32> -> vector<16xf32>
        %add3A_524 = arith.addf %scan3A_504, %bitcast_convert_type3A_519 : vector<16xf32>
        %add3A_525 = arith.addf %scan3A_505, %bitcast_convert_type3A_523 : vector<16xf32>
        %get3A_526 = arith.index_cast %add3A_511 : i32 to index
        %get3A_527 = arith.constant 16 : index
        %get3A_528 = tpu.vector_load %arg8[%get3A_526, %get3A_527] {strides = array<i32>} : memref<80x32xi32, #tpu.memory_space<vmem>>, vector<1x16xi32>,
        %get3A_529 = vector.shape_cast %get3A_528 : vector<1x16xi32> to vector<16xi32>
        %shift_left3A_530 = arith.constant 16 : i32
        %shift_left3A_531 = vector.broadcast %shift_left3A_530 : i32 to vector<16xi32>
        %shift_left3A_532 = arith.shli %get3A_529, %shift_left3A_531 : vector<16xi32>
        %bitcast_convert_type3A_533 = tpu.bitcast %shift_left3A_532 : vector<16xi32> -> vector<16xf32>
        %and3A_534 = arith.constant -65536 : i32
        %and3A_535 = vector.broadcast %and3A_534 : i32 to vector<16xi32>
        %and3A_536 = arith.andi %get3A_529, %and3A_535 : vector<16xi32>
        %bitcast_convert_type3A_537 = tpu.bitcast %and3A_536 : vector<16xi32> -> vector<16xf32>
        %add3A_538 = arith.addf %scan3A_506, %bitcast_convert_type3A_533 : vector<16xf32>
        %add3A_539 = arith.addf %scan3A_507, %bitcast_convert_type3A_537 : vector<16xf32>
        %mul3A_540 = arith.constant 4 : i32
        %mul3A_541 = arith.muli %scan3A_503, %mul3A_540 : i32
        %add3A_542 = arith.constant 1 : i32
        %add3A_543 = arith.addi %mul3A_541, %add3A_542 : i32
        %get3A_544 = arith.index_cast %add3A_543 : i32 to index
        %get3A_545 = arith.constant 0 : index
        %get3A_546 = tpu.vector_load %arg8[%get3A_544, %get3A_545] {strides = array<i32>} : memref<80x32xi32, #tpu.memory_space<vmem>>, vector<1x16xi32>,
        %get3A_547 = vector.shape_cast %get3A_546 : vector<1x16xi32> to vector<16xi32>
        %shift_left3A_548 = arith.constant 16 : i32
        %shift_left3A_549 = vector.broadcast %shift_left3A_548 : i32 to vector<16xi32>
        %shift_left3A_550 = arith.shli %get3A_547, %shift_left3A_549 : vector<16xi32>
        %bitcast_convert_type3A_551 = tpu.bitcast %shift_left3A_550 : vector<16xi32> -> vector<16xf32>
        %and3A_552 = arith.constant -65536 : i32
        %and3A_553 = vector.broadcast %and3A_552 : i32 to vector<16xi32>
        %and3A_554 = arith.andi %get3A_547, %and3A_553 : vector<16xi32>
        %bitcast_convert_type3A_555 = tpu.bitcast %and3A_554 : vector<16xi32> -> vector<16xf32>
        %add3A_556 = arith.addf %add3A_524, %bitcast_convert_type3A_551 : vector<16xf32>
        %add3A_557 = arith.addf %add3A_525, %bitcast_convert_type3A_555 : vector<16xf32>
        %get3A_558 = arith.index_cast %add3A_543 : i32 to index
        %get3A_559 = arith.constant 16 : index
        %get3A_560 = tpu.vector_load %arg8[%get3A_558, %get3A_559] {strides = array<i32>} : memref<80x32xi32, #tpu.memory_space<vmem>>, vector<1x16xi32>,
        %get3A_561 = vector.shape_cast %get3A_560 : vector<1x16xi32> to vector<16xi32>
        %shift_left3A_562 = arith.constant 16 : i32
        %shift_left3A_563 = vector.broadcast %shift_left3A_562 : i32 to vector<16xi32>
        %shift_left3A_564 = arith.shli %get3A_561, %shift_left3A_563 : vector<16xi32>
        %bitcast_convert_type3A_565 = tpu.bitcast %shift_left3A_564 : vector<16xi32> -> vector<16xf32>
        %and3A_566 = arith.constant -65536 : i32
        %and3A_567 = vector.broadcast %and3A_566 : i32 to vector<16xi32>
        %and3A_568 = arith.andi %get3A_561, %and3A_567 : vector<16xi32>
        %bitcast_convert_type3A_569 = tpu.bitcast %and3A_568 : vector<16xi32> -> vector<16xf32>
        %add3A_570 = arith.addf %add3A_538, %bitcast_convert_type3A_565 : vector<16xf32>
        %add3A_571 = arith.addf %add3A_539, %bitcast_convert_type3A_569 : vector<16xf32>
        %mul3A_572 = arith.constant 4 : i32
        %mul3A_573 = arith.muli %scan3A_503, %mul3A_572 : i32
        %add3A_574 = arith.constant 2 : i32
        %add3A_575 = arith.addi %mul3A_573, %add3A_574 : i32
        %get3A_576 = arith.index_cast %add3A_575 : i32 to index
        %get3A_577 = arith.constant 0 : index
        %get3A_578 = tpu.vector_load %arg8[%get3A_576, %get3A_577] {strides = array<i32>} : memref<80x32xi32, #tpu.memory_space<vmem>>, vector<1x16xi32>,
        %get3A_579 = vector.shape_cast %get3A_578 : vector<1x16xi32> to vector<16xi32>
        %shift_left3A_580 = arith.constant 16 : i32
        %shift_left3A_581 = vector.broadcast %shift_left3A_580 : i32 to vector<16xi32>
        %shift_left3A_582 = arith.shli %get3A_579, %shift_left3A_581 : vector<16xi32>
        %bitcast_convert_type3A_583 = tpu.bitcast %shift_left3A_582 : vector<16xi32> -> vector<16xf32>
        %and3A_584 = arith.constant -65536 : i32
        %and3A_585 = vector.broadcast %and3A_584 : i32 to vector<16xi32>
        %and3A_586 = arith.andi %get3A_579, %and3A_585 : vector<16xi32>
        %bitcast_convert_type3A_587 = tpu.bitcast %and3A_586 : vector<16xi32> -> vector<16xf32>
        %add3A_588 = arith.addf %add3A_556, %bitcast_convert_type3A_583 : vector<16xf32>
        %add3A_589 = arith.addf %add3A_557, %bitcast_convert_type3A_587 : vector<16xf32>
        %get3A_590 = arith.index_cast %add3A_575 : i32 to index
        %get3A_591 = arith.constant 16 : index
        %get3A_592 = tpu.vector_load %arg8[%get3A_590, %get3A_591] {strides = array<i32>} : memref<80x32xi32, #tpu.memory_space<vmem>>, vector<1x16xi32>,
        %get3A_593 = vector.shape_cast %get3A_592 : vector<1x16xi32> to vector<16xi32>
        %shift_left3A_594 = arith.constant 16 : i32
        %shift_left3A_595 = vector.broadcast %shift_left3A_594 : i32 to vector<16xi32>
        %shift_left3A_596 = arith.shli %get3A_593, %shift_left3A_595 : vector<16xi32>
        %bitcast_convert_type3A_597 = tpu.bitcast %shift_left3A_596 : vector<16xi32> -> vector<16xf32>
        %and3A_598 = arith.constant -65536 : i32
        %and3A_599 = vector.broadcast %and3A_598 : i32 to vector<16xi32>
        %and3A_600 = arith.andi %get3A_593, %and3A_599 : vector<16xi32>
        %bitcast_convert_type3A_601 = tpu.bitcast %and3A_600 : vector<16xi32> -> vector<16xf32>
        %add3A_602 = arith.addf %add3A_570, %bitcast_convert_type3A_597 : vector<16xf32>
        %add3A_603 = arith.addf %add3A_571, %bitcast_convert_type3A_601 : vector<16xf32>
        %mul3A_604 = arith.constant 4 : i32
        %mul3A_605 = arith.muli %scan3A_503, %mul3A_604 : i32
        %add3A_606 = arith.constant 3 : i32
        %add3A_607 = arith.addi %mul3A_605, %add3A_606 : i32
        %get3A_608 = arith.index_cast %add3A_607 : i32 to index
        %get3A_609 = arith.constant 0 : index
        %get3A_610 = tpu.vector_load %arg8[%get3A_608, %get3A_609] {strides = array<i32>} : memref<80x32xi32, #tpu.memory_space<vmem>>, vector<1x16xi32>,
        %get3A_611 = vector.shape_cast %get3A_610 : vector<1x16xi32> to vector<16xi32>
        %shift_left3A_612 = arith.constant 16 : i32
        %shift_left3A_613 = vector.broadcast %shift_left3A_612 : i32 to vector<16xi32>
        %shift_left3A_614 = arith.shli %get3A_611, %shift_left3A_613 : vector<16xi32>
        %bitcast_convert_type3A_615 = tpu.bitcast %shift_left3A_614 : vector<16xi32> -> vector<16xf32>
        %and3A_616 = arith.constant -65536 : i32
        %and3A_617 = vector.broadcast %and3A_616 : i32 to vector<16xi32>
        %and3A_618 = arith.andi %get3A_611, %and3A_617 : vector<16xi32>
        %bitcast_convert_type3A_619 = tpu.bitcast %and3A_618 : vector<16xi32> -> vector<16xf32>
        %add3A_620 = arith.addf %add3A_588, %bitcast_convert_type3A_615 : vector<16xf32>
        %add3A_621 = arith.addf %add3A_589, %bitcast_convert_type3A_619 : vector<16xf32>
        %get3A_622 = arith.index_cast %add3A_607 : i32 to index
        %get3A_623 = arith.constant 16 : index
        %get3A_624 = tpu.vector_load %arg8[%get3A_622, %get3A_623] {strides = array<i32>} : memref<80x32xi32, #tpu.memory_space<vmem>>, vector<1x16xi32>,
        %get3A_625 = vector.shape_cast %get3A_624 : vector<1x16xi32> to vector<16xi32>
        %shift_left3A_626 = arith.constant 16 : i32
        %shift_left3A_627 = vector.broadcast %shift_left3A_626 : i32 to vector<16xi32>
        %shift_left3A_628 = arith.shli %get3A_625, %shift_left3A_627 : vector<16xi32>
        %bitcast_convert_type3A_629 = tpu.bitcast %shift_left3A_628 : vector<16xi32> -> vector<16xf32>
        %and3A_630 = arith.constant -65536 : i32
        %and3A_631 = vector.broadcast %and3A_630 : i32 to vector<16xi32>
        %and3A_632 = arith.andi %get3A_625, %and3A_631 : vector<16xi32>
        %bitcast_convert_type3A_633 = tpu.bitcast %and3A_632 : vector<16xi32> -> vector<16xf32>
        %add3A_634 = arith.addf %add3A_602, %bitcast_convert_type3A_629 : vector<16xf32>
        %add3A_635 = arith.addf %add3A_603, %bitcast_convert_type3A_633 : vector<16xf32>
        scf.yield %add3A_620, %add3A_621, %add3A_634, %add3A_635 : vector<16xf32>, vector<16xf32>, vector<16xf32>, vector<16xf32>
      }
      %scan3A_332 = arith.constant 20 : i32
      %get3A_333 = arith.index_cast %add3A_318 : i32 to index
      %get3A_334 = arith.constant 0 : index
      %get3A_335 = tpu.vector_load %arg11[%get3A_333, %get3A_334] {strides = array<i32>} : memref<256x32xi32, #tpu.memory_space<vmem>>, vector<1x16xi32>,
      %get3A_336 = vector.shape_cast %get3A_335 : vector<1x16xi32> to vector<16xi32>
      %shift_left3A = arith.constant 16 : i32
      %shift_left3A_337 = vector.broadcast %shift_left3A : i32 to vector<16xi32>
      %shift_left3A_338 = arith.shli %get3A_336, %shift_left3A_337 : vector<16xi32>
      %bitcast_convert_type3A = tpu.bitcast %shift_left3A_338 : vector<16xi32> -> vector<16xf32>
      %add3A_339 = arith.addf %scan3A_331#0, %bitcast_convert_type3A : vector<16xf32>
      %and3A_340 = arith.constant -65536 : i32
      %and3A_341 = vector.broadcast %and3A_340 : i32 to vector<16xi32>
      %and3A_342 = arith.andi %get3A_336, %and3A_341 : vector<16xi32>
      %bitcast_convert_type3A_343 = tpu.bitcast %and3A_342 : vector<16xi32> -> vector<16xf32>
      %add3A_344 = arith.addf %scan3A_331#1, %bitcast_convert_type3A_343 : vector<16xf32>
      %mul3A_345 = vector.broadcast %scan3A_42 : f32 to vector<16xf32>
      %mul3A_346 = arith.mulf %add3A_339, %mul3A_345 : vector<16xf32>
      %mul3A_347 = vector.broadcast %scan3A_42 : f32 to vector<16xf32>
      %mul3A_348 = arith.mulf %add3A_344, %mul3A_347 : vector<16xf32>
      %bitcast_convert_type3A_349 = tpu.bitcast %mul3A_346 : vector<16xf32> -> vector<16xi32>
      %bitcast_convert_type3A_350 = tpu.bitcast %mul3A_348 : vector<16xf32> -> vector<16xi32>
      %add3A_351 = arith.constant 32768 : i32
      %add3A_352 = vector.broadcast %add3A_351 : i32 to vector<16xi32>
      %add3A_353 = arith.addi %bitcast_convert_type3A_349, %add3A_352 : vector<16xi32>
      %shift_right_logical3A = arith.constant 16 : i32
      %shift_right_logical3A_354 = vector.broadcast %shift_right_logical3A : i32 to vector<16xi32>
      %shift_right_logical3A_355 = arith.shrui %add3A_353, %shift_right_logical3A_354 : vector<16xi32>
      %add3A_356 = arith.constant 32768 : i32
      %add3A_357 = vector.broadcast %add3A_356 : i32 to vector<16xi32>
      %add3A_358 = arith.addi %bitcast_convert_type3A_350, %add3A_357 : vector<16xi32>
      %and3A_359 = arith.constant -65536 : i32
      %and3A_360 = vector.broadcast %and3A_359 : i32 to vector<16xi32>
      %and3A_361 = arith.andi %add3A_358, %and3A_360 : vector<16xi32>
      %or3A = arith.ori %shift_right_logical3A_355, %and3A_361 : vector<16xi32>
      %swap3A_362 = arith.index_cast %add3A_318 : i32 to index
      %swap3A_363 = arith.constant 0 : index
      %swap3A_364 = tpu.vector_load %arg11[%swap3A_362, %swap3A_363] {strides = array<i32>} : memref<256x32xi32, #tpu.memory_space<vmem>>, vector<1x16xi32>,
      %swap3A_365 = vector.shape_cast %swap3A_364 : vector<1x16xi32> to vector<16xi32>
      %swap3A_366 = vector.shape_cast %or3A : vector<16xi32> to vector<1x16xi32>
      tpu.vector_store %arg11[%swap3A_362, %swap3A_363], %swap3A_366 {strides = array<i32>} : memref<256x32xi32, #tpu.memory_space<vmem>>, vector<1x16xi32>,
      %get3A_367 = arith.index_cast %add3A_318 : i32 to index
      %get3A_368 = arith.constant 16 : index
      %get3A_369 = tpu.vector_load %arg11[%get3A_367, %get3A_368] {strides = array<i32>} : memref<256x32xi32, #tpu.memory_space<vmem>>, vector<1x16xi32>,
      %get3A_370 = vector.shape_cast %get3A_369 : vector<1x16xi32> to vector<16xi32>
      %shift_left3A_371 = arith.constant 16 : i32
      %shift_left3A_372 = vector.broadcast %shift_left3A_371 : i32 to vector<16xi32>
      %shift_left3A_373 = arith.shli %get3A_370, %shift_left3A_372 : vector<16xi32>
      %bitcast_convert_type3A_374 = tpu.bitcast %shift_left3A_373 : vector<16xi32> -> vector<16xf32>
      %add3A_375 = arith.addf %scan3A_331#2, %bitcast_convert_type3A_374 : vector<16xf32>
      %and3A_376 = arith.constant -65536 : i32
      %and3A_377 = vector.broadcast %and3A_376 : i32 to vector<16xi32>
      %and3A_378 = arith.andi %get3A_370, %and3A_377 : vector<16xi32>
      %bitcast_convert_type3A_379 = tpu.bitcast %and3A_378 : vector<16xi32> -> vector<16xf32>
      %add3A_380 = arith.addf %scan3A_331#3, %bitcast_convert_type3A_379 : vector<16xf32>
      %mul3A_381 = vector.broadcast %scan3A_42 : f32 to vector<16xf32>
      %mul3A_382 = arith.mulf %add3A_375, %mul3A_381 : vector<16xf32>
      %mul3A_383 = vector.broadcast %scan3A_42 : f32 to vector<16xf32>
      %mul3A_384 = arith.mulf %add3A_380, %mul3A_383 : vector<16xf32>
      %bitcast_convert_type3A_385 = tpu.bitcast %mul3A_382 : vector<16xf32> -> vector<16xi32>
      %bitcast_convert_type3A_386 = tpu.bitcast %mul3A_384 : vector<16xf32> -> vector<16xi32>
      %add3A_387 = arith.constant 32768 : i32
      %add3A_388 = vector.broadcast %add3A_387 : i32 to vector<16xi32>
      %add3A_389 = arith.addi %bitcast_convert_type3A_385, %add3A_388 : vector<16xi32>
      %shift_right_logical3A_390 = arith.constant 16 : i32
      %shift_right_logical3A_391 = vector.broadcast %shift_right_logical3A_390 : i32 to vector<16xi32>
      %shift_right_logical3A_392 = arith.shrui %add3A_389, %shift_right_logical3A_391 : vector<16xi32>
      %add3A_393 = arith.constant 32768 : i32
      %add3A_394 = vector.broadcast %add3A_393 : i32 to vector<16xi32>
      %add3A_395 = arith.addi %bitcast_convert_type3A_386, %add3A_394 : vector<16xi32>
      %and3A_396 = arith.constant -65536 : i32
      %and3A_397 = vector.broadcast %and3A_396 : i32 to vector<16xi32>
      %and3A_398 = arith.andi %add3A_395, %and3A_397 : vector<16xi32>
      %or3A_399 = arith.ori %shift_right_logical3A_392, %and3A_398 : vector<16xi32>
      %swap3A_400 = arith.index_cast %add3A_318 : i32 to index
      %swap3A_401 = arith.constant 16 : index
      %swap3A_402 = tpu.vector_load %arg11[%swap3A_400, %swap3A_401] {strides = array<i32>} : memref<256x32xi32, #tpu.memory_space<vmem>>, vector<1x16xi32>,
      %swap3A_403 = vector.shape_cast %swap3A_402 : vector<1x16xi32> to vector<16xi32>
      %swap3A_404 = vector.shape_cast %or3A_399 : vector<16xi32> to vector<1x16xi32>
      tpu.vector_store %arg11[%swap3A_400, %swap3A_401], %swap3A_404 {strides = array<i32>} : memref<256x32xi32, #tpu.memory_space<vmem>>, vector<1x16xi32>,
      %dma_wait3A_405 = arith.constant 0 : i32
      %dma_wait3A_406 = arith.constant 0 : i32
      %dma_wait3A_407 = tpu.memref_slice %arg13[%dma_wait3A_405, %dma_wait3A_406] : memref<50001x32xi32, #tpu.memory_space<vmem_shared>> -> memref<80x32xi32, #tpu.memory_space<vmem_shared>>
      %dma_wait3A_408 = arith.constant 0 : i32
      %dma_wait3A_409 = arith.constant 0 : i32
      %dma_wait3A_410 = tpu.memref_slice %arg13[%dma_wait3A_408, %dma_wait3A_409] : memref<50001x32xi32, #tpu.memory_space<vmem_shared>> -> memref<80x32xi32, #tpu.memory_space<vmem_shared>>
      tpu.wait_dma2 semaphore(%arg15 : memref<!tpu.dma_semaphore, #tpu.memory_space<semaphore_mem>>) src(%dma_wait3A_410 : memref<80x32xi32, #tpu.memory_space<vmem_shared>>) dst(%arg9 : memref<80x32xi32, #tpu.memory_space<vmem>>)
      %add3A_411 = arith.constant 31 : i32
      %add3A_412 = arith.addi %mul3A_50, %add3A_411 : i32
      %broadcast_in_dim3A_413 = arith.constant 0.000000e+00 : f32
      %broadcast_in_dim3A_414 = vector.broadcast %broadcast_in_dim3A_413 : f32 to vector<16xf32>
      %broadcast_in_dim3A_415 = arith.constant 0.000000e+00 : f32
      %broadcast_in_dim3A_416 = vector.broadcast %broadcast_in_dim3A_415 : f32 to vector<16xf32>
      %broadcast_in_dim3A_417 = arith.constant 0.000000e+00 : f32
      %broadcast_in_dim3A_418 = vector.broadcast %broadcast_in_dim3A_417 : f32 to vector<16xf32>
      %broadcast_in_dim3A_419 = arith.constant 0.000000e+00 : f32
      %broadcast_in_dim3A_420 = vector.broadcast %broadcast_in_dim3A_419 : f32 to vector<16xf32>
      %scan3A_421 = arith.constant 0 : i32
      %scan3A_422 = arith.constant 20 : i32
      %scan3A_423 = arith.addi %scan3A_421, %scan3A_422 : i32
      %scan3A_424 = arith.constant 1 : i32
      %scan3A_425:4 = scf.for %scan3A_503 = %scan3A_421 to %scan3A_423 step %scan3A_424 iter_args(%scan3A_504 = %broadcast_in_dim3A_414, %scan3A_505 = %broadcast_in_dim3A_416, %scan3A_506 = %broadcast_in_dim3A_418, %scan3A_507 = %broadcast_in_dim3A_420) -> (vector<16xf32>, vector<16xf32>, vector<16xf32>, vector<16xf32>)  : i32 {
        %mul3A_508 = arith.constant 4 : i32
        %mul3A_509 = arith.muli %scan3A_503, %mul3A_508 : i32
        %add3A_510 = arith.constant 0 : i32
        %add3A_511 = arith.addi %mul3A_509, %add3A_510 : i32
        %get3A_512 = arith.index_cast %add3A_511 : i32 to index
        %get3A_513 = arith.constant 0 : index
        %get3A_514 = tpu.vector_load %arg9[%get3A_512, %get3A_513] {strides = array<i32>} : memref<80x32xi32, #tpu.memory_space<vmem>>, vector<1x16xi32>,
        %get3A_515 = vector.shape_cast %get3A_514 : vector<1x16xi32> to vector<16xi32>
        %shift_left3A_516 = arith.constant 16 : i32
        %shift_left3A_517 = vector.broadcast %shift_left3A_516 : i32 to vector<16xi32>
        %shift_left3A_518 = arith.shli %get3A_515, %shift_left3A_517 : vector<16xi32>
        %bitcast_convert_type3A_519 = tpu.bitcast %shift_left3A_518 : vector<16xi32> -> vector<16xf32>
        %and3A_520 = arith.constant -65536 : i32
        %and3A_521 = vector.broadcast %and3A_520 : i32 to vector<16xi32>
        %and3A_522 = arith.andi %get3A_515, %and3A_521 : vector<16xi32>
        %bitcast_convert_type3A_523 = tpu.bitcast %and3A_522 : vector<16xi32> -> vector<16xf32>
        %add3A_524 = arith.addf %scan3A_504, %bitcast_convert_type3A_519 : vector<16xf32>
        %add3A_525 = arith.addf %scan3A_505, %bitcast_convert_type3A_523 : vector<16xf32>
        %get3A_526 = arith.index_cast %add3A_511 : i32 to index
        %get3A_527 = arith.constant 16 : index
        %get3A_528 = tpu.vector_load %arg9[%get3A_526, %get3A_527] {strides = array<i32>} : memref<80x32xi32, #tpu.memory_space<vmem>>, vector<1x16xi32>,
        %get3A_529 = vector.shape_cast %get3A_528 : vector<1x16xi32> to vector<16xi32>
        %shift_left3A_530 = arith.constant 16 : i32
        %shift_left3A_531 = vector.broadcast %shift_left3A_530 : i32 to vector<16xi32>
        %shift_left3A_532 = arith.shli %get3A_529, %shift_left3A_531 : vector<16xi32>
        %bitcast_convert_type3A_533 = tpu.bitcast %shift_left3A_532 : vector<16xi32> -> vector<16xf32>
        %and3A_534 = arith.constant -65536 : i32
        %and3A_535 = vector.broadcast %and3A_534 : i32 to vector<16xi32>
        %and3A_536 = arith.andi %get3A_529, %and3A_535 : vector<16xi32>
        %bitcast_convert_type3A_537 = tpu.bitcast %and3A_536 : vector<16xi32> -> vector<16xf32>
        %add3A_538 = arith.addf %scan3A_506, %bitcast_convert_type3A_533 : vector<16xf32>
        %add3A_539 = arith.addf %scan3A_507, %bitcast_convert_type3A_537 : vector<16xf32>
        %mul3A_540 = arith.constant 4 : i32
        %mul3A_541 = arith.muli %scan3A_503, %mul3A_540 : i32
        %add3A_542 = arith.constant 1 : i32
        %add3A_543 = arith.addi %mul3A_541, %add3A_542 : i32
        %get3A_544 = arith.index_cast %add3A_543 : i32 to index
        %get3A_545 = arith.constant 0 : index
        %get3A_546 = tpu.vector_load %arg9[%get3A_544, %get3A_545] {strides = array<i32>} : memref<80x32xi32, #tpu.memory_space<vmem>>, vector<1x16xi32>,
        %get3A_547 = vector.shape_cast %get3A_546 : vector<1x16xi32> to vector<16xi32>
        %shift_left3A_548 = arith.constant 16 : i32
        %shift_left3A_549 = vector.broadcast %shift_left3A_548 : i32 to vector<16xi32>
        %shift_left3A_550 = arith.shli %get3A_547, %shift_left3A_549 : vector<16xi32>
        %bitcast_convert_type3A_551 = tpu.bitcast %shift_left3A_550 : vector<16xi32> -> vector<16xf32>
        %and3A_552 = arith.constant -65536 : i32
        %and3A_553 = vector.broadcast %and3A_552 : i32 to vector<16xi32>
        %and3A_554 = arith.andi %get3A_547, %and3A_553 : vector<16xi32>
        %bitcast_convert_type3A_555 = tpu.bitcast %and3A_554 : vector<16xi32> -> vector<16xf32>
        %add3A_556 = arith.addf %add3A_524, %bitcast_convert_type3A_551 : vector<16xf32>
        %add3A_557 = arith.addf %add3A_525, %bitcast_convert_type3A_555 : vector<16xf32>
        %get3A_558 = arith.index_cast %add3A_543 : i32 to index
        %get3A_559 = arith.constant 16 : index
        %get3A_560 = tpu.vector_load %arg9[%get3A_558, %get3A_559] {strides = array<i32>} : memref<80x32xi32, #tpu.memory_space<vmem>>, vector<1x16xi32>,
        %get3A_561 = vector.shape_cast %get3A_560 : vector<1x16xi32> to vector<16xi32>
        %shift_left3A_562 = arith.constant 16 : i32
        %shift_left3A_563 = vector.broadcast %shift_left3A_562 : i32 to vector<16xi32>
        %shift_left3A_564 = arith.shli %get3A_561, %shift_left3A_563 : vector<16xi32>
        %bitcast_convert_type3A_565 = tpu.bitcast %shift_left3A_564 : vector<16xi32> -> vector<16xf32>
        %and3A_566 = arith.constant -65536 : i32
        %and3A_567 = vector.broadcast %and3A_566 : i32 to vector<16xi32>
        %and3A_568 = arith.andi %get3A_561, %and3A_567 : vector<16xi32>
        %bitcast_convert_type3A_569 = tpu.bitcast %and3A_568 : vector<16xi32> -> vector<16xf32>
        %add3A_570 = arith.addf %add3A_538, %bitcast_convert_type3A_565 : vector<16xf32>
        %add3A_571 = arith.addf %add3A_539, %bitcast_convert_type3A_569 : vector<16xf32>
        %mul3A_572 = arith.constant 4 : i32
        %mul3A_573 = arith.muli %scan3A_503, %mul3A_572 : i32
        %add3A_574 = arith.constant 2 : i32
        %add3A_575 = arith.addi %mul3A_573, %add3A_574 : i32
        %get3A_576 = arith.index_cast %add3A_575 : i32 to index
        %get3A_577 = arith.constant 0 : index
        %get3A_578 = tpu.vector_load %arg9[%get3A_576, %get3A_577] {strides = array<i32>} : memref<80x32xi32, #tpu.memory_space<vmem>>, vector<1x16xi32>,
        %get3A_579 = vector.shape_cast %get3A_578 : vector<1x16xi32> to vector<16xi32>
        %shift_left3A_580 = arith.constant 16 : i32
        %shift_left3A_581 = vector.broadcast %shift_left3A_580 : i32 to vector<16xi32>
        %shift_left3A_582 = arith.shli %get3A_579, %shift_left3A_581 : vector<16xi32>
        %bitcast_convert_type3A_583 = tpu.bitcast %shift_left3A_582 : vector<16xi32> -> vector<16xf32>
        %and3A_584 = arith.constant -65536 : i32
        %and3A_585 = vector.broadcast %and3A_584 : i32 to vector<16xi32>
        %and3A_586 = arith.andi %get3A_579, %and3A_585 : vector<16xi32>
        %bitcast_convert_type3A_587 = tpu.bitcast %and3A_586 : vector<16xi32> -> vector<16xf32>
        %add3A_588 = arith.addf %add3A_556, %bitcast_convert_type3A_583 : vector<16xf32>
        %add3A_589 = arith.addf %add3A_557, %bitcast_convert_type3A_587 : vector<16xf32>
        %get3A_590 = arith.index_cast %add3A_575 : i32 to index
        %get3A_591 = arith.constant 16 : index
        %get3A_592 = tpu.vector_load %arg9[%get3A_590, %get3A_591] {strides = array<i32>} : memref<80x32xi32, #tpu.memory_space<vmem>>, vector<1x16xi32>,
        %get3A_593 = vector.shape_cast %get3A_592 : vector<1x16xi32> to vector<16xi32>
        %shift_left3A_594 = arith.constant 16 : i32
        %shift_left3A_595 = vector.broadcast %shift_left3A_594 : i32 to vector<16xi32>
        %shift_left3A_596 = arith.shli %get3A_593, %shift_left3A_595 : vector<16xi32>
        %bitcast_convert_type3A_597 = tpu.bitcast %shift_left3A_596 : vector<16xi32> -> vector<16xf32>
        %and3A_598 = arith.constant -65536 : i32
        %and3A_599 = vector.broadcast %and3A_598 : i32 to vector<16xi32>
        %and3A_600 = arith.andi %get3A_593, %and3A_599 : vector<16xi32>
        %bitcast_convert_type3A_601 = tpu.bitcast %and3A_600 : vector<16xi32> -> vector<16xf32>
        %add3A_602 = arith.addf %add3A_570, %bitcast_convert_type3A_597 : vector<16xf32>
        %add3A_603 = arith.addf %add3A_571, %bitcast_convert_type3A_601 : vector<16xf32>
        %mul3A_604 = arith.constant 4 : i32
        %mul3A_605 = arith.muli %scan3A_503, %mul3A_604 : i32
        %add3A_606 = arith.constant 3 : i32
        %add3A_607 = arith.addi %mul3A_605, %add3A_606 : i32
        %get3A_608 = arith.index_cast %add3A_607 : i32 to index
        %get3A_609 = arith.constant 0 : index
        %get3A_610 = tpu.vector_load %arg9[%get3A_608, %get3A_609] {strides = array<i32>} : memref<80x32xi32, #tpu.memory_space<vmem>>, vector<1x16xi32>,
        %get3A_611 = vector.shape_cast %get3A_610 : vector<1x16xi32> to vector<16xi32>
        %shift_left3A_612 = arith.constant 16 : i32
        %shift_left3A_613 = vector.broadcast %shift_left3A_612 : i32 to vector<16xi32>
        %shift_left3A_614 = arith.shli %get3A_611, %shift_left3A_613 : vector<16xi32>
        %bitcast_convert_type3A_615 = tpu.bitcast %shift_left3A_614 : vector<16xi32> -> vector<16xf32>
        %and3A_616 = arith.constant -65536 : i32
        %and3A_617 = vector.broadcast %and3A_616 : i32 to vector<16xi32>
        %and3A_618 = arith.andi %get3A_611, %and3A_617 : vector<16xi32>
        %bitcast_convert_type3A_619 = tpu.bitcast %and3A_618 : vector<16xi32> -> vector<16xf32>
        %add3A_620 = arith.addf %add3A_588, %bitcast_convert_type3A_615 : vector<16xf32>
        %add3A_621 = arith.addf %add3A_589, %bitcast_convert_type3A_619 : vector<16xf32>
        %get3A_622 = arith.index_cast %add3A_607 : i32 to index
        %get3A_623 = arith.constant 16 : index
        %get3A_624 = tpu.vector_load %arg9[%get3A_622, %get3A_623] {strides = array<i32>} : memref<80x32xi32, #tpu.memory_space<vmem>>, vector<1x16xi32>,
        %get3A_625 = vector.shape_cast %get3A_624 : vector<1x16xi32> to vector<16xi32>
        %shift_left3A_626 = arith.constant 16 : i32
        %shift_left3A_627 = vector.broadcast %shift_left3A_626 : i32 to vector<16xi32>
        %shift_left3A_628 = arith.shli %get3A_625, %shift_left3A_627 : vector<16xi32>
        %bitcast_convert_type3A_629 = tpu.bitcast %shift_left3A_628 : vector<16xi32> -> vector<16xf32>
        %and3A_630 = arith.constant -65536 : i32
        %and3A_631 = vector.broadcast %and3A_630 : i32 to vector<16xi32>
        %and3A_632 = arith.andi %get3A_625, %and3A_631 : vector<16xi32>
        %bitcast_convert_type3A_633 = tpu.bitcast %and3A_632 : vector<16xi32> -> vector<16xf32>
        %add3A_634 = arith.addf %add3A_602, %bitcast_convert_type3A_629 : vector<16xf32>
        %add3A_635 = arith.addf %add3A_603, %bitcast_convert_type3A_633 : vector<16xf32>
        scf.yield %add3A_620, %add3A_621, %add3A_634, %add3A_635 : vector<16xf32>, vector<16xf32>, vector<16xf32>, vector<16xf32>
      }
      %scan3A_426 = arith.constant 20 : i32
      %get3A_427 = arith.index_cast %add3A_412 : i32 to index
      %get3A_428 = arith.constant 0 : index
      %get3A_429 = tpu.vector_load %arg11[%get3A_427, %get3A_428] {strides = array<i32>} : memref<256x32xi32, #tpu.memory_space<vmem>>, vector<1x16xi32>,
      %get3A_430 = vector.shape_cast %get3A_429 : vector<1x16xi32> to vector<16xi32>
      %shift_left3A_431 = arith.constant 16 : i32
      %shift_left3A_432 = vector.broadcast %shift_left3A_431 : i32 to vector<16xi32>
      %shift_left3A_433 = arith.shli %get3A_430, %shift_left3A_432 : vector<16xi32>
      %bitcast_convert_type3A_434 = tpu.bitcast %shift_left3A_433 : vector<16xi32> -> vector<16xf32>
      %add3A_435 = arith.addf %scan3A_425#0, %bitcast_convert_type3A_434 : vector<16xf32>
      %and3A_436 = arith.constant -65536 : i32
      %and3A_437 = vector.broadcast %and3A_436 : i32 to vector<16xi32>
      %and3A_438 = arith.andi %get3A_430, %and3A_437 : vector<16xi32>
      %bitcast_convert_type3A_439 = tpu.bitcast %and3A_438 : vector<16xi32> -> vector<16xf32>
      %add3A_440 = arith.addf %scan3A_425#1, %bitcast_convert_type3A_439 : vector<16xf32>
      %mul3A_441 = vector.broadcast %scan3A_42 : f32 to vector<16xf32>
      %mul3A_442 = arith.mulf %add3A_435, %mul3A_441 : vector<16xf32>
      %mul3A_443 = vector.broadcast %scan3A_42 : f32 to vector<16xf32>
      %mul3A_444 = arith.mulf %add3A_440, %mul3A_443 : vector<16xf32>
      %bitcast_convert_type3A_445 = tpu.bitcast %mul3A_442 : vector<16xf32> -> vector<16xi32>
      %bitcast_convert_type3A_446 = tpu.bitcast %mul3A_444 : vector<16xf32> -> vector<16xi32>
      %add3A_447 = arith.constant 32768 : i32
      %add3A_448 = vector.broadcast %add3A_447 : i32 to vector<16xi32>
      %add3A_449 = arith.addi %bitcast_convert_type3A_445, %add3A_448 : vector<16xi32>
      %shift_right_logical3A_450 = arith.constant 16 : i32
      %shift_right_logical3A_451 = vector.broadcast %shift_right_logical3A_450 : i32 to vector<16xi32>
      %shift_right_logical3A_452 = arith.shrui %add3A_449, %shift_right_logical3A_451 : vector<16xi32>
      %add3A_453 = arith.constant 32768 : i32
      %add3A_454 = vector.broadcast %add3A_453 : i32 to vector<16xi32>
      %add3A_455 = arith.addi %bitcast_convert_type3A_446, %add3A_454 : vector<16xi32>
      %and3A_456 = arith.constant -65536 : i32
      %and3A_457 = vector.broadcast %and3A_456 : i32 to vector<16xi32>
      %and3A_458 = arith.andi %add3A_455, %and3A_457 : vector<16xi32>
      %or3A_459 = arith.ori %shift_right_logical3A_452, %and3A_458 : vector<16xi32>
      %swap3A_460 = arith.index_cast %add3A_412 : i32 to index
      %swap3A_461 = arith.constant 0 : index
      %swap3A_462 = tpu.vector_load %arg11[%swap3A_460, %swap3A_461] {strides = array<i32>} : memref<256x32xi32, #tpu.memory_space<vmem>>, vector<1x16xi32>,
      %swap3A_463 = vector.shape_cast %swap3A_462 : vector<1x16xi32> to vector<16xi32>
      %swap3A_464 = vector.shape_cast %or3A_459 : vector<16xi32> to vector<1x16xi32>
      tpu.vector_store %arg11[%swap3A_460, %swap3A_461], %swap3A_464 {strides = array<i32>} : memref<256x32xi32, #tpu.memory_space<vmem>>, vector<1x16xi32>,
      %get3A_465 = arith.index_cast %add3A_412 : i32 to index
      %get3A_466 = arith.constant 16 : index
      %get3A_467 = tpu.vector_load %arg11[%get3A_465, %get3A_466] {strides = array<i32>} : memref<256x32xi32, #tpu.memory_space<vmem>>, vector<1x16xi32>,
      %get3A_468 = vector.shape_cast %get3A_467 : vector<1x16xi32> to vector<16xi32>
      %shift_left3A_469 = arith.constant 16 : i32
      %shift_left3A_470 = vector.broadcast %shift_left3A_469 : i32 to vector<16xi32>
      %shift_left3A_471 = arith.shli %get3A_468, %shift_left3A_470 : vector<16xi32>
      %bitcast_convert_type3A_472 = tpu.bitcast %shift_left3A_471 : vector<16xi32> -> vector<16xf32>
      %add3A_473 = arith.addf %scan3A_425#2, %bitcast_convert_type3A_472 : vector<16xf32>
      %and3A_474 = arith.constant -65536 : i32
      %and3A_475 = vector.broadcast %and3A_474 : i32 to vector<16xi32>
      %and3A_476 = arith.andi %get3A_468, %and3A_475 : vector<16xi32>
      %bitcast_convert_type3A_477 = tpu.bitcast %and3A_476 : vector<16xi32> -> vector<16xf32>
      %add3A_478 = arith.addf %scan3A_425#3, %bitcast_convert_type3A_477 : vector<16xf32>
      %mul3A_479 = vector.broadcast %scan3A_42 : f32 to vector<16xf32>
      %mul3A_480 = arith.mulf %add3A_473, %mul3A_479 : vector<16xf32>
      %mul3A_481 = vector.broadcast %scan3A_42 : f32 to vector<16xf32>
      %mul3A_482 = arith.mulf %add3A_478, %mul3A_481 : vector<16xf32>
      %bitcast_convert_type3A_483 = tpu.bitcast %mul3A_480 : vector<16xf32> -> vector<16xi32>
      %bitcast_convert_type3A_484 = tpu.bitcast %mul3A_482 : vector<16xf32> -> vector<16xi32>
      %add3A_485 = arith.constant 32768 : i32
      %add3A_486 = vector.broadcast %add3A_485 : i32 to vector<16xi32>
      %add3A_487 = arith.addi %bitcast_convert_type3A_483, %add3A_486 : vector<16xi32>
      %shift_right_logical3A_488 = arith.constant 16 : i32
      %shift_right_logical3A_489 = vector.broadcast %shift_right_logical3A_488 : i32 to vector<16xi32>
      %shift_right_logical3A_490 = arith.shrui %add3A_487, %shift_right_logical3A_489 : vector<16xi32>
      %add3A_491 = arith.constant 32768 : i32
      %add3A_492 = vector.broadcast %add3A_491 : i32 to vector<16xi32>
      %add3A_493 = arith.addi %bitcast_convert_type3A_484, %add3A_492 : vector<16xi32>
      %and3A_494 = arith.constant -65536 : i32
      %and3A_495 = vector.broadcast %and3A_494 : i32 to vector<16xi32>
      %and3A_496 = arith.andi %add3A_493, %and3A_495 : vector<16xi32>
      %or3A_497 = arith.ori %shift_right_logical3A_490, %and3A_496 : vector<16xi32>
      %swap3A_498 = arith.index_cast %add3A_412 : i32 to index
      %swap3A_499 = arith.constant 16 : index
      %swap3A_500 = tpu.vector_load %arg11[%swap3A_498, %swap3A_499] {strides = array<i32>} : memref<256x32xi32, #tpu.memory_space<vmem>>, vector<1x16xi32>,
      %swap3A_501 = vector.shape_cast %swap3A_500 : vector<1x16xi32> to vector<16xi32>
      %swap3A_502 = vector.shape_cast %or3A_497 : vector<16xi32> to vector<1x16xi32>
      tpu.vector_store %arg11[%swap3A_498, %swap3A_499], %swap3A_502 {strides = array<i32>} : memref<256x32xi32, #tpu.memory_space<vmem>>, vector<1x16xi32>,
    }
    %scan3A_47 = arith.constant 8 : i32
    "tpu.region"() ({
      %run_scoped3A = tpu.sem_alloc : memref<!tpu.dma_semaphore, #tpu.memory_space<semaphore_mem>>
      %dma_start3A = arith.constant 0 : i32
      %dma_start3A_48 = tpu.memref_slice %arg4[%mul3A_2, %dma_start3A] : memref<8192x32xi32, #tpu.memory_space<hbm>> -> memref<256x32xi32, #tpu.memory_space<hbm>>
      %dma_start3A_49 = arith.constant 0 : i32
      %dma_start3A_50 = tpu.memref_slice %arg4[%mul3A_2, %dma_start3A_49] : memref<8192x32xi32, #tpu.memory_space<hbm>> -> memref<256x32xi32, #tpu.memory_space<hbm>>
      tpu.enqueue_dma source(%arg11 : memref<256x32xi32, #tpu.memory_space<vmem>>) target(%dma_start3A_50 : memref<256x32xi32, #tpu.memory_space<hbm>>) target_semaphore(%run_scoped3A : memref<!tpu.dma_semaphore, #tpu.memory_space<semaphore_mem>>)
      %dma_wait3A = arith.constant 0 : i32
      %dma_wait3A_51 = tpu.memref_slice %arg4[%mul3A_2, %dma_wait3A] : memref<8192x32xi32, #tpu.memory_space<hbm>> -> memref<256x32xi32, #tpu.memory_space<hbm>>
      %dma_wait3A_52 = arith.constant 0 : i32
      %dma_wait3A_53 = tpu.memref_slice %arg4[%mul3A_2, %dma_wait3A_52] : memref<8192x32xi32, #tpu.memory_space<hbm>> -> memref<256x32xi32, #tpu.memory_space<hbm>>
      tpu.wait_dma2 semaphore(%run_scoped3A : memref<!tpu.dma_semaphore, #tpu.memory_space<semaphore_mem>>) src(%arg11 : memref<256x32xi32, #tpu.memory_space<vmem>>) dst(%dma_wait3A_53 : memref<256x32xi32, #tpu.memory_space<hbm>>)
      tpu.yield
    }) : () -> ()
    return
  }
}

</mosaic_0001>

<sc_bundles>
// kernel: _run.3.cloned.1.call-start
scs
__scs_entry_jumppad:
0x0: {  	(pc) =	sbr.rel $0x88, $3  }
0x1: {  	(tag) =	ssettag $0x0;
	lr =	simm.s32 $0x1  }
0x2: {  	[smem:$0x3F9F] =	sst lr;
	_ =	strace $0xD0000000  }
0x3: {  	_ = 	snop  }
0x4: {  	_ = 	snop  }
0x5: {  	_ = 	snop  }
0x6: {  	_ = 	snop  }
0x7: {  	_ = 	snop  }
__scs_overlays_trampoline_lowered:
0x8: {  	[smem:$0x3FAE] =	sst s0  }
0x9: {  	[smem:$0x3FAF] =	sst s1  }
0xa: {  	[smem:$0x3FB0] =	sst s2  }
0xb: {  	[smem:$0x3FB1] =	sst s3  }
0xc: {  	[smem:$0x3FB2] =	sst s4  }
0xd: {  	[smem:$0x3FB3] =	sst s5  }
0xe: {  	[smem:$0x3FB4] =	sst s6  }
0xf: {  	[smem:$0x3FB5] =	sst s7  }
0x10: {  	[smem:$0x3FB6] =	sst s8  }
0x11: {  	[smem:$0x3FB7] =	sst s9;
	s0 =	simm.s32 @!p0 $0x0  }
0x12: {  	s1 =	sld [smem:$0x3F9D];
	s0 =	simm.s32 @p0 $0x1  }
0x13: {  	[smem:$0x3FB8] =	sst s0;
	s0 =	simm.s32 @!p1 $0x0  }
0x14: {  	s2 =	sld [smem:$0x3F9C];
	s0 =	simm.s32 @p1 $0x1  }
0x15: {  	[smem:$0x3FB9] =	sst s0;
	s0 =	simm.s32 @!p2 $0x0  }
0x16: {  	s3 =	sld [smem:$0x3FDB];
	s0 =	simm.s32 @p2 $0x1  }
0x17: {  	s4 =	simm.s32 $0x1BF5;
	[smem:$0x3FBB] =	sst s0  }
0x18: {  	s0 =	sld [smem:$0x3F9E];
	_ =	swait.ge [sflag:s4], $0x0  }
0x19: {  	s7 =	sld [smem:$0x3F9F]  }
0x1a: {  	s8 =	sadd.s32 $0xFFFFE003, lr  }
0x1b: {  	s9 =	sadd.s32 $0xFFFFFEF7, lr;
	s5 =	simm.s32 $0xFFFFFFFF;
	p2 =	slt.u32 s8, $0xFFFFF086  }
0x1c: {  	p1 =	slt.u32 s9, $0xF7A;
	s5 =	simm.s32 @!p2 $0x0  }
0x1d: {  	s5 =	simm.s32 @p1 $0x1;
	p0 =	seq.s32 s7, s2  }
0x1e: {  	s7 =	smul.u32 @!p0 $0xF7A, s2;
	p2 =	seq.s32 @!p0 s5, $0x0  }
0x1f: {  	s9 =	smul.u32 $0xF7A, s1;
	s8 =	simm.s32 @!p0 $0x1BF5;
	p2 =	por !p2, p0  }
0x20: {  	[sflag:s8] =	ssyncset.s32 @!p0 $0xFFFFF086;
	s6 =	sadd.s32 @!p0 s3, s7;
	s7 =	simm.s32 @!p0 $0x108  }
0x21: {  	s3 =	sadd.s32 s3, s9;
	s6 =	sadd.s32 @!p0 $0x88, s6;
	s7 =	simm.s32 @p2 $0x1082  }
0x22: {  	[simem:s7], [sflag:s8] =	dma.local @!p0 [hbm:s6], $0xF7A  }
0x23: {  	s9 =	sor.u32 $0xD0000000, s2;
	s6 =	simm.s32 $0x108;
	_ =	swait.ge @!p0 [sflag:s8], $0x0  }
0x24: {  	s3 =	sadd.s32 $0x88, s3;
	s6 =	simm.s32 @!p1 $0x1082;
	[sflag:s4] =	ssyncset.s32 $0xFFFFF086  }
0x25: {  	[simem:s6], [sflag:s4] =	dma.local [hbm:s3], $0xF7A  }
0x26: {  	[smem:$0x3F9F] =	sst s1;
	(tag) =	ssettag s2;
	_ =	strace s9  }
0x27: {  	s1 =	sld [smem:$0x3FAF]  }
0x28: {  	s2 =	sld [smem:$0x3FB0]  }
0x29: {  	s4 =	sld [smem:$0x3FB2]  }
0x2a: {  	p0 =	seq.s32 s5, $0x0;
	s5 =	sld [smem:$0x3FB3]  }
0x2b: {  	s6 =	sld [smem:$0x3FB4]  }
0x2c: {  	s7 =	sld [smem:$0x3FB5]  }
0x2d: {  	s3 =	simm.s32 $0x108;
	s8 =	sld [smem:$0x3FB6]  }
0x2e: {  	s3 =	simm.s32 @!p0 $0x1082;
	s9 =	sld [smem:$0x3FB7]  }
0x2f: {  	lr =	sadd.s32 s0, s3;
	s0 =	sld [smem:$0x3FAE]  }
0x30: {  	s3 =	sld [smem:$0x3FB1]  }
0x31: {  	[smem:$0x3FBA] =	sst s10  }
0x32: {  	s10 =	sld [smem:$0x3FB8];
	_ =	sdelay $0x3  }
0x33: {  	p0 =	seq.s32 s10, $0x1;
	s10 =	sld [smem:$0x3FBA];
	_ =	sdelay $0x3  }
0x34: {  	[smem:$0x3FBA] =	sst s10  }
0x35: {  	s10 =	sld [smem:$0x3FB9];
	_ =	sdelay $0x3  }
0x36: {  	p1 =	seq.s32 s10, $0x1;
	s10 =	sld [smem:$0x3FBA];
	_ =	sdelay $0x3  }
0x37: {  	[smem:$0x3FBA] =	sst s10  }
0x38: {  	s10 =	sld [smem:$0x3FBB]  }
0x39: {  	_ = 	snop;
	(pc) =	sbr.ind lr, $3  }
0x3a: {  	_ = 	snop  }
0x3b: {  	_ = 	snop  }
0x3c: {  	p2 =	seq.s32 s10, $0x1;
	s10 =	sld [smem:$0x3FBA]  }
0x3d: {  	_ =	shalt  }
0x3e: {  	_ =	shalt  }
0x3f: {  	_ =	shalt  }
0x40: {  	_ =	shalt  }
0x41: {  	_ =	shalt  }
0x42: {  	_ =	shalt  }
0x43: {  	_ =	shalt  }
0x44: {  	_ =	shalt  }
0x45: {  	_ =	shalt  }
0x46: {  	_ =	shalt  }
0x47: {  	_ =	shalt  }
0x48: {  	_ =	shalt  }
0x49: {  	_ =	shalt  }
0x4a: {  	_ =	shalt  }
0x4b: {  	_ =	shalt  }
0x4c: {  	_ =	shalt  }
0x4d: {  	_ =	shalt  }
0x4e: {  	_ =	shalt  }
0x4f: {  	_ =	shalt  }
0x50: {  	_ =	shalt  }
0x51: {  	_ =	shalt  }
0x52: {  	_ =	shalt  }
0x53: {  	_ =	shalt  }
0x54: {  	_ =	shalt  }
0x55: {  	_ =	shalt  }
0x56: {  	_ =	shalt  }
0x57: {  	_ =	shalt  }
0x58: {  	_ =	shalt  }
0x59: {  	_ =	shalt  }
0x5a: {  	_ =	shalt  }
0x5b: {  	_ =	shalt  }
0x5c: {  	_ =	shalt  }
0x5d: {  	_ =	shalt  }
0x5e: {  	_ =	shalt  }
0x5f: {  	_ =	shalt  }
0x60: {  	_ =	shalt  }
0x61: {  	_ =	shalt  }
0x62: {  	_ =	shalt  }
0x63: {  	_ =	shalt  }
0x64: {  	_ =	shalt  }
0x65: {  	_ =	shalt  }
0x66: {  	_ =	shalt  }
0x67: {  	_ =	shalt  }
0x68: {  	_ =	shalt  }
0x69: {  	_ =	shalt  }
0x6a: {  	_ =	shalt  }
0x6b: {  	_ =	shalt  }
0x6c: {  	_ =	shalt  }
0x6d: {  	_ =	shalt  }
0x6e: {  	_ =	shalt  }
0x6f: {  	_ =	shalt  }
0x70: {  	_ =	shalt  }
0x71: {  	_ =	shalt  }
0x72: {  	_ =	shalt  }
0x73: {  	_ =	shalt  }
0x74: {  	_ =	shalt  }
0x75: {  	_ =	shalt  }
0x76: {  	_ =	shalt  }
0x77: {  	_ =	shalt  }
0x78: {  	_ =	shalt  }
0x79: {  	_ =	shalt  }
0x7a: {  	_ =	shalt  }
0x7b: {  	_ =	shalt  }
0x7c: {  	_ =	shalt  }
0x7d: {  	_ =	shalt  }
0x7e: {  	_ =	shalt  }
0x7f: {  	_ =	shalt  }
0x80: {  	_ =	shalt  }
0x81: {  	_ =	shalt  }
0x82: {  	_ =	shalt  }
0x83: {  	_ =	shalt  }
0x84: {  	_ =	shalt  }
0x85: {  	_ =	shalt  }
0x86: {  	_ =	shalt  }
0x87: {  	_ =	shalt  }
.Lfunc_end0:
.L_simem_size_0:
called_computation_lowered:
.L_overlay_start_0:
0x88: {  	s2 =	sld [smem:$0x3FD9]  }
0x89: {  	s3 =	sld [smem:$0x3FFE];
	_ =	sdelay $0x1  }
0x8a: {  	s1 =	srdreg.scid  }
0x8b: {  	s0 =	sand.u32 $0x1, s1  }
0x8c: {  	s17 =	sshll.u32 s0, $0xA;
	s2 =	sadd.s32 s3, s2  }
0x8d: {  	s2 =	sadd.s32 s2, s17  }
0x8e: {  	[smem:$0x3FC6] =	sst s2  }
0x8f: {  	_ = 	snop  }
0x90: {  	s2 =	sld [smem:$0x3FD0];
	(tm) =	ssettm $0x1  }
0x91: {  	s18 =	sld [smem:$0x3FFB];
	_ =	sdelay $0x3  }
0x92: {  	_ =	strace s18  }
0x93: {  	s3 =	sld [smem:$0x3FFC];
	_ =	sdelay $0x3  }
0x94: {  	_ =	strace s3  }
0x95: {  	s3 =	sld [smem:$0x3FFD];
	_ =	sdelay $0x3  }
0x96: {  	_ =	strace s3  }
0x97: {  	_ =	strace $0x8FFFFFFF  }
0x98: {  	s19 =	sld [smem:$0x3FDB];
	_ =	sdelay $0x1  }
0x99: {  	s4 =	simm.s32 $_scs_section_size  }
0x9a: {  	s5 =	simm.s32 $_size__tile_overlayer_lowered;
	s6 =	simm.s32 $_tile_overlayer_lowered  }
0x9b: {  	s22 =	simm.s32 $0x1BFF;
	s21 =	sshll.u32 s6, $0x1;
	s3 =	sadd.s32 s4, s19  }
0x9c: {  	s7 =	simm.s32 $0x0;
	s20 =	sshll.u32 s5, $0x1;
	s5 =	sadd.s32 s21, s3  }
0x9d: {  	[timem:s7], [sflag:s22] =	dma.local [hbm:s5], s20  }
0x9e: {  	_ =	swait.ge [sflag:s22], s20  }
0x9f: {  	s4 =	ssub.s32 $0x0, s20;
	[sflag:s22] =	ssyncset.done $0x0  }
0xa0: {  	[sflag:s22] =	ssyncadd.s32 s4;
	_ =	sdelay $0x1  }
0xa1: {  	s23 =	simm.s32 $0x1B8B  }
0xa2: {  	_ =	swait.ge [sflag:s23], $0x1  }
0xa3: {  	[sflag:s23] =	ssyncset.done $0x0  }
0xa4: {  	s25 =	simm.s32 $0x1B8E;
	s24 =	sld [smem:$0x3FFE];
	[sflag:s23] =	ssyncadd.s32 $0xFFFFFFFF  }
0xa5: {  	s26 =	simm.s32 $execute0_lowered;
	[smem:$0x3FD2] =	sst s25  }
0xa6: {  	s5 =	sshll.u32 s26, $0x1;
	_ =	strace $0x80000046;
	[dreg:$0x1] =	wrdreg $0xFFFFFFFF  }
0xa7: {  	s28 =	simm.s32 $_size_execute0_lowered;
	s3 =	sadd.s32 s3, s5;
	[dreg:$0x0] =	wrdreg $0x0  }
0xa8: {  	s5 =	sshll.u32 s28, $0x1;
	[dreg:$0x2] =	wrdreg s3  }
0xa9: {  	[dreg:$0x3] =	wrdreg s5  }
0xaa: {  	[dreg:$0x4] =	wrdreg $0xC0  }
0xab: {  	_ =	task [dreg:s7], $0x5FFFF  }
0xac: {  	[dreg:$0x1] =	wrdreg $0xFFFFFFFF  }
0xad: {  	[dreg:$0x0] =	wrdreg $0x60  }
0xae: {  	[dreg:$0x2] =	wrdreg s24  }
0xaf: {  	[dreg:$0x3] =	wrdreg s2  }
0xb0: {  	[dreg:$0x4] =	wrdreg $0x6CC00  }
0xb1: {  	[dreg:$0x5] =	wrdreg $0x9  }
0xb2: {  	_ =	task.clear_ibuf [dreg:s7], $0x6FFFF;
	_ =	strace $0x90000046  }
0xb3: {  	s29 =	simm.s32 $0x9;
	_ =	strace $0x80000048  }
0xb4: {  	_ =	swait.ge [sflag:s29], $0x1  }
0xb5: {  	[sflag:s29] =	ssyncadd.s32 $0xFFFFFFFF  }
0xb6: {  	_ =	strace $0x90000048  }
0xb7: {  	_ =	sfence  }
0xb8: {  	s30 =	sld [smem:$0x0];
	_ =	sdelay $0x2  }
0xb9: {  	s31 =	sshll.u32 s1, $0xD;
	s1 =	sshrl.u32 s1, $0x2  }
0xba: {  	s3 =	sand.u32 $0x4000, s31;
	s1 =	sadd.s32 s1, s30  }
0xbb: {  	s0 =	sor.u32 s3, s0;
	s1 =	sshll.u32 s1, $0x11  }
0xbc: {  	s0 =	sor.u32 s1, s0  }
0xbd: {  	s0 =	sadd.s32 $0x8F2B, s0  }
0xbe: {  	[sflag:s0] =	ssyncadd.remote.s32 $0x1  }
0xbf: {  	_ =	sfence.sel $0xFFFF  }
0xc0: {  	[dreg:$0x0] =	wrdreg $0xFFFFFFFF;
	(pc) =	sbr.abs _section_cstart, $3  }
0xc1: {  	[dreg:$0x1] =	wrdreg $0xFFFFFFFF  }
0xc2: {  	_ =	task.clear_ibuf [dreg:s7], $0x2FFFF;
	_ =	strace $0x9FFFFFFF  }
0xc3: {  	(tm) =	ssettm $0x7FFFFFFF  }
tec
execute0_lowered:
.L_overlay_start_1:
0x0: {  	(tag) =	ssettag $0x1  }
0x1: {  	s0 =	rddreg [dreg:$0x0]  }
0x2: {  	s2 =	rddreg [dreg:$0x1]  }
0x3: {  	s1 =	rddreg [dreg:$0x2]  }
0x4: {  	s4 =	simm.s32 $0x0;
	s3 =	srdreg.scid;
	s6 =	stileid.u32  }
0x5: {  	s12 =	simm.s32 $0x5;
	s13 =	simm.s32 $0x28;
	s14 =	simm.s32 $0x1A00  }
0x6: {  	s15 =	simm.s32 $0x1AA0;
	s16 =	simm.s32 $0x1A28;
	s17 =	simm.s32 $0x1FA0  }
0x7: {  	s18 =	simm.s32 $0x78;
	s28 =	simm.s32 $0x1;
	s29 =	simm.s32 $0x3  }
0x8: {  	s30 =	simm.s32 $0x2;
	s31 =	simm.s32 $0x4;
	[smem:$0x7FF] =	sst s4  }
0x9: {  	s5 =	sand.u32 $0x1, s3;
	s3 =	sadd.s32 $0x600, s0;
	s9 =	smul.u32 $0x61A80, s6  }
0xa: {  	s4 =	sadd.s32 $0x187000, s0;
	s20 =	smul.u32 $0x186A0, s6;
	s21 =	sshll.u32 s6, $0x9  }
0xb: {  	s10 =	smul.u32 $0x30D4, s6;
	s25 =	sshll.u32 s6, $0x6;
	p0 =	sne.s32 s6, $0x0  }
0xc: {  	_ =	strace $0x80000047;
	s7 =	ssub.s32 $0x2, s5;
	s5 =	sshll.u32 s5, $0x8  }
0xd: {  	s8 =	sshrl.u32 s7, $0x1;
	s9 =	sshrl.u32 s9, $0x2;
	s5 =	sor.u32 s5, s21  }
0xe: {  	s23 =	sadd.s32 s4, s10;
	s21 =	simm.s32 $0x1A50;
	s19 =	ssub.s32 s7, s8  }
0xf: {  	s9 =	sadd.s32 s9, s1;
	s7 =	sshrl.u32 s20, $0x3;
	[dreg:$0x4] =	wrdreg s23  }
0x10: {  	s24 =	sshll.u32 s5, $0x2;
	s20 =	simm.s32 $0x2EA0;
	s23 =	simm.s32 $0x1A78  }
0x11: {  	s22 =	sadd.s32 $0x20, s9;
	s7 =	sadd.s32 s4, s7;
	s2 =	sadd.s32 s2, s24  }
0x12: {  	s0 =	smax.u32 s19, $0x1;
	s19 =	simm.s32 $0x50;
	[dreg:$0x6] =	wrdreg s2  }
0x13: {  	s24 =	simm.s32 $0x29A0;
	s7 =	sadd.s32 $0x30D40, s7;
	[dreg:$0x7] =	wrdreg s0  }
0x14: {  	s0 =	sor.u32 $0x1C05, s25;
	s26 =	sshrl.u32 s22, $0x3;
	[dreg:$0x5] =	wrdreg s7  }
0x15: {  	s22 =	simm.s32 $0x24A0;
	s25 =	simm.s32 $0x120;
	[dreg:$0x8] =	wrdreg s0  }
0x16: {  	v0 =	vimm.s32 $0x0;
	s2 =	simm.s32 $0x0;
	[dreg:$0x9] =	wrdreg s26;
	s26 =	simm.s32 $0x3DA0  }
.LBB2_1:
0x17: {  	[tilespmem:$0x6CA0] =	vst v0  }
0x18: {  	[tilespmem:$0x6CB0] =	vst v0;
	s0 =	simm.s32 @!p0 $0x6CA0  }
0x19: {  	[spmem:s1] =	stream.linear.scatter @!p0 [tilespmem:s0], [sflag:$0x5], $0x20, $0x38;
	[tilespmem:$0x1F368] =	vst v63  }
0x1a: {  	[dreg:$0xa] =	wrdreg s2;
	s0 =	simm.s32 @!p0 $0x5  }
0x1b: {  	_ =	swait.ge @!p0 [sflag:s0], $0x20  }
0x1c: {  	[sflag:s0] =	ssyncset.done @!p0 $0x0  }
0x1d: {  	[sflag:s0] =	ssyncadd.s32 @!p0 $0xFFFFFFE0  }
0x1e: {  	[bflag:$0x0] =	sbarrier.arrive $0xFFFF  }
0x1f: {  	s10 =	rddreg [dreg:$0x4]  }
0x20: {  	s11 =	rddreg [dreg:$0x8]  }
0x21: {  	s6 =	rddreg [dreg:$0x9]  }
0x22: {  	[spmem:s6], [sflag:s11] =	dma.local [hbm:s10], $0x30D4  }
0x23: {  	_ =	swait.ge [sflag:s12], $0x30D4  }
0x24: {  	[sflag:s12] =	ssyncset.done $0x0  }
0x25: {  	[sflag:s12] =	ssyncadd.s32 $0xFFFFCF2C  }
0x26: {  	s2 =	simm.s32 $0x0;
	[bflag:$0x0] =	sbarrier.arrive $0xFFFF  }
.LBB2_2:
0x27: {  	s6 =	sshll.u32 s2, $0x5  }
0x28: {  	s0 =	sadd.s32 s5, s6  }
0x29: {  	s0 =	smul.u32 $0x1A, s0;
	_ =	sdelay $0x1  }
0x2a: {  	s7 =	simm.s32 $0x0;
	s0 =	sadd.s32 s3, s0  }
0x2b: {  	[tilespmem:s7], [sflag:$0x5] =	stream.linear.gather [hbm4b:s0+s7], $0x1A00, $0x38;
	[tilespmem:$0x1F368] =	vst v63  }
0x2c: {  	_ =	swait.ge [sflag:s12], $0x1A00  }
0x2d: {  	[sflag:s12] =	ssyncset.done $0x0  }
0x2e: {  	[sflag:s12] =	ssyncadd.s32 $0xFFFFE600  }
0x2f: {  	v1 =	vld [tilespmem:$0x0]  }
0x30: {  	v2 =	vld [tilespmem:$0x10]  }
0x31: {  	v3 =	vld [tilespmem:$0x20]  }
0x32: {  	v4 =	vld [tilespmem:$0x30]  }
0x33: {  	v5 =	vld [tilespmem:$0x40]  }
0x34: {  	vm0 =	vlt.u32 v1, $0xC350;
	v1 =	vadd.s32 $0x1, v1  }
0x35: {  	vm7 =	vlt.u32 v2, $0xC350;
	v2 =	vadd.s32 $0x1, v2;
	v1 =	vnsel vm0, $0x0, v1  }
0x36: {  	vm8 =	vlt.u32 v3, $0xC350;
	[tilespmem:$0x1A00] =	vst v1;
	v1 =	vnsel vm7, $0x0, v2;
	v2 =	vadd.s32 $0x1, v3  }
0x37: {  	vm9 =	vlt.u32 v4, $0xC350;
	[tilespmem:$0x1A10] =	vst v1;
	v1 =	vnsel vm8, $0x0, v2;
	v2 =	vadd.s32 $0x1, v4  }
0x38: {  	vm10 =	vlt.u32 v5, $0xC350;
	[tilespmem:$0x1A20] =	vst v1;
	v1 =	vnsel vm9, $0x0, v2;
	v2 =	vadd.s32 $0x1, v5  }
0x39: {  	[tilespmem:$0x1A30] =	vst v1;
	v1 =	vnsel vm10, $0x0, v2  }
0x3a: {  	[tilespmem:$0x1A40] =	vst v1  }
0x3b: {  	[tilespmem:s15], [sflag:$0x1] =	stream.indirect.gather [spmem:s1], $0x20, s14, s13, $0xb8;
	[tilespmem:$0x1F368] =	vst v63  }
0x3c: {  	_ = 	snop  }
0x3d: {  	[tilespmem:s17], [sflag:$0x1] =	stream.indirect.gather [spmem:s1], $0x20, s16, s13, $0xb8;
	[tilespmem:$0x1F368] =	vst v63  }
0x3e: {  	_ = 	snop  }
0x3f: {  	[tilespmem:s20], [sflag:$0x3] =	stream.indirect.gather [hbm4b:s4+s18], $0x20, s19, s18, $0xb8;
	[tilespmem:$0x1F368] =	vst v63  }
0x40: {  	v1 =	vld [tilespmem:$0xD0]  }
0x41: {  	v2 =	vld [tilespmem:$0xE0]  }
0x42: {  	v3 =	vld [tilespmem:$0xF0]  }
0x43: {  	v62 =	vld [tilespmem:$0x100]  }
0x44: {  	v63 =	vld [tilespmem:$0x110]  }
0x45: {  	vm11 =	vlt.u32 v1, $0xC350;
	v1 =	vadd.s32 $0x1, v1  }
0x46: {  	vm12 =	vlt.u32 v2, $0xC350;
	v2 =	vadd.s32 $0x1, v2;
	v1 =	vnsel vm11, $0x0, v1  }
0x47: {  	vm13 =	vlt.u32 v3, $0xC350;
	[tilespmem:$0x1A50] =	vst v1;
	v1 =	vnsel vm12, $0x0, v2;
	v2 =	vadd.s32 $0x1, v3  }
0x48: {  	vm14 =	vlt.u32 v62, $0xC350;
	[tilespmem:$0x1A60] =	vst v1;
	v1 =	vnsel vm13, $0x0, v2;
	v2 =	vadd.s32 $0x1, v62  }
0x49: {  	vm15 =	vlt.u32 v63, $0xC350;
	[tilespmem:$0x1A70] =	vst v1;
	v1 =	vnsel vm14, $0x0, v2;
	v2 =	vadd.s32 $0x1, v63  }
0x4a: {  	[tilespmem:$0x1A80] =	vst v1;
	v1 =	vnsel vm15, $0x0, v2  }
0x4b: {  	[tilespmem:$0x1A90] =	vst v1  }
0x4c: {  	[tilespmem:s22], [sflag:$0x2] =	stream.indirect.gather [spmem:s1], $0x20, s21, s13, $0xb8;
	[tilespmem:$0x1F368] =	vst v63  }
0x4d: {  	_ = 	snop  }
0x4e: {  	[tilespmem:s24], [sflag:$0x2] =	stream.indirect.gather [spmem:s1], $0x20, s23, s13, $0xb8;
	[tilespmem:$0x1F368] =	vst v63  }
0x4f: {  	_ = 	snop  }
0x50: {  	[tilespmem:s26], [sflag:$0x4] =	stream.indirect.gather [hbm4b:s4+s18], $0x20, s25, s18, $0xb8;
	[tilespmem:$0x1F368] =	vst v63  }
.LBB2_3:
0x51: {  	_ =	swait.ge [sflag:s28], $0xA00  }
0x52: {  	[sflag:s28] =	ssyncset.done $0x0  }
0x53: {  	[sflag:s28] =	ssyncadd.s32 $0xFFFFF600  }
0x54: {  	_ =	swait.ge [sflag:s29], $0xF00  }
0x55: {  	[sflag:s29] =	ssyncset.done $0x0  }
0x56: {  	s0 =	simm.s32 $0x0;
	[sflag:s29] =	ssyncadd.s32 $0xFFFFF100  }
0x57: {  	v2 =	vld [tilespmem:s0+$0x1B00]  }
0x58: {  	v3 =	vld [tilespmem:s0+$0x1AE0]  }
0x59: {  	v4 =	vld [tilespmem:s0+$0x1AC0]  }
0x5a: {  	v5 =	vld [tilespmem:s0+$0x1AA0]  }
0x5b: {  	v6 =	vld [tilespmem:s0+$0x1AB0];
	_ =	sdelay $0x1  }
0x5c: {  	v7 =	vimm.f32 $0.0e+00;
	v8 =	vld [tilespmem:s0+$0x1AD0]  }
0x5d: {  	v9 =	vshll.u32 v3, $0x10;
	v1 =	vshll.u32 v2, $0x10;
	v2 =	vand.u32 $0xFFFF0000, v2  }
0x5e: {  	v13 =	vld [tilespmem:s0+$0x1AF0];
	v10 =	vshll.u32 v4, $0x10;
	v11 =	vand.u32 $0xFFFF0000, v4;
	v12 =	vand.u32 $0xFFFF0000, v3  }
0x5f: {  	v3 =	vshll.u32 v5, $0x10;
	v4 =	vand.u32 $0xFFFF0000, v5;
	v14 =	vshll.u32 v6, $0x10  }
0x60: {  	s8 =	simm.s32 $0x80;
	v5 =	vld [tilespmem:s0+$0x1B10];
	v15 =	vadd.f32 v3, v7;
	v16 =	vadd.f32 v4, v7;
	v4 =	vand.u32 $0xFFFF0000, v6  }
0x61: {  	v17 =	vshll.u32 v8, $0x10;
	v3 =	vld [tilespmem:s8+$0x1B00];
	v14 =	vadd.f32 v14, v7;
	v7 =	vadd.f32 v4, v7  }
0x62: {  	v8 =	vand.u32 $0xFFFF0000, v8;
	v6 =	vld [tilespmem:s8+$0x1AC0];
	v10 =	vadd.f32 v10, v15;
	v11 =	vadd.f32 v11, v16  }
0x63: {  	v63 =	vshll.u32 v13, $0x10;
	v4 =	vld [tilespmem:s8+$0x1AE0];
	v14 =	vadd.f32 v17, v14;
	v15 =	vadd.f32 v8, v7  }
0x64: {  	v7 =	vld [tilespmem:s8+$0x1AA0];
	v9 =	vadd.f32 v9, v10;
	v10 =	vadd.f32 v12, v11;
	v12 =	vand.u32 $0xFFFF0000, v13  }
0x65: {  	s0 =	simm.s32 $0x400;
	v8 =	vld [tilespmem:s8+$0x1AB0];
	v11 =	vadd.f32 v63, v14;
	v13 =	vshll.u32 v5, $0x10;
	v12 =	vadd.f32 v12, v15  }
.LBB2_4:
0x66: {  	p1 =	sne.s32 s0, $0x2600;
	v9 =	vadd.f32 v1, v9;
	v10 =	vadd.f32 v2, v10;
	v1 =	vand.u32 $0xFFFF0000, v5  }
0x67: {  	v14 =	vld [tilespmem:s8+$0x1AD0];
	v11 =	vadd.f32 v13, v11;
	v12 =	vadd.f32 v1, v12  }
0x68: {  	v2 =	vand.u32 $0xFFFF0000, v3;
	v13 =	vshll.u32 v4, $0x10;
	v1 =	vshll.u32 v3, $0x10  }
0x69: {  	v16 =	vand.u32 $0xFFFF0000, v4;
	v15 =	vshll.u32 v6, $0x10;
	v6 =	vand.u32 $0xFFFF0000, v6;
	v17 =	vld [tilespmem:s8+$0x1AF0]  }
0x6a: {  	v3 =	vshll.u32 v7, $0x10;
	v4 =	vand.u32 $0xFFFF0000, v7;
	v7 =	vshll.u32 v8, $0x10  }
0x6b: {  	v9 =	vadd.f32 v3, v9;
	v10 =	vadd.f32 v4, v10;
	v4 =	vand.u32 $0xFFFF0000, v8;
	v5 =	vld [tilespmem:s8+$0x1B10];
	s8 =	sshra.s32 s0, $0x2  }
.Ltmp0:
0x6c: {  	v7 =	vadd.f32 v7, v11;
	v8 =	vadd.f32 v4, v12;
	v3 =	vld [tilespmem:s8+$0x1B00];
	v11 =	vshll.u32 v14, $0x10;
	(pc) =	sbr.rel @p1 .LBB2_4-.Ltmp0, $4  }
0x6d: {  	v9 =	vadd.f32 v15, v9;
	v10 =	vadd.f32 v6, v10;
	v12 =	vand.u32 $0xFFFF0000, v14;
	v4 =	vld [tilespmem:s8+$0x1AE0]  }
0x6e: {  	v11 =	vadd.f32 v11, v7;
	v12 =	vadd.f32 v12, v8;
	v6 =	vld [tilespmem:s8+$0x1AC0];
	v14 =	vshll.u32 v17, $0x10  }
0x6f: {  	v9 =	vadd.f32 v13, v9;
	v10 =	vadd.f32 v16, v10;
	v13 =	vand.u32 $0xFFFF0000, v17;
	v7 =	vld [tilespmem:s8+$0x1AA0]  }
0x70: {  	s0 =	sadd.s32 $0x200, s0;
	v11 =	vadd.f32 v14, v11;
	v12 =	vadd.f32 v13, v12;
	v8 =	vld [tilespmem:s8+$0x1AB0];
	v13 =	vshll.u32 v5, $0x10  }
0x71: {  	v1 =	vadd.f32 v1, v9  }
0x72: {  	v2 =	vadd.f32 v2, v10;
	v5 =	vand.u32 $0xFFFF0000, v5;
	v9 =	vld [tilespmem:s8+$0x1AD0];
	v10 =	vadd.f32 v13, v11  }
0x73: {  	v5 =	vadd.f32 v5, v12;
	v11 =	vshll.u32 v4, $0x10;
	v12 =	vshll.u32 v3, $0x10  }
0x74: {  	v14 =	vld [tilespmem:s8+$0x1AF0];
	v4 =	vand.u32 $0xFFFF0000, v4;
	v13 =	vshll.u32 v6, $0x10;
	v6 =	vand.u32 $0xFFFF0000, v6  }
0x75: {  	v15 =	vshll.u32 v7, $0x10;
	v7 =	vand.u32 $0xFFFF0000, v7;
	v16 =	vshll.u32 v8, $0x10  }
0x76: {  	s0 =	simm.s32 $0x0;
	v1 =	vadd.f32 v15, v1;
	v2 =	vadd.f32 v7, v2;
	v7 =	vand.u32 $0xFFFF0000, v8;
	v8 =	vld [tilespmem:s8+$0x1B10]  }
0x77: {  	v15 =	vld [tilespmem:s0+$0x2F00];
	v10 =	vadd.f32 v16, v10;
	v5 =	vadd.f32 v7, v5;
	v7 =	vshll.u32 v9, $0x10  }
0x78: {  	v1 =	vadd.f32 v13, v1;
	v2 =	vadd.f32 v6, v2;
	v6 =	vand.u32 $0xFFFF0000, v9;
	v9 =	vld [tilespmem:s0+$0x2EE0]  }
0x79: {  	v7 =	vadd.f32 v7, v10;
	v5 =	vadd.f32 v6, v5;
	v6 =	vshll.u32 v14, $0x10;
	v10 =	vld [tilespmem:s0+$0x2EC0]  }
0x7a: {  	v1 =	vadd.f32 v11, v1;
	v2 =	vadd.f32 v4, v2;
	v4 =	vand.u32 $0xFFFF0000, v14;
	v11 =	vld [tilespmem:s0+$0x2EA0]  }
0x7b: {  	v3 =	vand.u32 $0xFFFF0000, v3;
	v6 =	vadd.f32 v6, v7;
	v4 =	vadd.f32 v4, v5;
	v7 =	vld [tilespmem:s0+$0x2EB0]  }
0x7c: {  	v5 =	vshll.u32 v8, $0x10;
	v1 =	vadd.f32 v12, v1;
	v12 =	vadd.f32 v3, v2  }
0x7d: {  	v2 =	vand.u32 $0xFFFF0000, v8;
	v8 =	vld [tilespmem:s0+$0x2ED0];
	v3 =	vand.u32 $0xFFFF0000, v15;
	v6 =	vadd.f32 v5, v6  }
0x7e: {  	v4 =	vadd.f32 v2, v4;
	v13 =	vshll.u32 v9, $0x10;
	v2 =	vshll.u32 v15, $0x10  }
0x7f: {  	v62 =	vld [tilespmem:s0+$0x2EF0];
	v15 =	vand.u32 $0xFFFF0000, v9;
	v14 =	vshll.u32 v10, $0x10;
	v10 =	vand.u32 $0xFFFF0000, v10  }
0x80: {  	v5 =	vshll.u32 v11, $0x10;
	v9 =	vand.u32 $0xFFFF0000, v11;
	v11 =	vshll.u32 v7, $0x10  }
0x81: {  	s8 =	simm.s32 $0x80;
	v17 =	vadd.f32 v5, v1;
	v9 =	vadd.f32 v9, v12;
	v7 =	vand.u32 $0xFFFF0000, v7;
	v5 =	vld [tilespmem:s0+$0x2F10]  }
0x82: {  	v1 =	vld [tilespmem:s8+$0x2F00];
	v11 =	vadd.f32 v11, v6;
	v7 =	vadd.f32 v7, v4;
	v12 =	vshll.u32 v8, $0x10  }
0x83: {  	v4 =	vld [tilespmem:s8+$0x2EE0];
	v8 =	vand.u32 $0xFFFF0000, v8;
	v14 =	vadd.f32 v14, v17;
	v10 =	vadd.f32 v10, v9  }
0x84: {  	v63 =	vshll.u32 v62, $0x10;
	v6 =	vld [tilespmem:s8+$0x2EC0];
	v11 =	vadd.f32 v12, v11;
	v12 =	vadd.f32 v8, v7  }
0x85: {  	v7 =	vld [tilespmem:s8+$0x2EA0];
	v9 =	vadd.f32 v13, v14;
	v10 =	vadd.f32 v15, v10;
	v13 =	vand.u32 $0xFFFF0000, v62  }
0x86: {  	s9 =	simm.s32 $0x400;
	v8 =	vld [tilespmem:s8+$0x2EB0];
	v11 =	vadd.f32 v63, v11;
	v12 =	vadd.f32 v13, v12;
	v13 =	vshll.u32 v5, $0x10  }
.LBB2_6:
0x87: {  	p1 =	sne.s32 s9, $0x3A00;
	v9 =	vadd.f32 v2, v9;
	v10 =	vadd.f32 v3, v10;
	v2 =	vand.u32 $0xFFFF0000, v5  }
0x88: {  	v14 =	vld [tilespmem:s8+$0x2ED0];
	v11 =	vadd.f32 v13, v11;
	v12 =	vadd.f32 v2, v12  }
0x89: {  	v3 =	vand.u32 $0xFFFF0000, v1;
	v13 =	vshll.u32 v4, $0x10;
	v2 =	vshll.u32 v1, $0x10  }
0x8a: {  	v16 =	vand.u32 $0xFFFF0000, v4;
	v15 =	vshll.u32 v6, $0x10;
	v6 =	vand.u32 $0xFFFF0000, v6;
	v17 =	vld [tilespmem:s8+$0x2EF0]  }
0x8b: {  	v1 =	vshll.u32 v7, $0x10;
	v4 =	vand.u32 $0xFFFF0000, v7;
	v7 =	vshll.u32 v8, $0x10  }
0x8c: {  	v9 =	vadd.f32 v1, v9;
	v10 =	vadd.f32 v4, v10;
	v4 =	vand.u32 $0xFFFF0000, v8;
	v5 =	vld [tilespmem:s8+$0x2F10];
	s8 =	sshra.s32 s9, $0x2  }
.Ltmp1:
0x8d: {  	v7 =	vadd.f32 v7, v11;
	v8 =	vadd.f32 v4, v12;
	v1 =	vld [tilespmem:s8+$0x2F00];
	v11 =	vshll.u32 v14, $0x10;
	(pc) =	sbr.rel @p1 .LBB2_6-.Ltmp1, $4  }
0x8e: {  	v9 =	vadd.f32 v15, v9;
	v10 =	vadd.f32 v6, v10;
	v12 =	vand.u32 $0xFFFF0000, v14;
	v4 =	vld [tilespmem:s8+$0x2EE0]  }
0x8f: {  	v11 =	vadd.f32 v11, v7;
	v12 =	vadd.f32 v12, v8;
	v6 =	vld [tilespmem:s8+$0x2EC0];
	v14 =	vshll.u32 v17, $0x10  }
0x90: {  	v9 =	vadd.f32 v13, v9;
	v10 =	vadd.f32 v16, v10;
	v13 =	vand.u32 $0xFFFF0000, v17;
	v7 =	vld [tilespmem:s8+$0x2EA0]  }
0x91: {  	s9 =	sadd.s32 $0x200, s9;
	v11 =	vadd.f32 v14, v11;
	v12 =	vadd.f32 v13, v12;
	v8 =	vld [tilespmem:s8+$0x2EB0];
	v13 =	vshll.u32 v5, $0x10  }
0x92: {  	v2 =	vadd.f32 v2, v9;
	v3 =	vadd.f32 v3, v10;
	v5 =	vand.u32 $0xFFFF0000, v5  }
0x93: {  	v9 =	vld [tilespmem:s8+$0x2ED0];
	v10 =	vadd.f32 v13, v11;
	v5 =	vadd.f32 v5, v12  }
0x94: {  	v11 =	vshll.u32 v4, $0x10;
	v12 =	vshll.u32 v1, $0x10;
	v4 =	vand.u32 $0xFFFF0000, v4  }
0x95: {  	v14 =	vld [tilespmem:s8+$0x2EF0];
	v13 =	vshll.u32 v6, $0x10;
	v6 =	vand.u32 $0xFFFF0000, v6;
	v15 =	vshll.u32 v7, $0x10  }
0x96: {  	v7 =	vand.u32 $0xFFFF0000, v7;
	v16 =	vshll.u32 v8, $0x10;
	v2 =	vadd.f32 v15, v2  }
0x97: {  	v3 =	vadd.f32 v7, v3;
	v7 =	vand.u32 $0xFFFF0000, v8;
	v8 =	vadd.f32 v16, v10  }
0x98: {  	v10 =	vld [tilespmem:s8+$0x2F10];
	v5 =	vadd.f32 v7, v5;
	v7 =	vshll.u32 v9, $0x10;
	v2 =	vadd.f32 v13, v2  }
0x99: {  	v3 =	vadd.f32 v6, v3;
	v6 =	vand.u32 $0xFFFF0000, v9;
	v7 =	vadd.f32 v7, v8  }
0x9a: {  	v5 =	vadd.f32 v6, v5;
	v6 =	vshll.u32 v14, $0x10;
	v2 =	vadd.f32 v11, v2  }
0x9b: {  	v3 =	vadd.f32 v4, v3;
	v4 =	vand.u32 $0xFFFF0000, v14;
	v6 =	vadd.f32 v6, v7  }
0x9c: {  	v1 =	vand.u32 $0xFFFF0000, v1;
	v4 =	vadd.f32 v4, v5;
	v2 =	vadd.f32 v12, v2  }
0x9d: {  	v5 =	vshll.u32 v10, $0x10;
	v1 =	vadd.f32 v1, v3;
	v3 =	vand.u32 $0xFFFF0000, v10  }
0x9e: {  	s9 =	sshll.u32 s7, $0x1;
	v5 =	vadd.f32 v5, v6;
	v3 =	vadd.f32 v3, v4;
	v2 =	vadd.s32 $0x8000, v2  }
0x9f: {  	s0 =	sadd.s32 s6, s9;
	v1 =	vadd.s32 $0x8000, v1;
	v2 =	vshrl.u32 v2, $0x10  }
0xa0: {  	s0 =	sshll.u32 s0, $0x5;
	v1 =	vand.u32 $0xFFFF0000, v1;
	v4 =	vadd.s32 $0x8000, v5;
	v3 =	vadd.s32 $0x8000, v3  }
0xa1: {  	s10 =	smul.u32 $0x680, s7;
	s0 =	sand.u32 $0x3FFFFFE0, s0;
	v1 =	vor.u32 v2, v1;
	v2 =	vshrl.u32 v4, $0x10;
	v3 =	vand.u32 $0xFFFF0000, v3  }
0xa2: {  	[tilespmem:s0+$0x4CA0] =	vst v1;
	v1 =	vor.u32 v2, v3  }
0xa3: {  	s8 =	sshra.s32 s10, $0x2;
	[tilespmem:s0+$0x4CB0] =	vst v1  }
0xa4: {  	v1 =	vld [tilespmem:s8+$0x1A0];
	_ =	sdelay $0x4  }
0xa5: {  	vm0 =	vlt.u32 v1, $0xC350;
	v1 =	vadd.s32 $0x1, v1  }
0xa6: {  	v1 =	vnsel vm0, $0x0, v1  }
0xa7: {  	[tilespmem:$0x1A00] =	vst v1  }
0xa8: {  	v1 =	vld [tilespmem:s8+$0x1B0];
	_ =	sdelay $0x4  }
0xa9: {  	vm12 =	vlt.u32 v1, $0xC350;
	v1 =	vadd.s32 $0x1, v1  }
0xaa: {  	v1 =	vnsel vm12, $0x0, v1  }
0xab: {  	[tilespmem:$0x1A10] =	vst v1  }
0xac: {  	v1 =	vld [tilespmem:s8+$0x1C0];
	_ =	sdelay $0x4  }
0xad: {  	vm13 =	vlt.u32 v1, $0xC350;
	v1 =	vadd.s32 $0x1, v1  }
0xae: {  	v1 =	vnsel vm13, $0x0, v1  }
0xaf: {  	[tilespmem:$0x1A20] =	vst v1  }
0xb0: {  	v1 =	vld [tilespmem:s8+$0x1D0];
	_ =	sdelay $0x4  }
0xb1: {  	vm14 =	vlt.u32 v1, $0xC350;
	v1 =	vadd.s32 $0x1, v1  }
0xb2: {  	v1 =	vnsel vm14, $0x0, v1  }
0xb3: {  	[tilespmem:$0x1A30] =	vst v1  }
0xb4: {  	v1 =	vld [tilespmem:s8+$0x1E0];
	_ =	sdelay $0x4  }
0xb5: {  	vm15 =	vlt.u32 v1, $0xC350;
	v1 =	vadd.s32 $0x1, v1  }
0xb6: {  	v1 =	vnsel vm15, $0x0, v1  }
0xb7: {  	[tilespmem:$0x1A40] =	vst v1  }
0xb8: {  	[tilespmem:s15], [sflag:$0x1] =	stream.indirect.gather [spmem:s1], $0x20, s14, s13, $0xb8;
	[tilespmem:$0x1F368] =	vst v63  }
0xb9: {  	_ = 	snop  }
0xba: {  	[tilespmem:s17], [sflag:$0x1] =	stream.indirect.gather [spmem:s1], $0x20, s16, s13, $0xb8;
	[tilespmem:$0x1F368] =	vst v63  }
0xbb: {  	s11 =	sadd.s32 $0x1F0, s8  }
0xbc: {  	[tilespmem:s20], [sflag:$0x3] =	stream.indirect.gather [hbm4b:s4+s18], $0x20, s11, s18, $0xb8;
	[tilespmem:$0x1F368] =	vst v63  }
0xbd: {  	_ =	swait.ge [sflag:s30], $0xA00  }
0xbe: {  	[sflag:s30] =	ssyncset.done $0x0  }
0xbf: {  	[sflag:s30] =	ssyncadd.s32 $0xFFFFF600  }
0xc0: {  	_ =	swait.ge [sflag:s31], $0xF00  }
0xc1: {  	[sflag:s31] =	ssyncset.done $0x0  }
0xc2: {  	s10 =	simm.s32 $0x0;
	[sflag:s31] =	ssyncadd.s32 $0xFFFFF100  }
0xc3: {  	v2 =	vld [tilespmem:s10+$0x2500]  }
0xc4: {  	v3 =	vld [tilespmem:s10+$0x24E0]  }
0xc5: {  	v4 =	vld [tilespmem:s10+$0x24C0]  }
0xc6: {  	v5 =	vld [tilespmem:s10+$0x24A0]  }
0xc7: {  	v6 =	vld [tilespmem:s10+$0x24B0];
	_ =	sdelay $0x1  }
0xc8: {  	v7 =	vimm.f32 $0.0e+00;
	v8 =	vld [tilespmem:s10+$0x24D0]  }
0xc9: {  	v9 =	vshll.u32 v3, $0x10;
	v1 =	vshll.u32 v2, $0x10;
	v2 =	vand.u32 $0xFFFF0000, v2  }
0xca: {  	v13 =	vld [tilespmem:s10+$0x24F0];
	v10 =	vshll.u32 v4, $0x10;
	v11 =	vand.u32 $0xFFFF0000, v4;
	v12 =	vand.u32 $0xFFFF0000, v3  }
0xcb: {  	v3 =	vshll.u32 v5, $0x10;
	v4 =	vand.u32 $0xFFFF0000, v5;
	v14 =	vshll.u32 v6, $0x10  }
0xcc: {  	s11 =	simm.s32 $0x80;
	v5 =	vld [tilespmem:s10+$0x2510];
	v15 =	vadd.f32 v3, v7;
	v62 =	vadd.f32 v4, v7;
	v4 =	vand.u32 $0xFFFF0000, v6  }
0xcd: {  	v17 =	vshll.u32 v8, $0x10;
	v3 =	vld [tilespmem:s11+$0x2500];
	v14 =	vadd.f32 v14, v7;
	v7 =	vadd.f32 v4, v7  }
0xce: {  	v8 =	vand.u32 $0xFFFF0000, v8;
	v6 =	vld [tilespmem:s11+$0x24C0];
	v10 =	vadd.f32 v10, v15;
	v11 =	vadd.f32 v11, v62  }
0xcf: {  	v63 =	vshll.u32 v13, $0x10;
	v4 =	vld [tilespmem:s11+$0x24E0];
	v14 =	vadd.f32 v17, v14;
	v15 =	vadd.f32 v8, v7  }
0xd0: {  	v7 =	vld [tilespmem:s11+$0x24A0];
	v9 =	vadd.f32 v9, v10;
	v10 =	vadd.f32 v12, v11;
	v12 =	vand.u32 $0xFFFF0000, v13  }
0xd1: {  	s0 =	simm.s32 $0x400;
	v8 =	vld [tilespmem:s11+$0x24B0];
	v11 =	vadd.f32 v63, v14;
	v13 =	vshll.u32 v5, $0x10;
	v12 =	vadd.f32 v12, v15  }
.LBB2_8:
0xd2: {  	p1 =	sne.s32 s0, $0x2600;
	v9 =	vadd.f32 v1, v9;
	v10 =	vadd.f32 v2, v10;
	v1 =	vand.u32 $0xFFFF0000, v5  }
0xd3: {  	v14 =	vld [tilespmem:s11+$0x24D0];
	v11 =	vadd.f32 v13, v11;
	v12 =	vadd.f32 v1, v12  }
0xd4: {  	v2 =	vand.u32 $0xFFFF0000, v3;
	v13 =	vshll.u32 v4, $0x10;
	v1 =	vshll.u32 v3, $0x10  }
0xd5: {  	v16 =	vand.u32 $0xFFFF0000, v4;
	v15 =	vshll.u32 v6, $0x10;
	v6 =	vand.u32 $0xFFFF0000, v6;
	v17 =	vld [tilespmem:s11+$0x24F0]  }
0xd6: {  	v3 =	vshll.u32 v7, $0x10;
	v4 =	vand.u32 $0xFFFF0000, v7;
	v7 =	vshll.u32 v8, $0x10  }
0xd7: {  	v9 =	vadd.f32 v3, v9;
	v10 =	vadd.f32 v4, v10;
	v4 =	vand.u32 $0xFFFF0000, v8;
	v5 =	vld [tilespmem:s11+$0x2510];
	s11 =	sshra.s32 s0, $0x2  }
.Ltmp2:
0xd8: {  	v7 =	vadd.f32 v7, v11;
	v8 =	vadd.f32 v4, v12;
	v3 =	vld [tilespmem:s11+$0x2500];
	v11 =	vshll.u32 v14, $0x10;
	(pc) =	sbr.rel @p1 .LBB2_8-.Ltmp2, $4  }
0xd9: {  	v9 =	vadd.f32 v15, v9;
	v10 =	vadd.f32 v6, v10;
	v12 =	vand.u32 $0xFFFF0000, v14;
	v4 =	vld [tilespmem:s11+$0x24E0]  }
0xda: {  	v11 =	vadd.f32 v11, v7;
	v12 =	vadd.f32 v12, v8;
	v6 =	vld [tilespmem:s11+$0x24C0];
	v14 =	vshll.u32 v17, $0x10  }
0xdb: {  	v9 =	vadd.f32 v13, v9;
	v10 =	vadd.f32 v16, v10;
	v13 =	vand.u32 $0xFFFF0000, v17;
	v7 =	vld [tilespmem:s11+$0x24A0]  }
0xdc: {  	s0 =	sadd.s32 $0x200, s0;
	v11 =	vadd.f32 v14, v11;
	v12 =	vadd.f32 v13, v12;
	v8 =	vld [tilespmem:s11+$0x24B0];
	v13 =	vshll.u32 v5, $0x10  }
0xdd: {  	v1 =	vadd.f32 v1, v9  }
0xde: {  	v2 =	vadd.f32 v2, v10;
	v5 =	vand.u32 $0xFFFF0000, v5;
	v9 =	vld [tilespmem:s11+$0x24D0];
	v10 =	vadd.f32 v13, v11  }
0xdf: {  	v5 =	vadd.f32 v5, v12;
	v11 =	vshll.u32 v4, $0x10;
	v12 =	vshll.u32 v3, $0x10  }
0xe0: {  	v14 =	vld [tilespmem:s11+$0x24F0];
	v4 =	vand.u32 $0xFFFF0000, v4;
	v13 =	vshll.u32 v6, $0x10;
	v6 =	vand.u32 $0xFFFF0000, v6  }
0xe1: {  	v15 =	vshll.u32 v7, $0x10;
	v7 =	vand.u32 $0xFFFF0000, v7;
	v16 =	vshll.u32 v8, $0x10  }
0xe2: {  	v1 =	vadd.f32 v15, v1;
	v2 =	vadd.f32 v7, v2;
	v7 =	vand.u32 $0xFFFF0000, v8;
	v8 =	vld [tilespmem:s11+$0x2510]  }
0xe3: {  	v15 =	vld [tilespmem:s10+$0x3E00];
	v10 =	vadd.f32 v16, v10;
	v5 =	vadd.f32 v7, v5;
	v7 =	vshll.u32 v9, $0x10  }
0xe4: {  	v1 =	vadd.f32 v13, v1;
	v2 =	vadd.f32 v6, v2;
	v6 =	vand.u32 $0xFFFF0000, v9;
	v9 =	vld [tilespmem:s10+$0x3DE0]  }
0xe5: {  	v7 =	vadd.f32 v7, v10;
	v5 =	vadd.f32 v6, v5;
	v6 =	vshll.u32 v14, $0x10;
	v10 =	vld [tilespmem:s10+$0x3DC0]  }
0xe6: {  	v1 =	vadd.f32 v11, v1;
	v2 =	vadd.f32 v4, v2;
	v4 =	vand.u32 $0xFFFF0000, v14;
	v11 =	vld [tilespmem:s10+$0x3DA0]  }
0xe7: {  	v3 =	vand.u32 $0xFFFF0000, v3;
	v6 =	vadd.f32 v6, v7;
	v4 =	vadd.f32 v4, v5;
	v7 =	vld [tilespmem:s10+$0x3DB0]  }
0xe8: {  	v5 =	vshll.u32 v8, $0x10;
	v1 =	vadd.f32 v12, v1;
	v12 =	vadd.f32 v3, v2  }
0xe9: {  	v2 =	vand.u32 $0xFFFF0000, v8;
	v8 =	vld [tilespmem:s10+$0x3DD0];
	v3 =	vand.u32 $0xFFFF0000, v15;
	v6 =	vadd.f32 v5, v6  }
0xea: {  	v4 =	vadd.f32 v2, v4;
	v13 =	vshll.u32 v9, $0x10;
	v2 =	vshll.u32 v15, $0x10  }
0xeb: {  	v62 =	vld [tilespmem:s10+$0x3DF0];
	v15 =	vand.u32 $0xFFFF0000, v9;
	v14 =	vshll.u32 v10, $0x10;
	v10 =	vand.u32 $0xFFFF0000, v10  }
0xec: {  	v5 =	vshll.u32 v11, $0x10;
	v9 =	vand.u32 $0xFFFF0000, v11;
	v11 =	vshll.u32 v7, $0x10  }
0xed: {  	s11 =	simm.s32 $0x80;
	v17 =	vadd.f32 v5, v1;
	v9 =	vadd.f32 v9, v12;
	v7 =	vand.u32 $0xFFFF0000, v7;
	v5 =	vld [tilespmem:s10+$0x3E10]  }
0xee: {  	v1 =	vld [tilespmem:s11+$0x3E00];
	v11 =	vadd.f32 v11, v6;
	v7 =	vadd.f32 v7, v4;
	v12 =	vshll.u32 v8, $0x10  }
0xef: {  	v4 =	vld [tilespmem:s11+$0x3DE0];
	v8 =	vand.u32 $0xFFFF0000, v8;
	v14 =	vadd.f32 v14, v17;
	v10 =	vadd.f32 v10, v9  }
0xf0: {  	v63 =	vshll.u32 v62, $0x10;
	v6 =	vld [tilespmem:s11+$0x3DC0];
	v11 =	vadd.f32 v12, v11;
	v12 =	vadd.f32 v8, v7  }
0xf1: {  	v7 =	vld [tilespmem:s11+$0x3DA0];
	v9 =	vadd.f32 v13, v14;
	v10 =	vadd.f32 v15, v10;
	v13 =	vand.u32 $0xFFFF0000, v62  }
0xf2: {  	s0 =	simm.s32 $0x400;
	v8 =	vld [tilespmem:s11+$0x3DB0];
	v11 =	vadd.f32 v63, v11;
	v12 =	vadd.f32 v13, v12;
	v13 =	vshll.u32 v5, $0x10  }
.LBB2_10:
0xf3: {  	p1 =	sne.s32 s0, $0x3A00;
	v9 =	vadd.f32 v2, v9;
	v10 =	vadd.f32 v3, v10;
	v2 =	vand.u32 $0xFFFF0000, v5  }
0xf4: {  	v14 =	vld [tilespmem:s11+$0x3DD0];
	v11 =	vadd.f32 v13, v11;
	v12 =	vadd.f32 v2, v12  }
0xf5: {  	v3 =	vand.u32 $0xFFFF0000, v1;
	v13 =	vshll.u32 v4, $0x10;
	v2 =	vshll.u32 v1, $0x10  }
0xf6: {  	v16 =	vand.u32 $0xFFFF0000, v4;
	v15 =	vshll.u32 v6, $0x10;
	v6 =	vand.u32 $0xFFFF0000, v6;
	v17 =	vld [tilespmem:s11+$0x3DF0]  }
0xf7: {  	v1 =	vshll.u32 v7, $0x10;
	v4 =	vand.u32 $0xFFFF0000, v7;
	v7 =	vshll.u32 v8, $0x10  }
0xf8: {  	v9 =	vadd.f32 v1, v9;
	v10 =	vadd.f32 v4, v10;
	v4 =	vand.u32 $0xFFFF0000, v8;
	v5 =	vld [tilespmem:s11+$0x3E10];
	s11 =	sshra.s32 s0, $0x2  }
.Ltmp3:
0xf9: {  	v7 =	vadd.f32 v7, v11;
	v8 =	vadd.f32 v4, v12;
	v1 =	vld [tilespmem:s11+$0x3E00];
	v11 =	vshll.u32 v14, $0x10;
	(pc) =	sbr.rel @p1 .LBB2_10-.Ltmp3, $4  }
0xfa: {  	v9 =	vadd.f32 v15, v9;
	v10 =	vadd.f32 v6, v10;
	v12 =	vand.u32 $0xFFFF0000, v14;
	v4 =	vld [tilespmem:s11+$0x3DE0]  }
0xfb: {  	v11 =	vadd.f32 v11, v7;
	v12 =	vadd.f32 v12, v8;
	v6 =	vld [tilespmem:s11+$0x3DC0];
	v14 =	vshll.u32 v17, $0x10  }
0xfc: {  	v9 =	vadd.f32 v13, v9;
	v10 =	vadd.f32 v16, v10;
	v13 =	vand.u32 $0xFFFF0000, v17;
	v7 =	vld [tilespmem:s11+$0x3DA0]  }
0xfd: {  	s0 =	sadd.s32 $0x200, s0;
	v11 =	vadd.f32 v14, v11;
	v12 =	vadd.f32 v13, v12;
	v8 =	vld [tilespmem:s11+$0x3DB0];
	v13 =	vshll.u32 v5, $0x10  }
0xfe: {  	v2 =	vadd.f32 v2, v9;
	v3 =	vadd.f32 v3, v10  }
0xff: {  	v5 =	vand.u32 $0xFFFF0000, v5;
	v47 =	vld [tilespmem:s11+$0x3DD0];
	v50 =	vshll.u32 v1, $0x10;
	v48 =	vadd.f32 v13, v11  }
0x100: {  	v5 =	vadd.f32 v5, v12;
	v49 =	vshll.u32 v4, $0x10;
	v53 =	vand.u32 $0xFFFF0000, v4  }
0x101: {  	v14 =	vld [tilespmem:s11+$0x3DF0];
	v51 =	vshll.u32 v6, $0x10;
	v52 =	vand.u32 $0xFFFF0000, v6;
	v15 =	vshll.u32 v7, $0x10  }
0x102: {  	v54 =	vand.u32 $0xFFFF0000, v7;
	v16 =	vshll.u32 v8, $0x10;
	v2 =	vadd.f32 v15, v2  }
0x103: {  	v3 =	vadd.f32 v54, v3;
	v55 =	vand.u32 $0xFFFF0000, v8;
	v56 =	vadd.f32 v16, v48  }
0x104: {  	v57 =	vld [tilespmem:s11+$0x3E10];
	v5 =	vadd.f32 v55, v5;
	v58 =	vshll.u32 v47, $0x10;
	v2 =	vadd.f32 v51, v2  }
0x105: {  	v59 =	vand.u32 $0xFFFF0000, v47;
	v3 =	vadd.f32 v52, v3;
	v7 =	vadd.f32 v58, v56  }
0x106: {  	v60 =	vshll.u32 v14, $0x10;
	v5 =	vadd.f32 v59, v5;
	v2 =	vadd.f32 v49, v2  }
0x107: {  	v61 =	vand.u32 $0xFFFF0000, v14;
	v3 =	vadd.f32 v53, v3;
	v6 =	vadd.f32 v60, v7  }
0x108: {  	v1 =	vand.u32 $0xFFFF0000, v1;
	v4 =	vadd.f32 v61, v5;
	v2 =	vadd.f32 v50, v2  }
0x109: {  	v62 =	vshll.u32 v57, $0x10;
	v1 =	vadd.f32 v1, v3;
	v3 =	vand.u32 $0xFFFF0000, v57  }
0x10a: {  	s0 =	sadd.s32 s9, s6;
	v5 =	vadd.f32 v62, v6;
	v3 =	vadd.f32 v3, v4;
	v2 =	vadd.s32 $0x8000, v2  }
0x10b: {  	s0 =	sshll.u32 s0, $0x5;
	v1 =	vadd.s32 $0x8000, v1;
	v2 =	vshrl.u32 v2, $0x10  }
0x10c: {  	s0 =	sadd.s32 $0x20, s0;
	v1 =	vand.u32 $0xFFFF0000, v1;
	v63 =	vadd.s32 $0x8000, v5;
	v3 =	vadd.s32 $0x8000, v3  }
0x10d: {  	s0 =	sand.u32 $0x3FFFFFE0, s0;
	v1 =	vor.u32 v2, v1;
	v2 =	vshrl.u32 v63, $0x10;
	v3 =	vand.u32 $0xFFFF0000, v3  }
0x10e: {  	[tilespmem:s0+$0x4CA0] =	vst v1;
	v1 =	vor.u32 v2, v3  }
0x10f: {  	[tilespmem:s0+$0x4CB0] =	vst v1  }
0x110: {  	v1 =	vld [tilespmem:s8+$0x270];
	_ =	sdelay $0x4  }
0x111: {  	vm0 =	vlt.u32 v1, $0xC350;
	v1 =	vadd.s32 $0x1, v1  }
0x112: {  	v1 =	vnsel vm0, $0x0, v1  }
0x113: {  	[tilespmem:$0x1A50] =	vst v1  }
0x114: {  	v1 =	vld [tilespmem:s8+$0x280];
	_ =	sdelay $0x4  }
0x115: {  	vm12 =	vlt.u32 v1, $0xC350;
	v1 =	vadd.s32 $0x1, v1  }
0x116: {  	v1 =	vnsel vm12, $0x0, v1  }
0x117: {  	[tilespmem:$0x1A60] =	vst v1  }
0x118: {  	v1 =	vld [tilespmem:s8+$0x290];
	_ =	sdelay $0x4  }
0x119: {  	vm13 =	vlt.u32 v1, $0xC350;
	v1 =	vadd.s32 $0x1, v1  }
0x11a: {  	v1 =	vnsel vm13, $0x0, v1  }
0x11b: {  	[tilespmem:$0x1A70] =	vst v1  }
0x11c: {  	v1 =	vld [tilespmem:s8+$0x2A0];
	_ =	sdelay $0x4  }
0x11d: {  	vm14 =	vlt.u32 v1, $0xC350;
	v1 =	vadd.s32 $0x1, v1  }
0x11e: {  	v1 =	vnsel vm14, $0x0, v1  }
0x11f: {  	[tilespmem:$0x1A80] =	vst v1  }
0x120: {  	v1 =	vld [tilespmem:s8+$0x2B0];
	_ =	sdelay $0x4  }
0x121: {  	vm15 =	vlt.u32 v1, $0xC350;
	v1 =	vadd.s32 $0x1, v1  }
0x122: {  	s7 =	sadd.s32 $0x1, s7;
	v1 =	vnsel vm15, $0x0, v1  }
0x123: {  	p1 =	sne.s32 s7, $0xF;
	[tilespmem:$0x1A90] =	vst v1  }
0x124: {  	[tilespmem:s22], [sflag:$0x2] =	stream.indirect.gather [spmem:s1], $0x20, s21, s13, $0xb8;
	[tilespmem:$0x1F368] =	vst v63  }
.Ltmp4:
0x125: {  	_ = 	snop;
	(pc) =	sbr.rel @p1 .LBB2_3-.Ltmp4, $4  }
0x126: {  	_ = 	snop  }
0x127: {  	[tilespmem:s24], [sflag:$0x2] =	stream.indirect.gather [spmem:s1], $0x20, s23, s13, $0xb8;
	[tilespmem:$0x1F368] =	vst v63  }
0x128: {  	s11 =	sadd.s32 $0x2C0, s8  }
0x129: {  	[tilespmem:s26], [sflag:$0x4] =	stream.indirect.gather [hbm4b:s4+s18], $0x20, s11, s18, $0xb8;
	[tilespmem:$0x1F368] =	vst v63  }
0x12a: {  	_ =	swait.ge [sflag:s28], $0xA00  }
0x12b: {  	[sflag:s28] =	ssyncset.done $0x0  }
0x12c: {  	[sflag:s28] =	ssyncadd.s32 $0xFFFFF600  }
0x12d: {  	_ =	swait.ge [sflag:s29], $0xF00  }
0x12e: {  	[sflag:s29] =	ssyncset.done $0x0  }
0x12f: {  	s6 =	simm.s32 $0x0;
	[sflag:s29] =	ssyncadd.s32 $0xFFFFF100  }
0x130: {  	v2 =	vld [tilespmem:s6+$0x1B00]  }
0x131: {  	v3 =	vld [tilespmem:s6+$0x1AE0]  }
0x132: {  	v4 =	vld [tilespmem:s6+$0x1AC0]  }
0x133: {  	v5 =	vld [tilespmem:s6+$0x1AA0]  }
0x134: {  	v6 =	vld [tilespmem:s6+$0x1AB0];
	_ =	sdelay $0x1  }
0x135: {  	v7 =	vimm.f32 $0.0e+00;
	v8 =	vld [tilespmem:s6+$0x1AD0]  }
0x136: {  	v9 =	vshll.u32 v3, $0x10;
	v1 =	vshll.u32 v2, $0x10;
	v2 =	vand.u32 $0xFFFF0000, v2  }
0x137: {  	v13 =	vld [tilespmem:s6+$0x1AF0];
	v10 =	vshll.u32 v4, $0x10;
	v11 =	vand.u32 $0xFFFF0000, v4;
	v12 =	vand.u32 $0xFFFF0000, v3  }
0x138: {  	v3 =	vshll.u32 v5, $0x10;
	v4 =	vand.u32 $0xFFFF0000, v5;
	v14 =	vshll.u32 v6, $0x10  }
0x139: {  	s7 =	simm.s32 $0x80;
	v5 =	vld [tilespmem:s6+$0x1B10];
	v15 =	vadd.f32 v3, v7;
	v16 =	vadd.f32 v4, v7;
	v4 =	vand.u32 $0xFFFF0000, v6  }
0x13a: {  	v17 =	vshll.u32 v8, $0x10;
	v3 =	vld [tilespmem:s7+$0x1B00];
	v14 =	vadd.f32 v14, v7;
	v7 =	vadd.f32 v4, v7  }
0x13b: {  	v8 =	vand.u32 $0xFFFF0000, v8;
	v6 =	vld [tilespmem:s7+$0x1AC0];
	v10 =	vadd.f32 v10, v15;
	v11 =	vadd.f32 v11, v16  }
0x13c: {  	v63 =	vshll.u32 v13, $0x10;
	v4 =	vld [tilespmem:s7+$0x1AE0];
	v14 =	vadd.f32 v17, v14;
	v15 =	vadd.f32 v8, v7  }
0x13d: {  	v7 =	vld [tilespmem:s7+$0x1AA0];
	v9 =	vadd.f32 v9, v10;
	v10 =	vadd.f32 v12, v11;
	v12 =	vand.u32 $0xFFFF0000, v13  }
0x13e: {  	s0 =	simm.s32 $0x400;
	v8 =	vld [tilespmem:s7+$0x1AB0];
	v11 =	vadd.f32 v63, v14;
	v13 =	vshll.u32 v5, $0x10;
	v12 =	vadd.f32 v12, v15  }
.LBB2_13:
0x13f: {  	p1 =	sne.s32 s0, $0x2600;
	v9 =	vadd.f32 v1, v9;
	v10 =	vadd.f32 v2, v10;
	v1 =	vand.u32 $0xFFFF0000, v5  }
0x140: {  	v14 =	vld [tilespmem:s7+$0x1AD0];
	v11 =	vadd.f32 v13, v11;
	v12 =	vadd.f32 v1, v12  }
0x141: {  	v2 =	vand.u32 $0xFFFF0000, v3;
	v13 =	vshll.u32 v4, $0x10;
	v1 =	vshll.u32 v3, $0x10  }
0x142: {  	v16 =	vand.u32 $0xFFFF0000, v4;
	v15 =	vshll.u32 v6, $0x10;
	v6 =	vand.u32 $0xFFFF0000, v6;
	v17 =	vld [tilespmem:s7+$0x1AF0]  }
0x143: {  	v3 =	vshll.u32 v7, $0x10;
	v4 =	vand.u32 $0xFFFF0000, v7;
	v7 =	vshll.u32 v8, $0x10  }
0x144: {  	v9 =	vadd.f32 v3, v9;
	v10 =	vadd.f32 v4, v10;
	v4 =	vand.u32 $0xFFFF0000, v8;
	v5 =	vld [tilespmem:s7+$0x1B10];
	s7 =	sshra.s32 s0, $0x2  }
.Ltmp5:
0x145: {  	v7 =	vadd.f32 v7, v11;
	v8 =	vadd.f32 v4, v12;
	v3 =	vld [tilespmem:s7+$0x1B00];
	v11 =	vshll.u32 v14, $0x10;
	(pc) =	sbr.rel @p1 .LBB2_13-.Ltmp5, $4  }
0x146: {  	v9 =	vadd.f32 v15, v9;
	v10 =	vadd.f32 v6, v10;
	v12 =	vand.u32 $0xFFFF0000, v14;
	v4 =	vld [tilespmem:s7+$0x1AE0]  }
0x147: {  	v11 =	vadd.f32 v11, v7;
	v12 =	vadd.f32 v12, v8;
	v6 =	vld [tilespmem:s7+$0x1AC0];
	v14 =	vshll.u32 v17, $0x10  }
0x148: {  	v9 =	vadd.f32 v13, v9;
	v10 =	vadd.f32 v16, v10;
	v13 =	vand.u32 $0xFFFF0000, v17;
	v7 =	vld [tilespmem:s7+$0x1AA0]  }
0x149: {  	s0 =	sadd.s32 $0x200, s0;
	v11 =	vadd.f32 v14, v11;
	v12 =	vadd.f32 v13, v12;
	v8 =	vld [tilespmem:s7+$0x1AB0];
	v13 =	vshll.u32 v5, $0x10  }
0x14a: {  	v1 =	vadd.f32 v1, v9  }
0x14b: {  	v2 =	vadd.f32 v2, v10;
	v5 =	vand.u32 $0xFFFF0000, v5;
	v9 =	vld [tilespmem:s7+$0x1AD0];
	v10 =	vadd.f32 v13, v11  }
0x14c: {  	v5 =	vadd.f32 v5, v12;
	v11 =	vshll.u32 v4, $0x10;
	v12 =	vshll.u32 v3, $0x10  }
0x14d: {  	v14 =	vld [tilespmem:s7+$0x1AF0];
	v4 =	vand.u32 $0xFFFF0000, v4;
	v13 =	vshll.u32 v6, $0x10;
	v6 =	vand.u32 $0xFFFF0000, v6  }
0x14e: {  	v15 =	vshll.u32 v7, $0x10;
	v7 =	vand.u32 $0xFFFF0000, v7;
	v16 =	vshll.u32 v8, $0x10  }
0x14f: {  	v1 =	vadd.f32 v15, v1;
	v2 =	vadd.f32 v7, v2;
	v7 =	vand.u32 $0xFFFF0000, v8;
	v8 =	vld [tilespmem:s7+$0x1B10]  }
0x150: {  	v15 =	vld [tilespmem:s6+$0x2F00];
	v10 =	vadd.f32 v16, v10;
	v5 =	vadd.f32 v7, v5;
	v7 =	vshll.u32 v9, $0x10  }
0x151: {  	v1 =	vadd.f32 v13, v1;
	v2 =	vadd.f32 v6, v2;
	v6 =	vand.u32 $0xFFFF0000, v9;
	v9 =	vld [tilespmem:s6+$0x2EE0]  }
0x152: {  	v7 =	vadd.f32 v7, v10;
	v5 =	vadd.f32 v6, v5;
	v6 =	vshll.u32 v14, $0x10;
	v10 =	vld [tilespmem:s6+$0x2EC0]  }
0x153: {  	v1 =	vadd.f32 v11, v1;
	v2 =	vadd.f32 v4, v2;
	v4 =	vand.u32 $0xFFFF0000, v14;
	v11 =	vld [tilespmem:s6+$0x2EA0]  }
0x154: {  	v3 =	vand.u32 $0xFFFF0000, v3;
	v6 =	vadd.f32 v6, v7;
	v4 =	vadd.f32 v4, v5;
	v7 =	vld [tilespmem:s6+$0x2EB0]  }
0x155: {  	v5 =	vshll.u32 v8, $0x10;
	v1 =	vadd.f32 v12, v1;
	v12 =	vadd.f32 v3, v2  }
0x156: {  	v2 =	vand.u32 $0xFFFF0000, v8;
	v8 =	vld [tilespmem:s6+$0x2ED0];
	v3 =	vand.u32 $0xFFFF0000, v15;
	v6 =	vadd.f32 v5, v6  }
0x157: {  	v4 =	vadd.f32 v2, v4;
	v13 =	vshll.u32 v9, $0x10;
	v2 =	vshll.u32 v15, $0x10  }
0x158: {  	v62 =	vld [tilespmem:s6+$0x2EF0];
	v15 =	vand.u32 $0xFFFF0000, v9;
	v14 =	vshll.u32 v10, $0x10;
	v10 =	vand.u32 $0xFFFF0000, v10  }
0x159: {  	v5 =	vshll.u32 v11, $0x10;
	v9 =	vand.u32 $0xFFFF0000, v11;
	v11 =	vshll.u32 v7, $0x10  }
0x15a: {  	s7 =	simm.s32 $0x80;
	v17 =	vadd.f32 v5, v1;
	v9 =	vadd.f32 v9, v12;
	v7 =	vand.u32 $0xFFFF0000, v7;
	v5 =	vld [tilespmem:s6+$0x2F10]  }
0x15b: {  	v1 =	vld [tilespmem:s7+$0x2F00];
	v11 =	vadd.f32 v11, v6;
	v7 =	vadd.f32 v7, v4;
	v12 =	vshll.u32 v8, $0x10  }
0x15c: {  	v4 =	vld [tilespmem:s7+$0x2EE0];
	v8 =	vand.u32 $0xFFFF0000, v8;
	v14 =	vadd.f32 v14, v17;
	v10 =	vadd.f32 v10, v9  }
0x15d: {  	v63 =	vshll.u32 v62, $0x10;
	v6 =	vld [tilespmem:s7+$0x2EC0];
	v11 =	vadd.f32 v12, v11;
	v12 =	vadd.f32 v8, v7  }
0x15e: {  	v7 =	vld [tilespmem:s7+$0x2EA0];
	v9 =	vadd.f32 v13, v14;
	v10 =	vadd.f32 v15, v10;
	v13 =	vand.u32 $0xFFFF0000, v62  }
0x15f: {  	s0 =	simm.s32 $0x400;
	v8 =	vld [tilespmem:s7+$0x2EB0];
	v11 =	vadd.f32 v63, v11;
	v12 =	vadd.f32 v13, v12;
	v13 =	vshll.u32 v5, $0x10  }
.LBB2_15:
0x160: {  	p1 =	sne.s32 s0, $0x3A00;
	v9 =	vadd.f32 v2, v9;
	v10 =	vadd.f32 v3, v10;
	v2 =	vand.u32 $0xFFFF0000, v5  }
0x161: {  	v14 =	vld [tilespmem:s7+$0x2ED0];
	v11 =	vadd.f32 v13, v11;
	v12 =	vadd.f32 v2, v12  }
0x162: {  	v3 =	vand.u32 $0xFFFF0000, v1;
	v13 =	vshll.u32 v4, $0x10;
	v2 =	vshll.u32 v1, $0x10  }
0x163: {  	v16 =	vand.u32 $0xFFFF0000, v4;
	v15 =	vshll.u32 v6, $0x10;
	v6 =	vand.u32 $0xFFFF0000, v6;
	v17 =	vld [tilespmem:s7+$0x2EF0]  }
0x164: {  	v1 =	vshll.u32 v7, $0x10;
	v4 =	vand.u32 $0xFFFF0000, v7;
	v7 =	vshll.u32 v8, $0x10  }
0x165: {  	v9 =	vadd.f32 v1, v9;
	v10 =	vadd.f32 v4, v10;
	v4 =	vand.u32 $0xFFFF0000, v8;
	v5 =	vld [tilespmem:s7+$0x2F10];
	s7 =	sshra.s32 s0, $0x2  }
.Ltmp6:
0x166: {  	v7 =	vadd.f32 v7, v11;
	v8 =	vadd.f32 v4, v12;
	v1 =	vld [tilespmem:s7+$0x2F00];
	v11 =	vshll.u32 v14, $0x10;
	(pc) =	sbr.rel @p1 .LBB2_15-.Ltmp6, $4  }
0x167: {  	v9 =	vadd.f32 v15, v9;
	v10 =	vadd.f32 v6, v10;
	v12 =	vand.u32 $0xFFFF0000, v14;
	v4 =	vld [tilespmem:s7+$0x2EE0]  }
0x168: {  	v11 =	vadd.f32 v11, v7;
	v12 =	vadd.f32 v12, v8;
	v6 =	vld [tilespmem:s7+$0x2EC0];
	v14 =	vshll.u32 v17, $0x10  }
0x169: {  	v9 =	vadd.f32 v13, v9;
	v10 =	vadd.f32 v16, v10;
	v13 =	vand.u32 $0xFFFF0000, v17;
	v7 =	vld [tilespmem:s7+$0x2EA0]  }
0x16a: {  	s0 =	sadd.s32 $0x200, s0;
	v11 =	vadd.f32 v14, v11;
	v12 =	vadd.f32 v13, v12;
	v8 =	vld [tilespmem:s7+$0x2EB0];
	v13 =	vshll.u32 v5, $0x10  }
0x16b: {  	v2 =	vadd.f32 v2, v9;
	v3 =	vadd.f32 v3, v10;
	v5 =	vand.u32 $0xFFFF0000, v5  }
0x16c: {  	v9 =	vld [tilespmem:s7+$0x2ED0];
	v10 =	vadd.f32 v13, v11;
	v5 =	vadd.f32 v5, v12  }
0x16d: {  	v11 =	vshll.u32 v4, $0x10;
	v12 =	vshll.u32 v1, $0x10;
	v4 =	vand.u32 $0xFFFF0000, v4  }
0x16e: {  	v14 =	vld [tilespmem:s7+$0x2EF0];
	v13 =	vshll.u32 v6, $0x10;
	v6 =	vand.u32 $0xFFFF0000, v6;
	v15 =	vshll.u32 v7, $0x10  }
0x16f: {  	v7 =	vand.u32 $0xFFFF0000, v7;
	v16 =	vshll.u32 v8, $0x10;
	v2 =	vadd.f32 v15, v2  }
0x170: {  	v3 =	vadd.f32 v7, v3;
	v7 =	vand.u32 $0xFFFF0000, v8;
	v8 =	vadd.f32 v16, v10  }
0x171: {  	v10 =	vld [tilespmem:s7+$0x2F10];
	v5 =	vadd.f32 v7, v5;
	v7 =	vshll.u32 v9, $0x10;
	v2 =	vadd.f32 v13, v2  }
0x172: {  	v3 =	vadd.f32 v6, v3;
	v6 =	vand.u32 $0xFFFF0000, v9;
	v7 =	vadd.f32 v7, v8  }
0x173: {  	v5 =	vadd.f32 v6, v5;
	v6 =	vshll.u32 v14, $0x10;
	v2 =	vadd.f32 v11, v2  }
0x174: {  	v3 =	vadd.f32 v4, v3;
	v4 =	vand.u32 $0xFFFF0000, v14;
	v6 =	vadd.f32 v6, v7  }
0x175: {  	v1 =	vand.u32 $0xFFFF0000, v1;
	v4 =	vadd.f32 v4, v5;
	v2 =	vadd.f32 v12, v2  }
0x176: {  	v5 =	vshll.u32 v10, $0x10;
	v1 =	vadd.f32 v1, v3;
	v3 =	vand.u32 $0xFFFF0000, v10  }
0x177: {  	v5 =	vadd.f32 v5, v6;
	v3 =	vadd.f32 v3, v4;
	v2 =	vadd.s32 $0x8000, v2  }
0x178: {  	v1 =	vadd.s32 $0x8000, v1;
	v2 =	vshrl.u32 v2, $0x10  }
0x179: {  	s0 =	sshll.u32 s2, $0xA;
	v1 =	vand.u32 $0xFFFF0000, v1;
	v4 =	vadd.s32 $0x8000, v5;
	v3 =	vadd.s32 $0x8000, v3  }
0x17a: {  	s6 =	sand.u32 $0x3FFFFC00, s0;
	v1 =	vor.u32 v2, v1;
	v2 =	vshrl.u32 v4, $0x10;
	v3 =	vand.u32 $0xFFFF0000, v3  }
0x17b: {  	[tilespmem:s6+$0x5060] =	vst v1;
	v1 =	vor.u32 v2, v3  }
0x17c: {  	[tilespmem:s6+$0x5070] =	vst v1  }
0x17d: {  	_ =	swait.ge [sflag:s30], $0xA00  }
0x17e: {  	[sflag:s30] =	ssyncset.done $0x0  }
0x17f: {  	[sflag:s30] =	ssyncadd.s32 $0xFFFFF600  }
0x180: {  	_ =	swait.ge [sflag:s31], $0xF00  }
0x181: {  	[sflag:s31] =	ssyncset.done $0x0  }
0x182: {  	s7 =	simm.s32 $0x0;
	[sflag:s31] =	ssyncadd.s32 $0xFFFFF100  }
0x183: {  	v2 =	vld [tilespmem:s7+$0x2500]  }
0x184: {  	v3 =	vld [tilespmem:s7+$0x24E0]  }
0x185: {  	v4 =	vld [tilespmem:s7+$0x24C0]  }
0x186: {  	v5 =	vld [tilespmem:s7+$0x24A0]  }
0x187: {  	v6 =	vld [tilespmem:s7+$0x24B0];
	_ =	sdelay $0x1  }
0x188: {  	v7 =	vimm.f32 $0.0e+00;
	v8 =	vld [tilespmem:s7+$0x24D0]  }
0x189: {  	v9 =	vshll.u32 v3, $0x10;
	v1 =	vshll.u32 v2, $0x10;
	v2 =	vand.u32 $0xFFFF0000, v2  }
0x18a: {  	v13 =	vld [tilespmem:s7+$0x24F0];
	v10 =	vshll.u32 v4, $0x10;
	v11 =	vand.u32 $0xFFFF0000, v4;
	v12 =	vand.u32 $0xFFFF0000, v3  }
0x18b: {  	v3 =	vshll.u32 v5, $0x10;
	v4 =	vand.u32 $0xFFFF0000, v5;
	v14 =	vshll.u32 v6, $0x10  }
0x18c: {  	s8 =	simm.s32 $0x80;
	v5 =	vld [tilespmem:s7+$0x2510];
	v15 =	vadd.f32 v3, v7;
	v62 =	vadd.f32 v4, v7;
	v4 =	vand.u32 $0xFFFF0000, v6  }
0x18d: {  	v17 =	vshll.u32 v8, $0x10;
	v3 =	vld [tilespmem:s8+$0x2500];
	v14 =	vadd.f32 v14, v7;
	v7 =	vadd.f32 v4, v7  }
0x18e: {  	v8 =	vand.u32 $0xFFFF0000, v8;
	v6 =	vld [tilespmem:s8+$0x24C0];
	v10 =	vadd.f32 v10, v15;
	v11 =	vadd.f32 v11, v62  }
0x18f: {  	v63 =	vshll.u32 v13, $0x10;
	v4 =	vld [tilespmem:s8+$0x24E0];
	v14 =	vadd.f32 v17, v14;
	v15 =	vadd.f32 v8, v7  }
0x190: {  	v7 =	vld [tilespmem:s8+$0x24A0];
	v9 =	vadd.f32 v9, v10;
	v10 =	vadd.f32 v12, v11;
	v12 =	vand.u32 $0xFFFF0000, v13  }
0x191: {  	s0 =	simm.s32 $0x400;
	v8 =	vld [tilespmem:s8+$0x24B0];
	v11 =	vadd.f32 v63, v14;
	v13 =	vshll.u32 v5, $0x10;
	v12 =	vadd.f32 v12, v15  }
.LBB2_17:
0x192: {  	p1 =	sne.s32 s0, $0x2600;
	v9 =	vadd.f32 v1, v9;
	v10 =	vadd.f32 v2, v10;
	v1 =	vand.u32 $0xFFFF0000, v5  }
0x193: {  	v14 =	vld [tilespmem:s8+$0x24D0];
	v11 =	vadd.f32 v13, v11;
	v12 =	vadd.f32 v1, v12  }
0x194: {  	v2 =	vand.u32 $0xFFFF0000, v3;
	v13 =	vshll.u32 v4, $0x10;
	v1 =	vshll.u32 v3, $0x10  }
0x195: {  	v16 =	vand.u32 $0xFFFF0000, v4;
	v15 =	vshll.u32 v6, $0x10;
	v6 =	vand.u32 $0xFFFF0000, v6;
	v17 =	vld [tilespmem:s8+$0x24F0]  }
0x196: {  	v3 =	vshll.u32 v7, $0x10;
	v4 =	vand.u32 $0xFFFF0000, v7;
	v7 =	vshll.u32 v8, $0x10  }
0x197: {  	v9 =	vadd.f32 v3, v9;
	v10 =	vadd.f32 v4, v10;
	v4 =	vand.u32 $0xFFFF0000, v8;
	v5 =	vld [tilespmem:s8+$0x2510];
	s8 =	sshra.s32 s0, $0x2  }
.Ltmp7:
0x198: {  	v7 =	vadd.f32 v7, v11;
	v8 =	vadd.f32 v4, v12;
	v3 =	vld [tilespmem:s8+$0x2500];
	v11 =	vshll.u32 v14, $0x10;
	(pc) =	sbr.rel @p1 .LBB2_17-.Ltmp7, $4  }
0x199: {  	v9 =	vadd.f32 v15, v9;
	v10 =	vadd.f32 v6, v10;
	v12 =	vand.u32 $0xFFFF0000, v14;
	v4 =	vld [tilespmem:s8+$0x24E0]  }
0x19a: {  	v11 =	vadd.f32 v11, v7;
	v12 =	vadd.f32 v12, v8;
	v6 =	vld [tilespmem:s8+$0x24C0];
	v14 =	vshll.u32 v17, $0x10  }
0x19b: {  	v9 =	vadd.f32 v13, v9;
	v10 =	vadd.f32 v16, v10;
	v13 =	vand.u32 $0xFFFF0000, v17;
	v7 =	vld [tilespmem:s8+$0x24A0]  }
0x19c: {  	s0 =	sadd.s32 $0x200, s0;
	v11 =	vadd.f32 v14, v11;
	v12 =	vadd.f32 v13, v12;
	v8 =	vld [tilespmem:s8+$0x24B0];
	v13 =	vshll.u32 v5, $0x10  }
0x19d: {  	v1 =	vadd.f32 v1, v9  }
0x19e: {  	v2 =	vadd.f32 v2, v10;
	v5 =	vand.u32 $0xFFFF0000, v5;
	v9 =	vld [tilespmem:s8+$0x24D0];
	v10 =	vadd.f32 v13, v11  }
0x19f: {  	v5 =	vadd.f32 v5, v12;
	v11 =	vshll.u32 v4, $0x10;
	v12 =	vshll.u32 v3, $0x10  }
0x1a0: {  	v14 =	vld [tilespmem:s8+$0x24F0];
	v4 =	vand.u32 $0xFFFF0000, v4;
	v13 =	vshll.u32 v6, $0x10;
	v6 =	vand.u32 $0xFFFF0000, v6  }
0x1a1: {  	v15 =	vshll.u32 v7, $0x10;
	v7 =	vand.u32 $0xFFFF0000, v7;
	v16 =	vshll.u32 v8, $0x10  }
0x1a2: {  	v1 =	vadd.f32 v15, v1;
	v2 =	vadd.f32 v7, v2;
	v7 =	vand.u32 $0xFFFF0000, v8;
	v8 =	vld [tilespmem:s8+$0x2510]  }
0x1a3: {  	v15 =	vld [tilespmem:s7+$0x3E00];
	v10 =	vadd.f32 v16, v10;
	v5 =	vadd.f32 v7, v5;
	v7 =	vshll.u32 v9, $0x10  }
0x1a4: {  	v1 =	vadd.f32 v13, v1;
	v2 =	vadd.f32 v6, v2;
	v6 =	vand.u32 $0xFFFF0000, v9;
	v9 =	vld [tilespmem:s7+$0x3DE0]  }
0x1a5: {  	v7 =	vadd.f32 v7, v10;
	v5 =	vadd.f32 v6, v5;
	v6 =	vshll.u32 v14, $0x10;
	v10 =	vld [tilespmem:s7+$0x3DC0]  }
0x1a6: {  	v1 =	vadd.f32 v11, v1;
	v2 =	vadd.f32 v4, v2;
	v4 =	vand.u32 $0xFFFF0000, v14;
	v11 =	vld [tilespmem:s7+$0x3DA0]  }
0x1a7: {  	v3 =	vand.u32 $0xFFFF0000, v3;
	v6 =	vadd.f32 v6, v7;
	v4 =	vadd.f32 v4, v5;
	v7 =	vld [tilespmem:s7+$0x3DB0]  }
0x1a8: {  	v5 =	vshll.u32 v8, $0x10;
	v1 =	vadd.f32 v12, v1;
	v12 =	vadd.f32 v3, v2  }
0x1a9: {  	v2 =	vand.u32 $0xFFFF0000, v8;
	v8 =	vld [tilespmem:s7+$0x3DD0];
	v3 =	vand.u32 $0xFFFF0000, v15;
	v6 =	vadd.f32 v5, v6  }
0x1aa: {  	v4 =	vadd.f32 v2, v4;
	v13 =	vshll.u32 v9, $0x10;
	v2 =	vshll.u32 v15, $0x10  }
0x1ab: {  	v62 =	vld [tilespmem:s7+$0x3DF0];
	v15 =	vand.u32 $0xFFFF0000, v9;
	v14 =	vshll.u32 v10, $0x10;
	v10 =	vand.u32 $0xFFFF0000, v10  }
0x1ac: {  	v5 =	vshll.u32 v11, $0x10;
	v9 =	vand.u32 $0xFFFF0000, v11;
	v11 =	vshll.u32 v7, $0x10  }
0x1ad: {  	s8 =	simm.s32 $0x80;
	v17 =	vadd.f32 v5, v1;
	v9 =	vadd.f32 v9, v12;
	v7 =	vand.u32 $0xFFFF0000, v7;
	v5 =	vld [tilespmem:s7+$0x3E10]  }
0x1ae: {  	v1 =	vld [tilespmem:s8+$0x3E00];
	v11 =	vadd.f32 v11, v6;
	v7 =	vadd.f32 v7, v4;
	v12 =	vshll.u32 v8, $0x10  }
0x1af: {  	v4 =	vld [tilespmem:s8+$0x3DE0];
	v8 =	vand.u32 $0xFFFF0000, v8;
	v14 =	vadd.f32 v14, v17;
	v10 =	vadd.f32 v10, v9  }
0x1b0: {  	v63 =	vshll.u32 v62, $0x10;
	v6 =	vld [tilespmem:s8+$0x3DC0];
	v11 =	vadd.f32 v12, v11;
	v12 =	vadd.f32 v8, v7  }
0x1b1: {  	v7 =	vld [tilespmem:s8+$0x3DA0];
	v9 =	vadd.f32 v13, v14;
	v10 =	vadd.f32 v15, v10;
	v13 =	vand.u32 $0xFFFF0000, v62  }
0x1b2: {  	s0 =	simm.s32 $0x400;
	v8 =	vld [tilespmem:s8+$0x3DB0];
	v11 =	vadd.f32 v63, v11;
	v12 =	vadd.f32 v13, v12;
	v13 =	vshll.u32 v5, $0x10  }
.LBB2_19:
0x1b3: {  	p1 =	sne.s32 s0, $0x3A00;
	v9 =	vadd.f32 v2, v9;
	v10 =	vadd.f32 v3, v10;
	v2 =	vand.u32 $0xFFFF0000, v5  }
0x1b4: {  	v14 =	vld [tilespmem:s8+$0x3DD0];
	v11 =	vadd.f32 v13, v11;
	v12 =	vadd.f32 v2, v12  }
0x1b5: {  	v3 =	vand.u32 $0xFFFF0000, v1;
	v13 =	vshll.u32 v4, $0x10;
	v2 =	vshll.u32 v1, $0x10  }
0x1b6: {  	v16 =	vand.u32 $0xFFFF0000, v4;
	v15 =	vshll.u32 v6, $0x10;
	v6 =	vand.u32 $0xFFFF0000, v6;
	v17 =	vld [tilespmem:s8+$0x3DF0]  }
0x1b7: {  	v1 =	vshll.u32 v7, $0x10;
	v4 =	vand.u32 $0xFFFF0000, v7;
	v7 =	vshll.u32 v8, $0x10  }
0x1b8: {  	v9 =	vadd.f32 v1, v9;
	v10 =	vadd.f32 v4, v10;
	v4 =	vand.u32 $0xFFFF0000, v8;
	v5 =	vld [tilespmem:s8+$0x3E10];
	s8 =	sshra.s32 s0, $0x2  }
.Ltmp8:
0x1b9: {  	v7 =	vadd.f32 v7, v11;
	v8 =	vadd.f32 v4, v12;
	v1 =	vld [tilespmem:s8+$0x3E00];
	v11 =	vshll.u32 v14, $0x10;
	(pc) =	sbr.rel @p1 .LBB2_19-.Ltmp8, $4  }
0x1ba: {  	v9 =	vadd.f32 v15, v9;
	v10 =	vadd.f32 v6, v10;
	v12 =	vand.u32 $0xFFFF0000, v14;
	v4 =	vld [tilespmem:s8+$0x3DE0]  }
0x1bb: {  	v11 =	vadd.f32 v11, v7;
	v12 =	vadd.f32 v12, v8;
	v6 =	vld [tilespmem:s8+$0x3DC0];
	v14 =	vshll.u32 v17, $0x10  }
0x1bc: {  	v9 =	vadd.f32 v13, v9;
	v10 =	vadd.f32 v16, v10;
	v13 =	vand.u32 $0xFFFF0000, v17;
	v7 =	vld [tilespmem:s8+$0x3DA0]  }
0x1bd: {  	s0 =	sadd.s32 $0x200, s0;
	v11 =	vadd.f32 v14, v11;
	v12 =	vadd.f32 v13, v12;
	v8 =	vld [tilespmem:s8+$0x3DB0];
	v13 =	vshll.u32 v5, $0x10  }
0x1be: {  	v2 =	vadd.f32 v2, v9;
	v3 =	vadd.f32 v3, v10  }
0x1bf: {  	v5 =	vand.u32 $0xFFFF0000, v5;
	v47 =	vld [tilespmem:s8+$0x3DD0];
	v50 =	vshll.u32 v1, $0x10;
	v48 =	vadd.f32 v13, v11  }
0x1c0: {  	v5 =	vadd.f32 v5, v12;
	v49 =	vshll.u32 v4, $0x10;
	v53 =	vand.u32 $0xFFFF0000, v4  }
0x1c1: {  	v14 =	vld [tilespmem:s8+$0x3DF0];
	v51 =	vshll.u32 v6, $0x10;
	v52 =	vand.u32 $0xFFFF0000, v6;
	v15 =	vshll.u32 v7, $0x10  }
0x1c2: {  	v54 =	vand.u32 $0xFFFF0000, v7;
	v16 =	vshll.u32 v8, $0x10;
	v2 =	vadd.f32 v15, v2  }
0x1c3: {  	v3 =	vadd.f32 v54, v3;
	v55 =	vand.u32 $0xFFFF0000, v8;
	v56 =	vadd.f32 v16, v48  }
0x1c4: {  	v57 =	vld [tilespmem:s8+$0x3E10];
	v5 =	vadd.f32 v55, v5;
	v58 =	vshll.u32 v47, $0x10;
	v2 =	vadd.f32 v51, v2  }
0x1c5: {  	v59 =	vand.u32 $0xFFFF0000, v47;
	v3 =	vadd.f32 v52, v3;
	v7 =	vadd.f32 v58, v56  }
0x1c6: {  	v60 =	vshll.u32 v14, $0x10;
	v5 =	vadd.f32 v59, v5;
	v2 =	vadd.f32 v49, v2  }
0x1c7: {  	v61 =	vand.u32 $0xFFFF0000, v14;
	v3 =	vadd.f32 v53, v3;
	v6 =	vadd.f32 v60, v7  }
0x1c8: {  	v1 =	vand.u32 $0xFFFF0000, v1;
	v4 =	vadd.f32 v61, v5;
	v2 =	vadd.f32 v50, v2  }
0x1c9: {  	s2 =	sadd.s32 $0x1, s2;
	v62 =	vshll.u32 v57, $0x10;
	v1 =	vadd.f32 v1, v3;
	v3 =	vand.u32 $0xFFFF0000, v57  }
0x1ca: {  	p1 =	sne.s32 s2, $0x8;
	v5 =	vadd.f32 v62, v6;
	v3 =	vadd.f32 v3, v4;
	v2 =	vadd.s32 $0x8000, v2  }
.Ltmp9:
0x1cb: {  	v1 =	vadd.s32 $0x8000, v1;
	v2 =	vshrl.u32 v2, $0x10;
	(pc) =	sbr.rel @p1 .LBB2_2-.Ltmp9, $4  }
0x1cc: {  	v1 =	vand.u32 $0xFFFF0000, v1;
	v63 =	vadd.s32 $0x8000, v5;
	v3 =	vadd.s32 $0x8000, v3  }
0x1cd: {  	v1 =	vor.u32 v2, v1;
	v2 =	vshrl.u32 v63, $0x10;
	v3 =	vand.u32 $0xFFFF0000, v3  }
0x1ce: {  	[tilespmem:s6+$0x5080] =	vst v1;
	v1 =	vor.u32 v2, v3  }
0x1cf: {  	[tilespmem:s6+$0x5090] =	vst v1  }
0x1d0: {  	[bflag:$0x0] =	sbarrier.arrive $0xFFFF  }
0x1d1: {  	s0 =	rddreg [dreg:$0x5]  }
0x1d2: {  	s2 =	rddreg [dreg:$0x8]  }
0x1d3: {  	s6 =	rddreg [dreg:$0x9]  }
0x1d4: {  	[spmem:s6], [sflag:s2] =	dma.local [hbm:s0], $0x30D4  }
0x1d5: {  	_ =	swait.ge [sflag:s12], $0x30D4  }
0x1d6: {  	[sflag:s12] =	ssyncset.done $0x0  }
0x1d7: {  	[sflag:s12] =	ssyncadd.s32 $0xFFFFCF2C  }
0x1d8: {  	s2 =	simm.s32 $0x0;
	s6 =	simm.s32 $0x0;
	[bflag:$0x0] =	sbarrier.arrive $0xFFFF  }
.LBB2_22:
0x1d9: {  	s7 =	sshll.u32 s6, $0x5  }
0x1da: {  	s0 =	sadd.s32 s5, s7  }
0x1db: {  	s0 =	smul.u32 $0x1A, s0;
	_ =	sdelay $0x1  }
0x1dc: {  	s0 =	sadd.s32 s3, s0  }
0x1dd: {  	[tilespmem:s2], [sflag:$0x5] =	stream.linear.gather [hbm4b:s0+s2], $0x1A00, $0x38;
	[tilespmem:$0x1F368] =	vst v63  }
0x1de: {  	_ =	swait.ge [sflag:s12], $0x1A00  }
0x1df: {  	[sflag:s12] =	ssyncset.done $0x0  }
0x1e0: {  	[sflag:s12] =	ssyncadd.s32 $0xFFFFE600  }
0x1e1: {  	v1 =	vld [tilespmem:$0x0]  }
0x1e2: {  	v2 =	vld [tilespmem:$0x10]  }
0x1e3: {  	v3 =	vld [tilespmem:$0x20];
	_ =	sdelay $0x2  }
0x1e4: {  	v4 =	vld [tilespmem:$0x30]  }
0x1e5: {  	v6 =	vld [tilespmem:$0x40];
	v5 =	vadd.s32 $0xFFFF3CB0, v1  }
0x1e6: {  	v1 =	vadd.s32 $0xFFFF3CB1, v1;
	v57 =	vadd.s32 $0xFFFF3CB0, v2;
	v58 =	vadd.s32 $0xFFFF3CB0, v3  }
0x1e7: {  	v2 =	vadd.s32 $0xFFFF3CB1, v2;
	v3 =	vadd.s32 $0xFFFF3CB1, v3;
	vm0 =	vlt.u32 v5, $0xC350  }
0x1e8: {  	vm8 =	vlt.u32 v57, $0xC350;
	vm1 =	vlt.u32 v58, $0xC350;
	v1 =	vnsel vm0, $0x0, v1  }
0x1e9: {  	[tilespmem:$0x1A00] =	vst v1;
	v1 =	vnsel vm8, $0x0, v2;
	v2 =	vnsel vm1, $0x0, v3;
	v3 =	vadd.s32 $0xFFFF3CB0, v4  }
0x1ea: {  	[tilespmem:$0x1A10] =	vst v1;
	vm9 =	vlt.u32 v3, $0xC350;
	v1 =	vadd.s32 $0xFFFF3CB1, v4;
	v3 =	vadd.s32 $0xFFFF3CB0, v6  }
0x1eb: {  	[tilespmem:$0x1A20] =	vst v2;
	v2 =	vadd.s32 $0xFFFF3CB1, v6;
	v1 =	vnsel vm9, $0x0, v1;
	vm10 =	vlt.u32 v3, $0xC350  }
0x1ec: {  	[tilespmem:$0x1A30] =	vst v1;
	v1 =	vnsel vm10, $0x0, v2  }
0x1ed: {  	[tilespmem:$0x1A40] =	vst v1  }
0x1ee: {  	[tilespmem:s15], [sflag:$0x1] =	stream.indirect.gather [spmem:s1], $0x20, s14, s13, $0xb8;
	[tilespmem:$0x1F368] =	vst v63  }
0x1ef: {  	_ = 	snop  }
0x1f0: {  	[tilespmem:s17], [sflag:$0x1] =	stream.indirect.gather [spmem:s1], $0x20, s16, s13, $0xb8;
	[tilespmem:$0x1F368] =	vst v63  }
0x1f1: {  	v1 =	vld [tilespmem:$0xD0]  }
0x1f2: {  	v2 =	vld [tilespmem:$0xE0]  }
0x1f3: {  	v3 =	vld [tilespmem:$0xF0];
	_ =	sdelay $0x2  }
0x1f4: {  	v59 =	vld [tilespmem:$0x100]  }
0x1f5: {  	v61 =	vld [tilespmem:$0x110];
	v60 =	vadd.s32 $0xFFFF3CB0, v1  }
0x1f6: {  	v1 =	vadd.s32 $0xFFFF3CB1, v1;
	v62 =	vadd.s32 $0xFFFF3CB0, v2;
	v63 =	vadd.s32 $0xFFFF3CB0, v3  }
0x1f7: {  	v2 =	vadd.s32 $0xFFFF3CB1, v2;
	v3 =	vadd.s32 $0xFFFF3CB1, v3;
	vm11 =	vlt.u32 v60, $0xC350  }
0x1f8: {  	vm12 =	vlt.u32 v62, $0xC350;
	vm13 =	vlt.u32 v63, $0xC350;
	v1 =	vnsel vm11, $0x0, v1  }
0x1f9: {  	v2 =	vnsel vm12, $0x0, v2;
	[tilespmem:$0x1A50] =	vst v1;
	v1 =	vnsel vm13, $0x0, v3;
	v3 =	vadd.s32 $0xFFFF3CB0, v59  }
0x1fa: {  	[tilespmem:$0x1A60] =	vst v2;
	v2 =	vadd.s32 $0xFFFF3CB1, v59;
	vm14 =	vlt.u32 v3, $0xC350;
	v3 =	vadd.s32 $0xFFFF3CB0, v61  }
0x1fb: {  	[tilespmem:$0x1A70] =	vst v1;
	v1 =	vnsel vm14, $0x0, v2;
	vm15 =	vlt.u32 v3, $0xC350;
	v2 =	vadd.s32 $0xFFFF3CB1, v61  }
0x1fc: {  	[tilespmem:$0x1A80] =	vst v1;
	v1 =	vnsel vm15, $0x0, v2  }
0x1fd: {  	[tilespmem:$0x1A90] =	vst v1  }
0x1fe: {  	[tilespmem:s22], [sflag:$0x2] =	stream.indirect.gather [spmem:s1], $0x20, s21, s13, $0xb8;
	[tilespmem:$0x1F368] =	vst v63  }
0x1ff: {  	s8 =	simm.s32 $0x0  }
0x200: {  	[tilespmem:s24], [sflag:$0x2] =	stream.indirect.gather [spmem:s1], $0x20, s23, s13, $0xb8;
	[tilespmem:$0x1F368] =	vst v63  }
.LBB2_23:
0x201: {  	_ =	swait.ge [sflag:s28], $0xA00  }
0x202: {  	[sflag:s28] =	ssyncset.done $0x0  }
0x203: {  	s0 =	simm.s32 $0x0;
	[sflag:s28] =	ssyncadd.s32 $0xFFFFF600  }
0x204: {  	v1 =	vld [tilespmem:s0+$0x1B00]  }
0x205: {  	v4 =	vld [tilespmem:s0+$0x1AE0]  }
0x206: {  	v5 =	vld [tilespmem:s0+$0x1AC0]  }
0x207: {  	v6 =	vld [tilespmem:s0+$0x1AA0]  }
0x208: {  	v7 =	vld [tilespmem:s0+$0x1AB0];
	_ =	sdelay $0x1  }
0x209: {  	v8 =	vimm.f32 $0.0e+00;
	v9 =	vld [tilespmem:s0+$0x1AD0]  }
0x20a: {  	v10 =	vshll.u32 v4, $0x10;
	v2 =	vshll.u32 v1, $0x10;
	v3 =	vand.u32 $0xFFFF0000, v1  }
0x20b: {  	v14 =	vld [tilespmem:s0+$0x1AF0];
	v11 =	vshll.u32 v5, $0x10;
	v12 =	vand.u32 $0xFFFF0000, v5;
	v13 =	vand.u32 $0xFFFF0000, v4  }
0x20c: {  	v1 =	vshll.u32 v6, $0x10;
	v4 =	vand.u32 $0xFFFF0000, v6;
	v6 =	vshll.u32 v7, $0x10  }
0x20d: {  	s9 =	simm.s32 $0x80;
	v5 =	vld [tilespmem:s0+$0x1B10];
	v15 =	vadd.f32 v1, v8;
	v16 =	vadd.f32 v4, v8;
	v4 =	vand.u32 $0xFFFF0000, v7  }
0x20e: {  	v17 =	vshll.u32 v9, $0x10;
	v1 =	vld [tilespmem:s9+$0x1B00];
	v6 =	vadd.f32 v6, v8;
	v7 =	vadd.f32 v4, v8  }
0x20f: {  	v9 =	vand.u32 $0xFFFF0000, v9;
	v4 =	vld [tilespmem:s9+$0x1AE0];
	v11 =	vadd.f32 v11, v15;
	v12 =	vadd.f32 v12, v16  }
0x210: {  	v63 =	vshll.u32 v14, $0x10;
	v8 =	vld [tilespmem:s9+$0x1AC0];
	v15 =	vadd.f32 v17, v6;
	v62 =	vadd.f32 v9, v7  }
0x211: {  	v6 =	vld [tilespmem:s9+$0x1AB0];
	v9 =	vadd.f32 v10, v11;
	v10 =	vadd.f32 v13, v12;
	v12 =	vand.u32 $0xFFFF0000, v14  }
0x212: {  	s0 =	simm.s32 $0x400;
	v7 =	vld [tilespmem:s9+$0x1AA0];
	v11 =	vadd.f32 v63, v15;
	v13 =	vshll.u32 v5, $0x10;
	v12 =	vadd.f32 v12, v62  }
.LBB2_24:
0x213: {  	p1 =	sne.s32 s0, $0x2600;
	v9 =	vadd.f32 v2, v9;
	v10 =	vadd.f32 v3, v10;
	v2 =	vand.u32 $0xFFFF0000, v5  }
0x214: {  	v14 =	vld [tilespmem:s9+$0x1AD0];
	v11 =	vadd.f32 v13, v11;
	v12 =	vadd.f32 v2, v12  }
0x215: {  	v3 =	vand.u32 $0xFFFF0000, v1;
	v13 =	vshll.u32 v4, $0x10;
	v2 =	vshll.u32 v1, $0x10  }
0x216: {  	v16 =	vand.u32 $0xFFFF0000, v4;
	v15 =	vshll.u32 v8, $0x10;
	v8 =	vand.u32 $0xFFFF0000, v8;
	v17 =	vld [tilespmem:s9+$0x1AF0]  }
0x217: {  	v1 =	vshll.u32 v7, $0x10;
	v4 =	vand.u32 $0xFFFF0000, v7;
	v7 =	vshll.u32 v6, $0x10  }
0x218: {  	v9 =	vadd.f32 v1, v9;
	v10 =	vadd.f32 v4, v10;
	v4 =	vand.u32 $0xFFFF0000, v6;
	v5 =	vld [tilespmem:s9+$0x1B10];
	s9 =	sshra.s32 s0, $0x2  }
.Ltmp10:
0x219: {  	v6 =	vadd.f32 v7, v11;
	v7 =	vadd.f32 v4, v12;
	v1 =	vld [tilespmem:s9+$0x1B00];
	v11 =	vshll.u32 v14, $0x10;
	(pc) =	sbr.rel @p1 .LBB2_24-.Ltmp10, $4  }
0x21a: {  	v9 =	vadd.f32 v15, v9;
	v10 =	vadd.f32 v8, v10;
	v12 =	vand.u32 $0xFFFF0000, v14;
	v4 =	vld [tilespmem:s9+$0x1AE0]  }
0x21b: {  	v11 =	vadd.f32 v11, v6;
	v12 =	vadd.f32 v12, v7;
	v8 =	vld [tilespmem:s9+$0x1AC0];
	v14 =	vshll.u32 v17, $0x10  }
0x21c: {  	v9 =	vadd.f32 v13, v9;
	v10 =	vadd.f32 v16, v10;
	v13 =	vand.u32 $0xFFFF0000, v17;
	v7 =	vld [tilespmem:s9+$0x1AA0]  }
0x21d: {  	s0 =	sadd.s32 $0x200, s0;
	v11 =	vadd.f32 v14, v11;
	v12 =	vadd.f32 v13, v12;
	v6 =	vld [tilespmem:s9+$0x1AB0];
	v13 =	vshll.u32 v5, $0x10  }
0x21e: {  	v2 =	vadd.f32 v2, v9  }
0x21f: {  	v3 =	vadd.f32 v3, v10;
	v5 =	vand.u32 $0xFFFF0000, v5;
	v9 =	vld [tilespmem:s9+$0x1AD0];
	v10 =	vadd.f32 v13, v11  }
0x220: {  	v5 =	vadd.f32 v5, v12;
	v11 =	vshll.u32 v4, $0x10;
	v12 =	vshll.u32 v1, $0x10  }
0x221: {  	v14 =	vld [tilespmem:s9+$0x1AF0];
	s10 =	sshll.u32 s8, $0x1;
	v4 =	vand.u32 $0xFFFF0000, v4;
	v13 =	vshll.u32 v8, $0x10;
	v8 =	vand.u32 $0xFFFF0000, v8  }
0x222: {  	s0 =	sadd.s32 s7, s10;
	v15 =	vshll.u32 v7, $0x10;
	v7 =	vand.u32 $0xFFFF0000, v7;
	v16 =	vshll.u32 v6, $0x10  }
0x223: {  	s0 =	sshll.u32 s0, $0x5;
	v2 =	vadd.f32 v15, v2;
	v3 =	vadd.f32 v7, v3;
	v6 =	vand.u32 $0xFFFF0000, v6  }
0x224: {  	s0 =	sand.u32 $0x3FFFFFE0, s0;
	v7 =	vld [tilespmem:s9+$0x1B10];
	v10 =	vadd.f32 v16, v10;
	v5 =	vadd.f32 v6, v5;
	v6 =	vshll.u32 v9, $0x10  }
0x225: {  	v2 =	vadd.f32 v13, v2;
	v3 =	vadd.f32 v8, v3;
	v8 =	vand.u32 $0xFFFF0000, v9;
	v9 =	vld [tilespmem:s0+$0x4CA0]  }
0x226: {  	v6 =	vadd.f32 v6, v10;
	v5 =	vadd.f32 v8, v5;
	v8 =	vshll.u32 v14, $0x10  }
0x227: {  	v10 =	vld [tilespmem:s0+$0x4CB0];
	v2 =	vadd.f32 v11, v2;
	v3 =	vadd.f32 v4, v3;
	v4 =	vand.u32 $0xFFFF0000, v14  }
0x228: {  	v1 =	vand.u32 $0xFFFF0000, v1;
	v6 =	vadd.f32 v8, v6;
	v4 =	vadd.f32 v4, v5  }
0x229: {  	v5 =	vshll.u32 v7, $0x10;
	v2 =	vadd.f32 v12, v2;
	v1 =	vadd.f32 v1, v3  }
0x22a: {  	v3 =	vand.u32 $0xFFFF0000, v7;
	v5 =	vadd.f32 v5, v6;
	v6 =	vshll.u32 v9, $0x10  }
0x22b: {  	v3 =	vadd.f32 v3, v4;
	v4 =	vand.u32 $0xFFFF0000, v9;
	v2 =	vadd.f32 v6, v2  }
0x22c: {  	v1 =	vadd.f32 v4, v1;
	v4 =	vshll.u32 v10, $0x10;
	v6 =	vand.u32 $0xFFFF0000, v10  }
0x22d: {  	v4 =	vadd.f32 v4, v5;
	v3 =	vadd.f32 v6, v3;
	v2 =	vmul.f32 $4.999999890e-03, v2  }
0x22e: {  	v1 =	vmul.f32 $4.999999890e-03, v1  }
0x22f: {  	v4 =	vmul.f32 $4.999999890e-03, v4;
	v3 =	vmul.f32 $4.999999890e-03, v3;
	v2 =	vadd.s32 $0x8000, v2  }
0x230: {  	v1 =	vadd.s32 $0x8000, v1;
	v2 =	vshrl.u32 v2, $0x10  }
0x231: {  	v1 =	vand.u32 $0xFFFF0000, v1;
	v4 =	vadd.s32 $0x8000, v4;
	v3 =	vadd.s32 $0x8000, v3  }
0x232: {  	s11 =	smul.u32 $0x680, s8;
	v1 =	vor.u32 v1, v2;
	v2 =	vshrl.u32 v4, $0x10;
	v3 =	vand.u32 $0xFFFF0000, v3  }
0x233: {  	[tilespmem:s0+$0x4CA0] =	vst v1;
	v1 =	vor.u32 v3, v2  }
0x234: {  	s9 =	sshra.s32 s11, $0x2;
	[tilespmem:s0+$0x4CB0] =	vst v1  }
0x235: {  	v1 =	vld [tilespmem:s9+$0x1A0];
	_ =	sdelay $0x4  }
0x236: {  	v2 =	vadd.s32 $0xFFFF3CB0, v1  }
0x237: {  	v1 =	vadd.s32 $0xFFFF3CB1, v1;
	vm0 =	vlt.u32 v2, $0xC350  }
0x238: {  	v1 =	vnsel vm0, $0x0, v1  }
0x239: {  	[tilespmem:$0x1A00] =	vst v1  }
0x23a: {  	v1 =	vld [tilespmem:s9+$0x1B0];
	_ =	sdelay $0x4  }
0x23b: {  	v2 =	vadd.s32 $0xFFFF3CB0, v1  }
0x23c: {  	v1 =	vadd.s32 $0xFFFF3CB1, v1;
	vm12 =	vlt.u32 v2, $0xC350  }
0x23d: {  	v1 =	vnsel vm12, $0x0, v1  }
0x23e: {  	[tilespmem:$0x1A10] =	vst v1  }
0x23f: {  	v1 =	vld [tilespmem:s9+$0x1C0];
	_ =	sdelay $0x4  }
0x240: {  	v2 =	vadd.s32 $0xFFFF3CB0, v1  }
0x241: {  	v1 =	vadd.s32 $0xFFFF3CB1, v1;
	vm13 =	vlt.u32 v2, $0xC350  }
0x242: {  	v1 =	vnsel vm13, $0x0, v1  }
0x243: {  	[tilespmem:$0x1A20] =	vst v1  }
0x244: {  	v1 =	vld [tilespmem:s9+$0x1D0];
	_ =	sdelay $0x4  }
0x245: {  	v2 =	vadd.s32 $0xFFFF3CB0, v1  }
0x246: {  	v1 =	vadd.s32 $0xFFFF3CB1, v1;
	vm14 =	vlt.u32 v2, $0xC350  }
0x247: {  	v1 =	vnsel vm14, $0x0, v1  }
0x248: {  	[tilespmem:$0x1A30] =	vst v1  }
0x249: {  	v1 =	vld [tilespmem:s9+$0x1E0];
	_ =	sdelay $0x4  }
0x24a: {  	v2 =	vadd.s32 $0xFFFF3CB0, v1  }
0x24b: {  	v1 =	vadd.s32 $0xFFFF3CB1, v1;
	vm15 =	vlt.u32 v2, $0xC350  }
0x24c: {  	v1 =	vnsel vm15, $0x0, v1  }
0x24d: {  	[tilespmem:$0x1A40] =	vst v1  }
0x24e: {  	[tilespmem:s15], [sflag:$0x1] =	stream.indirect.gather [spmem:s1], $0x20, s14, s13, $0xb8;
	[tilespmem:$0x1F368] =	vst v63  }
0x24f: {  	_ = 	snop  }
0x250: {  	[tilespmem:s17], [sflag:$0x1] =	stream.indirect.gather [spmem:s1], $0x20, s16, s13, $0xb8;
	[tilespmem:$0x1F368] =	vst v63  }
0x251: {  	_ =	swait.ge [sflag:s30], $0xA00  }
0x252: {  	[sflag:s30] =	ssyncset.done $0x0  }
0x253: {  	s0 =	simm.s32 $0x0;
	[sflag:s30] =	ssyncadd.s32 $0xFFFFF600  }
0x254: {  	v1 =	vld [tilespmem:s0+$0x2500]  }
0x255: {  	v4 =	vld [tilespmem:s0+$0x24E0]  }
0x256: {  	v5 =	vld [tilespmem:s0+$0x24C0]  }
0x257: {  	v6 =	vld [tilespmem:s0+$0x24A0]  }
0x258: {  	v7 =	vld [tilespmem:s0+$0x24B0];
	_ =	sdelay $0x1  }
0x259: {  	v8 =	vimm.f32 $0.0e+00;
	v9 =	vld [tilespmem:s0+$0x24D0]  }
0x25a: {  	v10 =	vshll.u32 v4, $0x10;
	v2 =	vshll.u32 v1, $0x10;
	v3 =	vand.u32 $0xFFFF0000, v1  }
0x25b: {  	v14 =	vld [tilespmem:s0+$0x24F0];
	v11 =	vshll.u32 v5, $0x10;
	v12 =	vand.u32 $0xFFFF0000, v5;
	v13 =	vand.u32 $0xFFFF0000, v4  }
0x25c: {  	v1 =	vshll.u32 v6, $0x10;
	v4 =	vand.u32 $0xFFFF0000, v6;
	v6 =	vshll.u32 v7, $0x10  }
0x25d: {  	s11 =	simm.s32 $0x80;
	v5 =	vld [tilespmem:s0+$0x2510];
	v15 =	vadd.f32 v1, v8;
	v61 =	vadd.f32 v4, v8;
	v4 =	vand.u32 $0xFFFF0000, v7  }
0x25e: {  	v17 =	vshll.u32 v9, $0x10;
	v1 =	vld [tilespmem:s11+$0x2500];
	v6 =	vadd.f32 v6, v8;
	v7 =	vadd.f32 v4, v8  }
0x25f: {  	v9 =	vand.u32 $0xFFFF0000, v9;
	v4 =	vld [tilespmem:s11+$0x24E0];
	v11 =	vadd.f32 v11, v15;
	v12 =	vadd.f32 v12, v61  }
0x260: {  	v63 =	vshll.u32 v14, $0x10;
	v8 =	vld [tilespmem:s11+$0x24C0];
	v15 =	vadd.f32 v17, v6;
	v62 =	vadd.f32 v9, v7  }
0x261: {  	v6 =	vld [tilespmem:s11+$0x24B0];
	v9 =	vadd.f32 v10, v11;
	v10 =	vadd.f32 v13, v12;
	v12 =	vand.u32 $0xFFFF0000, v14  }
0x262: {  	s0 =	simm.s32 $0x400;
	v7 =	vld [tilespmem:s11+$0x24A0];
	v11 =	vadd.f32 v63, v15;
	v13 =	vshll.u32 v5, $0x10;
	v12 =	vadd.f32 v12, v62  }
.LBB2_26:
0x263: {  	p1 =	sne.s32 s0, $0x2600;
	v9 =	vadd.f32 v2, v9;
	v10 =	vadd.f32 v3, v10;
	v2 =	vand.u32 $0xFFFF0000, v5  }
0x264: {  	v14 =	vld [tilespmem:s11+$0x24D0];
	v11 =	vadd.f32 v13, v11;
	v12 =	vadd.f32 v2, v12  }
0x265: {  	v3 =	vand.u32 $0xFFFF0000, v1;
	v13 =	vshll.u32 v4, $0x10;
	v2 =	vshll.u32 v1, $0x10  }
0x266: {  	v16 =	vand.u32 $0xFFFF0000, v4;
	v15 =	vshll.u32 v8, $0x10;
	v8 =	vand.u32 $0xFFFF0000, v8;
	v17 =	vld [tilespmem:s11+$0x24F0]  }
0x267: {  	v1 =	vshll.u32 v7, $0x10;
	v4 =	vand.u32 $0xFFFF0000, v7;
	v7 =	vshll.u32 v6, $0x10  }
0x268: {  	v9 =	vadd.f32 v1, v9;
	v10 =	vadd.f32 v4, v10;
	v4 =	vand.u32 $0xFFFF0000, v6;
	v5 =	vld [tilespmem:s11+$0x2510];
	s11 =	sshra.s32 s0, $0x2  }
.Ltmp11:
0x269: {  	v6 =	vadd.f32 v7, v11;
	v7 =	vadd.f32 v4, v12;
	v1 =	vld [tilespmem:s11+$0x2500];
	v11 =	vshll.u32 v14, $0x10;
	(pc) =	sbr.rel @p1 .LBB2_26-.Ltmp11, $4  }
0x26a: {  	v9 =	vadd.f32 v15, v9;
	v10 =	vadd.f32 v8, v10;
	v12 =	vand.u32 $0xFFFF0000, v14;
	v4 =	vld [tilespmem:s11+$0x24E0]  }
0x26b: {  	v11 =	vadd.f32 v11, v6;
	v12 =	vadd.f32 v12, v7;
	v8 =	vld [tilespmem:s11+$0x24C0];
	v14 =	vshll.u32 v17, $0x10  }
0x26c: {  	v9 =	vadd.f32 v13, v9;
	v10 =	vadd.f32 v16, v10;
	v13 =	vand.u32 $0xFFFF0000, v17;
	v7 =	vld [tilespmem:s11+$0x24A0]  }
0x26d: {  	s0 =	sadd.s32 $0x200, s0;
	v11 =	vadd.f32 v14, v11;
	v12 =	vadd.f32 v13, v12;
	v6 =	vld [tilespmem:s11+$0x24B0];
	v13 =	vshll.u32 v5, $0x10  }
0x26e: {  	v2 =	vadd.f32 v2, v9  }
0x26f: {  	v3 =	vadd.f32 v3, v10;
	v5 =	vand.u32 $0xFFFF0000, v5;
	v46 =	vshll.u32 v1, $0x10  }
0x270: {  	v43 =	vld [tilespmem:s11+$0x24D0];
	s0 =	sadd.s32 s10, s7;
	v1 =	vand.u32 $0xFFFF0000, v1;
	v44 =	vadd.f32 v13, v11;
	v5 =	vadd.f32 v5, v12  }
0x271: {  	v14 =	vld [tilespmem:s11+$0x24F0];
	v45 =	vshll.u32 v4, $0x10;
	v49 =	vand.u32 $0xFFFF0000, v4;
	s0 =	sshll.u32 s0, $0x5;
	v47 =	vshll.u32 v8, $0x10  }
0x272: {  	s0 =	sadd.s32 $0x20, s0;
	v15 =	vshll.u32 v7, $0x10;
	v50 =	vand.u32 $0xFFFF0000, v7;
	v16 =	vshll.u32 v6, $0x10  }
0x273: {  	v52 =	vld [tilespmem:s11+$0x2510];
	s0 =	sand.u32 $0x3FFFFFE0, s0;
	v2 =	vadd.f32 v15, v2;
	v3 =	vadd.f32 v50, v3;
	v51 =	vand.u32 $0xFFFF0000, v6  }
0x274: {  	v48 =	vand.u32 $0xFFFF0000, v8;
	v55 =	vld [tilespmem:s0+$0x4CA0];
	v10 =	vadd.f32 v16, v44;
	v5 =	vadd.f32 v51, v5  }
0x275: {  	v53 =	vshll.u32 v43, $0x10;
	v54 =	vand.u32 $0xFFFF0000, v43;
	v2 =	vadd.f32 v47, v2  }
0x276: {  	v56 =	vshll.u32 v14, $0x10;
	v3 =	vadd.f32 v48, v3;
	v6 =	vadd.f32 v53, v10  }
0x277: {  	v58 =	vld [tilespmem:s0+$0x4CB0];
	v57 =	vand.u32 $0xFFFF0000, v14;
	v5 =	vadd.f32 v54, v5;
	v2 =	vadd.f32 v45, v2  }
0x278: {  	v59 =	vshll.u32 v52, $0x10;
	v3 =	vadd.f32 v49, v3;
	v6 =	vadd.f32 v56, v6  }
0x279: {  	v4 =	vadd.f32 v57, v5;
	v60 =	vshll.u32 v55, $0x10;
	v2 =	vadd.f32 v46, v2  }
0x27a: {  	v1 =	vadd.f32 v1, v3;
	v3 =	vand.u32 $0xFFFF0000, v52;
	v5 =	vadd.f32 v59, v6  }
0x27b: {  	v61 =	vand.u32 $0xFFFF0000, v55;
	v3 =	vadd.f32 v3, v4;
	v2 =	vadd.f32 v60, v2  }
0x27c: {  	v62 =	vshll.u32 v58, $0x10;
	v63 =	vand.u32 $0xFFFF0000, v58;
	v1 =	vadd.f32 v61, v1  }
0x27d: {  	v4 =	vadd.f32 v62, v5;
	v3 =	vadd.f32 v63, v3;
	v2 =	vmul.f32 $4.999999890e-03, v2  }
0x27e: {  	v1 =	vmul.f32 $4.999999890e-03, v1  }
0x27f: {  	v4 =	vmul.f32 $4.999999890e-03, v4;
	v3 =	vmul.f32 $4.999999890e-03, v3;
	v2 =	vadd.s32 $0x8000, v2  }
0x280: {  	v1 =	vadd.s32 $0x8000, v1;
	v2 =	vshrl.u32 v2, $0x10  }
0x281: {  	v1 =	vand.u32 $0xFFFF0000, v1;
	v4 =	vadd.s32 $0x8000, v4;
	v3 =	vadd.s32 $0x8000, v3  }
0x282: {  	v1 =	vor.u32 v1, v2;
	v2 =	vshrl.u32 v4, $0x10;
	v3 =	vand.u32 $0xFFFF0000, v3  }
0x283: {  	[tilespmem:s0+$0x4CA0] =	vst v1;
	v1 =	vor.u32 v3, v2  }
0x284: {  	[tilespmem:s0+$0x4CB0] =	vst v1  }
0x285: {  	v1 =	vld [tilespmem:s9+$0x270];
	_ =	sdelay $0x4  }
0x286: {  	v2 =	vadd.s32 $0xFFFF3CB0, v1  }
0x287: {  	v1 =	vadd.s32 $0xFFFF3CB1, v1;
	vm0 =	vlt.u32 v2, $0xC350  }
0x288: {  	v1 =	vnsel vm0, $0x0, v1  }
0x289: {  	[tilespmem:$0x1A50] =	vst v1  }
0x28a: {  	v1 =	vld [tilespmem:s9+$0x280];
	_ =	sdelay $0x4  }
0x28b: {  	v2 =	vadd.s32 $0xFFFF3CB0, v1  }
0x28c: {  	v1 =	vadd.s32 $0xFFFF3CB1, v1;
	vm12 =	vlt.u32 v2, $0xC350  }
0x28d: {  	v1 =	vnsel vm12, $0x0, v1  }
0x28e: {  	[tilespmem:$0x1A60] =	vst v1  }
0x28f: {  	v1 =	vld [tilespmem:s9+$0x290];
	_ =	sdelay $0x4  }
0x290: {  	v2 =	vadd.s32 $0xFFFF3CB0, v1  }
0x291: {  	v1 =	vadd.s32 $0xFFFF3CB1, v1;
	vm13 =	vlt.u32 v2, $0xC350  }
0x292: {  	v1 =	vnsel vm13, $0x0, v1  }
0x293: {  	[tilespmem:$0x1A70] =	vst v1  }
0x294: {  	v1 =	vld [tilespmem:s9+$0x2A0];
	_ =	sdelay $0x4  }
0x295: {  	v2 =	vadd.s32 $0xFFFF3CB0, v1  }
0x296: {  	v1 =	vadd.s32 $0xFFFF3CB1, v1;
	vm14 =	vlt.u32 v2, $0xC350  }
0x297: {  	v1 =	vnsel vm14, $0x0, v1  }
0x298: {  	[tilespmem:$0x1A80] =	vst v1  }
0x299: {  	v1 =	vld [tilespmem:s9+$0x2B0];
	_ =	sdelay $0x4  }
0x29a: {  	s8 =	sadd.s32 $0x1, s8;
	v2 =	vadd.s32 $0xFFFF3CB0, v1  }
0x29b: {  	p1 =	sne.s32 s8, $0xF;
	v1 =	vadd.s32 $0xFFFF3CB1, v1;
	vm15 =	vlt.u32 v2, $0xC350  }
.Ltmp12:
0x29c: {  	v1 =	vnsel vm15, $0x0, v1;
	(pc) =	sbr.rel @p1 .LBB2_23-.Ltmp12, $4  }
0x29d: {  	[tilespmem:$0x1A90] =	vst v1  }
0x29e: {  	[tilespmem:s22], [sflag:$0x2] =	stream.indirect.gather [spmem:s1], $0x20, s21, s13, $0xb8;
	[tilespmem:$0x1F368] =	vst v63  }
0x29f: {  	_ = 	snop  }
0x2a0: {  	[tilespmem:s24], [sflag:$0x2] =	stream.indirect.gather [spmem:s1], $0x20, s23, s13, $0xb8;
	[tilespmem:$0x1F368] =	vst v63  }
0x2a1: {  	_ =	swait.ge [sflag:s28], $0xA00  }
0x2a2: {  	[sflag:s28] =	ssyncset.done $0x0  }
0x2a3: {  	s0 =	simm.s32 $0x0;
	[sflag:s28] =	ssyncadd.s32 $0xFFFFF600  }
0x2a4: {  	v1 =	vld [tilespmem:s0+$0x1B00]  }
0x2a5: {  	v4 =	vld [tilespmem:s0+$0x1AE0]  }
0x2a6: {  	v5 =	vld [tilespmem:s0+$0x1AC0]  }
0x2a7: {  	v6 =	vld [tilespmem:s0+$0x1AA0]  }
0x2a8: {  	v7 =	vld [tilespmem:s0+$0x1AB0];
	_ =	sdelay $0x1  }
0x2a9: {  	v8 =	vimm.f32 $0.0e+00;
	v9 =	vld [tilespmem:s0+$0x1AD0]  }
0x2aa: {  	v10 =	vshll.u32 v4, $0x10;
	v2 =	vshll.u32 v1, $0x10;
	v3 =	vand.u32 $0xFFFF0000, v1  }
0x2ab: {  	v14 =	vld [tilespmem:s0+$0x1AF0];
	v11 =	vshll.u32 v5, $0x10;
	v12 =	vand.u32 $0xFFFF0000, v5;
	v13 =	vand.u32 $0xFFFF0000, v4  }
0x2ac: {  	v1 =	vshll.u32 v6, $0x10;
	v4 =	vand.u32 $0xFFFF0000, v6;
	v6 =	vshll.u32 v7, $0x10  }
0x2ad: {  	s7 =	simm.s32 $0x80;
	v5 =	vld [tilespmem:s0+$0x1B10];
	v15 =	vadd.f32 v1, v8;
	v16 =	vadd.f32 v4, v8;
	v4 =	vand.u32 $0xFFFF0000, v7  }
0x2ae: {  	v17 =	vshll.u32 v9, $0x10;
	v1 =	vld [tilespmem:s7+$0x1B00];
	v7 =	vadd.f32 v6, v8;
	v8 =	vadd.f32 v4, v8  }
0x2af: {  	v9 =	vand.u32 $0xFFFF0000, v9;
	v6 =	vld [tilespmem:s7+$0x1AC0];
	v11 =	vadd.f32 v11, v15;
	v12 =	vadd.f32 v12, v16  }
0x2b0: {  	v63 =	vshll.u32 v14, $0x10;
	v4 =	vld [tilespmem:s7+$0x1AE0];
	v15 =	vadd.f32 v17, v7;
	v62 =	vadd.f32 v9, v8  }
0x2b1: {  	v7 =	vld [tilespmem:s7+$0x1AA0];
	v9 =	vadd.f32 v10, v11;
	v10 =	vadd.f32 v13, v12;
	v12 =	vand.u32 $0xFFFF0000, v14  }
0x2b2: {  	s0 =	simm.s32 $0x400;
	v8 =	vld [tilespmem:s7+$0x1AB0];
	v11 =	vadd.f32 v63, v15;
	v13 =	vshll.u32 v5, $0x10;
	v12 =	vadd.f32 v12, v62  }
.LBB2_29:
0x2b3: {  	p1 =	sne.s32 s0, $0x2600;
	v9 =	vadd.f32 v2, v9;
	v10 =	vadd.f32 v3, v10;
	v2 =	vand.u32 $0xFFFF0000, v5  }
0x2b4: {  	v14 =	vld [tilespmem:s7+$0x1AD0];
	v11 =	vadd.f32 v13, v11;
	v12 =	vadd.f32 v2, v12  }
0x2b5: {  	v3 =	vand.u32 $0xFFFF0000, v1;
	v13 =	vshll.u32 v4, $0x10;
	v2 =	vshll.u32 v1, $0x10  }
0x2b6: {  	v16 =	vand.u32 $0xFFFF0000, v4;
	v15 =	vshll.u32 v6, $0x10;
	v6 =	vand.u32 $0xFFFF0000, v6;
	v17 =	vld [tilespmem:s7+$0x1AF0]  }
0x2b7: {  	v1 =	vshll.u32 v7, $0x10;
	v4 =	vand.u32 $0xFFFF0000, v7;
	v7 =	vshll.u32 v8, $0x10  }
0x2b8: {  	v9 =	vadd.f32 v1, v9;
	v10 =	vadd.f32 v4, v10;
	v4 =	vand.u32 $0xFFFF0000, v8;
	v5 =	vld [tilespmem:s7+$0x1B10];
	s7 =	sshra.s32 s0, $0x2  }
.Ltmp13:
0x2b9: {  	v7 =	vadd.f32 v7, v11;
	v8 =	vadd.f32 v4, v12;
	v1 =	vld [tilespmem:s7+$0x1B00];
	v11 =	vshll.u32 v14, $0x10;
	(pc) =	sbr.rel @p1 .LBB2_29-.Ltmp13, $4  }
0x2ba: {  	v9 =	vadd.f32 v15, v9;
	v10 =	vadd.f32 v6, v10;
	v12 =	vand.u32 $0xFFFF0000, v14;
	v4 =	vld [tilespmem:s7+$0x1AE0]  }
0x2bb: {  	v11 =	vadd.f32 v11, v7;
	v12 =	vadd.f32 v12, v8;
	v6 =	vld [tilespmem:s7+$0x1AC0];
	v14 =	vshll.u32 v17, $0x10  }
0x2bc: {  	v9 =	vadd.f32 v13, v9;
	v10 =	vadd.f32 v16, v10;
	v13 =	vand.u32 $0xFFFF0000, v17;
	v7 =	vld [tilespmem:s7+$0x1AA0]  }
0x2bd: {  	s0 =	sadd.s32 $0x200, s0;
	v11 =	vadd.f32 v14, v11;
	v12 =	vadd.f32 v13, v12;
	v8 =	vld [tilespmem:s7+$0x1AB0];
	v13 =	vshll.u32 v5, $0x10  }
0x2be: {  	v2 =	vadd.f32 v2, v9  }
0x2bf: {  	v3 =	vadd.f32 v3, v10;
	v5 =	vand.u32 $0xFFFF0000, v5;
	v9 =	vld [tilespmem:s7+$0x1AD0];
	v10 =	vadd.f32 v13, v11  }
0x2c0: {  	v5 =	vadd.f32 v5, v12;
	v11 =	vshll.u32 v4, $0x10;
	v12 =	vshll.u32 v1, $0x10  }
0x2c1: {  	v14 =	vld [tilespmem:s7+$0x1AF0];
	v4 =	vand.u32 $0xFFFF0000, v4;
	v13 =	vshll.u32 v6, $0x10;
	v6 =	vand.u32 $0xFFFF0000, v6  }
0x2c2: {  	v15 =	vshll.u32 v7, $0x10;
	v7 =	vand.u32 $0xFFFF0000, v7;
	v16 =	vshll.u32 v8, $0x10  }
0x2c3: {  	s0 =	sshll.u32 s6, $0xA;
	v2 =	vadd.f32 v15, v2;
	v3 =	vadd.f32 v7, v3;
	v7 =	vand.u32 $0xFFFF0000, v8  }
0x2c4: {  	v8 =	vld [tilespmem:s7+$0x1B10];
	s7 =	sand.u32 $0x3FFFFC00, s0;
	v10 =	vadd.f32 v16, v10;
	v5 =	vadd.f32 v7, v5;
	v7 =	vshll.u32 v9, $0x10  }
0x2c5: {  	v2 =	vadd.f32 v13, v2;
	v3 =	vadd.f32 v6, v3;
	v6 =	vand.u32 $0xFFFF0000, v9;
	v9 =	vld [tilespmem:s7+$0x5060]  }
0x2c6: {  	v7 =	vadd.f32 v7, v10;
	v5 =	vadd.f32 v6, v5;
	v6 =	vshll.u32 v14, $0x10  }
0x2c7: {  	v10 =	vld [tilespmem:s7+$0x5070];
	v2 =	vadd.f32 v11, v2;
	v3 =	vadd.f32 v4, v3;
	v4 =	vand.u32 $0xFFFF0000, v14  }
0x2c8: {  	v1 =	vand.u32 $0xFFFF0000, v1;
	v6 =	vadd.f32 v6, v7;
	v4 =	vadd.f32 v4, v5  }
0x2c9: {  	v5 =	vshll.u32 v8, $0x10;
	v2 =	vadd.f32 v12, v2;
	v1 =	vadd.f32 v1, v3  }
0x2ca: {  	v3 =	vand.u32 $0xFFFF0000, v8;
	v5 =	vadd.f32 v5, v6;
	v6 =	vshll.u32 v9, $0x10  }
0x2cb: {  	v3 =	vadd.f32 v3, v4;
	v4 =	vand.u32 $0xFFFF0000, v9;
	v2 =	vadd.f32 v6, v2  }
0x2cc: {  	v1 =	vadd.f32 v4, v1;
	v4 =	vshll.u32 v10, $0x10;
	v6 =	vand.u32 $0xFFFF0000, v10  }
0x2cd: {  	v4 =	vadd.f32 v4, v5;
	v3 =	vadd.f32 v6, v3;
	v2 =	vmul.f32 $4.999999890e-03, v2  }
0x2ce: {  	v1 =	vmul.f32 $4.999999890e-03, v1  }
0x2cf: {  	v4 =	vmul.f32 $4.999999890e-03, v4;
	v3 =	vmul.f32 $4.999999890e-03, v3;
	v2 =	vadd.s32 $0x8000, v2  }
0x2d0: {  	v1 =	vadd.s32 $0x8000, v1;
	v2 =	vshrl.u32 v2, $0x10  }
0x2d1: {  	v1 =	vand.u32 $0xFFFF0000, v1;
	v4 =	vadd.s32 $0x8000, v4;
	v3 =	vadd.s32 $0x8000, v3  }
0x2d2: {  	v1 =	vor.u32 v1, v2;
	v2 =	vshrl.u32 v4, $0x10;
	v3 =	vand.u32 $0xFFFF0000, v3  }
0x2d3: {  	[tilespmem:s7+$0x5060] =	vst v1;
	v1 =	vor.u32 v3, v2  }
0x2d4: {  	[tilespmem:s7+$0x5070] =	vst v1  }
0x2d5: {  	_ =	swait.ge [sflag:s30], $0xA00  }
0x2d6: {  	[sflag:s30] =	ssyncset.done $0x0  }
0x2d7: {  	s11 =	simm.s32 $0x0;
	[sflag:s30] =	ssyncadd.s32 $0xFFFFF600  }
0x2d8: {  	v1 =	vld [tilespmem:s11+$0x2500]  }
0x2d9: {  	v4 =	vld [tilespmem:s11+$0x24E0]  }
0x2da: {  	v5 =	vld [tilespmem:s11+$0x24C0]  }
0x2db: {  	v6 =	vld [tilespmem:s11+$0x24A0]  }
0x2dc: {  	v7 =	vld [tilespmem:s11+$0x24B0];
	_ =	sdelay $0x1  }
0x2dd: {  	v8 =	vimm.f32 $0.0e+00;
	v9 =	vld [tilespmem:s11+$0x24D0]  }
0x2de: {  	v10 =	vshll.u32 v4, $0x10;
	v2 =	vshll.u32 v1, $0x10;
	v3 =	vand.u32 $0xFFFF0000, v1  }
0x2df: {  	v14 =	vld [tilespmem:s11+$0x24F0];
	v11 =	vshll.u32 v5, $0x10;
	v12 =	vand.u32 $0xFFFF0000, v5;
	v13 =	vand.u32 $0xFFFF0000, v4  }
0x2e0: {  	v1 =	vshll.u32 v6, $0x10;
	v4 =	vand.u32 $0xFFFF0000, v6;
	v6 =	vshll.u32 v7, $0x10  }
0x2e1: {  	s8 =	simm.s32 $0x80;
	v5 =	vld [tilespmem:s11+$0x2510];
	v15 =	vadd.f32 v1, v8;
	v61 =	vadd.f32 v4, v8;
	v4 =	vand.u32 $0xFFFF0000, v7  }
0x2e2: {  	v17 =	vshll.u32 v9, $0x10;
	v1 =	vld [tilespmem:s8+$0x2500];
	v7 =	vadd.f32 v6, v8;
	v8 =	vadd.f32 v4, v8  }
0x2e3: {  	v9 =	vand.u32 $0xFFFF0000, v9;
	v6 =	vld [tilespmem:s8+$0x24C0];
	v11 =	vadd.f32 v11, v15;
	v12 =	vadd.f32 v12, v61  }
0x2e4: {  	v63 =	vshll.u32 v14, $0x10;
	v4 =	vld [tilespmem:s8+$0x24E0];
	v15 =	vadd.f32 v17, v7;
	v62 =	vadd.f32 v9, v8  }
0x2e5: {  	v7 =	vld [tilespmem:s8+$0x24A0];
	v9 =	vadd.f32 v10, v11;
	v10 =	vadd.f32 v13, v12;
	v12 =	vand.u32 $0xFFFF0000, v14  }
0x2e6: {  	s0 =	simm.s32 $0x400;
	v8 =	vld [tilespmem:s8+$0x24B0];
	v11 =	vadd.f32 v63, v15;
	v13 =	vshll.u32 v5, $0x10;
	v12 =	vadd.f32 v12, v62  }
.LBB2_31:
0x2e7: {  	p1 =	sne.s32 s0, $0x2600;
	v9 =	vadd.f32 v2, v9;
	v10 =	vadd.f32 v3, v10;
	v2 =	vand.u32 $0xFFFF0000, v5  }
0x2e8: {  	v14 =	vld [tilespmem:s8+$0x24D0];
	v11 =	vadd.f32 v13, v11;
	v12 =	vadd.f32 v2, v12  }
0x2e9: {  	v3 =	vand.u32 $0xFFFF0000, v1;
	v13 =	vshll.u32 v4, $0x10;
	v2 =	vshll.u32 v1, $0x10  }
0x2ea: {  	v16 =	vand.u32 $0xFFFF0000, v4;
	v15 =	vshll.u32 v6, $0x10;
	v6 =	vand.u32 $0xFFFF0000, v6;
	v17 =	vld [tilespmem:s8+$0x24F0]  }
0x2eb: {  	v1 =	vshll.u32 v7, $0x10;
	v4 =	vand.u32 $0xFFFF0000, v7;
	v7 =	vshll.u32 v8, $0x10  }
0x2ec: {  	v9 =	vadd.f32 v1, v9;
	v10 =	vadd.f32 v4, v10;
	v4 =	vand.u32 $0xFFFF0000, v8;
	v5 =	vld [tilespmem:s8+$0x2510];
	s8 =	sshra.s32 s0, $0x2  }
.Ltmp14:
0x2ed: {  	v7 =	vadd.f32 v7, v11;
	v8 =	vadd.f32 v4, v12;
	v1 =	vld [tilespmem:s8+$0x2500];
	v11 =	vshll.u32 v14, $0x10;
	(pc) =	sbr.rel @p1 .LBB2_31-.Ltmp14, $4  }
0x2ee: {  	v9 =	vadd.f32 v15, v9;
	v10 =	vadd.f32 v6, v10;
	v12 =	vand.u32 $0xFFFF0000, v14;
	v4 =	vld [tilespmem:s8+$0x24E0]  }
0x2ef: {  	v11 =	vadd.f32 v11, v7;
	v12 =	vadd.f32 v12, v8;
	v6 =	vld [tilespmem:s8+$0x24C0];
	v14 =	vshll.u32 v17, $0x10  }
0x2f0: {  	v9 =	vadd.f32 v13, v9;
	v10 =	vadd.f32 v16, v10;
	v13 =	vand.u32 $0xFFFF0000, v17;
	v7 =	vld [tilespmem:s8+$0x24A0]  }
0x2f1: {  	s0 =	sadd.s32 $0x200, s0;
	v11 =	vadd.f32 v14, v11;
	v12 =	vadd.f32 v13, v12;
	v8 =	vld [tilespmem:s8+$0x24B0];
	v13 =	vshll.u32 v5, $0x10  }
0x2f2: {  	v2 =	vadd.f32 v2, v9  }
0x2f3: {  	v3 =	vadd.f32 v3, v10;
	v5 =	vand.u32 $0xFFFF0000, v5;
	v46 =	vshll.u32 v1, $0x10  }
0x2f4: {  	v43 =	vld [tilespmem:s8+$0x24D0];
	v1 =	vand.u32 $0xFFFF0000, v1;
	v44 =	vadd.f32 v13, v11;
	v5 =	vadd.f32 v5, v12  }
0x2f5: {  	v14 =	vld [tilespmem:s8+$0x24F0];
	v45 =	vshll.u32 v4, $0x10;
	v49 =	vand.u32 $0xFFFF0000, v4;
	v47 =	vshll.u32 v6, $0x10  }
0x2f6: {  	v15 =	vshll.u32 v7, $0x10;
	v50 =	vand.u32 $0xFFFF0000, v7;
	v16 =	vshll.u32 v8, $0x10  }
0x2f7: {  	v52 =	vld [tilespmem:s8+$0x2510];
	v2 =	vadd.f32 v15, v2;
	v3 =	vadd.f32 v50, v3;
	v51 =	vand.u32 $0xFFFF0000, v8  }
0x2f8: {  	v55 =	vld [tilespmem:s7+$0x5080];
	v48 =	vand.u32 $0xFFFF0000, v6;
	v10 =	vadd.f32 v16, v44;
	v5 =	vadd.f32 v51, v5  }
0x2f9: {  	v53 =	vshll.u32 v43, $0x10;
	v54 =	vand.u32 $0xFFFF0000, v43;
	v2 =	vadd.f32 v47, v2  }
0x2fa: {  	v56 =	vshll.u32 v14, $0x10;
	v3 =	vadd.f32 v48, v3;
	v7 =	vadd.f32 v53, v10  }
0x2fb: {  	v58 =	vld [tilespmem:s7+$0x5090];
	v57 =	vand.u32 $0xFFFF0000, v14;
	v5 =	vadd.f32 v54, v5;
	v2 =	vadd.f32 v45, v2  }
0x2fc: {  	v59 =	vshll.u32 v52, $0x10;
	v3 =	vadd.f32 v49, v3;
	v6 =	vadd.f32 v56, v7  }
0x2fd: {  	v60 =	vshll.u32 v55, $0x10;
	v4 =	vadd.f32 v57, v5;
	v2 =	vadd.f32 v46, v2  }
0x2fe: {  	v1 =	vadd.f32 v1, v3;
	v3 =	vand.u32 $0xFFFF0000, v52;
	v5 =	vadd.f32 v59, v6  }
0x2ff: {  	v61 =	vand.u32 $0xFFFF0000, v55;
	v3 =	vadd.f32 v3, v4;
	v2 =	vadd.f32 v60, v2  }
0x300: {  	v62 =	vshll.u32 v58, $0x10;
	v63 =	vand.u32 $0xFFFF0000, v58;
	v1 =	vadd.f32 v61, v1  }
0x301: {  	v4 =	vadd.f32 v62, v5;
	v3 =	vadd.f32 v63, v3;
	v2 =	vmul.f32 $4.999999890e-03, v2  }
0x302: {  	s6 =	sadd.s32 $0x1, s6;
	v1 =	vmul.f32 $4.999999890e-03, v1  }
0x303: {  	p1 =	sne.s32 s6, $0x8;
	v4 =	vmul.f32 $4.999999890e-03, v4;
	v3 =	vmul.f32 $4.999999890e-03, v3;
	v2 =	vadd.s32 $0x8000, v2  }
.Ltmp15:
0x304: {  	v1 =	vadd.s32 $0x8000, v1;
	v2 =	vshrl.u32 v2, $0x10;
	(pc) =	sbr.rel @p1 .LBB2_22-.Ltmp15, $4  }
0x305: {  	v1 =	vand.u32 $0xFFFF0000, v1;
	v4 =	vadd.s32 $0x8000, v4;
	v3 =	vadd.s32 $0x8000, v3  }
0x306: {  	v1 =	vor.u32 v1, v2;
	v2 =	vshrl.u32 v4, $0x10;
	v3 =	vand.u32 $0xFFFF0000, v3  }
0x307: {  	[tilespmem:s7+$0x5080] =	vst v1;
	v1 =	vor.u32 v3, v2  }
0x308: {  	[tilespmem:s7+$0x5090] =	vst v1  }
0x309: {  	s0 =	simm.s32 $0x0;
	s2 =	rddreg [dreg:$0x6];
	s6 =	simm.s32 $0x4CA0  }
0x30a: {  	[hbm4b:s2+s0] =	stream.linear.scatter [tilespmem:s6], [sflag:$0x5], $0x2000, $0x38;
	[tilespmem:$0x1F368] =	vst v63  }
0x30b: {  	_ =	swait.ge [sflag:s12], $0x2000  }
0x30c: {  	s10 =	rddreg [dreg:$0xa]  }
0x30d: {  	s11 =	rddreg [dreg:$0x7];
	s2 =	sadd.s32 $0x1, s10  }
0x30e: {  	p1 =	sne.s32 s2, s11  }
.Ltmp16:
0x30f: {  	_ = 	snop;
	(pc) =	sbr.rel @p1 .LBB2_1-.Ltmp16, $3  }
0x310: {  	_ =	sdelay $0x1  }
0x311: {  	[sflag:s12] =	ssyncset.done $0x0  }
0x312: {  	[sflag:s12] =	ssyncadd.s32 $0xFFFFE000  }
0x313: {  	_ =	sfence.sel $0x180000  }
0x314: {  	[bflag:$0x0] =	sbarrier.arrive $0xFFFF  }
0x315: {  	_ =	strace $0x90000047  }
0x316: {  	[bflag:$0x2] =	sbarrier.arrive $0xFFFF  }
0x317: {  	s0 =	rddreg [dreg:$0x3]  }
0x318: {  	s0 =	sadd.s32 @!p0 $0x100000, s0  }
0x319: {  	[sflag:s0] =	ssyncadd.tile.s32 @!p0 $0x1;
	_ =	shalt  }
.Lfunc_end2:
_tile_overlayer_lowered:
.L_overlay_start_2:
0x31a: {  	(tag) =	ssettag $0x2  }
0x31b: {  	s0 =	rddreg [dreg:$0x0];
	s2 =	stileid.u32  }
0x31c: {  	s1 =	rddreg [dreg:$0x1];
	p0 =	sne.s32 s2, $0x0  }
0x31d: {  	s3 =	rddreg [dreg:$0x2];
	[bflag:$0x3] =	sbarrier.arrive $0xFFFF;
	s2 =	simm.s32 @!p0 $0x1C05  }
0x31e: {  	[timem:s3], [sflag:s2] =	dma.local @!p0 [hbm:s0], s1  }
0x31f: {  	s0 =	simm.s32 @!p0 $0x5  }
0x320: {  	_ =	swait.ge @!p0 [sflag:s0], s1  }
0x321: {  	s1 =	ssub.s32 @!p0 $0x0, s1;
	[sflag:s0] =	ssyncset.done @!p0 $0x0  }
0x322: {  	[sflag:s0] =	ssyncadd.s32 @!p0 s1  }
0x323: {  	[bflag:$0x3] =	sbarrier.arrive $0xFFFF  }
0x324: {  	_ =	shalt  }

</sc_bundles>
